<compile_context>
chip_gen: v7x
topology: tpu7x:2x2x1
jax: 0.10.2.dev20260603
libtpu: 0.0.44.dev20260713+nightly
codegen_flags: <defaults>
</compile_context>

<pallas_src>
import functools

import jax
import jax.numpy as jnp
from jax import lax
from jax.experimental import pallas as pl
from jax.experimental.pallas import tpu as pltpu
from jax.experimental.pallas import tpu_sc as plsc

N = 10000
F = 20000
E = 320000
H = 128
H2 = 256
EPS = 1e-5

NC = 2
NS = 16
NW = NC * NS
EW = E // NW

KG = 40
NCG = EW // KG
KS = 80
NCS = EW // KS
NG2 = H2 // 16
NG1 = H // 16


def _proj_body(e_ref, f_ref, w1_ref, w2_ref, w3_ref, o_ref):
    i = pl.program_id(0)
    dn = (((1,), (1,)), ((), ()))

    @pl.when(i == 0)
    def _():
        o_ref[...] = lax.dot_general(e_ref[...], w1_ref[...], dn,
                                     preferred_element_type=jnp.float32)

    @pl.when(i == 1)
    def _():
        o_ref[...] = lax.dot_general(e_ref[...], w2_ref[...], dn,
                                     preferred_element_type=jnp.float32)

    @pl.when(i == 2)
    def _():
        o_ref[...] = lax.dot_general(f_ref[0:N], w3_ref[...], dn,
                                     preferred_element_type=jnp.float32)

    @pl.when(i == 3)
    def _():
        o_ref[...] = lax.dot_general(f_ref[N:F], w3_ref[...], dn,
                                     preferred_element_type=jnp.float32)


def _sc_gather_body(tab_hbm, src_hbm, dst_hbm, f2m_hbm,
                    t_hbm, stats_hbm,
                    src_v, dst_v, f2m_v,
                    ar0, br0, cr0, tb0, ar1, br1, cr1, tb1,
                    acc, gs0, gs1, ws0, ws1):
    cid = lax.axis_index("c")
    sid = lax.axis_index("s")
    wid = sid * NC + cid

    pltpu.sync_copy(src_hbm.at[wid], src_v)
    pltpu.sync_copy(dst_hbm.at[wid], dst_v)
    pltpu.sync_copy(f2m_hbm.at[wid], f2m_v)

    for g in range(NG2):
        acc[0, pl.ds(g * 16, 16)] = jnp.zeros((16,), jnp.float32)
        acc[1, pl.ds(g * 16, 16)] = jnp.zeros((16,), jnp.float32)

    bufs = ((ar0, br0, cr0, tb0, gs0, ws0), (ar1, br1, cr1, tb1, gs1, ws1))

    def issue(c, b):
        ar, br, cr, _, gs, _ = bufs[b]
        sl = pl.ds(c * KG, KG)
        pltpu.async_copy(tab_hbm.at[src_v.at[sl]], ar, gs)
        pltpu.async_copy(tab_hbm.at[dst_v.at[sl]], br, gs)
        pltpu.async_copy(tab_hbm.at[f2m_v.at[sl]], cr, gs)

    issue(0, 0)
    issue(1, 1)

    zero16 = jnp.zeros((16,), jnp.float32)

    def outer(i2, carry_unused):
        for b in range(2):
            c = i2 * 2 + b
            ar, br, cr, tb, gs, ws = bufs[b]
            sl = pl.ds(c * KG, KG)
            pltpu.make_async_copy(tab_hbm.at[src_v.at[sl]], ar, gs).wait()
            pltpu.make_async_copy(tab_hbm.at[dst_v.at[sl]], br, gs).wait()
            pltpu.make_async_copy(tab_hbm.at[f2m_v.at[sl]], cr, gs).wait()

            @pl.when(c >= 2)
            def _():
                pltpu.make_async_copy(
                    tb, t_hbm.at[pl.ds(wid * EW + (c - 2) * KG, KG)], ws).wait()

            def row(r, carry):
                out_s = []
                out_q = []
                for g in range(NG2):
                    gsl = pl.ds(g * 16, 16)
                    t = ar[r, gsl] + br[r, gsl] + cr[r, gsl]
                    tb[r, gsl] = t
                    out_s.append(carry[g] + t)
                    out_q.append(carry[NG2 + g] + t * t)
                return tuple(out_s) + tuple(out_q)

            sums = lax.fori_loop(0, KG, row, (zero16,) * (2 * NG2))
            for g in range(NG2):
                gsl = pl.ds(g * 16, 16)
                acc[0, gsl] = acc[0, gsl] + sums[g]
                acc[1, gsl] = acc[1, gsl] + sums[NG2 + g]

            pltpu.async_copy(tb, t_hbm.at[pl.ds(wid * EW + c * KG, KG)], ws)

            @pl.when(c + 2 < NCG)
            def _():
                issue(c + 2, b)
        return carry_unused

    lax.fori_loop(0, NCG // 2, outer, 0)
    for b in range(2):
        tb = bufs[b][3]
        ws = bufs[b][5]
        pltpu.make_async_copy(
            tb, t_hbm.at[pl.ds(wid * EW + (NCG - 2 + b) * KG, KG)], ws).wait()
    pltpu.sync_copy(acc, stats_hbm.at[wid])


def _bn1_body(t_ref, a1_ref, b1_ref, w4_ref, m2_ref, mean2_ref, msq2_ref,
              s_acc, xs_acc):
    i = pl.program_id(0)

    @pl.when(i == 0)
    def _():
        s_acc[...] = jnp.zeros_like(s_acc)
        xs_acc[...] = jnp.zeros_like(xs_acc)

    x = jnp.maximum(t_ref[...] * a1_ref[...] + b1_ref[...], 0.0)
    s_acc[...] += lax.dot_general(x, x, (((0,), (0,)), ((), ())),
                                  preferred_element_type=jnp.float32)
    xs_acc[...] += jnp.sum(x, axis=0, keepdims=True)
    w4 = w4_ref[...]
    m2_ref[...] = lax.dot_general(x, w4, (((1,), (1,)), ((), ())),
                                  preferred_element_type=jnp.float32)

    @pl.when(i == pl.num_programs(0) - 1)
    def _():
        inv_e = 1.0 / E
        mean2_ref[...] = lax.dot_general(
            xs_acc[...], w4, (((1,), (1,)), ((), ())),
            preferred_element_type=jnp.float32) * inv_e
        ws = lax.dot_general(w4, s_acc[...], (((1,), (0,)), ((), ())),
                             preferred_element_type=jnp.float32)
        msq2_ref[...] = jnp.sum(ws * w4, axis=1)[None, :] * inv_e


NYCHUNK = N // KS


def _sc_scatter_body(m2_hbm, dst_hbm, s2_hbm, sh2_hbm,
                     y_hbm,
                     ixi0, ixi1, ixo0, ixo1, mi0, mi1, mo0, mo1,
                     s2_v, sh2_v, y_sh,
                     is0, is1, ss0, ss1):
    cid = lax.axis_index("c")
    sid = lax.axis_index("s")
    wid = sid * NC + cid

    pltpu.sync_copy(s2_hbm, s2_v)
    pltpu.sync_copy(sh2_hbm, sh2_v)

    for g in range(NG1):
        def zrow(r, carry):
            mi0[r, pl.ds(g * 16, 16)] = jnp.zeros((16,), jnp.float32)
            return carry
        lax.fori_loop(0, KS, zrow, 0)

    nz = (NYCHUNK - sid + NS - 1) // NS

    def zchunk(j, carry):
        pltpu.sync_copy(mi0, y_sh.at[pl.ds((sid + j * NS) * KS, KS)])
        return carry

    lax.fori_loop(0, nz, zchunk, 0)
    plsc.subcore_barrier()

    bufs = ((ixi0, ixo0, mi0, mo0, is0, ss0), (ixi1, ixo1, mi1, mo1, is1, ss1))

    def issue(c, b):
        ixi, _, mi, _, isem, _ = bufs[b]
        pltpu.async_copy(m2_hbm.at[pl.ds(wid * EW + c * KS, KS)], mi, isem)
        pltpu.async_copy(dst_hbm.at[pl.ds(wid * EW + c * KS, KS)], ixi.at[0],
                         isem)

    issue(0, 0)
    issue(1, 1)

    def outer(i2, carry_unused):
        for b in range(2):
            c = i2 * 2 + b

            @pl.when(c < NCS)
            def _():
                ixi, ixo, mi, mo, isem, ssem = bufs[b]
                pltpu.make_async_copy(
                    m2_hbm.at[pl.ds(wid * EW + c * KS, KS)], mi, isem).wait()
                pltpu.make_async_copy(
                    dst_hbm.at[pl.ds(wid * EW + c * KS, KS)], ixi.at[0],
                    isem).wait()

                @pl.when(c >= 2)
                def _():
                    pltpu.make_async_copy(mo, y_sh.at[ixo.at[0]], ssem).wait()

                def row(r, carry):
                    for g in range(NG1):
                        gsl = pl.ds(g * 16, 16)
                        mo[r, gsl] = jnp.maximum(
                            mi[r, gsl] * s2_v[gsl] + sh2_v[gsl], 0.0)
                    return carry

                lax.fori_loop(0, KS, row, 0)
                for gg in range(KS // 16):
                    ixo[0, pl.ds(gg * 16, 16)] = ixi[0, pl.ds(gg * 16, 16)]
                pltpu.async_copy(mo, y_sh.at[ixo.at[0]], ssem, add=True)

                @pl.when(c + 2 < NCS)
                def _():
                    issue(c + 2, b)
        return carry_unused

    lax.fori_loop(0, (NCS + 2) // 2, outer, 0)
    for c in (NCS - 2, NCS - 1):
        ixo = bufs[c % 2][1]
        mo = bufs[c % 2][3]
        ssem = bufs[c % 2][5]
        pltpu.make_async_copy(mo, y_sh.at[ixo.at[0]], ssem).wait()
    plsc.subcore_barrier()

    def wchunk(j, carry):
        cy = sid + j * NS
        pltpu.sync_copy(y_sh.at[pl.ds(cy * KS, KS)],
                        y_hbm.at[cid, pl.ds(cy * KS, KS)])
        return carry

    lax.fori_loop(0, nz, wchunk, 0)


def _mlp2_body(y2_ref, w5_ref, g3_ref, b3_ref, w6_ref, g4_ref, b4_ref,
               w7_ref, b7_ref, o_ref):
    dn = (((1,), (1,)), ((), ()))
    y = y2_ref[0] + y2_ref[1]
    z = lax.dot_general(y, w5_ref[...], dn, preferred_element_type=jnp.float32)
    mu = jnp.mean(z, axis=0, keepdims=True)
    v = jnp.mean((z - mu) ** 2, axis=0, keepdims=True)
    z = jnp.maximum((z - mu) * (g3_ref[...] * lax.rsqrt(v + EPS)) + b3_ref[...], 0.0)
    w = lax.dot_general(z, w6_ref[...], dn, preferred_element_type=jnp.float32)
    mu = jnp.mean(w, axis=0, keepdims=True)
    v = jnp.mean((w - mu) ** 2, axis=0, keepdims=True)
    w = jnp.maximum((w - mu) * (g4_ref[...] * lax.rsqrt(v + EPS)) + b4_ref[...], 0.0)
    o_ref[...] = lax.dot_general(w, w7_ref[...], dn,
                                 preferred_element_type=jnp.float32) + b7_ref[...]


def kernel(edge_rep, face_rep, edge_index, face_to_message_indicator,
           W1, W2, W3, g1, b1, W4, g2, b2, W5, g3, b3, W6, g4, b4, W7, b7):
    f32 = jnp.float32
    src = edge_index[0].astype(jnp.int32).reshape(NW, EW)
    dstt = (edge_index[1].astype(jnp.int32) + N).reshape(NW, EW)
    f2m = (face_to_message_indicator.astype(jnp.int32) + 2 * N).reshape(NW, EW)
    dst1 = edge_index[1].astype(jnp.int32).reshape(E)

    T = pl.pallas_call(
        _proj_body,
        grid=(4,),
        in_specs=[
            pl.BlockSpec((N, H), lambda i: (0, 0)),
            pl.BlockSpec((F, H), lambda i: (0, 0)),
            pl.BlockSpec((H2, H), lambda i: (0, 0)),
            pl.BlockSpec((H2, H), lambda i: (0, 0)),
            pl.BlockSpec((H2, H), lambda i: (0, 0)),
        ],
        out_specs=pl.BlockSpec((N, H2), lambda i: (i, 0)),
        out_shape=jax.ShapeDtypeStruct((2 * N + F, H2), f32),
    )(edge_rep, face_rep, W1, W2, W3)

    mesh = plsc.VectorSubcoreMesh(core_axis_name="c", subcore_axis_name="s",
                                  num_cores=NC, num_subcores=NS)
    t, stats = pl.kernel(
        _sc_gather_body,
        out_type=(jax.ShapeDtypeStruct((E, H2), f32),
                  jax.ShapeDtypeStruct((NW, 2, H2), f32)),
        mesh=mesh,
        scratch_types=[
            pltpu.VMEM((EW,), jnp.int32),
            pltpu.VMEM((EW,), jnp.int32),
            pltpu.VMEM((EW,), jnp.int32),
            pltpu.VMEM((KG, H2), f32),
            pltpu.VMEM((KG, H2), f32),
            pltpu.VMEM((KG, H2), f32),
            pltpu.VMEM((KG, H2), f32),
            pltpu.VMEM((KG, H2), f32),
            pltpu.VMEM((KG, H2), f32),
            pltpu.VMEM((KG, H2), f32),
            pltpu.VMEM((KG, H2), f32),
            pltpu.VMEM((2, H2), f32),
            pltpu.SemaphoreType.DMA,
            pltpu.SemaphoreType.DMA,
            pltpu.SemaphoreType.DMA,
            pltpu.SemaphoreType.DMA,
        ],
    )(T, src, dstt, f2m)

    st = jnp.sum(stats, axis=0)
    mu1 = st[0] / E
    var1 = st[1] / E - mu1 * mu1
    a1 = (g1 * lax.rsqrt(var1 + EPS))[None, :]
    b1p = (b1 - mu1 * a1[0])[None, :]

    BE = 3200
    m2, mean2, msq2 = pl.pallas_call(
        _bn1_body,
        grid=(E // BE,),
        in_specs=[
            pl.BlockSpec((BE, H2), lambda i: (i, 0)),
            pl.BlockSpec((1, H2), lambda i: (0, 0)),
            pl.BlockSpec((1, H2), lambda i: (0, 0)),
            pl.BlockSpec((H, H2), lambda i: (0, 0)),
        ],
        out_specs=[
            pl.BlockSpec((BE, H), lambda i: (i, 0)),
            pl.BlockSpec((1, H), lambda i: (0, 0)),
            pl.BlockSpec((1, H), lambda i: (0, 0)),
        ],
        out_shape=[
            jax.ShapeDtypeStruct((E, H), f32),
            jax.ShapeDtypeStruct((1, H), f32),
            jax.ShapeDtypeStruct((1, H), f32),
        ],
        scratch_shapes=[
            pltpu.VMEM((H2, H2), f32),
            pltpu.VMEM((1, H2), f32),
        ],
    )(t, a1, b1p, W4)

    var2 = msq2[0] - mean2[0] ** 2
    s2 = g2 * lax.rsqrt(var2 + EPS)
    sh2 = b2 - mean2[0] * s2

    y2 = pl.kernel(
        _sc_scatter_body,
        out_type=jax.ShapeDtypeStruct((NC, N, H), f32),
        mesh=mesh,
        scratch_types=[
            pltpu.VMEM((1, KS), jnp.int32),
            pltpu.VMEM((1, KS), jnp.int32),
            pltpu.VMEM((1, KS), jnp.int32),
            pltpu.VMEM((1, KS), jnp.int32),
            pltpu.VMEM((KS, H), f32),
            pltpu.VMEM((KS, H), f32),
            pltpu.VMEM((KS, H), f32),
            pltpu.VMEM((KS, H), f32),
            pltpu.VMEM((H,), f32),
            pltpu.VMEM((H,), f32),
            pltpu.VMEM_SHARED((N, H), f32),
            pltpu.SemaphoreType.DMA,
            pltpu.SemaphoreType.DMA,
            pltpu.SemaphoreType.DMA,
            pltpu.SemaphoreType.DMA,
        ],
    )(m2, dst1, s2, sh2)

    out = pl.pallas_call(
        _mlp2_body,
        out_shape=jax.ShapeDtypeStruct((N, H), f32),
    )(y2, W5, g3[None, :], b3[None, :], W6, g4[None, :], b4[None, :],
      W7, b7[None, :])
    return out

# --- scband reference (transcript-rebuilt; emitter-appended) ---
"""Pipeline reference for scband-conv-zero-64295660421817 (READ-ONLY COPY).

The authoritative reference and input builder live on the scoring server;
editing this copy changes nothing except your own understanding.
"""

import jax, jax.numpy as jnp
import numpy as np

H = 128
N = 10000
F = 20000
E = 320000


def _bn(x, g, b, eps=1e-5):
    mu = jnp.mean(x, axis=0)
    var = jnp.var(x, axis=0)
    return (x - mu) / jnp.sqrt(var + eps) * g + b


def setup_inputs(seed: int = 0) -> dict:
    key = jax.random.key(seed)
    ks = jax.random.split(key, 16)
    d = {}
    d["edge_rep"] = jax.random.normal(ks[0], (N, H), dtype=jnp.float32)
    d["face_rep"] = jax.random.normal(ks[1], (F, H), dtype=jnp.float32)
    d["edge_index"] = jax.random.randint(ks[2], (2, E), 0, N, dtype=jnp.int64)
    d["face_to_message_indicator"] = jax.random.randint(ks[3], (E,), 0, F, dtype=jnp.int64)
    # lin1/lin2/lin3: Linear(H, 2H, bias=False), torch weight shape [out,in]
    s1 = 1.0 / np.sqrt(H)
    s2 = 1.0 / np.sqrt(2 * H)
    d["W1"] = jax.random.uniform(ks[4], (2 * H, H), jnp.float32, -s1, s1)
    d["W2"] = jax.random.uniform(ks[5], (2 * H, H), jnp.float32, -s1, s1)
    d["W3"] = jax.random.uniform(ks[6], (2 * H, H), jnp.float32, -s1, s1)
    # mlp1: BN(2H) -> ReLU -> Linear(2H, H, False) -> BN(H) -> ReLU
    d["g1"] = jnp.ones((2 * H,), jnp.float32)
    d["b1"] = jnp.zeros((2 * H,), jnp.float32)
    d["W4"] = jax.random.uniform(ks[7], (H, 2 * H), jnp.float32, -s2, s2)
    d["g2"] = jnp.ones((H,), jnp.float32)
    d["b2"] = jnp.zeros((H,), jnp.float32)
    # mlp2 = get_mlp(H, 0, bias=True): Linear(H,2H,False), BN(2H), ReLU, Linear(2H,2H,False), BN(2H), ReLU, Linear(2H,H,bias)
    d["W5"] = jax.random.uniform(ks[8], (2 * H, H), jnp.float32, -s1, s1)
    d["g3"] = jnp.ones((2 * H,), jnp.float32)
    d["b3"] = jnp.zeros((2 * H,), jnp.float32)
    d["W6"] = jax.random.uniform(ks[9], (2 * H, 2 * H), jnp.float32, -s2, s2)
    d["g4"] = jnp.ones((2 * H,), jnp.float32)
    d["b4"] = jnp.zeros((2 * H,), jnp.float32)
    d["W7"] = jax.random.uniform(ks[10], (H, 2 * H), jnp.float32, -s2, s2)
    d["b7"] = jax.random.uniform(ks[11], (H,), jnp.float32, -s2, s2)
    return d


def reference(edge_rep, face_rep, edge_index, face_to_message_indicator,
              W1, W2, W3, g1, b1, W4, g2, b2, W5, g3, b3, W6, g4, b4, W7, b7):
    src, dst = edge_index[0], edge_index[1]
    # messages = lin1(edge_rep)[src] + lin2(edge_rep)[dst] + lin3(face_rep)[f2m]
    m = (edge_rep @ W1.T)[src] + (edge_rep @ W2.T)[dst] + (face_rep @ W3.T)[face_to_message_indicator]
    # mlp1
    m = jax.nn.relu(_bn(m, g1, b1))
    m = m @ W4.T
    m = jax.nn.relu(_bn(m, g2, b2))
    # scatter reduce='sum' over dst, dim_size = edge_rep.size(0)
    y = jax.ops.segment_sum(m, dst, num_segments=edge_rep.shape[0])
    # mlp2
    y = y @ W5.T
    y = jax.nn.relu(_bn(y, g3, b3))
    y = y @ W6.T
    y = jax.nn.relu(_bn(y, g4, b4))
    y = y @ W7.T + b7
    return y

if __name__ == "__main__":
    import jax
    _d = setup_inputs()
    print(jax.jit(kernel)(*tuple(_d.values())))

</pallas_src>

<mosaic_0001>
#map = affine_map<(d0, d1) -> (0, 0)>
#map1 = affine_map<(d0, d1) -> (0, 0, 0)>
module attributes {stable_mosaic.version = 14 : i64} {
  func.func @_sc_gather_body(%arg0: i32, %arg1: i32, %arg2: memref<40000x256xf32, #tpu.memory_space<hbm>>, %arg3: memref<32x10000xi32, #tpu.memory_space<hbm>>, %arg4: memref<32x10000xi32, #tpu.memory_space<hbm>>, %arg5: memref<32x10000xi32, #tpu.memory_space<hbm>>, %arg6: memref<320000x256xf32, #tpu.memory_space<hbm>>, %arg7: memref<32x2x256xf32, #tpu.memory_space<hbm>>, %arg8: memref<10000xi32, #tpu.memory_space<vmem>>, %arg9: memref<10000xi32, #tpu.memory_space<vmem>>, %arg10: memref<10000xi32, #tpu.memory_space<vmem>>, %arg11: memref<40x256xf32, #tpu.memory_space<vmem>>, %arg12: memref<40x256xf32, #tpu.memory_space<vmem>>, %arg13: memref<40x256xf32, #tpu.memory_space<vmem>>, %arg14: memref<40x256xf32, #tpu.memory_space<vmem>>, %arg15: memref<40x256xf32, #tpu.memory_space<vmem>>, %arg16: memref<40x256xf32, #tpu.memory_space<vmem>>, %arg17: memref<40x256xf32, #tpu.memory_space<vmem>>, %arg18: memref<40x256xf32, #tpu.memory_space<vmem>>, %arg19: memref<2x256xf32, #tpu.memory_space<vmem>>, %arg20: memref<!tpu.dma_semaphore, #tpu.memory_space<semaphore_mem>>, %arg21: memref<!tpu.dma_semaphore, #tpu.memory_space<semaphore_mem>>, %arg22: memref<!tpu.dma_semaphore, #tpu.memory_space<semaphore_mem>>, %arg23: memref<!tpu.dma_semaphore, #tpu.memory_space<semaphore_mem>>) attributes {dimension_semantics = [#tpu.dimension_semantics<core_parallel>, #tpu.dimension_semantics<subcore_parallel>], iteration_bounds = array<i64: 2, 16>, scalar_prefetch = 0 : i64, scratch_operands = 16 : i64, tpu.core_type = #tpu.core_type<sc_vector_subcore>, window_params = [{transform_indices = #map}, {transform_indices = #map}, {transform_indices = #map}, {transform_indices = #map}, {transform_indices = #map}, {transform_indices = #map1}]} {
    %mul3A = arith.constant 2 : i32
    %mul3A_0 = arith.muli %arg1, %mul3A : i32
    %add3A = arith.addi %mul3A_0, %arg0 : i32
    "tpu.region"() ({
      %run_scoped3A = tpu.sem_alloc : memref<!tpu.dma_semaphore, #tpu.memory_space<semaphore_mem>>
      %dma_start3A_306 = arith.constant 0 : i32
      %dma_start3A_307 = tpu.memref_slice %arg3[%add3A, %dma_start3A_306] : memref<32x10000xi32, #tpu.memory_space<hbm>> -> memref<1x10000xi32, #tpu.memory_space<hbm>>
      %dma_start3A_308 = tpu.memref_squeeze %dma_start3A_307 : memref<1x10000xi32, #tpu.memory_space<hbm>> -> memref<10000xi32, #tpu.memory_space<hbm>>
      %dma_start3A_309 = arith.constant 0 : i32
      %dma_start3A_310 = tpu.memref_slice %arg3[%add3A, %dma_start3A_309] : memref<32x10000xi32, #tpu.memory_space<hbm>> -> memref<1x10000xi32, #tpu.memory_space<hbm>>
      %dma_start3A_311 = tpu.memref_squeeze %dma_start3A_310 : memref<1x10000xi32, #tpu.memory_space<hbm>> -> memref<10000xi32, #tpu.memory_space<hbm>>
      tpu.enqueue_dma source(%dma_start3A_311 : memref<10000xi32, #tpu.memory_space<hbm>>) target(%arg8 : memref<10000xi32, #tpu.memory_space<vmem>>) target_semaphore(%run_scoped3A : memref<!tpu.dma_semaphore, #tpu.memory_space<semaphore_mem>>)
      %dma_wait3A_312 = arith.constant 0 : i32
      %dma_wait3A_313 = tpu.memref_slice %arg3[%add3A, %dma_wait3A_312] : memref<32x10000xi32, #tpu.memory_space<hbm>> -> memref<1x10000xi32, #tpu.memory_space<hbm>>
      %dma_wait3A_314 = tpu.memref_squeeze %dma_wait3A_313 : memref<1x10000xi32, #tpu.memory_space<hbm>> -> memref<10000xi32, #tpu.memory_space<hbm>>
      %dma_wait3A_315 = arith.constant 0 : i32
      %dma_wait3A_316 = tpu.memref_slice %arg3[%add3A, %dma_wait3A_315] : memref<32x10000xi32, #tpu.memory_space<hbm>> -> memref<1x10000xi32, #tpu.memory_space<hbm>>
      %dma_wait3A_317 = tpu.memref_squeeze %dma_wait3A_316 : memref<1x10000xi32, #tpu.memory_space<hbm>> -> memref<10000xi32, #tpu.memory_space<hbm>>
      tpu.wait_dma2 semaphore(%run_scoped3A : memref<!tpu.dma_semaphore, #tpu.memory_space<semaphore_mem>>) src(%dma_wait3A_317 : memref<10000xi32, #tpu.memory_space<hbm>>) dst(%arg8 : memref<10000xi32, #tpu.memory_space<vmem>>)
      tpu.yield
    }) : () -> ()
    "tpu.region"() ({
      %run_scoped3A = tpu.sem_alloc : memref<!tpu.dma_semaphore, #tpu.memory_space<semaphore_mem>>
      %dma_start3A_306 = arith.constant 0 : i32
      %dma_start3A_307 = tpu.memref_slice %arg4[%add3A, %dma_start3A_306] : memref<32x10000xi32, #tpu.memory_space<hbm>> -> memref<1x10000xi32, #tpu.memory_space<hbm>>
      %dma_start3A_308 = tpu.memref_squeeze %dma_start3A_307 : memref<1x10000xi32, #tpu.memory_space<hbm>> -> memref<10000xi32, #tpu.memory_space<hbm>>
      %dma_start3A_309 = arith.constant 0 : i32
      %dma_start3A_310 = tpu.memref_slice %arg4[%add3A, %dma_start3A_309] : memref<32x10000xi32, #tpu.memory_space<hbm>> -> memref<1x10000xi32, #tpu.memory_space<hbm>>
      %dma_start3A_311 = tpu.memref_squeeze %dma_start3A_310 : memref<1x10000xi32, #tpu.memory_space<hbm>> -> memref<10000xi32, #tpu.memory_space<hbm>>
      tpu.enqueue_dma source(%dma_start3A_311 : memref<10000xi32, #tpu.memory_space<hbm>>) target(%arg9 : memref<10000xi32, #tpu.memory_space<vmem>>) target_semaphore(%run_scoped3A : memref<!tpu.dma_semaphore, #tpu.memory_space<semaphore_mem>>)
      %dma_wait3A_312 = arith.constant 0 : i32
      %dma_wait3A_313 = tpu.memref_slice %arg4[%add3A, %dma_wait3A_312] : memref<32x10000xi32, #tpu.memory_space<hbm>> -> memref<1x10000xi32, #tpu.memory_space<hbm>>
      %dma_wait3A_314 = tpu.memref_squeeze %dma_wait3A_313 : memref<1x10000xi32, #tpu.memory_space<hbm>> -> memref<10000xi32, #tpu.memory_space<hbm>>
      %dma_wait3A_315 = arith.constant 0 : i32
      %dma_wait3A_316 = tpu.memref_slice %arg4[%add3A, %dma_wait3A_315] : memref<32x10000xi32, #tpu.memory_space<hbm>> -> memref<1x10000xi32, #tpu.memory_space<hbm>>
      %dma_wait3A_317 = tpu.memref_squeeze %dma_wait3A_316 : memref<1x10000xi32, #tpu.memory_space<hbm>> -> memref<10000xi32, #tpu.memory_space<hbm>>
      tpu.wait_dma2 semaphore(%run_scoped3A : memref<!tpu.dma_semaphore, #tpu.memory_space<semaphore_mem>>) src(%dma_wait3A_317 : memref<10000xi32, #tpu.memory_space<hbm>>) dst(%arg9 : memref<10000xi32, #tpu.memory_space<vmem>>)
      tpu.yield
    }) : () -> ()
    "tpu.region"() ({
      %run_scoped3A = tpu.sem_alloc : memref<!tpu.dma_semaphore, #tpu.memory_space<semaphore_mem>>
      %dma_start3A_306 = arith.constant 0 : i32
      %dma_start3A_307 = tpu.memref_slice %arg5[%add3A, %dma_start3A_306] : memref<32x10000xi32, #tpu.memory_space<hbm>> -> memref<1x10000xi32, #tpu.memory_space<hbm>>
      %dma_start3A_308 = tpu.memref_squeeze %dma_start3A_307 : memref<1x10000xi32, #tpu.memory_space<hbm>> -> memref<10000xi32, #tpu.memory_space<hbm>>
      %dma_start3A_309 = arith.constant 0 : i32
      %dma_start3A_310 = tpu.memref_slice %arg5[%add3A, %dma_start3A_309] : memref<32x10000xi32, #tpu.memory_space<hbm>> -> memref<1x10000xi32, #tpu.memory_space<hbm>>
      %dma_start3A_311 = tpu.memref_squeeze %dma_start3A_310 : memref<1x10000xi32, #tpu.memory_space<hbm>> -> memref<10000xi32, #tpu.memory_space<hbm>>
      tpu.enqueue_dma source(%dma_start3A_311 : memref<10000xi32, #tpu.memory_space<hbm>>) target(%arg10 : memref<10000xi32, #tpu.memory_space<vmem>>) target_semaphore(%run_scoped3A : memref<!tpu.dma_semaphore, #tpu.memory_space<semaphore_mem>>)
      %dma_wait3A_312 = arith.constant 0 : i32
      %dma_wait3A_313 = tpu.memref_slice %arg5[%add3A, %dma_wait3A_312] : memref<32x10000xi32, #tpu.memory_space<hbm>> -> memref<1x10000xi32, #tpu.memory_space<hbm>>
      %dma_wait3A_314 = tpu.memref_squeeze %dma_wait3A_313 : memref<1x10000xi32, #tpu.memory_space<hbm>> -> memref<10000xi32, #tpu.memory_space<hbm>>
      %dma_wait3A_315 = arith.constant 0 : i32
      %dma_wait3A_316 = tpu.memref_slice %arg5[%add3A, %dma_wait3A_315] : memref<32x10000xi32, #tpu.memory_space<hbm>> -> memref<1x10000xi32, #tpu.memory_space<hbm>>
      %dma_wait3A_317 = tpu.memref_squeeze %dma_wait3A_316 : memref<1x10000xi32, #tpu.memory_space<hbm>> -> memref<10000xi32, #tpu.memory_space<hbm>>
      tpu.wait_dma2 semaphore(%run_scoped3A : memref<!tpu.dma_semaphore, #tpu.memory_space<semaphore_mem>>) src(%dma_wait3A_317 : memref<10000xi32, #tpu.memory_space<hbm>>) dst(%arg10 : memref<10000xi32, #tpu.memory_space<vmem>>)
      tpu.yield
    }) : () -> ()
    %broadcast_in_dim3A = arith.constant 0.000000e+00 : f32
    %broadcast_in_dim3A_1 = vector.broadcast %broadcast_in_dim3A : f32 to vector<16xf32>
    %swap3A = arith.constant 0 : i32
    %swap3A_2 = arith.index_cast %swap3A : i32 to index
    %swap3A_3 = arith.constant 0 : index
    %swap3A_4 = tpu.vector_load %arg19[%swap3A_2, %swap3A_3] {strides = array<i32>} : memref<2x256xf32, #tpu.memory_space<vmem>>, vector<1x16xf32>,
    %swap3A_5 = vector.shape_cast %swap3A_4 : vector<1x16xf32> to vector<16xf32>
    %swap3A_6 = vector.shape_cast %broadcast_in_dim3A_1 : vector<16xf32> to vector<1x16xf32>
    tpu.vector_store %arg19[%swap3A_2, %swap3A_3], %swap3A_6 {strides = array<i32>} : memref<2x256xf32, #tpu.memory_space<vmem>>, vector<1x16xf32>,
    %broadcast_in_dim3A_7 = arith.constant 0.000000e+00 : f32
    %broadcast_in_dim3A_8 = vector.broadcast %broadcast_in_dim3A_7 : f32 to vector<16xf32>
    %swap3A_9 = arith.constant 1 : i32
    %swap3A_10 = arith.index_cast %swap3A_9 : i32 to index
    %swap3A_11 = arith.constant 0 : index
    %swap3A_12 = tpu.vector_load %arg19[%swap3A_10, %swap3A_11] {strides = array<i32>} : memref<2x256xf32, #tpu.memory_space<vmem>>, vector<1x16xf32>,
    %swap3A_13 = vector.shape_cast %swap3A_12 : vector<1x16xf32> to vector<16xf32>
    %swap3A_14 = vector.shape_cast %broadcast_in_dim3A_8 : vector<16xf32> to vector<1x16xf32>
    tpu.vector_store %arg19[%swap3A_10, %swap3A_11], %swap3A_14 {strides = array<i32>} : memref<2x256xf32, #tpu.memory_space<vmem>>, vector<1x16xf32>,
    %broadcast_in_dim3A_15 = arith.constant 0.000000e+00 : f32
    %broadcast_in_dim3A_16 = vector.broadcast %broadcast_in_dim3A_15 : f32 to vector<16xf32>
    %swap3A_17 = arith.constant 0 : i32
    %swap3A_18 = arith.index_cast %swap3A_17 : i32 to index
    %swap3A_19 = arith.constant 16 : index
    %swap3A_20 = tpu.vector_load %arg19[%swap3A_18, %swap3A_19] {strides = array<i32>} : memref<2x256xf32, #tpu.memory_space<vmem>>, vector<1x16xf32>,
    %swap3A_21 = vector.shape_cast %swap3A_20 : vector<1x16xf32> to vector<16xf32>
    %swap3A_22 = vector.shape_cast %broadcast_in_dim3A_16 : vector<16xf32> to vector<1x16xf32>
    tpu.vector_store %arg19[%swap3A_18, %swap3A_19], %swap3A_22 {strides = array<i32>} : memref<2x256xf32, #tpu.memory_space<vmem>>, vector<1x16xf32>,
    %broadcast_in_dim3A_23 = arith.constant 0.000000e+00 : f32
    %broadcast_in_dim3A_24 = vector.broadcast %broadcast_in_dim3A_23 : f32 to vector<16xf32>
    %swap3A_25 = arith.constant 1 : i32
    %swap3A_26 = arith.index_cast %swap3A_25 : i32 to index
    %swap3A_27 = arith.constant 16 : index
    %swap3A_28 = tpu.vector_load %arg19[%swap3A_26, %swap3A_27] {strides = array<i32>} : memref<2x256xf32, #tpu.memory_space<vmem>>, vector<1x16xf32>,
    %swap3A_29 = vector.shape_cast %swap3A_28 : vector<1x16xf32> to vector<16xf32>
    %swap3A_30 = vector.shape_cast %broadcast_in_dim3A_24 : vector<16xf32> to vector<1x16xf32>
    tpu.vector_store %arg19[%swap3A_26, %swap3A_27], %swap3A_30 {strides = array<i32>} : memref<2x256xf32, #tpu.memory_space<vmem>>, vector<1x16xf32>,
    %broadcast_in_dim3A_31 = arith.constant 0.000000e+00 : f32
    %broadcast_in_dim3A_32 = vector.broadcast %broadcast_in_dim3A_31 : f32 to vector<16xf32>
    %swap3A_33 = arith.constant 0 : i32
    %swap3A_34 = arith.index_cast %swap3A_33 : i32 to index
    %swap3A_35 = arith.constant 32 : index
    %swap3A_36 = tpu.vector_load %arg19[%swap3A_34, %swap3A_35] {strides = array<i32>} : memref<2x256xf32, #tpu.memory_space<vmem>>, vector<1x16xf32>,
    %swap3A_37 = vector.shape_cast %swap3A_36 : vector<1x16xf32> to vector<16xf32>
    %swap3A_38 = vector.shape_cast %broadcast_in_dim3A_32 : vector<16xf32> to vector<1x16xf32>
    tpu.vector_store %arg19[%swap3A_34, %swap3A_35], %swap3A_38 {strides = array<i32>} : memref<2x256xf32, #tpu.memory_space<vmem>>, vector<1x16xf32>,
    %broadcast_in_dim3A_39 = arith.constant 0.000000e+00 : f32
    %broadcast_in_dim3A_40 = vector.broadcast %broadcast_in_dim3A_39 : f32 to vector<16xf32>
    %swap3A_41 = arith.constant 1 : i32
    %swap3A_42 = arith.index_cast %swap3A_41 : i32 to index
    %swap3A_43 = arith.constant 32 : index
    %swap3A_44 = tpu.vector_load %arg19[%swap3A_42, %swap3A_43] {strides = array<i32>} : memref<2x256xf32, #tpu.memory_space<vmem>>, vector<1x16xf32>,
    %swap3A_45 = vector.shape_cast %swap3A_44 : vector<1x16xf32> to vector<16xf32>
    %swap3A_46 = vector.shape_cast %broadcast_in_dim3A_40 : vector<16xf32> to vector<1x16xf32>
    tpu.vector_store %arg19[%swap3A_42, %swap3A_43], %swap3A_46 {strides = array<i32>} : memref<2x256xf32, #tpu.memory_space<vmem>>, vector<1x16xf32>,
    %broadcast_in_dim3A_47 = arith.constant 0.000000e+00 : f32
    %broadcast_in_dim3A_48 = vector.broadcast %broadcast_in_dim3A_47 : f32 to vector<16xf32>
    %swap3A_49 = arith.constant 0 : i32
    %swap3A_50 = arith.index_cast %swap3A_49 : i32 to index
    %swap3A_51 = arith.constant 48 : index
    %swap3A_52 = tpu.vector_load %arg19[%swap3A_50, %swap3A_51] {strides = array<i32>} : memref<2x256xf32, #tpu.memory_space<vmem>>, vector<1x16xf32>,
    %swap3A_53 = vector.shape_cast %swap3A_52 : vector<1x16xf32> to vector<16xf32>
    %swap3A_54 = vector.shape_cast %broadcast_in_dim3A_48 : vector<16xf32> to vector<1x16xf32>
    tpu.vector_store %arg19[%swap3A_50, %swap3A_51], %swap3A_54 {strides = array<i32>} : memref<2x256xf32, #tpu.memory_space<vmem>>, vector<1x16xf32>,
    %broadcast_in_dim3A_55 = arith.constant 0.000000e+00 : f32
    %broadcast_in_dim3A_56 = vector.broadcast %broadcast_in_dim3A_55 : f32 to vector<16xf32>
    %swap3A_57 = arith.constant 1 : i32
    %swap3A_58 = arith.index_cast %swap3A_57 : i32 to index
    %swap3A_59 = arith.constant 48 : index
    %swap3A_60 = tpu.vector_load %arg19[%swap3A_58, %swap3A_59] {strides = array<i32>} : memref<2x256xf32, #tpu.memory_space<vmem>>, vector<1x16xf32>,
    %swap3A_61 = vector.shape_cast %swap3A_60 : vector<1x16xf32> to vector<16xf32>
    %swap3A_62 = vector.shape_cast %broadcast_in_dim3A_56 : vector<16xf32> to vector<1x16xf32>
    tpu.vector_store %arg19[%swap3A_58, %swap3A_59], %swap3A_62 {strides = array<i32>} : memref<2x256xf32, #tpu.memory_space<vmem>>, vector<1x16xf32>,
    %broadcast_in_dim3A_63 = arith.constant 0.000000e+00 : f32
    %broadcast_in_dim3A_64 = vector.broadcast %broadcast_in_dim3A_63 : f32 to vector<16xf32>
    %swap3A_65 = arith.constant 0 : i32
    %swap3A_66 = arith.index_cast %swap3A_65 : i32 to index
    %swap3A_67 = arith.constant 64 : index
    %swap3A_68 = tpu.vector_load %arg19[%swap3A_66, %swap3A_67] {strides = array<i32>} : memref<2x256xf32, #tpu.memory_space<vmem>>, vector<1x16xf32>,
    %swap3A_69 = vector.shape_cast %swap3A_68 : vector<1x16xf32> to vector<16xf32>
    %swap3A_70 = vector.shape_cast %broadcast_in_dim3A_64 : vector<16xf32> to vector<1x16xf32>
    tpu.vector_store %arg19[%swap3A_66, %swap3A_67], %swap3A_70 {strides = array<i32>} : memref<2x256xf32, #tpu.memory_space<vmem>>, vector<1x16xf32>,
    %broadcast_in_dim3A_71 = arith.constant 0.000000e+00 : f32
    %broadcast_in_dim3A_72 = vector.broadcast %broadcast_in_dim3A_71 : f32 to vector<16xf32>
    %swap3A_73 = arith.constant 1 : i32
    %swap3A_74 = arith.index_cast %swap3A_73 : i32 to index
    %swap3A_75 = arith.constant 64 : index
    %swap3A_76 = tpu.vector_load %arg19[%swap3A_74, %swap3A_75] {strides = array<i32>} : memref<2x256xf32, #tpu.memory_space<vmem>>, vector<1x16xf32>,
    %swap3A_77 = vector.shape_cast %swap3A_76 : vector<1x16xf32> to vector<16xf32>
    %swap3A_78 = vector.shape_cast %broadcast_in_dim3A_72 : vector<16xf32> to vector<1x16xf32>
    tpu.vector_store %arg19[%swap3A_74, %swap3A_75], %swap3A_78 {strides = array<i32>} : memref<2x256xf32, #tpu.memory_space<vmem>>, vector<1x16xf32>,
    %broadcast_in_dim3A_79 = arith.constant 0.000000e+00 : f32
    %broadcast_in_dim3A_80 = vector.broadcast %broadcast_in_dim3A_79 : f32 to vector<16xf32>
    %swap3A_81 = arith.constant 0 : i32
    %swap3A_82 = arith.index_cast %swap3A_81 : i32 to index
    %swap3A_83 = arith.constant 80 : index
    %swap3A_84 = tpu.vector_load %arg19[%swap3A_82, %swap3A_83] {strides = array<i32>} : memref<2x256xf32, #tpu.memory_space<vmem>>, vector<1x16xf32>,
    %swap3A_85 = vector.shape_cast %swap3A_84 : vector<1x16xf32> to vector<16xf32>
    %swap3A_86 = vector.shape_cast %broadcast_in_dim3A_80 : vector<16xf32> to vector<1x16xf32>
    tpu.vector_store %arg19[%swap3A_82, %swap3A_83], %swap3A_86 {strides = array<i32>} : memref<2x256xf32, #tpu.memory_space<vmem>>, vector<1x16xf32>,
    %broadcast_in_dim3A_87 = arith.constant 0.000000e+00 : f32
    %broadcast_in_dim3A_88 = vector.broadcast %broadcast_in_dim3A_87 : f32 to vector<16xf32>
    %swap3A_89 = arith.constant 1 : i32
    %swap3A_90 = arith.index_cast %swap3A_89 : i32 to index
    %swap3A_91 = arith.constant 80 : index
    %swap3A_92 = tpu.vector_load %arg19[%swap3A_90, %swap3A_91] {strides = array<i32>} : memref<2x256xf32, #tpu.memory_space<vmem>>, vector<1x16xf32>,
    %swap3A_93 = vector.shape_cast %swap3A_92 : vector<1x16xf32> to vector<16xf32>
    %swap3A_94 = vector.shape_cast %broadcast_in_dim3A_88 : vector<16xf32> to vector<1x16xf32>
    tpu.vector_store %arg19[%swap3A_90, %swap3A_91], %swap3A_94 {strides = array<i32>} : memref<2x256xf32, #tpu.memory_space<vmem>>, vector<1x16xf32>,
    %broadcast_in_dim3A_95 = arith.constant 0.000000e+00 : f32
    %broadcast_in_dim3A_96 = vector.broadcast %broadcast_in_dim3A_95 : f32 to vector<16xf32>
    %swap3A_97 = arith.constant 0 : i32
    %swap3A_98 = arith.index_cast %swap3A_97 : i32 to index
    %swap3A_99 = arith.constant 96 : index
    %swap3A_100 = tpu.vector_load %arg19[%swap3A_98, %swap3A_99] {strides = array<i32>} : memref<2x256xf32, #tpu.memory_space<vmem>>, vector<1x16xf32>,
    %swap3A_101 = vector.shape_cast %swap3A_100 : vector<1x16xf32> to vector<16xf32>
    %swap3A_102 = vector.shape_cast %broadcast_in_dim3A_96 : vector<16xf32> to vector<1x16xf32>
    tpu.vector_store %arg19[%swap3A_98, %swap3A_99], %swap3A_102 {strides = array<i32>} : memref<2x256xf32, #tpu.memory_space<vmem>>, vector<1x16xf32>,
    %broadcast_in_dim3A_103 = arith.constant 0.000000e+00 : f32
    %broadcast_in_dim3A_104 = vector.broadcast %broadcast_in_dim3A_103 : f32 to vector<16xf32>
    %swap3A_105 = arith.constant 1 : i32
    %swap3A_106 = arith.index_cast %swap3A_105 : i32 to index
    %swap3A_107 = arith.constant 96 : index
    %swap3A_108 = tpu.vector_load %arg19[%swap3A_106, %swap3A_107] {strides = array<i32>} : memref<2x256xf32, #tpu.memory_space<vmem>>, vector<1x16xf32>,
    %swap3A_109 = vector.shape_cast %swap3A_108 : vector<1x16xf32> to vector<16xf32>
    %swap3A_110 = vector.shape_cast %broadcast_in_dim3A_104 : vector<16xf32> to vector<1x16xf32>
    tpu.vector_store %arg19[%swap3A_106, %swap3A_107], %swap3A_110 {strides = array<i32>} : memref<2x256xf32, #tpu.memory_space<vmem>>, vector<1x16xf32>,
    %broadcast_in_dim3A_111 = arith.constant 0.000000e+00 : f32
    %broadcast_in_dim3A_112 = vector.broadcast %broadcast_in_dim3A_111 : f32 to vector<16xf32>
    %swap3A_113 = arith.constant 0 : i32
    %swap3A_114 = arith.index_cast %swap3A_113 : i32 to index
    %swap3A_115 = arith.constant 112 : index
    %swap3A_116 = tpu.vector_load %arg19[%swap3A_114, %swap3A_115] {strides = array<i32>} : memref<2x256xf32, #tpu.memory_space<vmem>>, vector<1x16xf32>,
    %swap3A_117 = vector.shape_cast %swap3A_116 : vector<1x16xf32> to vector<16xf32>
    %swap3A_118 = vector.shape_cast %broadcast_in_dim3A_112 : vector<16xf32> to vector<1x16xf32>
    tpu.vector_store %arg19[%swap3A_114, %swap3A_115], %swap3A_118 {strides = array<i32>} : memref<2x256xf32, #tpu.memory_space<vmem>>, vector<1x16xf32>,
    %broadcast_in_dim3A_119 = arith.constant 0.000000e+00 : f32
    %broadcast_in_dim3A_120 = vector.broadcast %broadcast_in_dim3A_119 : f32 to vector<16xf32>
    %swap3A_121 = arith.constant 1 : i32
    %swap3A_122 = arith.index_cast %swap3A_121 : i32 to index
    %swap3A_123 = arith.constant 112 : index
    %swap3A_124 = tpu.vector_load %arg19[%swap3A_122, %swap3A_123] {strides = array<i32>} : memref<2x256xf32, #tpu.memory_space<vmem>>, vector<1x16xf32>,
    %swap3A_125 = vector.shape_cast %swap3A_124 : vector<1x16xf32> to vector<16xf32>
    %swap3A_126 = vector.shape_cast %broadcast_in_dim3A_120 : vector<16xf32> to vector<1x16xf32>
    tpu.vector_store %arg19[%swap3A_122, %swap3A_123], %swap3A_126 {strides = array<i32>} : memref<2x256xf32, #tpu.memory_space<vmem>>, vector<1x16xf32>,
    %broadcast_in_dim3A_127 = arith.constant 0.000000e+00 : f32
    %broadcast_in_dim3A_128 = vector.broadcast %broadcast_in_dim3A_127 : f32 to vector<16xf32>
    %swap3A_129 = arith.constant 0 : i32
    %swap3A_130 = arith.index_cast %swap3A_129 : i32 to index
    %swap3A_131 = arith.constant 128 : index
    %swap3A_132 = tpu.vector_load %arg19[%swap3A_130, %swap3A_131] {strides = array<i32>} : memref<2x256xf32, #tpu.memory_space<vmem>>, vector<1x16xf32>,
    %swap3A_133 = vector.shape_cast %swap3A_132 : vector<1x16xf32> to vector<16xf32>
    %swap3A_134 = vector.shape_cast %broadcast_in_dim3A_128 : vector<16xf32> to vector<1x16xf32>
    tpu.vector_store %arg19[%swap3A_130, %swap3A_131], %swap3A_134 {strides = array<i32>} : memref<2x256xf32, #tpu.memory_space<vmem>>, vector<1x16xf32>,
    %broadcast_in_dim3A_135 = arith.constant 0.000000e+00 : f32
    %broadcast_in_dim3A_136 = vector.broadcast %broadcast_in_dim3A_135 : f32 to vector<16xf32>
    %swap3A_137 = arith.constant 1 : i32
    %swap3A_138 = arith.index_cast %swap3A_137 : i32 to index
    %swap3A_139 = arith.constant 128 : index
    %swap3A_140 = tpu.vector_load %arg19[%swap3A_138, %swap3A_139] {strides = array<i32>} : memref<2x256xf32, #tpu.memory_space<vmem>>, vector<1x16xf32>,
    %swap3A_141 = vector.shape_cast %swap3A_140 : vector<1x16xf32> to vector<16xf32>
    %swap3A_142 = vector.shape_cast %broadcast_in_dim3A_136 : vector<16xf32> to vector<1x16xf32>
    tpu.vector_store %arg19[%swap3A_138, %swap3A_139], %swap3A_142 {strides = array<i32>} : memref<2x256xf32, #tpu.memory_space<vmem>>, vector<1x16xf32>,
    %broadcast_in_dim3A_143 = arith.constant 0.000000e+00 : f32
    %broadcast_in_dim3A_144 = vector.broadcast %broadcast_in_dim3A_143 : f32 to vector<16xf32>
    %swap3A_145 = arith.constant 0 : i32
    %swap3A_146 = arith.index_cast %swap3A_145 : i32 to index
    %swap3A_147 = arith.constant 144 : index
    %swap3A_148 = tpu.vector_load %arg19[%swap3A_146, %swap3A_147] {strides = array<i32>} : memref<2x256xf32, #tpu.memory_space<vmem>>, vector<1x16xf32>,
    %swap3A_149 = vector.shape_cast %swap3A_148 : vector<1x16xf32> to vector<16xf32>
    %swap3A_150 = vector.shape_cast %broadcast_in_dim3A_144 : vector<16xf32> to vector<1x16xf32>
    tpu.vector_store %arg19[%swap3A_146, %swap3A_147], %swap3A_150 {strides = array<i32>} : memref<2x256xf32, #tpu.memory_space<vmem>>, vector<1x16xf32>,
    %broadcast_in_dim3A_151 = arith.constant 0.000000e+00 : f32
    %broadcast_in_dim3A_152 = vector.broadcast %broadcast_in_dim3A_151 : f32 to vector<16xf32>
    %swap3A_153 = arith.constant 1 : i32
    %swap3A_154 = arith.index_cast %swap3A_153 : i32 to index
    %swap3A_155 = arith.constant 144 : index
    %swap3A_156 = tpu.vector_load %arg19[%swap3A_154, %swap3A_155] {strides = array<i32>} : memref<2x256xf32, #tpu.memory_space<vmem>>, vector<1x16xf32>,
    %swap3A_157 = vector.shape_cast %swap3A_156 : vector<1x16xf32> to vector<16xf32>
    %swap3A_158 = vector.shape_cast %broadcast_in_dim3A_152 : vector<16xf32> to vector<1x16xf32>
    tpu.vector_store %arg19[%swap3A_154, %swap3A_155], %swap3A_158 {strides = array<i32>} : memref<2x256xf32, #tpu.memory_space<vmem>>, vector<1x16xf32>,
    %broadcast_in_dim3A_159 = arith.constant 0.000000e+00 : f32
    %broadcast_in_dim3A_160 = vector.broadcast %broadcast_in_dim3A_159 : f32 to vector<16xf32>
    %swap3A_161 = arith.constant 0 : i32
    %swap3A_162 = arith.index_cast %swap3A_161 : i32 to index
    %swap3A_163 = arith.constant 160 : index
    %swap3A_164 = tpu.vector_load %arg19[%swap3A_162, %swap3A_163] {strides = array<i32>} : memref<2x256xf32, #tpu.memory_space<vmem>>, vector<1x16xf32>,
    %swap3A_165 = vector.shape_cast %swap3A_164 : vector<1x16xf32> to vector<16xf32>
    %swap3A_166 = vector.shape_cast %broadcast_in_dim3A_160 : vector<16xf32> to vector<1x16xf32>
    tpu.vector_store %arg19[%swap3A_162, %swap3A_163], %swap3A_166 {strides = array<i32>} : memref<2x256xf32, #tpu.memory_space<vmem>>, vector<1x16xf32>,
    %broadcast_in_dim3A_167 = arith.constant 0.000000e+00 : f32
    %broadcast_in_dim3A_168 = vector.broadcast %broadcast_in_dim3A_167 : f32 to vector<16xf32>
    %swap3A_169 = arith.constant 1 : i32
    %swap3A_170 = arith.index_cast %swap3A_169 : i32 to index
    %swap3A_171 = arith.constant 160 : index
    %swap3A_172 = tpu.vector_load %arg19[%swap3A_170, %swap3A_171] {strides = array<i32>} : memref<2x256xf32, #tpu.memory_space<vmem>>, vector<1x16xf32>,
    %swap3A_173 = vector.shape_cast %swap3A_172 : vector<1x16xf32> to vector<16xf32>
    %swap3A_174 = vector.shape_cast %broadcast_in_dim3A_168 : vector<16xf32> to vector<1x16xf32>
    tpu.vector_store %arg19[%swap3A_170, %swap3A_171], %swap3A_174 {strides = array<i32>} : memref<2x256xf32, #tpu.memory_space<vmem>>, vector<1x16xf32>,
    %broadcast_in_dim3A_175 = arith.constant 0.000000e+00 : f32
    %broadcast_in_dim3A_176 = vector.broadcast %broadcast_in_dim3A_175 : f32 to vector<16xf32>
    %swap3A_177 = arith.constant 0 : i32
    %swap3A_178 = arith.index_cast %swap3A_177 : i32 to index
    %swap3A_179 = arith.constant 176 : index
    %swap3A_180 = tpu.vector_load %arg19[%swap3A_178, %swap3A_179] {strides = array<i32>} : memref<2x256xf32, #tpu.memory_space<vmem>>, vector<1x16xf32>,
    %swap3A_181 = vector.shape_cast %swap3A_180 : vector<1x16xf32> to vector<16xf32>
    %swap3A_182 = vector.shape_cast %broadcast_in_dim3A_176 : vector<16xf32> to vector<1x16xf32>
    tpu.vector_store %arg19[%swap3A_178, %swap3A_179], %swap3A_182 {strides = array<i32>} : memref<2x256xf32, #tpu.memory_space<vmem>>, vector<1x16xf32>,
    %broadcast_in_dim3A_183 = arith.constant 0.000000e+00 : f32
    %broadcast_in_dim3A_184 = vector.broadcast %broadcast_in_dim3A_183 : f32 to vector<16xf32>
    %swap3A_185 = arith.constant 1 : i32
    %swap3A_186 = arith.index_cast %swap3A_185 : i32 to index
    %swap3A_187 = arith.constant 176 : index
    %swap3A_188 = tpu.vector_load %arg19[%swap3A_186, %swap3A_187] {strides = array<i32>} : memref<2x256xf32, #tpu.memory_space<vmem>>, vector<1x16xf32>,
    %swap3A_189 = vector.shape_cast %swap3A_188 : vector<1x16xf32> to vector<16xf32>
    %swap3A_190 = vector.shape_cast %broadcast_in_dim3A_184 : vector<16xf32> to vector<1x16xf32>
    tpu.vector_store %arg19[%swap3A_186, %swap3A_187], %swap3A_190 {strides = array<i32>} : memref<2x256xf32, #tpu.memory_space<vmem>>, vector<1x16xf32>,
    %broadcast_in_dim3A_191 = arith.constant 0.000000e+00 : f32
    %broadcast_in_dim3A_192 = vector.broadcast %broadcast_in_dim3A_191 : f32 to vector<16xf32>
    %swap3A_193 = arith.constant 0 : i32
    %swap3A_194 = arith.index_cast %swap3A_193 : i32 to index
    %swap3A_195 = arith.constant 192 : index
    %swap3A_196 = tpu.vector_load %arg19[%swap3A_194, %swap3A_195] {strides = array<i32>} : memref<2x256xf32, #tpu.memory_space<vmem>>, vector<1x16xf32>,
    %swap3A_197 = vector.shape_cast %swap3A_196 : vector<1x16xf32> to vector<16xf32>
    %swap3A_198 = vector.shape_cast %broadcast_in_dim3A_192 : vector<16xf32> to vector<1x16xf32>
    tpu.vector_store %arg19[%swap3A_194, %swap3A_195], %swap3A_198 {strides = array<i32>} : memref<2x256xf32, #tpu.memory_space<vmem>>, vector<1x16xf32>,
    %broadcast_in_dim3A_199 = arith.constant 0.000000e+00 : f32
    %broadcast_in_dim3A_200 = vector.broadcast %broadcast_in_dim3A_199 : f32 to vector<16xf32>
    %swap3A_201 = arith.constant 1 : i32
    %swap3A_202 = arith.index_cast %swap3A_201 : i32 to index
    %swap3A_203 = arith.constant 192 : index
    %swap3A_204 = tpu.vector_load %arg19[%swap3A_202, %swap3A_203] {strides = array<i32>} : memref<2x256xf32, #tpu.memory_space<vmem>>, vector<1x16xf32>,
    %swap3A_205 = vector.shape_cast %swap3A_204 : vector<1x16xf32> to vector<16xf32>
    %swap3A_206 = vector.shape_cast %broadcast_in_dim3A_200 : vector<16xf32> to vector<1x16xf32>
    tpu.vector_store %arg19[%swap3A_202, %swap3A_203], %swap3A_206 {strides = array<i32>} : memref<2x256xf32, #tpu.memory_space<vmem>>, vector<1x16xf32>,
    %broadcast_in_dim3A_207 = arith.constant 0.000000e+00 : f32
    %broadcast_in_dim3A_208 = vector.broadcast %broadcast_in_dim3A_207 : f32 to vector<16xf32>
    %swap3A_209 = arith.constant 0 : i32
    %swap3A_210 = arith.index_cast %swap3A_209 : i32 to index
    %swap3A_211 = arith.constant 208 : index
    %swap3A_212 = tpu.vector_load %arg19[%swap3A_210, %swap3A_211] {strides = array<i32>} : memref<2x256xf32, #tpu.memory_space<vmem>>, vector<1x16xf32>,
    %swap3A_213 = vector.shape_cast %swap3A_212 : vector<1x16xf32> to vector<16xf32>
    %swap3A_214 = vector.shape_cast %broadcast_in_dim3A_208 : vector<16xf32> to vector<1x16xf32>
    tpu.vector_store %arg19[%swap3A_210, %swap3A_211], %swap3A_214 {strides = array<i32>} : memref<2x256xf32, #tpu.memory_space<vmem>>, vector<1x16xf32>,
    %broadcast_in_dim3A_215 = arith.constant 0.000000e+00 : f32
    %broadcast_in_dim3A_216 = vector.broadcast %broadcast_in_dim3A_215 : f32 to vector<16xf32>
    %swap3A_217 = arith.constant 1 : i32
    %swap3A_218 = arith.index_cast %swap3A_217 : i32 to index
    %swap3A_219 = arith.constant 208 : index
    %swap3A_220 = tpu.vector_load %arg19[%swap3A_218, %swap3A_219] {strides = array<i32>} : memref<2x256xf32, #tpu.memory_space<vmem>>, vector<1x16xf32>,
    %swap3A_221 = vector.shape_cast %swap3A_220 : vector<1x16xf32> to vector<16xf32>
    %swap3A_222 = vector.shape_cast %broadcast_in_dim3A_216 : vector<16xf32> to vector<1x16xf32>
    tpu.vector_store %arg19[%swap3A_218, %swap3A_219], %swap3A_222 {strides = array<i32>} : memref<2x256xf32, #tpu.memory_space<vmem>>, vector<1x16xf32>,
    %broadcast_in_dim3A_223 = arith.constant 0.000000e+00 : f32
    %broadcast_in_dim3A_224 = vector.broadcast %broadcast_in_dim3A_223 : f32 to vector<16xf32>
    %swap3A_225 = arith.constant 0 : i32
    %swap3A_226 = arith.index_cast %swap3A_225 : i32 to index
    %swap3A_227 = arith.constant 224 : index
    %swap3A_228 = tpu.vector_load %arg19[%swap3A_226, %swap3A_227] {strides = array<i32>} : memref<2x256xf32, #tpu.memory_space<vmem>>, vector<1x16xf32>,
    %swap3A_229 = vector.shape_cast %swap3A_228 : vector<1x16xf32> to vector<16xf32>
    %swap3A_230 = vector.shape_cast %broadcast_in_dim3A_224 : vector<16xf32> to vector<1x16xf32>
    tpu.vector_store %arg19[%swap3A_226, %swap3A_227], %swap3A_230 {strides = array<i32>} : memref<2x256xf32, #tpu.memory_space<vmem>>, vector<1x16xf32>,
    %broadcast_in_dim3A_231 = arith.constant 0.000000e+00 : f32
    %broadcast_in_dim3A_232 = vector.broadcast %broadcast_in_dim3A_231 : f32 to vector<16xf32>
    %swap3A_233 = arith.constant 1 : i32
    %swap3A_234 = arith.index_cast %swap3A_233 : i32 to index
    %swap3A_235 = arith.constant 224 : index
    %swap3A_236 = tpu.vector_load %arg19[%swap3A_234, %swap3A_235] {strides = array<i32>} : memref<2x256xf32, #tpu.memory_space<vmem>>, vector<1x16xf32>,
    %swap3A_237 = vector.shape_cast %swap3A_236 : vector<1x16xf32> to vector<16xf32>
    %swap3A_238 = vector.shape_cast %broadcast_in_dim3A_232 : vector<16xf32> to vector<1x16xf32>
    tpu.vector_store %arg19[%swap3A_234, %swap3A_235], %swap3A_238 {strides = array<i32>} : memref<2x256xf32, #tpu.memory_space<vmem>>, vector<1x16xf32>,
    %broadcast_in_dim3A_239 = arith.constant 0.000000e+00 : f32
    %broadcast_in_dim3A_240 = vector.broadcast %broadcast_in_dim3A_239 : f32 to vector<16xf32>
    %swap3A_241 = arith.constant 0 : i32
    %swap3A_242 = arith.index_cast %swap3A_241 : i32 to index
    %swap3A_243 = arith.constant 240 : index
    %swap3A_244 = tpu.vector_load %arg19[%swap3A_242, %swap3A_243] {strides = array<i32>} : memref<2x256xf32, #tpu.memory_space<vmem>>, vector<1x16xf32>,
    %swap3A_245 = vector.shape_cast %swap3A_244 : vector<1x16xf32> to vector<16xf32>
    %swap3A_246 = vector.shape_cast %broadcast_in_dim3A_240 : vector<16xf32> to vector<1x16xf32>
    tpu.vector_store %arg19[%swap3A_242, %swap3A_243], %swap3A_246 {strides = array<i32>} : memref<2x256xf32, #tpu.memory_space<vmem>>, vector<1x16xf32>,
    %broadcast_in_dim3A_247 = arith.constant 0.000000e+00 : f32
    %broadcast_in_dim3A_248 = vector.broadcast %broadcast_in_dim3A_247 : f32 to vector<16xf32>
    %swap3A_249 = arith.constant 1 : i32
    %swap3A_250 = arith.index_cast %swap3A_249 : i32 to index
    %swap3A_251 = arith.constant 240 : index
    %swap3A_252 = tpu.vector_load %arg19[%swap3A_250, %swap3A_251] {strides = array<i32>} : memref<2x256xf32, #tpu.memory_space<vmem>>, vector<1x16xf32>,
    %swap3A_253 = vector.shape_cast %swap3A_252 : vector<1x16xf32> to vector<16xf32>
    %swap3A_254 = vector.shape_cast %broadcast_in_dim3A_248 : vector<16xf32> to vector<1x16xf32>
    tpu.vector_store %arg19[%swap3A_250, %swap3A_251], %swap3A_254 {strides = array<i32>} : memref<2x256xf32, #tpu.memory_space<vmem>>, vector<1x16xf32>,
    %dma_start3A = arith.constant 0 : i32
    %dma_start3A_255 = tpu.memref_slice %arg8[%dma_start3A] : memref<10000xi32, #tpu.memory_space<vmem>> -> memref<40xi32, #tpu.memory_space<vmem>>
    %dma_start3A_256 = arith.constant 0 : i32
    %dma_start3A_257 = arith.constant 0 : i32
    %dma_start3A_258 = tpu.memref_slice %arg2[%dma_start3A_256, %dma_start3A_257] : memref<40000x256xf32, #tpu.memory_space<hbm>> -> memref<40000x256xf32, #tpu.memory_space<hbm>>
    tpu.enqueue_indirect_dma source(%dma_start3A_258 : memref<40000x256xf32, #tpu.memory_space<hbm>>) target(%arg11 : memref<40x256xf32, #tpu.memory_space<vmem>>) offsets(%dma_start3A_255 : memref<40xi32, #tpu.memory_space<vmem>>) semaphore(%arg20 : memref<!tpu.dma_semaphore, #tpu.memory_space<semaphore_mem>>)
    %dma_start3A_259 = arith.constant 0 : i32
    %dma_start3A_260 = tpu.memref_slice %arg9[%dma_start3A_259] : memref<10000xi32, #tpu.memory_space<vmem>> -> memref<40xi32, #tpu.memory_space<vmem>>
    %dma_start3A_261 = arith.constant 0 : i32
    %dma_start3A_262 = arith.constant 0 : i32
    %dma_start3A_263 = tpu.memref_slice %arg2[%dma_start3A_261, %dma_start3A_262] : memref<40000x256xf32, #tpu.memory_space<hbm>> -> memref<40000x256xf32, #tpu.memory_space<hbm>>
    tpu.enqueue_indirect_dma source(%dma_start3A_263 : memref<40000x256xf32, #tpu.memory_space<hbm>>) target(%arg12 : memref<40x256xf32, #tpu.memory_space<vmem>>) offsets(%dma_start3A_260 : memref<40xi32, #tpu.memory_space<vmem>>) semaphore(%arg20 : memref<!tpu.dma_semaphore, #tpu.memory_space<semaphore_mem>>)
    %dma_start3A_264 = arith.constant 0 : i32
    %dma_start3A_265 = tpu.memref_slice %arg10[%dma_start3A_264] : memref<10000xi32, #tpu.memory_space<vmem>> -> memref<40xi32, #tpu.memory_space<vmem>>
    %dma_start3A_266 = arith.constant 0 : i32
    %dma_start3A_267 = arith.constant 0 : i32
    %dma_start3A_268 = tpu.memref_slice %arg2[%dma_start3A_266, %dma_start3A_267] : memref<40000x256xf32, #tpu.memory_space<hbm>> -> memref<40000x256xf32, #tpu.memory_space<hbm>>
    tpu.enqueue_indirect_dma source(%dma_start3A_268 : memref<40000x256xf32, #tpu.memory_space<hbm>>) target(%arg13 : memref<40x256xf32, #tpu.memory_space<vmem>>) offsets(%dma_start3A_265 : memref<40xi32, #tpu.memory_space<vmem>>) semaphore(%arg20 : memref<!tpu.dma_semaphore, #tpu.memory_space<semaphore_mem>>)
    %dma_start3A_269 = arith.constant 40 : i32
    %dma_start3A_270 = tpu.memref_slice %arg8[%dma_start3A_269] : memref<10000xi32, #tpu.memory_space<vmem>> -> memref<40xi32, #tpu.memory_space<vmem>>
    %dma_start3A_271 = arith.constant 0 : i32
    %dma_start3A_272 = arith.constant 0 : i32
    %dma_start3A_273 = tpu.memref_slice %arg2[%dma_start3A_271, %dma_start3A_272] : memref<40000x256xf32, #tpu.memory_space<hbm>> -> memref<40000x256xf32, #tpu.memory_space<hbm>>
    tpu.enqueue_indirect_dma source(%dma_start3A_273 : memref<40000x256xf32, #tpu.memory_space<hbm>>) target(%arg15 : memref<40x256xf32, #tpu.memory_space<vmem>>) offsets(%dma_start3A_270 : memref<40xi32, #tpu.memory_space<vmem>>) semaphore(%arg21 : memref<!tpu.dma_semaphore, #tpu.memory_space<semaphore_mem>>)
    %dma_start3A_274 = arith.constant 40 : i32
    %dma_start3A_275 = tpu.memref_slice %arg9[%dma_start3A_274] : memref<10000xi32, #tpu.memory_space<vmem>> -> memref<40xi32, #tpu.memory_space<vmem>>
    %dma_start3A_276 = arith.constant 0 : i32
    %dma_start3A_277 = arith.constant 0 : i32
    %dma_start3A_278 = tpu.memref_slice %arg2[%dma_start3A_276, %dma_start3A_277] : memref<40000x256xf32, #tpu.memory_space<hbm>> -> memref<40000x256xf32, #tpu.memory_space<hbm>>
    tpu.enqueue_indirect_dma source(%dma_start3A_278 : memref<40000x256xf32, #tpu.memory_space<hbm>>) target(%arg16 : memref<40x256xf32, #tpu.memory_space<vmem>>) offsets(%dma_start3A_275 : memref<40xi32, #tpu.memory_space<vmem>>) semaphore(%arg21 : memref<!tpu.dma_semaphore, #tpu.memory_space<semaphore_mem>>)
    %dma_start3A_279 = arith.constant 40 : i32
    %dma_start3A_280 = tpu.memref_slice %arg10[%dma_start3A_279] : memref<10000xi32, #tpu.memory_space<vmem>> -> memref<40xi32, #tpu.memory_space<vmem>>
    %dma_start3A_281 = arith.constant 0 : i32
    %dma_start3A_282 = arith.constant 0 : i32
    %dma_start3A_283 = tpu.memref_slice %arg2[%dma_start3A_281, %dma_start3A_282] : memref<40000x256xf32, #tpu.memory_space<hbm>> -> memref<40000x256xf32, #tpu.memory_space<hbm>>
    tpu.enqueue_indirect_dma source(%dma_start3A_283 : memref<40000x256xf32, #tpu.memory_space<hbm>>) target(%arg17 : memref<40x256xf32, #tpu.memory_space<vmem>>) offsets(%dma_start3A_280 : memref<40xi32, #tpu.memory_space<vmem>>) semaphore(%arg21 : memref<!tpu.dma_semaphore, #tpu.memory_space<semaphore_mem>>)
    %broadcast_in_dim3A_284 = arith.constant 0.000000e+00 : f32
    %broadcast_in_dim3A_285 = vector.broadcast %broadcast_in_dim3A_284 : f32 to vector<16xf32>
    %scan3A = arith.constant 0 : i32
    %scan3A_286 = arith.constant 0 : i32
    %scan3A_287 = arith.constant 125 : i32
    %scan3A_288 = arith.addi %scan3A_286, %scan3A_287 : i32
    %scan3A_289 = arith.constant 1 : i32
    scf.for %scan3A_306 = %scan3A_286 to %scan3A_288 step %scan3A_289  : i32 {
      %mul3A_307 = arith.constant 2 : i32
      %mul3A_308 = arith.muli %scan3A_306, %mul3A_307 : i32
      %add3A_309 = arith.constant 0 : i32
      %add3A_310 = arith.addi %mul3A_308, %add3A_309 : i32
      %mul3A_311 = arith.constant 40 : i32
      %mul3A_312 = arith.muli %add3A_310, %mul3A_311 : i32
      %dma_wait3A_313 = tpu.memref_slice %arg8[%mul3A_312] : memref<10000xi32, #tpu.memory_space<vmem>> -> memref<40xi32, #tpu.memory_space<vmem>>
      %dma_wait3A_314 = arith.constant 0 : i32
      %dma_wait3A_315 = arith.constant 0 : i32
      %dma_wait3A_316 = tpu.memref_slice %arg2[%dma_wait3A_314, %dma_wait3A_315] : memref<40000x256xf32, #tpu.memory_space<hbm>> -> memref<40000x256xf32, #tpu.memory_space<hbm>>
      tpu.wait_indirect_dma semaphore(%arg20 : memref<!tpu.dma_semaphore, #tpu.memory_space<semaphore_mem>>) src(%dma_wait3A_316 : memref<40000x256xf32, #tpu.memory_space<hbm>>) dst(%arg11 : memref<40x256xf32, #tpu.memory_space<vmem>>)
      %dma_wait3A_317 = tpu.memref_slice %arg9[%mul3A_312] : memref<10000xi32, #tpu.memory_space<vmem>> -> memref<40xi32, #tpu.memory_space<vmem>>
      %dma_wait3A_318 = arith.constant 0 : i32
      %dma_wait3A_319 = arith.constant 0 : i32
      %dma_wait3A_320 = tpu.memref_slice %arg2[%dma_wait3A_318, %dma_wait3A_319] : memref<40000x256xf32, #tpu.memory_space<hbm>> -> memref<40000x256xf32, #tpu.memory_space<hbm>>
      tpu.wait_indirect_dma semaphore(%arg20 : memref<!tpu.dma_semaphore, #tpu.memory_space<semaphore_mem>>) src(%dma_wait3A_320 : memref<40000x256xf32, #tpu.memory_space<hbm>>) dst(%arg12 : memref<40x256xf32, #tpu.memory_space<vmem>>)
      %dma_wait3A_321 = tpu.memref_slice %arg10[%mul3A_312] : memref<10000xi32, #tpu.memory_space<vmem>> -> memref<40xi32, #tpu.memory_space<vmem>>
      %dma_wait3A_322 = arith.constant 0 : i32
      %dma_wait3A_323 = arith.constant 0 : i32
      %dma_wait3A_324 = tpu.memref_slice %arg2[%dma_wait3A_322, %dma_wait3A_323] : memref<40000x256xf32, #tpu.memory_space<hbm>> -> memref<40000x256xf32, #tpu.memory_space<hbm>>
      tpu.wait_indirect_dma semaphore(%arg20 : memref<!tpu.dma_semaphore, #tpu.memory_space<semaphore_mem>>) src(%dma_wait3A_324 : memref<40000x256xf32, #tpu.memory_space<hbm>>) dst(%arg13 : memref<40x256xf32, #tpu.memory_space<vmem>>)
      %ge3A = arith.constant 2 : i32
      %ge3A_325 = arith.cmpi sge, %add3A_310, %ge3A : i32
      %convert_element_type3A = arith.extui %ge3A_325 : i1 to i32
      %cond3A = arith.constant 0 : i32
      %cond3A_326 = arith.cmpi ne, %convert_element_type3A, %cond3A : i32
      scf.if %cond3A_326 {
        %mul3A_1160 = arith.constant 10000 : i32
        %mul3A_1161 = arith.muli %add3A, %mul3A_1160 : i32
        %sub3A = arith.constant 2 : i32
        %sub3A_1162 = arith.subi %add3A_310, %sub3A : i32
        %mul3A_1163 = arith.constant 40 : i32
        %mul3A_1164 = arith.muli %sub3A_1162, %mul3A_1163 : i32
        %add3A_1165 = arith.addi %mul3A_1161, %mul3A_1164 : i32
        %dma_wait3A_1166 = arith.constant 0 : i32
        %dma_wait3A_1167 = tpu.memref_slice %arg6[%add3A_1165, %dma_wait3A_1166] : memref<320000x256xf32, #tpu.memory_space<hbm>> -> memref<40x256xf32, #tpu.memory_space<hbm>>
        %dma_wait3A_1168 = arith.constant 0 : i32
        %dma_wait3A_1169 = tpu.memref_slice %arg6[%add3A_1165, %dma_wait3A_1168] : memref<320000x256xf32, #tpu.memory_space<hbm>> -> memref<40x256xf32, #tpu.memory_space<hbm>>
        tpu.wait_dma2 semaphore(%arg22 : memref<!tpu.dma_semaphore, #tpu.memory_space<semaphore_mem>>) src(%arg14 : memref<40x256xf32, #tpu.memory_space<vmem>>) dst(%dma_wait3A_1169 : memref<40x256xf32, #tpu.memory_space<hbm>>)
      } else {
      }
      %scan3A_327 = arith.constant 0 : i32
      %scan3A_328 = arith.constant 40 : i32
      %scan3A_329 = arith.addi %scan3A_327, %scan3A_328 : i32
      %scan3A_330 = arith.constant 1 : i32
      %scan3A_331:32 = scf.for %scan3A_1160 = %scan3A_327 to %scan3A_329 step %scan3A_330 iter_args(%scan3A_1161 = %broadcast_in_dim3A_285, %scan3A_1162 = %broadcast_in_dim3A_285, %scan3A_1163 = %broadcast_in_dim3A_285, %scan3A_1164 = %broadcast_in_dim3A_285, %scan3A_1165 = %broadcast_in_dim3A_285, %scan3A_1166 = %broadcast_in_dim3A_285, %scan3A_1167 = %broadcast_in_dim3A_285, %scan3A_1168 = %broadcast_in_dim3A_285, %scan3A_1169 = %broadcast_in_dim3A_285, %scan3A_1170 = %broadcast_in_dim3A_285, %scan3A_1171 = %broadcast_in_dim3A_285, %scan3A_1172 = %broadcast_in_dim3A_285, %scan3A_1173 = %broadcast_in_dim3A_285, %scan3A_1174 = %broadcast_in_dim3A_285, %scan3A_1175 = %broadcast_in_dim3A_285, %scan3A_1176 = %broadcast_in_dim3A_285, %scan3A_1177 = %broadcast_in_dim3A_285, %scan3A_1178 = %broadcast_in_dim3A_285, %scan3A_1179 = %broadcast_in_dim3A_285, %scan3A_1180 = %broadcast_in_dim3A_285, %scan3A_1181 = %broadcast_in_dim3A_285, %scan3A_1182 = %broadcast_in_dim3A_285, %scan3A_1183 = %broadcast_in_dim3A_285, %scan3A_1184 = %broadcast_in_dim3A_285, %scan3A_1185 = %broadcast_in_dim3A_285, %scan3A_1186 = %broadcast_in_dim3A_285, %scan3A_1187 = %broadcast_in_dim3A_285, %scan3A_1188 = %broadcast_in_dim3A_285, %scan3A_1189 = %broadcast_in_dim3A_285, %scan3A_1190 = %broadcast_in_dim3A_285, %scan3A_1191 = %broadcast_in_dim3A_285, %scan3A_1192 = %broadcast_in_dim3A_285) -> (vector<16xf32>, vector<16xf32>, vector<16xf32>, vector<16xf32>, vector<16xf32>, vector<16xf32>, vector<16xf32>, vector<16xf32>, vector<16xf32>, vector<16xf32>, vector<16xf32>, vector<16xf32>, vector<16xf32>, vector<16xf32>, vector<16xf32>, vector<16xf32>, vector<16xf32>, vector<16xf32>, vector<16xf32>, vector<16xf32>, vector<16xf32>, vector<16xf32>, vector<16xf32>, vector<16xf32>, vector<16xf32>, vector<16xf32>, vector<16xf32>, vector<16xf32>, vector<16xf32>, vector<16xf32>, vector<16xf32>, vector<16xf32>)  : i32 {
        %get3A_1193 = arith.index_cast %scan3A_1160 : i32 to index
        %get3A_1194 = arith.constant 0 : index
        %get3A_1195 = tpu.vector_load %arg11[%get3A_1193, %get3A_1194] {strides = array<i32>} : memref<40x256xf32, #tpu.memory_space<vmem>>, vector<1x16xf32>,
        %get3A_1196 = vector.shape_cast %get3A_1195 : vector<1x16xf32> to vector<16xf32>
        %get3A_1197 = arith.index_cast %scan3A_1160 : i32 to index
        %get3A_1198 = arith.constant 0 : index
        %get3A_1199 = tpu.vector_load %arg12[%get3A_1197, %get3A_1198] {strides = array<i32>} : memref<40x256xf32, #tpu.memory_space<vmem>>, vector<1x16xf32>,
        %get3A_1200 = vector.shape_cast %get3A_1199 : vector<1x16xf32> to vector<16xf32>
        %add3A_1201 = arith.addf %get3A_1196, %get3A_1200 : vector<16xf32>
        %get3A_1202 = arith.index_cast %scan3A_1160 : i32 to index
        %get3A_1203 = arith.constant 0 : index
        %get3A_1204 = tpu.vector_load %arg13[%get3A_1202, %get3A_1203] {strides = array<i32>} : memref<40x256xf32, #tpu.memory_space<vmem>>, vector<1x16xf32>,
        %get3A_1205 = vector.shape_cast %get3A_1204 : vector<1x16xf32> to vector<16xf32>
        %add3A_1206 = arith.addf %add3A_1201, %get3A_1205 : vector<16xf32>
        %swap3A_1207 = arith.index_cast %scan3A_1160 : i32 to index
        %swap3A_1208 = arith.constant 0 : index
        %swap3A_1209 = tpu.vector_load %arg14[%swap3A_1207, %swap3A_1208] {strides = array<i32>} : memref<40x256xf32, #tpu.memory_space<vmem>>, vector<1x16xf32>,
        %swap3A_1210 = vector.shape_cast %swap3A_1209 : vector<1x16xf32> to vector<16xf32>
        %swap3A_1211 = vector.shape_cast %add3A_1206 : vector<16xf32> to vector<1x16xf32>
        tpu.vector_store %arg14[%swap3A_1207, %swap3A_1208], %swap3A_1211 {strides = array<i32>} : memref<40x256xf32, #tpu.memory_space<vmem>>, vector<1x16xf32>,
        %add3A_1212 = arith.addf %scan3A_1161, %add3A_1206 : vector<16xf32>
        %mul3A_1213 = arith.mulf %add3A_1206, %add3A_1206 : vector<16xf32>
        %add3A_1214 = arith.addf %scan3A_1177, %mul3A_1213 : vector<16xf32>
        %get3A_1215 = arith.index_cast %scan3A_1160 : i32 to index
        %get3A_1216 = arith.constant 16 : index
        %get3A_1217 = tpu.vector_load %arg11[%get3A_1215, %get3A_1216] {strides = array<i32>} : memref<40x256xf32, #tpu.memory_space<vmem>>, vector<1x16xf32>,
        %get3A_1218 = vector.shape_cast %get3A_1217 : vector<1x16xf32> to vector<16xf32>
        %get3A_1219 = arith.index_cast %scan3A_1160 : i32 to index
        %get3A_1220 = arith.constant 16 : index
        %get3A_1221 = tpu.vector_load %arg12[%get3A_1219, %get3A_1220] {strides = array<i32>} : memref<40x256xf32, #tpu.memory_space<vmem>>, vector<1x16xf32>,
        %get3A_1222 = vector.shape_cast %get3A_1221 : vector<1x16xf32> to vector<16xf32>
        %add3A_1223 = arith.addf %get3A_1218, %get3A_1222 : vector<16xf32>
        %get3A_1224 = arith.index_cast %scan3A_1160 : i32 to index
        %get3A_1225 = arith.constant 16 : index
        %get3A_1226 = tpu.vector_load %arg13[%get3A_1224, %get3A_1225] {strides = array<i32>} : memref<40x256xf32, #tpu.memory_space<vmem>>, vector<1x16xf32>,
        %get3A_1227 = vector.shape_cast %get3A_1226 : vector<1x16xf32> to vector<16xf32>
        %add3A_1228 = arith.addf %add3A_1223, %get3A_1227 : vector<16xf32>
        %swap3A_1229 = arith.index_cast %scan3A_1160 : i32 to index
        %swap3A_1230 = arith.constant 16 : index
        %swap3A_1231 = tpu.vector_load %arg14[%swap3A_1229, %swap3A_1230] {strides = array<i32>} : memref<40x256xf32, #tpu.memory_space<vmem>>, vector<1x16xf32>,
        %swap3A_1232 = vector.shape_cast %swap3A_1231 : vector<1x16xf32> to vector<16xf32>
        %swap3A_1233 = vector.shape_cast %add3A_1228 : vector<16xf32> to vector<1x16xf32>
        tpu.vector_store %arg14[%swap3A_1229, %swap3A_1230], %swap3A_1233 {strides = array<i32>} : memref<40x256xf32, #tpu.memory_space<vmem>>, vector<1x16xf32>,
        %add3A_1234 = arith.addf %scan3A_1162, %add3A_1228 : vector<16xf32>
        %mul3A_1235 = arith.mulf %add3A_1228, %add3A_1228 : vector<16xf32>
        %add3A_1236 = arith.addf %scan3A_1178, %mul3A_1235 : vector<16xf32>
        %get3A_1237 = arith.index_cast %scan3A_1160 : i32 to index
        %get3A_1238 = arith.constant 32 : index
        %get3A_1239 = tpu.vector_load %arg11[%get3A_1237, %get3A_1238] {strides = array<i32>} : memref<40x256xf32, #tpu.memory_space<vmem>>, vector<1x16xf32>,
        %get3A_1240 = vector.shape_cast %get3A_1239 : vector<1x16xf32> to vector<16xf32>
        %get3A_1241 = arith.index_cast %scan3A_1160 : i32 to index
        %get3A_1242 = arith.constant 32 : index
        %get3A_1243 = tpu.vector_load %arg12[%get3A_1241, %get3A_1242] {strides = array<i32>} : memref<40x256xf32, #tpu.memory_space<vmem>>, vector<1x16xf32>,
        %get3A_1244 = vector.shape_cast %get3A_1243 : vector<1x16xf32> to vector<16xf32>
        %add3A_1245 = arith.addf %get3A_1240, %get3A_1244 : vector<16xf32>
        %get3A_1246 = arith.index_cast %scan3A_1160 : i32 to index
        %get3A_1247 = arith.constant 32 : index
        %get3A_1248 = tpu.vector_load %arg13[%get3A_1246, %get3A_1247] {strides = array<i32>} : memref<40x256xf32, #tpu.memory_space<vmem>>, vector<1x16xf32>,
        %get3A_1249 = vector.shape_cast %get3A_1248 : vector<1x16xf32> to vector<16xf32>
        %add3A_1250 = arith.addf %add3A_1245, %get3A_1249 : vector<16xf32>
        %swap3A_1251 = arith.index_cast %scan3A_1160 : i32 to index
        %swap3A_1252 = arith.constant 32 : index
        %swap3A_1253 = tpu.vector_load %arg14[%swap3A_1251, %swap3A_1252] {strides = array<i32>} : memref<40x256xf32, #tpu.memory_space<vmem>>, vector<1x16xf32>,
        %swap3A_1254 = vector.shape_cast %swap3A_1253 : vector<1x16xf32> to vector<16xf32>
        %swap3A_1255 = vector.shape_cast %add3A_1250 : vector<16xf32> to vector<1x16xf32>
        tpu.vector_store %arg14[%swap3A_1251, %swap3A_1252], %swap3A_1255 {strides = array<i32>} : memref<40x256xf32, #tpu.memory_space<vmem>>, vector<1x16xf32>,
        %add3A_1256 = arith.addf %scan3A_1163, %add3A_1250 : vector<16xf32>
        %mul3A_1257 = arith.mulf %add3A_1250, %add3A_1250 : vector<16xf32>
        %add3A_1258 = arith.addf %scan3A_1179, %mul3A_1257 : vector<16xf32>
        %get3A_1259 = arith.index_cast %scan3A_1160 : i32 to index
        %get3A_1260 = arith.constant 48 : index
        %get3A_1261 = tpu.vector_load %arg11[%get3A_1259, %get3A_1260] {strides = array<i32>} : memref<40x256xf32, #tpu.memory_space<vmem>>, vector<1x16xf32>,
        %get3A_1262 = vector.shape_cast %get3A_1261 : vector<1x16xf32> to vector<16xf32>
        %get3A_1263 = arith.index_cast %scan3A_1160 : i32 to index
        %get3A_1264 = arith.constant 48 : index
        %get3A_1265 = tpu.vector_load %arg12[%get3A_1263, %get3A_1264] {strides = array<i32>} : memref<40x256xf32, #tpu.memory_space<vmem>>, vector<1x16xf32>,
        %get3A_1266 = vector.shape_cast %get3A_1265 : vector<1x16xf32> to vector<16xf32>
        %add3A_1267 = arith.addf %get3A_1262, %get3A_1266 : vector<16xf32>
        %get3A_1268 = arith.index_cast %scan3A_1160 : i32 to index
        %get3A_1269 = arith.constant 48 : index
        %get3A_1270 = tpu.vector_load %arg13[%get3A_1268, %get3A_1269] {strides = array<i32>} : memref<40x256xf32, #tpu.memory_space<vmem>>, vector<1x16xf32>,
        %get3A_1271 = vector.shape_cast %get3A_1270 : vector<1x16xf32> to vector<16xf32>
        %add3A_1272 = arith.addf %add3A_1267, %get3A_1271 : vector<16xf32>
        %swap3A_1273 = arith.index_cast %scan3A_1160 : i32 to index
        %swap3A_1274 = arith.constant 48 : index
        %swap3A_1275 = tpu.vector_load %arg14[%swap3A_1273, %swap3A_1274] {strides = array<i32>} : memref<40x256xf32, #tpu.memory_space<vmem>>, vector<1x16xf32>,
        %swap3A_1276 = vector.shape_cast %swap3A_1275 : vector<1x16xf32> to vector<16xf32>
        %swap3A_1277 = vector.shape_cast %add3A_1272 : vector<16xf32> to vector<1x16xf32>
        tpu.vector_store %arg14[%swap3A_1273, %swap3A_1274], %swap3A_1277 {strides = array<i32>} : memref<40x256xf32, #tpu.memory_space<vmem>>, vector<1x16xf32>,
        %add3A_1278 = arith.addf %scan3A_1164, %add3A_1272 : vector<16xf32>
        %mul3A_1279 = arith.mulf %add3A_1272, %add3A_1272 : vector<16xf32>
        %add3A_1280 = arith.addf %scan3A_1180, %mul3A_1279 : vector<16xf32>
        %get3A_1281 = arith.index_cast %scan3A_1160 : i32 to index
        %get3A_1282 = arith.constant 64 : index
        %get3A_1283 = tpu.vector_load %arg11[%get3A_1281, %get3A_1282] {strides = array<i32>} : memref<40x256xf32, #tpu.memory_space<vmem>>, vector<1x16xf32>,
        %get3A_1284 = vector.shape_cast %get3A_1283 : vector<1x16xf32> to vector<16xf32>
        %get3A_1285 = arith.index_cast %scan3A_1160 : i32 to index
        %get3A_1286 = arith.constant 64 : index
        %get3A_1287 = tpu.vector_load %arg12[%get3A_1285, %get3A_1286] {strides = array<i32>} : memref<40x256xf32, #tpu.memory_space<vmem>>, vector<1x16xf32>,
        %get3A_1288 = vector.shape_cast %get3A_1287 : vector<1x16xf32> to vector<16xf32>
        %add3A_1289 = arith.addf %get3A_1284, %get3A_1288 : vector<16xf32>
        %get3A_1290 = arith.index_cast %scan3A_1160 : i32 to index
        %get3A_1291 = arith.constant 64 : index
        %get3A_1292 = tpu.vector_load %arg13[%get3A_1290, %get3A_1291] {strides = array<i32>} : memref<40x256xf32, #tpu.memory_space<vmem>>, vector<1x16xf32>,
        %get3A_1293 = vector.shape_cast %get3A_1292 : vector<1x16xf32> to vector<16xf32>
        %add3A_1294 = arith.addf %add3A_1289, %get3A_1293 : vector<16xf32>
        %swap3A_1295 = arith.index_cast %scan3A_1160 : i32 to index
        %swap3A_1296 = arith.constant 64 : index
        %swap3A_1297 = tpu.vector_load %arg14[%swap3A_1295, %swap3A_1296] {strides = array<i32>} : memref<40x256xf32, #tpu.memory_space<vmem>>, vector<1x16xf32>,
        %swap3A_1298 = vector.shape_cast %swap3A_1297 : vector<1x16xf32> to vector<16xf32>
        %swap3A_1299 = vector.shape_cast %add3A_1294 : vector<16xf32> to vector<1x16xf32>
        tpu.vector_store %arg14[%swap3A_1295, %swap3A_1296], %swap3A_1299 {strides = array<i32>} : memref<40x256xf32, #tpu.memory_space<vmem>>, vector<1x16xf32>,
        %add3A_1300 = arith.addf %scan3A_1165, %add3A_1294 : vector<16xf32>
        %mul3A_1301 = arith.mulf %add3A_1294, %add3A_1294 : vector<16xf32>
        %add3A_1302 = arith.addf %scan3A_1181, %mul3A_1301 : vector<16xf32>
        %get3A_1303 = arith.index_cast %scan3A_1160 : i32 to index
        %get3A_1304 = arith.constant 80 : index
        %get3A_1305 = tpu.vector_load %arg11[%get3A_1303, %get3A_1304] {strides = array<i32>} : memref<40x256xf32, #tpu.memory_space<vmem>>, vector<1x16xf32>,
        %get3A_1306 = vector.shape_cast %get3A_1305 : vector<1x16xf32> to vector<16xf32>
        %get3A_1307 = arith.index_cast %scan3A_1160 : i32 to index
        %get3A_1308 = arith.constant 80 : index
        %get3A_1309 = tpu.vector_load %arg12[%get3A_1307, %get3A_1308] {strides = array<i32>} : memref<40x256xf32, #tpu.memory_space<vmem>>, vector<1x16xf32>,
        %get3A_1310 = vector.shape_cast %get3A_1309 : vector<1x16xf32> to vector<16xf32>
        %add3A_1311 = arith.addf %get3A_1306, %get3A_1310 : vector<16xf32>
        %get3A_1312 = arith.index_cast %scan3A_1160 : i32 to index
        %get3A_1313 = arith.constant 80 : index
        %get3A_1314 = tpu.vector_load %arg13[%get3A_1312, %get3A_1313] {strides = array<i32>} : memref<40x256xf32, #tpu.memory_space<vmem>>, vector<1x16xf32>,
        %get3A_1315 = vector.shape_cast %get3A_1314 : vector<1x16xf32> to vector<16xf32>
        %add3A_1316 = arith.addf %add3A_1311, %get3A_1315 : vector<16xf32>
        %swap3A_1317 = arith.index_cast %scan3A_1160 : i32 to index
        %swap3A_1318 = arith.constant 80 : index
        %swap3A_1319 = tpu.vector_load %arg14[%swap3A_1317, %swap3A_1318] {strides = array<i32>} : memref<40x256xf32, #tpu.memory_space<vmem>>, vector<1x16xf32>,
        %swap3A_1320 = vector.shape_cast %swap3A_1319 : vector<1x16xf32> to vector<16xf32>
        %swap3A_1321 = vector.shape_cast %add3A_1316 : vector<16xf32> to vector<1x16xf32>
        tpu.vector_store %arg14[%swap3A_1317, %swap3A_1318], %swap3A_1321 {strides = array<i32>} : memref<40x256xf32, #tpu.memory_space<vmem>>, vector<1x16xf32>,
        %add3A_1322 = arith.addf %scan3A_1166, %add3A_1316 : vector<16xf32>
        %mul3A_1323 = arith.mulf %add3A_1316, %add3A_1316 : vector<16xf32>
        %add3A_1324 = arith.addf %scan3A_1182, %mul3A_1323 : vector<16xf32>
        %get3A_1325 = arith.index_cast %scan3A_1160 : i32 to index
        %get3A_1326 = arith.constant 96 : index
        %get3A_1327 = tpu.vector_load %arg11[%get3A_1325, %get3A_1326] {strides = array<i32>} : memref<40x256xf32, #tpu.memory_space<vmem>>, vector<1x16xf32>,
        %get3A_1328 = vector.shape_cast %get3A_1327 : vector<1x16xf32> to vector<16xf32>
        %get3A_1329 = arith.index_cast %scan3A_1160 : i32 to index
        %get3A_1330 = arith.constant 96 : index
        %get3A_1331 = tpu.vector_load %arg12[%get3A_1329, %get3A_1330] {strides = array<i32>} : memref<40x256xf32, #tpu.memory_space<vmem>>, vector<1x16xf32>,
        %get3A_1332 = vector.shape_cast %get3A_1331 : vector<1x16xf32> to vector<16xf32>
        %add3A_1333 = arith.addf %get3A_1328, %get3A_1332 : vector<16xf32>
        %get3A_1334 = arith.index_cast %scan3A_1160 : i32 to index
        %get3A_1335 = arith.constant 96 : index
        %get3A_1336 = tpu.vector_load %arg13[%get3A_1334, %get3A_1335] {strides = array<i32>} : memref<40x256xf32, #tpu.memory_space<vmem>>, vector<1x16xf32>,
        %get3A_1337 = vector.shape_cast %get3A_1336 : vector<1x16xf32> to vector<16xf32>
        %add3A_1338 = arith.addf %add3A_1333, %get3A_1337 : vector<16xf32>
        %swap3A_1339 = arith.index_cast %scan3A_1160 : i32 to index
        %swap3A_1340 = arith.constant 96 : index
        %swap3A_1341 = tpu.vector_load %arg14[%swap3A_1339, %swap3A_1340] {strides = array<i32>} : memref<40x256xf32, #tpu.memory_space<vmem>>, vector<1x16xf32>,
        %swap3A_1342 = vector.shape_cast %swap3A_1341 : vector<1x16xf32> to vector<16xf32>
        %swap3A_1343 = vector.shape_cast %add3A_1338 : vector<16xf32> to vector<1x16xf32>
        tpu.vector_store %arg14[%swap3A_1339, %swap3A_1340], %swap3A_1343 {strides = array<i32>} : memref<40x256xf32, #tpu.memory_space<vmem>>, vector<1x16xf32>,
        %add3A_1344 = arith.addf %scan3A_1167, %add3A_1338 : vector<16xf32>
        %mul3A_1345 = arith.mulf %add3A_1338, %add3A_1338 : vector<16xf32>
        %add3A_1346 = arith.addf %scan3A_1183, %mul3A_1345 : vector<16xf32>
        %get3A_1347 = arith.index_cast %scan3A_1160 : i32 to index
        %get3A_1348 = arith.constant 112 : index
        %get3A_1349 = tpu.vector_load %arg11[%get3A_1347, %get3A_1348] {strides = array<i32>} : memref<40x256xf32, #tpu.memory_space<vmem>>, vector<1x16xf32>,
        %get3A_1350 = vector.shape_cast %get3A_1349 : vector<1x16xf32> to vector<16xf32>
        %get3A_1351 = arith.index_cast %scan3A_1160 : i32 to index
        %get3A_1352 = arith.constant 112 : index
        %get3A_1353 = tpu.vector_load %arg12[%get3A_1351, %get3A_1352] {strides = array<i32>} : memref<40x256xf32, #tpu.memory_space<vmem>>, vector<1x16xf32>,
        %get3A_1354 = vector.shape_cast %get3A_1353 : vector<1x16xf32> to vector<16xf32>
        %add3A_1355 = arith.addf %get3A_1350, %get3A_1354 : vector<16xf32>
        %get3A_1356 = arith.index_cast %scan3A_1160 : i32 to index
        %get3A_1357 = arith.constant 112 : index
        %get3A_1358 = tpu.vector_load %arg13[%get3A_1356, %get3A_1357] {strides = array<i32>} : memref<40x256xf32, #tpu.memory_space<vmem>>, vector<1x16xf32>,
        %get3A_1359 = vector.shape_cast %get3A_1358 : vector<1x16xf32> to vector<16xf32>
        %add3A_1360 = arith.addf %add3A_1355, %get3A_1359 : vector<16xf32>
        %swap3A_1361 = arith.index_cast %scan3A_1160 : i32 to index
        %swap3A_1362 = arith.constant 112 : index
        %swap3A_1363 = tpu.vector_load %arg14[%swap3A_1361, %swap3A_1362] {strides = array<i32>} : memref<40x256xf32, #tpu.memory_space<vmem>>, vector<1x16xf32>,
        %swap3A_1364 = vector.shape_cast %swap3A_1363 : vector<1x16xf32> to vector<16xf32>
        %swap3A_1365 = vector.shape_cast %add3A_1360 : vector<16xf32> to vector<1x16xf32>
        tpu.vector_store %arg14[%swap3A_1361, %swap3A_1362], %swap3A_1365 {strides = array<i32>} : memref<40x256xf32, #tpu.memory_space<vmem>>, vector<1x16xf32>,
        %add3A_1366 = arith.addf %scan3A_1168, %add3A_1360 : vector<16xf32>
        %mul3A_1367 = arith.mulf %add3A_1360, %add3A_1360 : vector<16xf32>
        %add3A_1368 = arith.addf %scan3A_1184, %mul3A_1367 : vector<16xf32>
        %get3A_1369 = arith.index_cast %scan3A_1160 : i32 to index
        %get3A_1370 = arith.constant 128 : index
        %get3A_1371 = tpu.vector_load %arg11[%get3A_1369, %get3A_1370] {strides = array<i32>} : memref<40x256xf32, #tpu.memory_space<vmem>>, vector<1x16xf32>,
        %get3A_1372 = vector.shape_cast %get3A_1371 : vector<1x16xf32> to vector<16xf32>
        %get3A_1373 = arith.index_cast %scan3A_1160 : i32 to index
        %get3A_1374 = arith.constant 128 : index
        %get3A_1375 = tpu.vector_load %arg12[%get3A_1373, %get3A_1374] {strides = array<i32>} : memref<40x256xf32, #tpu.memory_space<vmem>>, vector<1x16xf32>,
        %get3A_1376 = vector.shape_cast %get3A_1375 : vector<1x16xf32> to vector<16xf32>
        %add3A_1377 = arith.addf %get3A_1372, %get3A_1376 : vector<16xf32>
        %get3A_1378 = arith.index_cast %scan3A_1160 : i32 to index
        %get3A_1379 = arith.constant 128 : index
        %get3A_1380 = tpu.vector_load %arg13[%get3A_1378, %get3A_1379] {strides = array<i32>} : memref<40x256xf32, #tpu.memory_space<vmem>>, vector<1x16xf32>,
        %get3A_1381 = vector.shape_cast %get3A_1380 : vector<1x16xf32> to vector<16xf32>
        %add3A_1382 = arith.addf %add3A_1377, %get3A_1381 : vector<16xf32>
        %swap3A_1383 = arith.index_cast %scan3A_1160 : i32 to index
        %swap3A_1384 = arith.constant 128 : index
        %swap3A_1385 = tpu.vector_load %arg14[%swap3A_1383, %swap3A_1384] {strides = array<i32>} : memref<40x256xf32, #tpu.memory_space<vmem>>, vector<1x16xf32>,
        %swap3A_1386 = vector.shape_cast %swap3A_1385 : vector<1x16xf32> to vector<16xf32>
        %swap3A_1387 = vector.shape_cast %add3A_1382 : vector<16xf32> to vector<1x16xf32>
        tpu.vector_store %arg14[%swap3A_1383, %swap3A_1384], %swap3A_1387 {strides = array<i32>} : memref<40x256xf32, #tpu.memory_space<vmem>>, vector<1x16xf32>,
        %add3A_1388 = arith.addf %scan3A_1169, %add3A_1382 : vector<16xf32>
        %mul3A_1389 = arith.mulf %add3A_1382, %add3A_1382 : vector<16xf32>
        %add3A_1390 = arith.addf %scan3A_1185, %mul3A_1389 : vector<16xf32>
        %get3A_1391 = arith.index_cast %scan3A_1160 : i32 to index
        %get3A_1392 = arith.constant 144 : index
        %get3A_1393 = tpu.vector_load %arg11[%get3A_1391, %get3A_1392] {strides = array<i32>} : memref<40x256xf32, #tpu.memory_space<vmem>>, vector<1x16xf32>,
        %get3A_1394 = vector.shape_cast %get3A_1393 : vector<1x16xf32> to vector<16xf32>
        %get3A_1395 = arith.index_cast %scan3A_1160 : i32 to index
        %get3A_1396 = arith.constant 144 : index
        %get3A_1397 = tpu.vector_load %arg12[%get3A_1395, %get3A_1396] {strides = array<i32>} : memref<40x256xf32, #tpu.memory_space<vmem>>, vector<1x16xf32>,
        %get3A_1398 = vector.shape_cast %get3A_1397 : vector<1x16xf32> to vector<16xf32>
        %add3A_1399 = arith.addf %get3A_1394, %get3A_1398 : vector<16xf32>
        %get3A_1400 = arith.index_cast %scan3A_1160 : i32 to index
        %get3A_1401 = arith.constant 144 : index
        %get3A_1402 = tpu.vector_load %arg13[%get3A_1400, %get3A_1401] {strides = array<i32>} : memref<40x256xf32, #tpu.memory_space<vmem>>, vector<1x16xf32>,
        %get3A_1403 = vector.shape_cast %get3A_1402 : vector<1x16xf32> to vector<16xf32>
        %add3A_1404 = arith.addf %add3A_1399, %get3A_1403 : vector<16xf32>
        %swap3A_1405 = arith.index_cast %scan3A_1160 : i32 to index
        %swap3A_1406 = arith.constant 144 : index
        %swap3A_1407 = tpu.vector_load %arg14[%swap3A_1405, %swap3A_1406] {strides = array<i32>} : memref<40x256xf32, #tpu.memory_space<vmem>>, vector<1x16xf32>,
        %swap3A_1408 = vector.shape_cast %swap3A_1407 : vector<1x16xf32> to vector<16xf32>
        %swap3A_1409 = vector.shape_cast %add3A_1404 : vector<16xf32> to vector<1x16xf32>
        tpu.vector_store %arg14[%swap3A_1405, %swap3A_1406], %swap3A_1409 {strides = array<i32>} : memref<40x256xf32, #tpu.memory_space<vmem>>, vector<1x16xf32>,
        %add3A_1410 = arith.addf %scan3A_1170, %add3A_1404 : vector<16xf32>
        %mul3A_1411 = arith.mulf %add3A_1404, %add3A_1404 : vector<16xf32>
        %add3A_1412 = arith.addf %scan3A_1186, %mul3A_1411 : vector<16xf32>
        %get3A_1413 = arith.index_cast %scan3A_1160 : i32 to index
        %get3A_1414 = arith.constant 160 : index
        %get3A_1415 = tpu.vector_load %arg11[%get3A_1413, %get3A_1414] {strides = array<i32>} : memref<40x256xf32, #tpu.memory_space<vmem>>, vector<1x16xf32>,
        %get3A_1416 = vector.shape_cast %get3A_1415 : vector<1x16xf32> to vector<16xf32>
        %get3A_1417 = arith.index_cast %scan3A_1160 : i32 to index
        %get3A_1418 = arith.constant 160 : index
        %get3A_1419 = tpu.vector_load %arg12[%get3A_1417, %get3A_1418] {strides = array<i32>} : memref<40x256xf32, #tpu.memory_space<vmem>>, vector<1x16xf32>,
        %get3A_1420 = vector.shape_cast %get3A_1419 : vector<1x16xf32> to vector<16xf32>
        %add3A_1421 = arith.addf %get3A_1416, %get3A_1420 : vector<16xf32>
        %get3A_1422 = arith.index_cast %scan3A_1160 : i32 to index
        %get3A_1423 = arith.constant 160 : index
        %get3A_1424 = tpu.vector_load %arg13[%get3A_1422, %get3A_1423] {strides = array<i32>} : memref<40x256xf32, #tpu.memory_space<vmem>>, vector<1x16xf32>,
        %get3A_1425 = vector.shape_cast %get3A_1424 : vector<1x16xf32> to vector<16xf32>
        %add3A_1426 = arith.addf %add3A_1421, %get3A_1425 : vector<16xf32>
        %swap3A_1427 = arith.index_cast %scan3A_1160 : i32 to index
        %swap3A_1428 = arith.constant 160 : index
        %swap3A_1429 = tpu.vector_load %arg14[%swap3A_1427, %swap3A_1428] {strides = array<i32>} : memref<40x256xf32, #tpu.memory_space<vmem>>, vector<1x16xf32>,
        %swap3A_1430 = vector.shape_cast %swap3A_1429 : vector<1x16xf32> to vector<16xf32>
        %swap3A_1431 = vector.shape_cast %add3A_1426 : vector<16xf32> to vector<1x16xf32>
        tpu.vector_store %arg14[%swap3A_1427, %swap3A_1428], %swap3A_1431 {strides = array<i32>} : memref<40x256xf32, #tpu.memory_space<vmem>>, vector<1x16xf32>,
        %add3A_1432 = arith.addf %scan3A_1171, %add3A_1426 : vector<16xf32>
        %mul3A_1433 = arith.mulf %add3A_1426, %add3A_1426 : vector<16xf32>
        %add3A_1434 = arith.addf %scan3A_1187, %mul3A_1433 : vector<16xf32>
        %get3A_1435 = arith.index_cast %scan3A_1160 : i32 to index
        %get3A_1436 = arith.constant 176 : index
        %get3A_1437 = tpu.vector_load %arg11[%get3A_1435, %get3A_1436] {strides = array<i32>} : memref<40x256xf32, #tpu.memory_space<vmem>>, vector<1x16xf32>,
        %get3A_1438 = vector.shape_cast %get3A_1437 : vector<1x16xf32> to vector<16xf32>
        %get3A_1439 = arith.index_cast %scan3A_1160 : i32 to index
        %get3A_1440 = arith.constant 176 : index
        %get3A_1441 = tpu.vector_load %arg12[%get3A_1439, %get3A_1440] {strides = array<i32>} : memref<40x256xf32, #tpu.memory_space<vmem>>, vector<1x16xf32>,
        %get3A_1442 = vector.shape_cast %get3A_1441 : vector<1x16xf32> to vector<16xf32>
        %add3A_1443 = arith.addf %get3A_1438, %get3A_1442 : vector<16xf32>
        %get3A_1444 = arith.index_cast %scan3A_1160 : i32 to index
        %get3A_1445 = arith.constant 176 : index
        %get3A_1446 = tpu.vector_load %arg13[%get3A_1444, %get3A_1445] {strides = array<i32>} : memref<40x256xf32, #tpu.memory_space<vmem>>, vector<1x16xf32>,
        %get3A_1447 = vector.shape_cast %get3A_1446 : vector<1x16xf32> to vector<16xf32>
        %add3A_1448 = arith.addf %add3A_1443, %get3A_1447 : vector<16xf32>
        %swap3A_1449 = arith.index_cast %scan3A_1160 : i32 to index
        %swap3A_1450 = arith.constant 176 : index
        %swap3A_1451 = tpu.vector_load %arg14[%swap3A_1449, %swap3A_1450] {strides = array<i32>} : memref<40x256xf32, #tpu.memory_space<vmem>>, vector<1x16xf32>,
        %swap3A_1452 = vector.shape_cast %swap3A_1451 : vector<1x16xf32> to vector<16xf32>
        %swap3A_1453 = vector.shape_cast %add3A_1448 : vector<16xf32> to vector<1x16xf32>
        tpu.vector_store %arg14[%swap3A_1449, %swap3A_1450], %swap3A_1453 {strides = array<i32>} : memref<40x256xf32, #tpu.memory_space<vmem>>, vector<1x16xf32>,
        %add3A_1454 = arith.addf %scan3A_1172, %add3A_1448 : vector<16xf32>
        %mul3A_1455 = arith.mulf %add3A_1448, %add3A_1448 : vector<16xf32>
        %add3A_1456 = arith.addf %scan3A_1188, %mul3A_1455 : vector<16xf32>
        %get3A_1457 = arith.index_cast %scan3A_1160 : i32 to index
        %get3A_1458 = arith.constant 192 : index
        %get3A_1459 = tpu.vector_load %arg11[%get3A_1457, %get3A_1458] {strides = array<i32>} : memref<40x256xf32, #tpu.memory_space<vmem>>, vector<1x16xf32>,
        %get3A_1460 = vector.shape_cast %get3A_1459 : vector<1x16xf32> to vector<16xf32>
        %get3A_1461 = arith.index_cast %scan3A_1160 : i32 to index
        %get3A_1462 = arith.constant 192 : index
        %get3A_1463 = tpu.vector_load %arg12[%get3A_1461, %get3A_1462] {strides = array<i32>} : memref<40x256xf32, #tpu.memory_space<vmem>>, vector<1x16xf32>,
        %get3A_1464 = vector.shape_cast %get3A_1463 : vector<1x16xf32> to vector<16xf32>
        %add3A_1465 = arith.addf %get3A_1460, %get3A_1464 : vector<16xf32>
        %get3A_1466 = arith.index_cast %scan3A_1160 : i32 to index
        %get3A_1467 = arith.constant 192 : index
        %get3A_1468 = tpu.vector_load %arg13[%get3A_1466, %get3A_1467] {strides = array<i32>} : memref<40x256xf32, #tpu.memory_space<vmem>>, vector<1x16xf32>,
        %get3A_1469 = vector.shape_cast %get3A_1468 : vector<1x16xf32> to vector<16xf32>
        %add3A_1470 = arith.addf %add3A_1465, %get3A_1469 : vector<16xf32>
        %swap3A_1471 = arith.index_cast %scan3A_1160 : i32 to index
        %swap3A_1472 = arith.constant 192 : index
        %swap3A_1473 = tpu.vector_load %arg14[%swap3A_1471, %swap3A_1472] {strides = array<i32>} : memref<40x256xf32, #tpu.memory_space<vmem>>, vector<1x16xf32>,
        %swap3A_1474 = vector.shape_cast %swap3A_1473 : vector<1x16xf32> to vector<16xf32>
        %swap3A_1475 = vector.shape_cast %add3A_1470 : vector<16xf32> to vector<1x16xf32>
        tpu.vector_store %arg14[%swap3A_1471, %swap3A_1472], %swap3A_1475 {strides = array<i32>} : memref<40x256xf32, #tpu.memory_space<vmem>>, vector<1x16xf32>,
        %add3A_1476 = arith.addf %scan3A_1173, %add3A_1470 : vector<16xf32>
        %mul3A_1477 = arith.mulf %add3A_1470, %add3A_1470 : vector<16xf32>
        %add3A_1478 = arith.addf %scan3A_1189, %mul3A_1477 : vector<16xf32>
        %get3A_1479 = arith.index_cast %scan3A_1160 : i32 to index
        %get3A_1480 = arith.constant 208 : index
        %get3A_1481 = tpu.vector_load %arg11[%get3A_1479, %get3A_1480] {strides = array<i32>} : memref<40x256xf32, #tpu.memory_space<vmem>>, vector<1x16xf32>,
        %get3A_1482 = vector.shape_cast %get3A_1481 : vector<1x16xf32> to vector<16xf32>
        %get3A_1483 = arith.index_cast %scan3A_1160 : i32 to index
        %get3A_1484 = arith.constant 208 : index
        %get3A_1485 = tpu.vector_load %arg12[%get3A_1483, %get3A_1484] {strides = array<i32>} : memref<40x256xf32, #tpu.memory_space<vmem>>, vector<1x16xf32>,
        %get3A_1486 = vector.shape_cast %get3A_1485 : vector<1x16xf32> to vector<16xf32>
        %add3A_1487 = arith.addf %get3A_1482, %get3A_1486 : vector<16xf32>
        %get3A_1488 = arith.index_cast %scan3A_1160 : i32 to index
        %get3A_1489 = arith.constant 208 : index
        %get3A_1490 = tpu.vector_load %arg13[%get3A_1488, %get3A_1489] {strides = array<i32>} : memref<40x256xf32, #tpu.memory_space<vmem>>, vector<1x16xf32>,
        %get3A_1491 = vector.shape_cast %get3A_1490 : vector<1x16xf32> to vector<16xf32>
        %add3A_1492 = arith.addf %add3A_1487, %get3A_1491 : vector<16xf32>
        %swap3A_1493 = arith.index_cast %scan3A_1160 : i32 to index
        %swap3A_1494 = arith.constant 208 : index
        %swap3A_1495 = tpu.vector_load %arg14[%swap3A_1493, %swap3A_1494] {strides = array<i32>} : memref<40x256xf32, #tpu.memory_space<vmem>>, vector<1x16xf32>,
        %swap3A_1496 = vector.shape_cast %swap3A_1495 : vector<1x16xf32> to vector<16xf32>
        %swap3A_1497 = vector.shape_cast %add3A_1492 : vector<16xf32> to vector<1x16xf32>
        tpu.vector_store %arg14[%swap3A_1493, %swap3A_1494], %swap3A_1497 {strides = array<i32>} : memref<40x256xf32, #tpu.memory_space<vmem>>, vector<1x16xf32>,
        %add3A_1498 = arith.addf %scan3A_1174, %add3A_1492 : vector<16xf32>
        %mul3A_1499 = arith.mulf %add3A_1492, %add3A_1492 : vector<16xf32>
        %add3A_1500 = arith.addf %scan3A_1190, %mul3A_1499 : vector<16xf32>
        %get3A_1501 = arith.index_cast %scan3A_1160 : i32 to index
        %get3A_1502 = arith.constant 224 : index
        %get3A_1503 = tpu.vector_load %arg11[%get3A_1501, %get3A_1502] {strides = array<i32>} : memref<40x256xf32, #tpu.memory_space<vmem>>, vector<1x16xf32>,
        %get3A_1504 = vector.shape_cast %get3A_1503 : vector<1x16xf32> to vector<16xf32>
        %get3A_1505 = arith.index_cast %scan3A_1160 : i32 to index
        %get3A_1506 = arith.constant 224 : index
        %get3A_1507 = tpu.vector_load %arg12[%get3A_1505, %get3A_1506] {strides = array<i32>} : memref<40x256xf32, #tpu.memory_space<vmem>>, vector<1x16xf32>,
        %get3A_1508 = vector.shape_cast %get3A_1507 : vector<1x16xf32> to vector<16xf32>
        %add3A_1509 = arith.addf %get3A_1504, %get3A_1508 : vector<16xf32>
        %get3A_1510 = arith.index_cast %scan3A_1160 : i32 to index
        %get3A_1511 = arith.constant 224 : index
        %get3A_1512 = tpu.vector_load %arg13[%get3A_1510, %get3A_1511] {strides = array<i32>} : memref<40x256xf32, #tpu.memory_space<vmem>>, vector<1x16xf32>,
        %get3A_1513 = vector.shape_cast %get3A_1512 : vector<1x16xf32> to vector<16xf32>
        %add3A_1514 = arith.addf %add3A_1509, %get3A_1513 : vector<16xf32>
        %swap3A_1515 = arith.index_cast %scan3A_1160 : i32 to index
        %swap3A_1516 = arith.constant 224 : index
        %swap3A_1517 = tpu.vector_load %arg14[%swap3A_1515, %swap3A_1516] {strides = array<i32>} : memref<40x256xf32, #tpu.memory_space<vmem>>, vector<1x16xf32>,
        %swap3A_1518 = vector.shape_cast %swap3A_1517 : vector<1x16xf32> to vector<16xf32>
        %swap3A_1519 = vector.shape_cast %add3A_1514 : vector<16xf32> to vector<1x16xf32>
        tpu.vector_store %arg14[%swap3A_1515, %swap3A_1516], %swap3A_1519 {strides = array<i32>} : memref<40x256xf32, #tpu.memory_space<vmem>>, vector<1x16xf32>,
        %add3A_1520 = arith.addf %scan3A_1175, %add3A_1514 : vector<16xf32>
        %mul3A_1521 = arith.mulf %add3A_1514, %add3A_1514 : vector<16xf32>
        %add3A_1522 = arith.addf %scan3A_1191, %mul3A_1521 : vector<16xf32>
        %get3A_1523 = arith.index_cast %scan3A_1160 : i32 to index
        %get3A_1524 = arith.constant 240 : index
        %get3A_1525 = tpu.vector_load %arg11[%get3A_1523, %get3A_1524] {strides = array<i32>} : memref<40x256xf32, #tpu.memory_space<vmem>>, vector<1x16xf32>,
        %get3A_1526 = vector.shape_cast %get3A_1525 : vector<1x16xf32> to vector<16xf32>
        %get3A_1527 = arith.index_cast %scan3A_1160 : i32 to index
        %get3A_1528 = arith.constant 240 : index
        %get3A_1529 = tpu.vector_load %arg12[%get3A_1527, %get3A_1528] {strides = array<i32>} : memref<40x256xf32, #tpu.memory_space<vmem>>, vector<1x16xf32>,
        %get3A_1530 = vector.shape_cast %get3A_1529 : vector<1x16xf32> to vector<16xf32>
        %add3A_1531 = arith.addf %get3A_1526, %get3A_1530 : vector<16xf32>
        %get3A_1532 = arith.index_cast %scan3A_1160 : i32 to index
        %get3A_1533 = arith.constant 240 : index
        %get3A_1534 = tpu.vector_load %arg13[%get3A_1532, %get3A_1533] {strides = array<i32>} : memref<40x256xf32, #tpu.memory_space<vmem>>, vector<1x16xf32>,
        %get3A_1535 = vector.shape_cast %get3A_1534 : vector<1x16xf32> to vector<16xf32>
        %add3A_1536 = arith.addf %add3A_1531, %get3A_1535 : vector<16xf32>
        %swap3A_1537 = arith.index_cast %scan3A_1160 : i32 to index
        %swap3A_1538 = arith.constant 240 : index
        %swap3A_1539 = tpu.vector_load %arg14[%swap3A_1537, %swap3A_1538] {strides = array<i32>} : memref<40x256xf32, #tpu.memory_space<vmem>>, vector<1x16xf32>,
        %swap3A_1540 = vector.shape_cast %swap3A_1539 : vector<1x16xf32> to vector<16xf32>
        %swap3A_1541 = vector.shape_cast %add3A_1536 : vector<16xf32> to vector<1x16xf32>
        tpu.vector_store %arg14[%swap3A_1537, %swap3A_1538], %swap3A_1541 {strides = array<i32>} : memref<40x256xf32, #tpu.memory_space<vmem>>, vector<1x16xf32>,
        %add3A_1542 = arith.addf %scan3A_1176, %add3A_1536 : vector<16xf32>
        %mul3A_1543 = arith.mulf %add3A_1536, %add3A_1536 : vector<16xf32>
        %add3A_1544 = arith.addf %scan3A_1192, %mul3A_1543 : vector<16xf32>
        scf.yield %add3A_1212, %add3A_1234, %add3A_1256, %add3A_1278, %add3A_1300, %add3A_1322, %add3A_1344, %add3A_1366, %add3A_1388, %add3A_1410, %add3A_1432, %add3A_1454, %add3A_1476, %add3A_1498, %add3A_1520, %add3A_1542, %add3A_1214, %add3A_1236, %add3A_1258, %add3A_1280, %add3A_1302, %add3A_1324, %add3A_1346, %add3A_1368, %add3A_1390, %add3A_1412, %add3A_1434, %add3A_1456, %add3A_1478, %add3A_1500, %add3A_1522, %add3A_1544 : vector<16xf32>, vector<16xf32>, vector<16xf32>, vector<16xf32>, vector<16xf32>, vector<16xf32>, vector<16xf32>, vector<16xf32>, vector<16xf32>, vector<16xf32>, vector<16xf32>, vector<16xf32>, vector<16xf32>, vector<16xf32>, vector<16xf32>, vector<16xf32>, vector<16xf32>, vector<16xf32>, vector<16xf32>, vector<16xf32>, vector<16xf32>, vector<16xf32>, vector<16xf32>, vector<16xf32>, vector<16xf32>, vector<16xf32>, vector<16xf32>, vector<16xf32>, vector<16xf32>, vector<16xf32>, vector<16xf32>, vector<16xf32>
      }
      %scan3A_332 = arith.constant 40 : i32
      %get3A = arith.constant 0 : i32
      %get3A_333 = arith.index_cast %get3A : i32 to index
      %get3A_334 = arith.constant 0 : index
      %get3A_335 = tpu.vector_load %arg19[%get3A_333, %get3A_334] {strides = array<i32>} : memref<2x256xf32, #tpu.memory_space<vmem>>, vector<1x16xf32>,
      %get3A_336 = vector.shape_cast %get3A_335 : vector<1x16xf32> to vector<16xf32>
      %add3A_337 = arith.addf %get3A_336, %scan3A_331#0 : vector<16xf32>
      %swap3A_338 = arith.constant 0 : i32
      %swap3A_339 = arith.index_cast %swap3A_338 : i32 to index
      %swap3A_340 = arith.constant 0 : index
      %swap3A_341 = tpu.vector_load %arg19[%swap3A_339, %swap3A_340] {strides = array<i32>} : memref<2x256xf32, #tpu.memory_space<vmem>>, vector<1x16xf32>,
      %swap3A_342 = vector.shape_cast %swap3A_341 : vector<1x16xf32> to vector<16xf32>
      %swap3A_343 = vector.shape_cast %add3A_337 : vector<16xf32> to vector<1x16xf32>
      tpu.vector_store %arg19[%swap3A_339, %swap3A_340], %swap3A_343 {strides = array<i32>} : memref<2x256xf32, #tpu.memory_space<vmem>>, vector<1x16xf32>,
      %get3A_344 = arith.constant 1 : i32
      %get3A_345 = arith.index_cast %get3A_344 : i32 to index
      %get3A_346 = arith.constant 0 : index
      %get3A_347 = tpu.vector_load %arg19[%get3A_345, %get3A_346] {strides = array<i32>} : memref<2x256xf32, #tpu.memory_space<vmem>>, vector<1x16xf32>,
      %get3A_348 = vector.shape_cast %get3A_347 : vector<1x16xf32> to vector<16xf32>
      %add3A_349 = arith.addf %get3A_348, %scan3A_331#16 : vector<16xf32>
      %swap3A_350 = arith.constant 1 : i32
      %swap3A_351 = arith.index_cast %swap3A_350 : i32 to index
      %swap3A_352 = arith.constant 0 : index
      %swap3A_353 = tpu.vector_load %arg19[%swap3A_351, %swap3A_352] {strides = array<i32>} : memref<2x256xf32, #tpu.memory_space<vmem>>, vector<1x16xf32>,
      %swap3A_354 = vector.shape_cast %swap3A_353 : vector<1x16xf32> to vector<16xf32>
      %swap3A_355 = vector.shape_cast %add3A_349 : vector<16xf32> to vector<1x16xf32>
      tpu.vector_store %arg19[%swap3A_351, %swap3A_352], %swap3A_355 {strides = array<i32>} : memref<2x256xf32, #tpu.memory_space<vmem>>, vector<1x16xf32>,
      %get3A_356 = arith.constant 0 : i32
      %get3A_357 = arith.index_cast %get3A_356 : i32 to index
      %get3A_358 = arith.constant 16 : index
      %get3A_359 = tpu.vector_load %arg19[%get3A_357, %get3A_358] {strides = array<i32>} : memref<2x256xf32, #tpu.memory_space<vmem>>, vector<1x16xf32>,
      %get3A_360 = vector.shape_cast %get3A_359 : vector<1x16xf32> to vector<16xf32>
      %add3A_361 = arith.addf %get3A_360, %scan3A_331#1 : vector<16xf32>
      %swap3A_362 = arith.constant 0 : i32
      %swap3A_363 = arith.index_cast %swap3A_362 : i32 to index
      %swap3A_364 = arith.constant 16 : index
      %swap3A_365 = tpu.vector_load %arg19[%swap3A_363, %swap3A_364] {strides = array<i32>} : memref<2x256xf32, #tpu.memory_space<vmem>>, vector<1x16xf32>,
      %swap3A_366 = vector.shape_cast %swap3A_365 : vector<1x16xf32> to vector<16xf32>
      %swap3A_367 = vector.shape_cast %add3A_361 : vector<16xf32> to vector<1x16xf32>
      tpu.vector_store %arg19[%swap3A_363, %swap3A_364], %swap3A_367 {strides = array<i32>} : memref<2x256xf32, #tpu.memory_space<vmem>>, vector<1x16xf32>,
      %get3A_368 = arith.constant 1 : i32
      %get3A_369 = arith.index_cast %get3A_368 : i32 to index
      %get3A_370 = arith.constant 16 : index
      %get3A_371 = tpu.vector_load %arg19[%get3A_369, %get3A_370] {strides = array<i32>} : memref<2x256xf32, #tpu.memory_space<vmem>>, vector<1x16xf32>,
      %get3A_372 = vector.shape_cast %get3A_371 : vector<1x16xf32> to vector<16xf32>
      %add3A_373 = arith.addf %get3A_372, %scan3A_331#17 : vector<16xf32>
      %swap3A_374 = arith.constant 1 : i32
      %swap3A_375 = arith.index_cast %swap3A_374 : i32 to index
      %swap3A_376 = arith.constant 16 : index
      %swap3A_377 = tpu.vector_load %arg19[%swap3A_375, %swap3A_376] {strides = array<i32>} : memref<2x256xf32, #tpu.memory_space<vmem>>, vector<1x16xf32>,
      %swap3A_378 = vector.shape_cast %swap3A_377 : vector<1x16xf32> to vector<16xf32>
      %swap3A_379 = vector.shape_cast %add3A_373 : vector<16xf32> to vector<1x16xf32>
      tpu.vector_store %arg19[%swap3A_375, %swap3A_376], %swap3A_379 {strides = array<i32>} : memref<2x256xf32, #tpu.memory_space<vmem>>, vector<1x16xf32>,
      %get3A_380 = arith.constant 0 : i32
      %get3A_381 = arith.index_cast %get3A_380 : i32 to index
      %get3A_382 = arith.constant 32 : index
      %get3A_383 = tpu.vector_load %arg19[%get3A_381, %get3A_382] {strides = array<i32>} : memref<2x256xf32, #tpu.memory_space<vmem>>, vector<1x16xf32>,
      %get3A_384 = vector.shape_cast %get3A_383 : vector<1x16xf32> to vector<16xf32>
      %add3A_385 = arith.addf %get3A_384, %scan3A_331#2 : vector<16xf32>
      %swap3A_386 = arith.constant 0 : i32
      %swap3A_387 = arith.index_cast %swap3A_386 : i32 to index
      %swap3A_388 = arith.constant 32 : index
      %swap3A_389 = tpu.vector_load %arg19[%swap3A_387, %swap3A_388] {strides = array<i32>} : memref<2x256xf32, #tpu.memory_space<vmem>>, vector<1x16xf32>,
      %swap3A_390 = vector.shape_cast %swap3A_389 : vector<1x16xf32> to vector<16xf32>
      %swap3A_391 = vector.shape_cast %add3A_385 : vector<16xf32> to vector<1x16xf32>
      tpu.vector_store %arg19[%swap3A_387, %swap3A_388], %swap3A_391 {strides = array<i32>} : memref<2x256xf32, #tpu.memory_space<vmem>>, vector<1x16xf32>,
      %get3A_392 = arith.constant 1 : i32
      %get3A_393 = arith.index_cast %get3A_392 : i32 to index
      %get3A_394 = arith.constant 32 : index
      %get3A_395 = tpu.vector_load %arg19[%get3A_393, %get3A_394] {strides = array<i32>} : memref<2x256xf32, #tpu.memory_space<vmem>>, vector<1x16xf32>,
      %get3A_396 = vector.shape_cast %get3A_395 : vector<1x16xf32> to vector<16xf32>
      %add3A_397 = arith.addf %get3A_396, %scan3A_331#18 : vector<16xf32>
      %swap3A_398 = arith.constant 1 : i32
      %swap3A_399 = arith.index_cast %swap3A_398 : i32 to index
      %swap3A_400 = arith.constant 32 : index
      %swap3A_401 = tpu.vector_load %arg19[%swap3A_399, %swap3A_400] {strides = array<i32>} : memref<2x256xf32, #tpu.memory_space<vmem>>, vector<1x16xf32>,
      %swap3A_402 = vector.shape_cast %swap3A_401 : vector<1x16xf32> to vector<16xf32>
      %swap3A_403 = vector.shape_cast %add3A_397 : vector<16xf32> to vector<1x16xf32>
      tpu.vector_store %arg19[%swap3A_399, %swap3A_400], %swap3A_403 {strides = array<i32>} : memref<2x256xf32, #tpu.memory_space<vmem>>, vector<1x16xf32>,
      %get3A_404 = arith.constant 0 : i32
      %get3A_405 = arith.index_cast %get3A_404 : i32 to index
      %get3A_406 = arith.constant 48 : index
      %get3A_407 = tpu.vector_load %arg19[%get3A_405, %get3A_406] {strides = array<i32>} : memref<2x256xf32, #tpu.memory_space<vmem>>, vector<1x16xf32>,
      %get3A_408 = vector.shape_cast %get3A_407 : vector<1x16xf32> to vector<16xf32>
      %add3A_409 = arith.addf %get3A_408, %scan3A_331#3 : vector<16xf32>
      %swap3A_410 = arith.constant 0 : i32
      %swap3A_411 = arith.index_cast %swap3A_410 : i32 to index
      %swap3A_412 = arith.constant 48 : index
      %swap3A_413 = tpu.vector_load %arg19[%swap3A_411, %swap3A_412] {strides = array<i32>} : memref<2x256xf32, #tpu.memory_space<vmem>>, vector<1x16xf32>,
      %swap3A_414 = vector.shape_cast %swap3A_413 : vector<1x16xf32> to vector<16xf32>
      %swap3A_415 = vector.shape_cast %add3A_409 : vector<16xf32> to vector<1x16xf32>
      tpu.vector_store %arg19[%swap3A_411, %swap3A_412], %swap3A_415 {strides = array<i32>} : memref<2x256xf32, #tpu.memory_space<vmem>>, vector<1x16xf32>,
      %get3A_416 = arith.constant 1 : i32
      %get3A_417 = arith.index_cast %get3A_416 : i32 to index
      %get3A_418 = arith.constant 48 : index
      %get3A_419 = tpu.vector_load %arg19[%get3A_417, %get3A_418] {strides = array<i32>} : memref<2x256xf32, #tpu.memory_space<vmem>>, vector<1x16xf32>,
      %get3A_420 = vector.shape_cast %get3A_419 : vector<1x16xf32> to vector<16xf32>
      %add3A_421 = arith.addf %get3A_420, %scan3A_331#19 : vector<16xf32>
      %swap3A_422 = arith.constant 1 : i32
      %swap3A_423 = arith.index_cast %swap3A_422 : i32 to index
      %swap3A_424 = arith.constant 48 : index
      %swap3A_425 = tpu.vector_load %arg19[%swap3A_423, %swap3A_424] {strides = array<i32>} : memref<2x256xf32, #tpu.memory_space<vmem>>, vector<1x16xf32>,
      %swap3A_426 = vector.shape_cast %swap3A_425 : vector<1x16xf32> to vector<16xf32>
      %swap3A_427 = vector.shape_cast %add3A_421 : vector<16xf32> to vector<1x16xf32>
      tpu.vector_store %arg19[%swap3A_423, %swap3A_424], %swap3A_427 {strides = array<i32>} : memref<2x256xf32, #tpu.memory_space<vmem>>, vector<1x16xf32>,
      %get3A_428 = arith.constant 0 : i32
      %get3A_429 = arith.index_cast %get3A_428 : i32 to index
      %get3A_430 = arith.constant 64 : index
      %get3A_431 = tpu.vector_load %arg19[%get3A_429, %get3A_430] {strides = array<i32>} : memref<2x256xf32, #tpu.memory_space<vmem>>, vector<1x16xf32>,
      %get3A_432 = vector.shape_cast %get3A_431 : vector<1x16xf32> to vector<16xf32>
      %add3A_433 = arith.addf %get3A_432, %scan3A_331#4 : vector<16xf32>
      %swap3A_434 = arith.constant 0 : i32
      %swap3A_435 = arith.index_cast %swap3A_434 : i32 to index
      %swap3A_436 = arith.constant 64 : index
      %swap3A_437 = tpu.vector_load %arg19[%swap3A_435, %swap3A_436] {strides = array<i32>} : memref<2x256xf32, #tpu.memory_space<vmem>>, vector<1x16xf32>,
      %swap3A_438 = vector.shape_cast %swap3A_437 : vector<1x16xf32> to vector<16xf32>
      %swap3A_439 = vector.shape_cast %add3A_433 : vector<16xf32> to vector<1x16xf32>
      tpu.vector_store %arg19[%swap3A_435, %swap3A_436], %swap3A_439 {strides = array<i32>} : memref<2x256xf32, #tpu.memory_space<vmem>>, vector<1x16xf32>,
      %get3A_440 = arith.constant 1 : i32
      %get3A_441 = arith.index_cast %get3A_440 : i32 to index
      %get3A_442 = arith.constant 64 : index
      %get3A_443 = tpu.vector_load %arg19[%get3A_441, %get3A_442] {strides = array<i32>} : memref<2x256xf32, #tpu.memory_space<vmem>>, vector<1x16xf32>,
      %get3A_444 = vector.shape_cast %get3A_443 : vector<1x16xf32> to vector<16xf32>
      %add3A_445 = arith.addf %get3A_444, %scan3A_331#20 : vector<16xf32>
      %swap3A_446 = arith.constant 1 : i32
      %swap3A_447 = arith.index_cast %swap3A_446 : i32 to index
      %swap3A_448 = arith.constant 64 : index
      %swap3A_449 = tpu.vector_load %arg19[%swap3A_447, %swap3A_448] {strides = array<i32>} : memref<2x256xf32, #tpu.memory_space<vmem>>, vector<1x16xf32>,
      %swap3A_450 = vector.shape_cast %swap3A_449 : vector<1x16xf32> to vector<16xf32>
      %swap3A_451 = vector.shape_cast %add3A_445 : vector<16xf32> to vector<1x16xf32>
      tpu.vector_store %arg19[%swap3A_447, %swap3A_448], %swap3A_451 {strides = array<i32>} : memref<2x256xf32, #tpu.memory_space<vmem>>, vector<1x16xf32>,
      %get3A_452 = arith.constant 0 : i32
      %get3A_453 = arith.index_cast %get3A_452 : i32 to index
      %get3A_454 = arith.constant 80 : index
      %get3A_455 = tpu.vector_load %arg19[%get3A_453, %get3A_454] {strides = array<i32>} : memref<2x256xf32, #tpu.memory_space<vmem>>, vector<1x16xf32>,
      %get3A_456 = vector.shape_cast %get3A_455 : vector<1x16xf32> to vector<16xf32>
      %add3A_457 = arith.addf %get3A_456, %scan3A_331#5 : vector<16xf32>
      %swap3A_458 = arith.constant 0 : i32
      %swap3A_459 = arith.index_cast %swap3A_458 : i32 to index
      %swap3A_460 = arith.constant 80 : index
      %swap3A_461 = tpu.vector_load %arg19[%swap3A_459, %swap3A_460] {strides = array<i32>} : memref<2x256xf32, #tpu.memory_space<vmem>>, vector<1x16xf32>,
      %swap3A_462 = vector.shape_cast %swap3A_461 : vector<1x16xf32> to vector<16xf32>
      %swap3A_463 = vector.shape_cast %add3A_457 : vector<16xf32> to vector<1x16xf32>
      tpu.vector_store %arg19[%swap3A_459, %swap3A_460], %swap3A_463 {strides = array<i32>} : memref<2x256xf32, #tpu.memory_space<vmem>>, vector<1x16xf32>,
      %get3A_464 = arith.constant 1 : i32
      %get3A_465 = arith.index_cast %get3A_464 : i32 to index
      %get3A_466 = arith.constant 80 : index
      %get3A_467 = tpu.vector_load %arg19[%get3A_465, %get3A_466] {strides = array<i32>} : memref<2x256xf32, #tpu.memory_space<vmem>>, vector<1x16xf32>,
      %get3A_468 = vector.shape_cast %get3A_467 : vector<1x16xf32> to vector<16xf32>
      %add3A_469 = arith.addf %get3A_468, %scan3A_331#21 : vector<16xf32>
      %swap3A_470 = arith.constant 1 : i32
      %swap3A_471 = arith.index_cast %swap3A_470 : i32 to index
      %swap3A_472 = arith.constant 80 : index
      %swap3A_473 = tpu.vector_load %arg19[%swap3A_471, %swap3A_472] {strides = array<i32>} : memref<2x256xf32, #tpu.memory_space<vmem>>, vector<1x16xf32>,
      %swap3A_474 = vector.shape_cast %swap3A_473 : vector<1x16xf32> to vector<16xf32>
      %swap3A_475 = vector.shape_cast %add3A_469 : vector<16xf32> to vector<1x16xf32>
      tpu.vector_store %arg19[%swap3A_471, %swap3A_472], %swap3A_475 {strides = array<i32>} : memref<2x256xf32, #tpu.memory_space<vmem>>, vector<1x16xf32>,
      %get3A_476 = arith.constant 0 : i32
      %get3A_477 = arith.index_cast %get3A_476 : i32 to index
      %get3A_478 = arith.constant 96 : index
      %get3A_479 = tpu.vector_load %arg19[%get3A_477, %get3A_478] {strides = array<i32>} : memref<2x256xf32, #tpu.memory_space<vmem>>, vector<1x16xf32>,
      %get3A_480 = vector.shape_cast %get3A_479 : vector<1x16xf32> to vector<16xf32>
      %add3A_481 = arith.addf %get3A_480, %scan3A_331#6 : vector<16xf32>
      %swap3A_482 = arith.constant 0 : i32
      %swap3A_483 = arith.index_cast %swap3A_482 : i32 to index
      %swap3A_484 = arith.constant 96 : index
      %swap3A_485 = tpu.vector_load %arg19[%swap3A_483, %swap3A_484] {strides = array<i32>} : memref<2x256xf32, #tpu.memory_space<vmem>>, vector<1x16xf32>,
      %swap3A_486 = vector.shape_cast %swap3A_485 : vector<1x16xf32> to vector<16xf32>
      %swap3A_487 = vector.shape_cast %add3A_481 : vector<16xf32> to vector<1x16xf32>
      tpu.vector_store %arg19[%swap3A_483, %swap3A_484], %swap3A_487 {strides = array<i32>} : memref<2x256xf32, #tpu.memory_space<vmem>>, vector<1x16xf32>,
      %get3A_488 = arith.constant 1 : i32
      %get3A_489 = arith.index_cast %get3A_488 : i32 to index
      %get3A_490 = arith.constant 96 : index
      %get3A_491 = tpu.vector_load %arg19[%get3A_489, %get3A_490] {strides = array<i32>} : memref<2x256xf32, #tpu.memory_space<vmem>>, vector<1x16xf32>,
      %get3A_492 = vector.shape_cast %get3A_491 : vector<1x16xf32> to vector<16xf32>
      %add3A_493 = arith.addf %get3A_492, %scan3A_331#22 : vector<16xf32>
      %swap3A_494 = arith.constant 1 : i32
      %swap3A_495 = arith.index_cast %swap3A_494 : i32 to index
      %swap3A_496 = arith.constant 96 : index
      %swap3A_497 = tpu.vector_load %arg19[%swap3A_495, %swap3A_496] {strides = array<i32>} : memref<2x256xf32, #tpu.memory_space<vmem>>, vector<1x16xf32>,
      %swap3A_498 = vector.shape_cast %swap3A_497 : vector<1x16xf32> to vector<16xf32>
      %swap3A_499 = vector.shape_cast %add3A_493 : vector<16xf32> to vector<1x16xf32>
      tpu.vector_store %arg19[%swap3A_495, %swap3A_496], %swap3A_499 {strides = array<i32>} : memref<2x256xf32, #tpu.memory_space<vmem>>, vector<1x16xf32>,
      %get3A_500 = arith.constant 0 : i32
      %get3A_501 = arith.index_cast %get3A_500 : i32 to index
      %get3A_502 = arith.constant 112 : index
      %get3A_503 = tpu.vector_load %arg19[%get3A_501, %get3A_502] {strides = array<i32>} : memref<2x256xf32, #tpu.memory_space<vmem>>, vector<1x16xf32>,
      %get3A_504 = vector.shape_cast %get3A_503 : vector<1x16xf32> to vector<16xf32>
      %add3A_505 = arith.addf %get3A_504, %scan3A_331#7 : vector<16xf32>
      %swap3A_506 = arith.constant 0 : i32
      %swap3A_507 = arith.index_cast %swap3A_506 : i32 to index
      %swap3A_508 = arith.constant 112 : index
      %swap3A_509 = tpu.vector_load %arg19[%swap3A_507, %swap3A_508] {strides = array<i32>} : memref<2x256xf32, #tpu.memory_space<vmem>>, vector<1x16xf32>,
      %swap3A_510 = vector.shape_cast %swap3A_509 : vector<1x16xf32> to vector<16xf32>
      %swap3A_511 = vector.shape_cast %add3A_505 : vector<16xf32> to vector<1x16xf32>
      tpu.vector_store %arg19[%swap3A_507, %swap3A_508], %swap3A_511 {strides = array<i32>} : memref<2x256xf32, #tpu.memory_space<vmem>>, vector<1x16xf32>,
      %get3A_512 = arith.constant 1 : i32
      %get3A_513 = arith.index_cast %get3A_512 : i32 to index
      %get3A_514 = arith.constant 112 : index
      %get3A_515 = tpu.vector_load %arg19[%get3A_513, %get3A_514] {strides = array<i32>} : memref<2x256xf32, #tpu.memory_space<vmem>>, vector<1x16xf32>,
      %get3A_516 = vector.shape_cast %get3A_515 : vector<1x16xf32> to vector<16xf32>
      %add3A_517 = arith.addf %get3A_516, %scan3A_331#23 : vector<16xf32>
      %swap3A_518 = arith.constant 1 : i32
      %swap3A_519 = arith.index_cast %swap3A_518 : i32 to index
      %swap3A_520 = arith.constant 112 : index
      %swap3A_521 = tpu.vector_load %arg19[%swap3A_519, %swap3A_520] {strides = array<i32>} : memref<2x256xf32, #tpu.memory_space<vmem>>, vector<1x16xf32>,
      %swap3A_522 = vector.shape_cast %swap3A_521 : vector<1x16xf32> to vector<16xf32>
      %swap3A_523 = vector.shape_cast %add3A_517 : vector<16xf32> to vector<1x16xf32>
      tpu.vector_store %arg19[%swap3A_519, %swap3A_520], %swap3A_523 {strides = array<i32>} : memref<2x256xf32, #tpu.memory_space<vmem>>, vector<1x16xf32>,
      %get3A_524 = arith.constant 0 : i32
      %get3A_525 = arith.index_cast %get3A_524 : i32 to index
      %get3A_526 = arith.constant 128 : index
      %get3A_527 = tpu.vector_load %arg19[%get3A_525, %get3A_526] {strides = array<i32>} : memref<2x256xf32, #tpu.memory_space<vmem>>, vector<1x16xf32>,
      %get3A_528 = vector.shape_cast %get3A_527 : vector<1x16xf32> to vector<16xf32>
      %add3A_529 = arith.addf %get3A_528, %scan3A_331#8 : vector<16xf32>
      %swap3A_530 = arith.constant 0 : i32
      %swap3A_531 = arith.index_cast %swap3A_530 : i32 to index
      %swap3A_532 = arith.constant 128 : index
      %swap3A_533 = tpu.vector_load %arg19[%swap3A_531, %swap3A_532] {strides = array<i32>} : memref<2x256xf32, #tpu.memory_space<vmem>>, vector<1x16xf32>,
      %swap3A_534 = vector.shape_cast %swap3A_533 : vector<1x16xf32> to vector<16xf32>
      %swap3A_535 = vector.shape_cast %add3A_529 : vector<16xf32> to vector<1x16xf32>
      tpu.vector_store %arg19[%swap3A_531, %swap3A_532], %swap3A_535 {strides = array<i32>} : memref<2x256xf32, #tpu.memory_space<vmem>>, vector<1x16xf32>,
      %get3A_536 = arith.constant 1 : i32
      %get3A_537 = arith.index_cast %get3A_536 : i32 to index
      %get3A_538 = arith.constant 128 : index
      %get3A_539 = tpu.vector_load %arg19[%get3A_537, %get3A_538] {strides = array<i32>} : memref<2x256xf32, #tpu.memory_space<vmem>>, vector<1x16xf32>,
      %get3A_540 = vector.shape_cast %get3A_539 : vector<1x16xf32> to vector<16xf32>
      %add3A_541 = arith.addf %get3A_540, %scan3A_331#24 : vector<16xf32>
      %swap3A_542 = arith.constant 1 : i32
      %swap3A_543 = arith.index_cast %swap3A_542 : i32 to index
      %swap3A_544 = arith.constant 128 : index
      %swap3A_545 = tpu.vector_load %arg19[%swap3A_543, %swap3A_544] {strides = array<i32>} : memref<2x256xf32, #tpu.memory_space<vmem>>, vector<1x16xf32>,
      %swap3A_546 = vector.shape_cast %swap3A_545 : vector<1x16xf32> to vector<16xf32>
      %swap3A_547 = vector.shape_cast %add3A_541 : vector<16xf32> to vector<1x16xf32>
      tpu.vector_store %arg19[%swap3A_543, %swap3A_544], %swap3A_547 {strides = array<i32>} : memref<2x256xf32, #tpu.memory_space<vmem>>, vector<1x16xf32>,
      %get3A_548 = arith.constant 0 : i32
      %get3A_549 = arith.index_cast %get3A_548 : i32 to index
      %get3A_550 = arith.constant 144 : index
      %get3A_551 = tpu.vector_load %arg19[%get3A_549, %get3A_550] {strides = array<i32>} : memref<2x256xf32, #tpu.memory_space<vmem>>, vector<1x16xf32>,
      %get3A_552 = vector.shape_cast %get3A_551 : vector<1x16xf32> to vector<16xf32>
      %add3A_553 = arith.addf %get3A_552, %scan3A_331#9 : vector<16xf32>
      %swap3A_554 = arith.constant 0 : i32
      %swap3A_555 = arith.index_cast %swap3A_554 : i32 to index
      %swap3A_556 = arith.constant 144 : index
      %swap3A_557 = tpu.vector_load %arg19[%swap3A_555, %swap3A_556] {strides = array<i32>} : memref<2x256xf32, #tpu.memory_space<vmem>>, vector<1x16xf32>,
      %swap3A_558 = vector.shape_cast %swap3A_557 : vector<1x16xf32> to vector<16xf32>
      %swap3A_559 = vector.shape_cast %add3A_553 : vector<16xf32> to vector<1x16xf32>
      tpu.vector_store %arg19[%swap3A_555, %swap3A_556], %swap3A_559 {strides = array<i32>} : memref<2x256xf32, #tpu.memory_space<vmem>>, vector<1x16xf32>,
      %get3A_560 = arith.constant 1 : i32
      %get3A_561 = arith.index_cast %get3A_560 : i32 to index
      %get3A_562 = arith.constant 144 : index
      %get3A_563 = tpu.vector_load %arg19[%get3A_561, %get3A_562] {strides = array<i32>} : memref<2x256xf32, #tpu.memory_space<vmem>>, vector<1x16xf32>,
      %get3A_564 = vector.shape_cast %get3A_563 : vector<1x16xf32> to vector<16xf32>
      %add3A_565 = arith.addf %get3A_564, %scan3A_331#25 : vector<16xf32>
      %swap3A_566 = arith.constant 1 : i32
      %swap3A_567 = arith.index_cast %swap3A_566 : i32 to index
      %swap3A_568 = arith.constant 144 : index
      %swap3A_569 = tpu.vector_load %arg19[%swap3A_567, %swap3A_568] {strides = array<i32>} : memref<2x256xf32, #tpu.memory_space<vmem>>, vector<1x16xf32>,
      %swap3A_570 = vector.shape_cast %swap3A_569 : vector<1x16xf32> to vector<16xf32>
      %swap3A_571 = vector.shape_cast %add3A_565 : vector<16xf32> to vector<1x16xf32>
      tpu.vector_store %arg19[%swap3A_567, %swap3A_568], %swap3A_571 {strides = array<i32>} : memref<2x256xf32, #tpu.memory_space<vmem>>, vector<1x16xf32>,
      %get3A_572 = arith.constant 0 : i32
      %get3A_573 = arith.index_cast %get3A_572 : i32 to index
      %get3A_574 = arith.constant 160 : index
      %get3A_575 = tpu.vector_load %arg19[%get3A_573, %get3A_574] {strides = array<i32>} : memref<2x256xf32, #tpu.memory_space<vmem>>, vector<1x16xf32>,
      %get3A_576 = vector.shape_cast %get3A_575 : vector<1x16xf32> to vector<16xf32>
      %add3A_577 = arith.addf %get3A_576, %scan3A_331#10 : vector<16xf32>
      %swap3A_578 = arith.constant 0 : i32
      %swap3A_579 = arith.index_cast %swap3A_578 : i32 to index
      %swap3A_580 = arith.constant 160 : index
      %swap3A_581 = tpu.vector_load %arg19[%swap3A_579, %swap3A_580] {strides = array<i32>} : memref<2x256xf32, #tpu.memory_space<vmem>>, vector<1x16xf32>,
      %swap3A_582 = vector.shape_cast %swap3A_581 : vector<1x16xf32> to vector<16xf32>
      %swap3A_583 = vector.shape_cast %add3A_577 : vector<16xf32> to vector<1x16xf32>
      tpu.vector_store %arg19[%swap3A_579, %swap3A_580], %swap3A_583 {strides = array<i32>} : memref<2x256xf32, #tpu.memory_space<vmem>>, vector<1x16xf32>,
      %get3A_584 = arith.constant 1 : i32
      %get3A_585 = arith.index_cast %get3A_584 : i32 to index
      %get3A_586 = arith.constant 160 : index
      %get3A_587 = tpu.vector_load %arg19[%get3A_585, %get3A_586] {strides = array<i32>} : memref<2x256xf32, #tpu.memory_space<vmem>>, vector<1x16xf32>,
      %get3A_588 = vector.shape_cast %get3A_587 : vector<1x16xf32> to vector<16xf32>
      %add3A_589 = arith.addf %get3A_588, %scan3A_331#26 : vector<16xf32>
      %swap3A_590 = arith.constant 1 : i32
      %swap3A_591 = arith.index_cast %swap3A_590 : i32 to index
      %swap3A_592 = arith.constant 160 : index
      %swap3A_593 = tpu.vector_load %arg19[%swap3A_591, %swap3A_592] {strides = array<i32>} : memref<2x256xf32, #tpu.memory_space<vmem>>, vector<1x16xf32>,
      %swap3A_594 = vector.shape_cast %swap3A_593 : vector<1x16xf32> to vector<16xf32>
      %swap3A_595 = vector.shape_cast %add3A_589 : vector<16xf32> to vector<1x16xf32>
      tpu.vector_store %arg19[%swap3A_591, %swap3A_592], %swap3A_595 {strides = array<i32>} : memref<2x256xf32, #tpu.memory_space<vmem>>, vector<1x16xf32>,
      %get3A_596 = arith.constant 0 : i32
      %get3A_597 = arith.index_cast %get3A_596 : i32 to index
      %get3A_598 = arith.constant 176 : index
      %get3A_599 = tpu.vector_load %arg19[%get3A_597, %get3A_598] {strides = array<i32>} : memref<2x256xf32, #tpu.memory_space<vmem>>, vector<1x16xf32>,
      %get3A_600 = vector.shape_cast %get3A_599 : vector<1x16xf32> to vector<16xf32>
      %add3A_601 = arith.addf %get3A_600, %scan3A_331#11 : vector<16xf32>
      %swap3A_602 = arith.constant 0 : i32
      %swap3A_603 = arith.index_cast %swap3A_602 : i32 to index
      %swap3A_604 = arith.constant 176 : index
      %swap3A_605 = tpu.vector_load %arg19[%swap3A_603, %swap3A_604] {strides = array<i32>} : memref<2x256xf32, #tpu.memory_space<vmem>>, vector<1x16xf32>,
      %swap3A_606 = vector.shape_cast %swap3A_605 : vector<1x16xf32> to vector<16xf32>
      %swap3A_607 = vector.shape_cast %add3A_601 : vector<16xf32> to vector<1x16xf32>
      tpu.vector_store %arg19[%swap3A_603, %swap3A_604], %swap3A_607 {strides = array<i32>} : memref<2x256xf32, #tpu.memory_space<vmem>>, vector<1x16xf32>,
      %get3A_608 = arith.constant 1 : i32
      %get3A_609 = arith.index_cast %get3A_608 : i32 to index
      %get3A_610 = arith.constant 176 : index
      %get3A_611 = tpu.vector_load %arg19[%get3A_609, %get3A_610] {strides = array<i32>} : memref<2x256xf32, #tpu.memory_space<vmem>>, vector<1x16xf32>,
      %get3A_612 = vector.shape_cast %get3A_611 : vector<1x16xf32> to vector<16xf32>
      %add3A_613 = arith.addf %get3A_612, %scan3A_331#27 : vector<16xf32>
      %swap3A_614 = arith.constant 1 : i32
      %swap3A_615 = arith.index_cast %swap3A_614 : i32 to index
      %swap3A_616 = arith.constant 176 : index
      %swap3A_617 = tpu.vector_load %arg19[%swap3A_615, %swap3A_616] {strides = array<i32>} : memref<2x256xf32, #tpu.memory_space<vmem>>, vector<1x16xf32>,
      %swap3A_618 = vector.shape_cast %swap3A_617 : vector<1x16xf32> to vector<16xf32>
      %swap3A_619 = vector.shape_cast %add3A_613 : vector<16xf32> to vector<1x16xf32>
      tpu.vector_store %arg19[%swap3A_615, %swap3A_616], %swap3A_619 {strides = array<i32>} : memref<2x256xf32, #tpu.memory_space<vmem>>, vector<1x16xf32>,
      %get3A_620 = arith.constant 0 : i32
      %get3A_621 = arith.index_cast %get3A_620 : i32 to index
      %get3A_622 = arith.constant 192 : index
      %get3A_623 = tpu.vector_load %arg19[%get3A_621, %get3A_622] {strides = array<i32>} : memref<2x256xf32, #tpu.memory_space<vmem>>, vector<1x16xf32>,
      %get3A_624 = vector.shape_cast %get3A_623 : vector<1x16xf32> to vector<16xf32>
      %add3A_625 = arith.addf %get3A_624, %scan3A_331#12 : vector<16xf32>
      %swap3A_626 = arith.constant 0 : i32
      %swap3A_627 = arith.index_cast %swap3A_626 : i32 to index
      %swap3A_628 = arith.constant 192 : index
      %swap3A_629 = tpu.vector_load %arg19[%swap3A_627, %swap3A_628] {strides = array<i32>} : memref<2x256xf32, #tpu.memory_space<vmem>>, vector<1x16xf32>,
      %swap3A_630 = vector.shape_cast %swap3A_629 : vector<1x16xf32> to vector<16xf32>
      %swap3A_631 = vector.shape_cast %add3A_625 : vector<16xf32> to vector<1x16xf32>
      tpu.vector_store %arg19[%swap3A_627, %swap3A_628], %swap3A_631 {strides = array<i32>} : memref<2x256xf32, #tpu.memory_space<vmem>>, vector<1x16xf32>,
      %get3A_632 = arith.constant 1 : i32
      %get3A_633 = arith.index_cast %get3A_632 : i32 to index
      %get3A_634 = arith.constant 192 : index
      %get3A_635 = tpu.vector_load %arg19[%get3A_633, %get3A_634] {strides = array<i32>} : memref<2x256xf32, #tpu.memory_space<vmem>>, vector<1x16xf32>,
      %get3A_636 = vector.shape_cast %get3A_635 : vector<1x16xf32> to vector<16xf32>
      %add3A_637 = arith.addf %get3A_636, %scan3A_331#28 : vector<16xf32>
      %swap3A_638 = arith.constant 1 : i32
      %swap3A_639 = arith.index_cast %swap3A_638 : i32 to index
      %swap3A_640 = arith.constant 192 : index
      %swap3A_641 = tpu.vector_load %arg19[%swap3A_639, %swap3A_640] {strides = array<i32>} : memref<2x256xf32, #tpu.memory_space<vmem>>, vector<1x16xf32>,
      %swap3A_642 = vector.shape_cast %swap3A_641 : vector<1x16xf32> to vector<16xf32>
      %swap3A_643 = vector.shape_cast %add3A_637 : vector<16xf32> to vector<1x16xf32>
      tpu.vector_store %arg19[%swap3A_639, %swap3A_640], %swap3A_643 {strides = array<i32>} : memref<2x256xf32, #tpu.memory_space<vmem>>, vector<1x16xf32>,
      %get3A_644 = arith.constant 0 : i32
      %get3A_645 = arith.index_cast %get3A_644 : i32 to index
      %get3A_646 = arith.constant 208 : index
      %get3A_647 = tpu.vector_load %arg19[%get3A_645, %get3A_646] {strides = array<i32>} : memref<2x256xf32, #tpu.memory_space<vmem>>, vector<1x16xf32>,
      %get3A_648 = vector.shape_cast %get3A_647 : vector<1x16xf32> to vector<16xf32>
      %add3A_649 = arith.addf %get3A_648, %scan3A_331#13 : vector<16xf32>
      %swap3A_650 = arith.constant 0 : i32
      %swap3A_651 = arith.index_cast %swap3A_650 : i32 to index
      %swap3A_652 = arith.constant 208 : index
      %swap3A_653 = tpu.vector_load %arg19[%swap3A_651, %swap3A_652] {strides = array<i32>} : memref<2x256xf32, #tpu.memory_space<vmem>>, vector<1x16xf32>,
      %swap3A_654 = vector.shape_cast %swap3A_653 : vector<1x16xf32> to vector<16xf32>
      %swap3A_655 = vector.shape_cast %add3A_649 : vector<16xf32> to vector<1x16xf32>
      tpu.vector_store %arg19[%swap3A_651, %swap3A_652], %swap3A_655 {strides = array<i32>} : memref<2x256xf32, #tpu.memory_space<vmem>>, vector<1x16xf32>,
      %get3A_656 = arith.constant 1 : i32
      %get3A_657 = arith.index_cast %get3A_656 : i32 to index
      %get3A_658 = arith.constant 208 : index
      %get3A_659 = tpu.vector_load %arg19[%get3A_657, %get3A_658] {strides = array<i32>} : memref<2x256xf32, #tpu.memory_space<vmem>>, vector<1x16xf32>,
      %get3A_660 = vector.shape_cast %get3A_659 : vector<1x16xf32> to vector<16xf32>
      %add3A_661 = arith.addf %get3A_660, %scan3A_331#29 : vector<16xf32>
      %swap3A_662 = arith.constant 1 : i32
      %swap3A_663 = arith.index_cast %swap3A_662 : i32 to index
      %swap3A_664 = arith.constant 208 : index
      %swap3A_665 = tpu.vector_load %arg19[%swap3A_663, %swap3A_664] {strides = array<i32>} : memref<2x256xf32, #tpu.memory_space<vmem>>, vector<1x16xf32>,
      %swap3A_666 = vector.shape_cast %swap3A_665 : vector<1x16xf32> to vector<16xf32>
      %swap3A_667 = vector.shape_cast %add3A_661 : vector<16xf32> to vector<1x16xf32>
      tpu.vector_store %arg19[%swap3A_663, %swap3A_664], %swap3A_667 {strides = array<i32>} : memref<2x256xf32, #tpu.memory_space<vmem>>, vector<1x16xf32>,
      %get3A_668 = arith.constant 0 : i32
      %get3A_669 = arith.index_cast %get3A_668 : i32 to index
      %get3A_670 = arith.constant 224 : index
      %get3A_671 = tpu.vector_load %arg19[%get3A_669, %get3A_670] {strides = array<i32>} : memref<2x256xf32, #tpu.memory_space<vmem>>, vector<1x16xf32>,
      %get3A_672 = vector.shape_cast %get3A_671 : vector<1x16xf32> to vector<16xf32>
      %add3A_673 = arith.addf %get3A_672, %scan3A_331#14 : vector<16xf32>
      %swap3A_674 = arith.constant 0 : i32
      %swap3A_675 = arith.index_cast %swap3A_674 : i32 to index
      %swap3A_676 = arith.constant 224 : index
      %swap3A_677 = tpu.vector_load %arg19[%swap3A_675, %swap3A_676] {strides = array<i32>} : memref<2x256xf32, #tpu.memory_space<vmem>>, vector<1x16xf32>,
      %swap3A_678 = vector.shape_cast %swap3A_677 : vector<1x16xf32> to vector<16xf32>
      %swap3A_679 = vector.shape_cast %add3A_673 : vector<16xf32> to vector<1x16xf32>
      tpu.vector_store %arg19[%swap3A_675, %swap3A_676], %swap3A_679 {strides = array<i32>} : memref<2x256xf32, #tpu.memory_space<vmem>>, vector<1x16xf32>,
      %get3A_680 = arith.constant 1 : i32
      %get3A_681 = arith.index_cast %get3A_680 : i32 to index
      %get3A_682 = arith.constant 224 : index
      %get3A_683 = tpu.vector_load %arg19[%get3A_681, %get3A_682] {strides = array<i32>} : memref<2x256xf32, #tpu.memory_space<vmem>>, vector<1x16xf32>,
      %get3A_684 = vector.shape_cast %get3A_683 : vector<1x16xf32> to vector<16xf32>
      %add3A_685 = arith.addf %get3A_684, %scan3A_331#30 : vector<16xf32>
      %swap3A_686 = arith.constant 1 : i32
      %swap3A_687 = arith.index_cast %swap3A_686 : i32 to index
      %swap3A_688 = arith.constant 224 : index
      %swap3A_689 = tpu.vector_load %arg19[%swap3A_687, %swap3A_688] {strides = array<i32>} : memref<2x256xf32, #tpu.memory_space<vmem>>, vector<1x16xf32>,
      %swap3A_690 = vector.shape_cast %swap3A_689 : vector<1x16xf32> to vector<16xf32>
      %swap3A_691 = vector.shape_cast %add3A_685 : vector<16xf32> to vector<1x16xf32>
      tpu.vector_store %arg19[%swap3A_687, %swap3A_688], %swap3A_691 {strides = array<i32>} : memref<2x256xf32, #tpu.memory_space<vmem>>, vector<1x16xf32>,
      %get3A_692 = arith.constant 0 : i32
      %get3A_693 = arith.index_cast %get3A_692 : i32 to index
      %get3A_694 = arith.constant 240 : index
      %get3A_695 = tpu.vector_load %arg19[%get3A_693, %get3A_694] {strides = array<i32>} : memref<2x256xf32, #tpu.memory_space<vmem>>, vector<1x16xf32>,
      %get3A_696 = vector.shape_cast %get3A_695 : vector<1x16xf32> to vector<16xf32>
      %add3A_697 = arith.addf %get3A_696, %scan3A_331#15 : vector<16xf32>
      %swap3A_698 = arith.constant 0 : i32
      %swap3A_699 = arith.index_cast %swap3A_698 : i32 to index
      %swap3A_700 = arith.constant 240 : index
      %swap3A_701 = tpu.vector_load %arg19[%swap3A_699, %swap3A_700] {strides = array<i32>} : memref<2x256xf32, #tpu.memory_space<vmem>>, vector<1x16xf32>,
      %swap3A_702 = vector.shape_cast %swap3A_701 : vector<1x16xf32> to vector<16xf32>
      %swap3A_703 = vector.shape_cast %add3A_697 : vector<16xf32> to vector<1x16xf32>
      tpu.vector_store %arg19[%swap3A_699, %swap3A_700], %swap3A_703 {strides = array<i32>} : memref<2x256xf32, #tpu.memory_space<vmem>>, vector<1x16xf32>,
      %get3A_704 = arith.constant 1 : i32
      %get3A_705 = arith.index_cast %get3A_704 : i32 to index
      %get3A_706 = arith.constant 240 : index
      %get3A_707 = tpu.vector_load %arg19[%get3A_705, %get3A_706] {strides = array<i32>} : memref<2x256xf32, #tpu.memory_space<vmem>>, vector<1x16xf32>,
      %get3A_708 = vector.shape_cast %get3A_707 : vector<1x16xf32> to vector<16xf32>
      %add3A_709 = arith.addf %get3A_708, %scan3A_331#31 : vector<16xf32>
      %swap3A_710 = arith.constant 1 : i32
      %swap3A_711 = arith.index_cast %swap3A_710 : i32 to index
      %swap3A_712 = arith.constant 240 : index
      %swap3A_713 = tpu.vector_load %arg19[%swap3A_711, %swap3A_712] {strides = array<i32>} : memref<2x256xf32, #tpu.memory_space<vmem>>, vector<1x16xf32>,
      %swap3A_714 = vector.shape_cast %swap3A_713 : vector<1x16xf32> to vector<16xf32>
      %swap3A_715 = vector.shape_cast %add3A_709 : vector<16xf32> to vector<1x16xf32>
      tpu.vector_store %arg19[%swap3A_711, %swap3A_712], %swap3A_715 {strides = array<i32>} : memref<2x256xf32, #tpu.memory_space<vmem>>, vector<1x16xf32>,
      %mul3A_716 = arith.constant 10000 : i32
      %mul3A_717 = arith.muli %add3A, %mul3A_716 : i32
      %mul3A_718 = arith.constant 40 : i32
      %mul3A_719 = arith.muli %add3A_310, %mul3A_718 : i32
      %add3A_720 = arith.addi %mul3A_717, %mul3A_719 : i32
      %dma_start3A_721 = arith.constant 0 : i32
      %dma_start3A_722 = tpu.memref_slice %arg6[%add3A_720, %dma_start3A_721] : memref<320000x256xf32, #tpu.memory_space<hbm>> -> memref<40x256xf32, #tpu.memory_space<hbm>>
      %dma_start3A_723 = arith.constant 0 : i32
      %dma_start3A_724 = tpu.memref_slice %arg6[%add3A_720, %dma_start3A_723] : memref<320000x256xf32, #tpu.memory_space<hbm>> -> memref<40x256xf32, #tpu.memory_space<hbm>>
      tpu.enqueue_dma source(%arg14 : memref<40x256xf32, #tpu.memory_space<vmem>>) target(%dma_start3A_724 : memref<40x256xf32, #tpu.memory_space<hbm>>) target_semaphore(%arg22 : memref<!tpu.dma_semaphore, #tpu.memory_space<semaphore_mem>>)
      %add3A_725 = arith.constant 2 : i32
      %add3A_726 = arith.addi %add3A_310, %add3A_725 : i32
      %lt3A = arith.constant 250 : i32
      %lt3A_727 = arith.cmpi slt, %add3A_726, %lt3A : i32
      %convert_element_type3A_728 = arith.extui %lt3A_727 : i1 to i32
      %cond3A_729 = arith.constant 0 : i32
      %cond3A_730 = arith.cmpi ne, %convert_element_type3A_728, %cond3A_729 : i32
      scf.if %cond3A_730 {
        %add3A_1160 = arith.constant 2 : i32
        %add3A_1161 = arith.addi %add3A_310, %add3A_1160 : i32
        %mul3A_1162 = arith.constant 40 : i32
        %mul3A_1163 = arith.muli %add3A_1161, %mul3A_1162 : i32
        %dma_start3A_1164 = tpu.memref_slice %arg8[%mul3A_1163] : memref<10000xi32, #tpu.memory_space<vmem>> -> memref<40xi32, #tpu.memory_space<vmem>>
        %dma_start3A_1165 = arith.constant 0 : i32
        %dma_start3A_1166 = arith.constant 0 : i32
        %dma_start3A_1167 = tpu.memref_slice %arg2[%dma_start3A_1165, %dma_start3A_1166] : memref<40000x256xf32, #tpu.memory_space<hbm>> -> memref<40000x256xf32, #tpu.memory_space<hbm>>
        tpu.enqueue_indirect_dma source(%dma_start3A_1167 : memref<40000x256xf32, #tpu.memory_space<hbm>>) target(%arg11 : memref<40x256xf32, #tpu.memory_space<vmem>>) offsets(%dma_start3A_1164 : memref<40xi32, #tpu.memory_space<vmem>>) semaphore(%arg20 : memref<!tpu.dma_semaphore, #tpu.memory_space<semaphore_mem>>)
        %dma_start3A_1168 = tpu.memref_slice %arg9[%mul3A_1163] : memref<10000xi32, #tpu.memory_space<vmem>> -> memref<40xi32, #tpu.memory_space<vmem>>
        %dma_start3A_1169 = arith.constant 0 : i32
        %dma_start3A_1170 = arith.constant 0 : i32
        %dma_start3A_1171 = tpu.memref_slice %arg2[%dma_start3A_1169, %dma_start3A_1170] : memref<40000x256xf32, #tpu.memory_space<hbm>> -> memref<40000x256xf32, #tpu.memory_space<hbm>>
        tpu.enqueue_indirect_dma source(%dma_start3A_1171 : memref<40000x256xf32, #tpu.memory_space<hbm>>) target(%arg12 : memref<40x256xf32, #tpu.memory_space<vmem>>) offsets(%dma_start3A_1168 : memref<40xi32, #tpu.memory_space<vmem>>) semaphore(%arg20 : memref<!tpu.dma_semaphore, #tpu.memory_space<semaphore_mem>>)
        %dma_start3A_1172 = tpu.memref_slice %arg10[%mul3A_1163] : memref<10000xi32, #tpu.memory_space<vmem>> -> memref<40xi32, #tpu.memory_space<vmem>>
        %dma_start3A_1173 = arith.constant 0 : i32
        %dma_start3A_1174 = arith.constant 0 : i32
        %dma_start3A_1175 = tpu.memref_slice %arg2[%dma_start3A_1173, %dma_start3A_1174] : memref<40000x256xf32, #tpu.memory_space<hbm>> -> memref<40000x256xf32, #tpu.memory_space<hbm>>
        tpu.enqueue_indirect_dma source(%dma_start3A_1175 : memref<40000x256xf32, #tpu.memory_space<hbm>>) target(%arg13 : memref<40x256xf32, #tpu.memory_space<vmem>>) offsets(%dma_start3A_1172 : memref<40xi32, #tpu.memory_space<vmem>>) semaphore(%arg20 : memref<!tpu.dma_semaphore, #tpu.memory_space<semaphore_mem>>)
      } else {
      }
      %mul3A_731 = arith.constant 2 : i32
      %mul3A_732 = arith.muli %scan3A_306, %mul3A_731 : i32
      %add3A_733 = arith.constant 1 : i32
      %add3A_734 = arith.addi %mul3A_732, %add3A_733 : i32
      %mul3A_735 = arith.constant 40 : i32
      %mul3A_736 = arith.muli %add3A_734, %mul3A_735 : i32
      %dma_wait3A_737 = tpu.memref_slice %arg8[%mul3A_736] : memref<10000xi32, #tpu.memory_space<vmem>> -> memref<40xi32, #tpu.memory_space<vmem>>
      %dma_wait3A_738 = arith.constant 0 : i32
      %dma_wait3A_739 = arith.constant 0 : i32
      %dma_wait3A_740 = tpu.memref_slice %arg2[%dma_wait3A_738, %dma_wait3A_739] : memref<40000x256xf32, #tpu.memory_space<hbm>> -> memref<40000x256xf32, #tpu.memory_space<hbm>>
      tpu.wait_indirect_dma semaphore(%arg21 : memref<!tpu.dma_semaphore, #tpu.memory_space<semaphore_mem>>) src(%dma_wait3A_740 : memref<40000x256xf32, #tpu.memory_space<hbm>>) dst(%arg15 : memref<40x256xf32, #tpu.memory_space<vmem>>)
      %dma_wait3A_741 = tpu.memref_slice %arg9[%mul3A_736] : memref<10000xi32, #tpu.memory_space<vmem>> -> memref<40xi32, #tpu.memory_space<vmem>>
      %dma_wait3A_742 = arith.constant 0 : i32
      %dma_wait3A_743 = arith.constant 0 : i32
      %dma_wait3A_744 = tpu.memref_slice %arg2[%dma_wait3A_742, %dma_wait3A_743] : memref<40000x256xf32, #tpu.memory_space<hbm>> -> memref<40000x256xf32, #tpu.memory_space<hbm>>
      tpu.wait_indirect_dma semaphore(%arg21 : memref<!tpu.dma_semaphore, #tpu.memory_space<semaphore_mem>>) src(%dma_wait3A_744 : memref<40000x256xf32, #tpu.memory_space<hbm>>) dst(%arg16 : memref<40x256xf32, #tpu.memory_space<vmem>>)
      %dma_wait3A_745 = tpu.memref_slice %arg10[%mul3A_736] : memref<10000xi32, #tpu.memory_space<vmem>> -> memref<40xi32, #tpu.memory_space<vmem>>
      %dma_wait3A_746 = arith.constant 0 : i32
      %dma_wait3A_747 = arith.constant 0 : i32
      %dma_wait3A_748 = tpu.memref_slice %arg2[%dma_wait3A_746, %dma_wait3A_747] : memref<40000x256xf32, #tpu.memory_space<hbm>> -> memref<40000x256xf32, #tpu.memory_space<hbm>>
      tpu.wait_indirect_dma semaphore(%arg21 : memref<!tpu.dma_semaphore, #tpu.memory_space<semaphore_mem>>) src(%dma_wait3A_748 : memref<40000x256xf32, #tpu.memory_space<hbm>>) dst(%arg17 : memref<40x256xf32, #tpu.memory_space<vmem>>)
      %ge3A_749 = arith.constant 2 : i32
      %ge3A_750 = arith.cmpi sge, %add3A_734, %ge3A_749 : i32
      %convert_element_type3A_751 = arith.extui %ge3A_750 : i1 to i32
      %cond3A_752 = arith.constant 0 : i32
      %cond3A_753 = arith.cmpi ne, %convert_element_type3A_751, %cond3A_752 : i32
      scf.if %cond3A_753 {
        %mul3A_1160 = arith.constant 10000 : i32
        %mul3A_1161 = arith.muli %add3A, %mul3A_1160 : i32
        %sub3A = arith.constant 2 : i32
        %sub3A_1162 = arith.subi %add3A_734, %sub3A : i32
        %mul3A_1163 = arith.constant 40 : i32
        %mul3A_1164 = arith.muli %sub3A_1162, %mul3A_1163 : i32
        %add3A_1165 = arith.addi %mul3A_1161, %mul3A_1164 : i32
        %dma_wait3A_1166 = arith.constant 0 : i32
        %dma_wait3A_1167 = tpu.memref_slice %arg6[%add3A_1165, %dma_wait3A_1166] : memref<320000x256xf32, #tpu.memory_space<hbm>> -> memref<40x256xf32, #tpu.memory_space<hbm>>
        %dma_wait3A_1168 = arith.constant 0 : i32
        %dma_wait3A_1169 = tpu.memref_slice %arg6[%add3A_1165, %dma_wait3A_1168] : memref<320000x256xf32, #tpu.memory_space<hbm>> -> memref<40x256xf32, #tpu.memory_space<hbm>>
        tpu.wait_dma2 semaphore(%arg23 : memref<!tpu.dma_semaphore, #tpu.memory_space<semaphore_mem>>) src(%arg18 : memref<40x256xf32, #tpu.memory_space<vmem>>) dst(%dma_wait3A_1169 : memref<40x256xf32, #tpu.memory_space<hbm>>)
      } else {
      }
      %scan3A_754 = arith.constant 0 : i32
      %scan3A_755 = arith.constant 40 : i32
      %scan3A_756 = arith.addi %scan3A_754, %scan3A_755 : i32
      %scan3A_757 = arith.constant 1 : i32
      %scan3A_758:32 = scf.for %scan3A_1160 = %scan3A_754 to %scan3A_756 step %scan3A_757 iter_args(%scan3A_1161 = %broadcast_in_dim3A_285, %scan3A_1162 = %broadcast_in_dim3A_285, %scan3A_1163 = %broadcast_in_dim3A_285, %scan3A_1164 = %broadcast_in_dim3A_285, %scan3A_1165 = %broadcast_in_dim3A_285, %scan3A_1166 = %broadcast_in_dim3A_285, %scan3A_1167 = %broadcast_in_dim3A_285, %scan3A_1168 = %broadcast_in_dim3A_285, %scan3A_1169 = %broadcast_in_dim3A_285, %scan3A_1170 = %broadcast_in_dim3A_285, %scan3A_1171 = %broadcast_in_dim3A_285, %scan3A_1172 = %broadcast_in_dim3A_285, %scan3A_1173 = %broadcast_in_dim3A_285, %scan3A_1174 = %broadcast_in_dim3A_285, %scan3A_1175 = %broadcast_in_dim3A_285, %scan3A_1176 = %broadcast_in_dim3A_285, %scan3A_1177 = %broadcast_in_dim3A_285, %scan3A_1178 = %broadcast_in_dim3A_285, %scan3A_1179 = %broadcast_in_dim3A_285, %scan3A_1180 = %broadcast_in_dim3A_285, %scan3A_1181 = %broadcast_in_dim3A_285, %scan3A_1182 = %broadcast_in_dim3A_285, %scan3A_1183 = %broadcast_in_dim3A_285, %scan3A_1184 = %broadcast_in_dim3A_285, %scan3A_1185 = %broadcast_in_dim3A_285, %scan3A_1186 = %broadcast_in_dim3A_285, %scan3A_1187 = %broadcast_in_dim3A_285, %scan3A_1188 = %broadcast_in_dim3A_285, %scan3A_1189 = %broadcast_in_dim3A_285, %scan3A_1190 = %broadcast_in_dim3A_285, %scan3A_1191 = %broadcast_in_dim3A_285, %scan3A_1192 = %broadcast_in_dim3A_285) -> (vector<16xf32>, vector<16xf32>, vector<16xf32>, vector<16xf32>, vector<16xf32>, vector<16xf32>, vector<16xf32>, vector<16xf32>, vector<16xf32>, vector<16xf32>, vector<16xf32>, vector<16xf32>, vector<16xf32>, vector<16xf32>, vector<16xf32>, vector<16xf32>, vector<16xf32>, vector<16xf32>, vector<16xf32>, vector<16xf32>, vector<16xf32>, vector<16xf32>, vector<16xf32>, vector<16xf32>, vector<16xf32>, vector<16xf32>, vector<16xf32>, vector<16xf32>, vector<16xf32>, vector<16xf32>, vector<16xf32>, vector<16xf32>)  : i32 {
        %get3A_1193 = arith.index_cast %scan3A_1160 : i32 to index
        %get3A_1194 = arith.constant 0 : index
        %get3A_1195 = tpu.vector_load %arg15[%get3A_1193, %get3A_1194] {strides = array<i32>} : memref<40x256xf32, #tpu.memory_space<vmem>>, vector<1x16xf32>,
        %get3A_1196 = vector.shape_cast %get3A_1195 : vector<1x16xf32> to vector<16xf32>
        %get3A_1197 = arith.index_cast %scan3A_1160 : i32 to index
        %get3A_1198 = arith.constant 0 : index
        %get3A_1199 = tpu.vector_load %arg16[%get3A_1197, %get3A_1198] {strides = array<i32>} : memref<40x256xf32, #tpu.memory_space<vmem>>, vector<1x16xf32>,
        %get3A_1200 = vector.shape_cast %get3A_1199 : vector<1x16xf32> to vector<16xf32>
        %add3A_1201 = arith.addf %get3A_1196, %get3A_1200 : vector<16xf32>
        %get3A_1202 = arith.index_cast %scan3A_1160 : i32 to index
        %get3A_1203 = arith.constant 0 : index
        %get3A_1204 = tpu.vector_load %arg17[%get3A_1202, %get3A_1203] {strides = array<i32>} : memref<40x256xf32, #tpu.memory_space<vmem>>, vector<1x16xf32>,
        %get3A_1205 = vector.shape_cast %get3A_1204 : vector<1x16xf32> to vector<16xf32>
        %add3A_1206 = arith.addf %add3A_1201, %get3A_1205 : vector<16xf32>
        %swap3A_1207 = arith.index_cast %scan3A_1160 : i32 to index
        %swap3A_1208 = arith.constant 0 : index
        %swap3A_1209 = tpu.vector_load %arg18[%swap3A_1207, %swap3A_1208] {strides = array<i32>} : memref<40x256xf32, #tpu.memory_space<vmem>>, vector<1x16xf32>,
        %swap3A_1210 = vector.shape_cast %swap3A_1209 : vector<1x16xf32> to vector<16xf32>
        %swap3A_1211 = vector.shape_cast %add3A_1206 : vector<16xf32> to vector<1x16xf32>
        tpu.vector_store %arg18[%swap3A_1207, %swap3A_1208], %swap3A_1211 {strides = array<i32>} : memref<40x256xf32, #tpu.memory_space<vmem>>, vector<1x16xf32>,
        %add3A_1212 = arith.addf %scan3A_1161, %add3A_1206 : vector<16xf32>
        %mul3A_1213 = arith.mulf %add3A_1206, %add3A_1206 : vector<16xf32>
        %add3A_1214 = arith.addf %scan3A_1177, %mul3A_1213 : vector<16xf32>
        %get3A_1215 = arith.index_cast %scan3A_1160 : i32 to index
        %get3A_1216 = arith.constant 16 : index
        %get3A_1217 = tpu.vector_load %arg15[%get3A_1215, %get3A_1216] {strides = array<i32>} : memref<40x256xf32, #tpu.memory_space<vmem>>, vector<1x16xf32>,
        %get3A_1218 = vector.shape_cast %get3A_1217 : vector<1x16xf32> to vector<16xf32>
        %get3A_1219 = arith.index_cast %scan3A_1160 : i32 to index
        %get3A_1220 = arith.constant 16 : index
        %get3A_1221 = tpu.vector_load %arg16[%get3A_1219, %get3A_1220] {strides = array<i32>} : memref<40x256xf32, #tpu.memory_space<vmem>>, vector<1x16xf32>,
        %get3A_1222 = vector.shape_cast %get3A_1221 : vector<1x16xf32> to vector<16xf32>
        %add3A_1223 = arith.addf %get3A_1218, %get3A_1222 : vector<16xf32>
        %get3A_1224 = arith.index_cast %scan3A_1160 : i32 to index
        %get3A_1225 = arith.constant 16 : index
        %get3A_1226 = tpu.vector_load %arg17[%get3A_1224, %get3A_1225] {strides = array<i32>} : memref<40x256xf32, #tpu.memory_space<vmem>>, vector<1x16xf32>,
        %get3A_1227 = vector.shape_cast %get3A_1226 : vector<1x16xf32> to vector<16xf32>
        %add3A_1228 = arith.addf %add3A_1223, %get3A_1227 : vector<16xf32>
        %swap3A_1229 = arith.index_cast %scan3A_1160 : i32 to index
        %swap3A_1230 = arith.constant 16 : index
        %swap3A_1231 = tpu.vector_load %arg18[%swap3A_1229, %swap3A_1230] {strides = array<i32>} : memref<40x256xf32, #tpu.memory_space<vmem>>, vector<1x16xf32>,
        %swap3A_1232 = vector.shape_cast %swap3A_1231 : vector<1x16xf32> to vector<16xf32>
        %swap3A_1233 = vector.shape_cast %add3A_1228 : vector<16xf32> to vector<1x16xf32>
        tpu.vector_store %arg18[%swap3A_1229, %swap3A_1230], %swap3A_1233 {strides = array<i32>} : memref<40x256xf32, #tpu.memory_space<vmem>>, vector<1x16xf32>,
        %add3A_1234 = arith.addf %scan3A_1162, %add3A_1228 : vector<16xf32>
        %mul3A_1235 = arith.mulf %add3A_1228, %add3A_1228 : vector<16xf32>
        %add3A_1236 = arith.addf %scan3A_1178, %mul3A_1235 : vector<16xf32>
        %get3A_1237 = arith.index_cast %scan3A_1160 : i32 to index
        %get3A_1238 = arith.constant 32 : index
        %get3A_1239 = tpu.vector_load %arg15[%get3A_1237, %get3A_1238] {strides = array<i32>} : memref<40x256xf32, #tpu.memory_space<vmem>>, vector<1x16xf32>,
        %get3A_1240 = vector.shape_cast %get3A_1239 : vector<1x16xf32> to vector<16xf32>
        %get3A_1241 = arith.index_cast %scan3A_1160 : i32 to index
        %get3A_1242 = arith.constant 32 : index
        %get3A_1243 = tpu.vector_load %arg16[%get3A_1241, %get3A_1242] {strides = array<i32>} : memref<40x256xf32, #tpu.memory_space<vmem>>, vector<1x16xf32>,
        %get3A_1244 = vector.shape_cast %get3A_1243 : vector<1x16xf32> to vector<16xf32>
        %add3A_1245 = arith.addf %get3A_1240, %get3A_1244 : vector<16xf32>
        %get3A_1246 = arith.index_cast %scan3A_1160 : i32 to index
        %get3A_1247 = arith.constant 32 : index
        %get3A_1248 = tpu.vector_load %arg17[%get3A_1246, %get3A_1247] {strides = array<i32>} : memref<40x256xf32, #tpu.memory_space<vmem>>, vector<1x16xf32>,
        %get3A_1249 = vector.shape_cast %get3A_1248 : vector<1x16xf32> to vector<16xf32>
        %add3A_1250 = arith.addf %add3A_1245, %get3A_1249 : vector<16xf32>
        %swap3A_1251 = arith.index_cast %scan3A_1160 : i32 to index
        %swap3A_1252 = arith.constant 32 : index
        %swap3A_1253 = tpu.vector_load %arg18[%swap3A_1251, %swap3A_1252] {strides = array<i32>} : memref<40x256xf32, #tpu.memory_space<vmem>>, vector<1x16xf32>,
        %swap3A_1254 = vector.shape_cast %swap3A_1253 : vector<1x16xf32> to vector<16xf32>
        %swap3A_1255 = vector.shape_cast %add3A_1250 : vector<16xf32> to vector<1x16xf32>
        tpu.vector_store %arg18[%swap3A_1251, %swap3A_1252], %swap3A_1255 {strides = array<i32>} : memref<40x256xf32, #tpu.memory_space<vmem>>, vector<1x16xf32>,
        %add3A_1256 = arith.addf %scan3A_1163, %add3A_1250 : vector<16xf32>
        %mul3A_1257 = arith.mulf %add3A_1250, %add3A_1250 : vector<16xf32>
        %add3A_1258 = arith.addf %scan3A_1179, %mul3A_1257 : vector<16xf32>
        %get3A_1259 = arith.index_cast %scan3A_1160 : i32 to index
        %get3A_1260 = arith.constant 48 : index
        %get3A_1261 = tpu.vector_load %arg15[%get3A_1259, %get3A_1260] {strides = array<i32>} : memref<40x256xf32, #tpu.memory_space<vmem>>, vector<1x16xf32>,
        %get3A_1262 = vector.shape_cast %get3A_1261 : vector<1x16xf32> to vector<16xf32>
        %get3A_1263 = arith.index_cast %scan3A_1160 : i32 to index
        %get3A_1264 = arith.constant 48 : index
        %get3A_1265 = tpu.vector_load %arg16[%get3A_1263, %get3A_1264] {strides = array<i32>} : memref<40x256xf32, #tpu.memory_space<vmem>>, vector<1x16xf32>,
        %get3A_1266 = vector.shape_cast %get3A_1265 : vector<1x16xf32> to vector<16xf32>
        %add3A_1267 = arith.addf %get3A_1262, %get3A_1266 : vector<16xf32>
        %get3A_1268 = arith.index_cast %scan3A_1160 : i32 to index
        %get3A_1269 = arith.constant 48 : index
        %get3A_1270 = tpu.vector_load %arg17[%get3A_1268, %get3A_1269] {strides = array<i32>} : memref<40x256xf32, #tpu.memory_space<vmem>>, vector<1x16xf32>,
        %get3A_1271 = vector.shape_cast %get3A_1270 : vector<1x16xf32> to vector<16xf32>
        %add3A_1272 = arith.addf %add3A_1267, %get3A_1271 : vector<16xf32>
        %swap3A_1273 = arith.index_cast %scan3A_1160 : i32 to index
        %swap3A_1274 = arith.constant 48 : index
        %swap3A_1275 = tpu.vector_load %arg18[%swap3A_1273, %swap3A_1274] {strides = array<i32>} : memref<40x256xf32, #tpu.memory_space<vmem>>, vector<1x16xf32>,
        %swap3A_1276 = vector.shape_cast %swap3A_1275 : vector<1x16xf32> to vector<16xf32>
        %swap3A_1277 = vector.shape_cast %add3A_1272 : vector<16xf32> to vector<1x16xf32>
        tpu.vector_store %arg18[%swap3A_1273, %swap3A_1274], %swap3A_1277 {strides = array<i32>} : memref<40x256xf32, #tpu.memory_space<vmem>>, vector<1x16xf32>,
        %add3A_1278 = arith.addf %scan3A_1164, %add3A_1272 : vector<16xf32>
        %mul3A_1279 = arith.mulf %add3A_1272, %add3A_1272 : vector<16xf32>
        %add3A_1280 = arith.addf %scan3A_1180, %mul3A_1279 : vector<16xf32>
        %get3A_1281 = arith.index_cast %scan3A_1160 : i32 to index
        %get3A_1282 = arith.constant 64 : index
        %get3A_1283 = tpu.vector_load %arg15[%get3A_1281, %get3A_1282] {strides = array<i32>} : memref<40x256xf32, #tpu.memory_space<vmem>>, vector<1x16xf32>,
        %get3A_1284 = vector.shape_cast %get3A_1283 : vector<1x16xf32> to vector<16xf32>
        %get3A_1285 = arith.index_cast %scan3A_1160 : i32 to index
        %get3A_1286 = arith.constant 64 : index
        %get3A_1287 = tpu.vector_load %arg16[%get3A_1285, %get3A_1286] {strides = array<i32>} : memref<40x256xf32, #tpu.memory_space<vmem>>, vector<1x16xf32>,
        %get3A_1288 = vector.shape_cast %get3A_1287 : vector<1x16xf32> to vector<16xf32>
        %add3A_1289 = arith.addf %get3A_1284, %get3A_1288 : vector<16xf32>
        %get3A_1290 = arith.index_cast %scan3A_1160 : i32 to index
        %get3A_1291 = arith.constant 64 : index
        %get3A_1292 = tpu.vector_load %arg17[%get3A_1290, %get3A_1291] {strides = array<i32>} : memref<40x256xf32, #tpu.memory_space<vmem>>, vector<1x16xf32>,
        %get3A_1293 = vector.shape_cast %get3A_1292 : vector<1x16xf32> to vector<16xf32>
        %add3A_1294 = arith.addf %add3A_1289, %get3A_1293 : vector<16xf32>
        %swap3A_1295 = arith.index_cast %scan3A_1160 : i32 to index
        %swap3A_1296 = arith.constant 64 : index
        %swap3A_1297 = tpu.vector_load %arg18[%swap3A_1295, %swap3A_1296] {strides = array<i32>} : memref<40x256xf32, #tpu.memory_space<vmem>>, vector<1x16xf32>,
        %swap3A_1298 = vector.shape_cast %swap3A_1297 : vector<1x16xf32> to vector<16xf32>
        %swap3A_1299 = vector.shape_cast %add3A_1294 : vector<16xf32> to vector<1x16xf32>
        tpu.vector_store %arg18[%swap3A_1295, %swap3A_1296], %swap3A_1299 {strides = array<i32>} : memref<40x256xf32, #tpu.memory_space<vmem>>, vector<1x16xf32>,
        %add3A_1300 = arith.addf %scan3A_1165, %add3A_1294 : vector<16xf32>
        %mul3A_1301 = arith.mulf %add3A_1294, %add3A_1294 : vector<16xf32>
        %add3A_1302 = arith.addf %scan3A_1181, %mul3A_1301 : vector<16xf32>
        %get3A_1303 = arith.index_cast %scan3A_1160 : i32 to index
        %get3A_1304 = arith.constant 80 : index
        %get3A_1305 = tpu.vector_load %arg15[%get3A_1303, %get3A_1304] {strides = array<i32>} : memref<40x256xf32, #tpu.memory_space<vmem>>, vector<1x16xf32>,
        %get3A_1306 = vector.shape_cast %get3A_1305 : vector<1x16xf32> to vector<16xf32>
        %get3A_1307 = arith.index_cast %scan3A_1160 : i32 to index
        %get3A_1308 = arith.constant 80 : index
        %get3A_1309 = tpu.vector_load %arg16[%get3A_1307, %get3A_1308] {strides = array<i32>} : memref<40x256xf32, #tpu.memory_space<vmem>>, vector<1x16xf32>,
        %get3A_1310 = vector.shape_cast %get3A_1309 : vector<1x16xf32> to vector<16xf32>
        %add3A_1311 = arith.addf %get3A_1306, %get3A_1310 : vector<16xf32>
        %get3A_1312 = arith.index_cast %scan3A_1160 : i32 to index
        %get3A_1313 = arith.constant 80 : index
        %get3A_1314 = tpu.vector_load %arg17[%get3A_1312, %get3A_1313] {strides = array<i32>} : memref<40x256xf32, #tpu.memory_space<vmem>>, vector<1x16xf32>,
        %get3A_1315 = vector.shape_cast %get3A_1314 : vector<1x16xf32> to vector<16xf32>
        %add3A_1316 = arith.addf %add3A_1311, %get3A_1315 : vector<16xf32>
        %swap3A_1317 = arith.index_cast %scan3A_1160 : i32 to index
        %swap3A_1318 = arith.constant 80 : index
        %swap3A_1319 = tpu.vector_load %arg18[%swap3A_1317, %swap3A_1318] {strides = array<i32>} : memref<40x256xf32, #tpu.memory_space<vmem>>, vector<1x16xf32>,
        %swap3A_1320 = vector.shape_cast %swap3A_1319 : vector<1x16xf32> to vector<16xf32>
        %swap3A_1321 = vector.shape_cast %add3A_1316 : vector<16xf32> to vector<1x16xf32>
        tpu.vector_store %arg18[%swap3A_1317, %swap3A_1318], %swap3A_1321 {strides = array<i32>} : memref<40x256xf32, #tpu.memory_space<vmem>>, vector<1x16xf32>,
        %add3A_1322 = arith.addf %scan3A_1166, %add3A_1316 : vector<16xf32>
        %mul3A_1323 = arith.mulf %add3A_1316, %add3A_1316 : vector<16xf32>
        %add3A_1324 = arith.addf %scan3A_1182, %mul3A_1323 : vector<16xf32>
        %get3A_1325 = arith.index_cast %scan3A_1160 : i32 to index
        %get3A_1326 = arith.constant 96 : index
        %get3A_1327 = tpu.vector_load %arg15[%get3A_1325, %get3A_1326] {strides = array<i32>} : memref<40x256xf32, #tpu.memory_space<vmem>>, vector<1x16xf32>,
        %get3A_1328 = vector.shape_cast %get3A_1327 : vector<1x16xf32> to vector<16xf32>
        %get3A_1329 = arith.index_cast %scan3A_1160 : i32 to index
        %get3A_1330 = arith.constant 96 : index
        %get3A_1331 = tpu.vector_load %arg16[%get3A_1329, %get3A_1330] {strides = array<i32>} : memref<40x256xf32, #tpu.memory_space<vmem>>, vector<1x16xf32>,
        %get3A_1332 = vector.shape_cast %get3A_1331 : vector<1x16xf32> to vector<16xf32>
        %add3A_1333 = arith.addf %get3A_1328, %get3A_1332 : vector<16xf32>
        %get3A_1334 = arith.index_cast %scan3A_1160 : i32 to index
        %get3A_1335 = arith.constant 96 : index
        %get3A_1336 = tpu.vector_load %arg17[%get3A_1334, %get3A_1335] {strides = array<i32>} : memref<40x256xf32, #tpu.memory_space<vmem>>, vector<1x16xf32>,
        %get3A_1337 = vector.shape_cast %get3A_1336 : vector<1x16xf32> to vector<16xf32>
        %add3A_1338 = arith.addf %add3A_1333, %get3A_1337 : vector<16xf32>
        %swap3A_1339 = arith.index_cast %scan3A_1160 : i32 to index
        %swap3A_1340 = arith.constant 96 : index
        %swap3A_1341 = tpu.vector_load %arg18[%swap3A_1339, %swap3A_1340] {strides = array<i32>} : memref<40x256xf32, #tpu.memory_space<vmem>>, vector<1x16xf32>,
        %swap3A_1342 = vector.shape_cast %swap3A_1341 : vector<1x16xf32> to vector<16xf32>
        %swap3A_1343 = vector.shape_cast %add3A_1338 : vector<16xf32> to vector<1x16xf32>
        tpu.vector_store %arg18[%swap3A_1339, %swap3A_1340], %swap3A_1343 {strides = array<i32>} : memref<40x256xf32, #tpu.memory_space<vmem>>, vector<1x16xf32>,
        %add3A_1344 = arith.addf %scan3A_1167, %add3A_1338 : vector<16xf32>
        %mul3A_1345 = arith.mulf %add3A_1338, %add3A_1338 : vector<16xf32>
        %add3A_1346 = arith.addf %scan3A_1183, %mul3A_1345 : vector<16xf32>
        %get3A_1347 = arith.index_cast %scan3A_1160 : i32 to index
        %get3A_1348 = arith.constant 112 : index
        %get3A_1349 = tpu.vector_load %arg15[%get3A_1347, %get3A_1348] {strides = array<i32>} : memref<40x256xf32, #tpu.memory_space<vmem>>, vector<1x16xf32>,
        %get3A_1350 = vector.shape_cast %get3A_1349 : vector<1x16xf32> to vector<16xf32>
        %get3A_1351 = arith.index_cast %scan3A_1160 : i32 to index
        %get3A_1352 = arith.constant 112 : index
        %get3A_1353 = tpu.vector_load %arg16[%get3A_1351, %get3A_1352] {strides = array<i32>} : memref<40x256xf32, #tpu.memory_space<vmem>>, vector<1x16xf32>,
        %get3A_1354 = vector.shape_cast %get3A_1353 : vector<1x16xf32> to vector<16xf32>
        %add3A_1355 = arith.addf %get3A_1350, %get3A_1354 : vector<16xf32>
        %get3A_1356 = arith.index_cast %scan3A_1160 : i32 to index
        %get3A_1357 = arith.constant 112 : index
        %get3A_1358 = tpu.vector_load %arg17[%get3A_1356, %get3A_1357] {strides = array<i32>} : memref<40x256xf32, #tpu.memory_space<vmem>>, vector<1x16xf32>,
        %get3A_1359 = vector.shape_cast %get3A_1358 : vector<1x16xf32> to vector<16xf32>
        %add3A_1360 = arith.addf %add3A_1355, %get3A_1359 : vector<16xf32>
        %swap3A_1361 = arith.index_cast %scan3A_1160 : i32 to index
        %swap3A_1362 = arith.constant 112 : index
        %swap3A_1363 = tpu.vector_load %arg18[%swap3A_1361, %swap3A_1362] {strides = array<i32>} : memref<40x256xf32, #tpu.memory_space<vmem>>, vector<1x16xf32>,
        %swap3A_1364 = vector.shape_cast %swap3A_1363 : vector<1x16xf32> to vector<16xf32>
        %swap3A_1365 = vector.shape_cast %add3A_1360 : vector<16xf32> to vector<1x16xf32>
        tpu.vector_store %arg18[%swap3A_1361, %swap3A_1362], %swap3A_1365 {strides = array<i32>} : memref<40x256xf32, #tpu.memory_space<vmem>>, vector<1x16xf32>,
        %add3A_1366 = arith.addf %scan3A_1168, %add3A_1360 : vector<16xf32>
        %mul3A_1367 = arith.mulf %add3A_1360, %add3A_1360 : vector<16xf32>
        %add3A_1368 = arith.addf %scan3A_1184, %mul3A_1367 : vector<16xf32>
        %get3A_1369 = arith.index_cast %scan3A_1160 : i32 to index
        %get3A_1370 = arith.constant 128 : index
        %get3A_1371 = tpu.vector_load %arg15[%get3A_1369, %get3A_1370] {strides = array<i32>} : memref<40x256xf32, #tpu.memory_space<vmem>>, vector<1x16xf32>,
        %get3A_1372 = vector.shape_cast %get3A_1371 : vector<1x16xf32> to vector<16xf32>
        %get3A_1373 = arith.index_cast %scan3A_1160 : i32 to index
        %get3A_1374 = arith.constant 128 : index
        %get3A_1375 = tpu.vector_load %arg16[%get3A_1373, %get3A_1374] {strides = array<i32>} : memref<40x256xf32, #tpu.memory_space<vmem>>, vector<1x16xf32>,
        %get3A_1376 = vector.shape_cast %get3A_1375 : vector<1x16xf32> to vector<16xf32>
        %add3A_1377 = arith.addf %get3A_1372, %get3A_1376 : vector<16xf32>
        %get3A_1378 = arith.index_cast %scan3A_1160 : i32 to index
        %get3A_1379 = arith.constant 128 : index
        %get3A_1380 = tpu.vector_load %arg17[%get3A_1378, %get3A_1379] {strides = array<i32>} : memref<40x256xf32, #tpu.memory_space<vmem>>, vector<1x16xf32>,
        %get3A_1381 = vector.shape_cast %get3A_1380 : vector<1x16xf32> to vector<16xf32>
        %add3A_1382 = arith.addf %add3A_1377, %get3A_1381 : vector<16xf32>
        %swap3A_1383 = arith.index_cast %scan3A_1160 : i32 to index
        %swap3A_1384 = arith.constant 128 : index
        %swap3A_1385 = tpu.vector_load %arg18[%swap3A_1383, %swap3A_1384] {strides = array<i32>} : memref<40x256xf32, #tpu.memory_space<vmem>>, vector<1x16xf32>,
        %swap3A_1386 = vector.shape_cast %swap3A_1385 : vector<1x16xf32> to vector<16xf32>
        %swap3A_1387 = vector.shape_cast %add3A_1382 : vector<16xf32> to vector<1x16xf32>
        tpu.vector_store %arg18[%swap3A_1383, %swap3A_1384], %swap3A_1387 {strides = array<i32>} : memref<40x256xf32, #tpu.memory_space<vmem>>, vector<1x16xf32>,
        %add3A_1388 = arith.addf %scan3A_1169, %add3A_1382 : vector<16xf32>
        %mul3A_1389 = arith.mulf %add3A_1382, %add3A_1382 : vector<16xf32>
        %add3A_1390 = arith.addf %scan3A_1185, %mul3A_1389 : vector<16xf32>
        %get3A_1391 = arith.index_cast %scan3A_1160 : i32 to index
        %get3A_1392 = arith.constant 144 : index
        %get3A_1393 = tpu.vector_load %arg15[%get3A_1391, %get3A_1392] {strides = array<i32>} : memref<40x256xf32, #tpu.memory_space<vmem>>, vector<1x16xf32>,
        %get3A_1394 = vector.shape_cast %get3A_1393 : vector<1x16xf32> to vector<16xf32>
        %get3A_1395 = arith.index_cast %scan3A_1160 : i32 to index
        %get3A_1396 = arith.constant 144 : index
        %get3A_1397 = tpu.vector_load %arg16[%get3A_1395, %get3A_1396] {strides = array<i32>} : memref<40x256xf32, #tpu.memory_space<vmem>>, vector<1x16xf32>,
        %get3A_1398 = vector.shape_cast %get3A_1397 : vector<1x16xf32> to vector<16xf32>
        %add3A_1399 = arith.addf %get3A_1394, %get3A_1398 : vector<16xf32>
        %get3A_1400 = arith.index_cast %scan3A_1160 : i32 to index
        %get3A_1401 = arith.constant 144 : index
        %get3A_1402 = tpu.vector_load %arg17[%get3A_1400, %get3A_1401] {strides = array<i32>} : memref<40x256xf32, #tpu.memory_space<vmem>>, vector<1x16xf32>,
        %get3A_1403 = vector.shape_cast %get3A_1402 : vector<1x16xf32> to vector<16xf32>
        %add3A_1404 = arith.addf %add3A_1399, %get3A_1403 : vector<16xf32>
        %swap3A_1405 = arith.index_cast %scan3A_1160 : i32 to index
        %swap3A_1406 = arith.constant 144 : index
        %swap3A_1407 = tpu.vector_load %arg18[%swap3A_1405, %swap3A_1406] {strides = array<i32>} : memref<40x256xf32, #tpu.memory_space<vmem>>, vector<1x16xf32>,
        %swap3A_1408 = vector.shape_cast %swap3A_1407 : vector<1x16xf32> to vector<16xf32>
        %swap3A_1409 = vector.shape_cast %add3A_1404 : vector<16xf32> to vector<1x16xf32>
        tpu.vector_store %arg18[%swap3A_1405, %swap3A_1406], %swap3A_1409 {strides = array<i32>} : memref<40x256xf32, #tpu.memory_space<vmem>>, vector<1x16xf32>,
        %add3A_1410 = arith.addf %scan3A_1170, %add3A_1404 : vector<16xf32>
        %mul3A_1411 = arith.mulf %add3A_1404, %add3A_1404 : vector<16xf32>
        %add3A_1412 = arith.addf %scan3A_1186, %mul3A_1411 : vector<16xf32>
        %get3A_1413 = arith.index_cast %scan3A_1160 : i32 to index
        %get3A_1414 = arith.constant 160 : index
        %get3A_1415 = tpu.vector_load %arg15[%get3A_1413, %get3A_1414] {strides = array<i32>} : memref<40x256xf32, #tpu.memory_space<vmem>>, vector<1x16xf32>,
        %get3A_1416 = vector.shape_cast %get3A_1415 : vector<1x16xf32> to vector<16xf32>
        %get3A_1417 = arith.index_cast %scan3A_1160 : i32 to index
        %get3A_1418 = arith.constant 160 : index
        %get3A_1419 = tpu.vector_load %arg16[%get3A_1417, %get3A_1418] {strides = array<i32>} : memref<40x256xf32, #tpu.memory_space<vmem>>, vector<1x16xf32>,
        %get3A_1420 = vector.shape_cast %get3A_1419 : vector<1x16xf32> to vector<16xf32>
        %add3A_1421 = arith.addf %get3A_1416, %get3A_1420 : vector<16xf32>
        %get3A_1422 = arith.index_cast %scan3A_1160 : i32 to index
        %get3A_1423 = arith.constant 160 : index
        %get3A_1424 = tpu.vector_load %arg17[%get3A_1422, %get3A_1423] {strides = array<i32>} : memref<40x256xf32, #tpu.memory_space<vmem>>, vector<1x16xf32>,
        %get3A_1425 = vector.shape_cast %get3A_1424 : vector<1x16xf32> to vector<16xf32>
        %add3A_1426 = arith.addf %add3A_1421, %get3A_1425 : vector<16xf32>
        %swap3A_1427 = arith.index_cast %scan3A_1160 : i32 to index
        %swap3A_1428 = arith.constant 160 : index
        %swap3A_1429 = tpu.vector_load %arg18[%swap3A_1427, %swap3A_1428] {strides = array<i32>} : memref<40x256xf32, #tpu.memory_space<vmem>>, vector<1x16xf32>,
        %swap3A_1430 = vector.shape_cast %swap3A_1429 : vector<1x16xf32> to vector<16xf32>
        %swap3A_1431 = vector.shape_cast %add3A_1426 : vector<16xf32> to vector<1x16xf32>
        tpu.vector_store %arg18[%swap3A_1427, %swap3A_1428], %swap3A_1431 {strides = array<i32>} : memref<40x256xf32, #tpu.memory_space<vmem>>, vector<1x16xf32>,
        %add3A_1432 = arith.addf %scan3A_1171, %add3A_1426 : vector<16xf32>
        %mul3A_1433 = arith.mulf %add3A_1426, %add3A_1426 : vector<16xf32>
        %add3A_1434 = arith.addf %scan3A_1187, %mul3A_1433 : vector<16xf32>
        %get3A_1435 = arith.index_cast %scan3A_1160 : i32 to index
        %get3A_1436 = arith.constant 176 : index
        %get3A_1437 = tpu.vector_load %arg15[%get3A_1435, %get3A_1436] {strides = array<i32>} : memref<40x256xf32, #tpu.memory_space<vmem>>, vector<1x16xf32>,
        %get3A_1438 = vector.shape_cast %get3A_1437 : vector<1x16xf32> to vector<16xf32>
        %get3A_1439 = arith.index_cast %scan3A_1160 : i32 to index
        %get3A_1440 = arith.constant 176 : index
        %get3A_1441 = tpu.vector_load %arg16[%get3A_1439, %get3A_1440] {strides = array<i32>} : memref<40x256xf32, #tpu.memory_space<vmem>>, vector<1x16xf32>,
        %get3A_1442 = vector.shape_cast %get3A_1441 : vector<1x16xf32> to vector<16xf32>
        %add3A_1443 = arith.addf %get3A_1438, %get3A_1442 : vector<16xf32>
        %get3A_1444 = arith.index_cast %scan3A_1160 : i32 to index
        %get3A_1445 = arith.constant 176 : index
        %get3A_1446 = tpu.vector_load %arg17[%get3A_1444, %get3A_1445] {strides = array<i32>} : memref<40x256xf32, #tpu.memory_space<vmem>>, vector<1x16xf32>,
        %get3A_1447 = vector.shape_cast %get3A_1446 : vector<1x16xf32> to vector<16xf32>
        %add3A_1448 = arith.addf %add3A_1443, %get3A_1447 : vector<16xf32>
        %swap3A_1449 = arith.index_cast %scan3A_1160 : i32 to index
        %swap3A_1450 = arith.constant 176 : index
        %swap3A_1451 = tpu.vector_load %arg18[%swap3A_1449, %swap3A_1450] {strides = array<i32>} : memref<40x256xf32, #tpu.memory_space<vmem>>, vector<1x16xf32>,
        %swap3A_1452 = vector.shape_cast %swap3A_1451 : vector<1x16xf32> to vector<16xf32>
        %swap3A_1453 = vector.shape_cast %add3A_1448 : vector<16xf32> to vector<1x16xf32>
        tpu.vector_store %arg18[%swap3A_1449, %swap3A_1450], %swap3A_1453 {strides = array<i32>} : memref<40x256xf32, #tpu.memory_space<vmem>>, vector<1x16xf32>,
        %add3A_1454 = arith.addf %scan3A_1172, %add3A_1448 : vector<16xf32>
        %mul3A_1455 = arith.mulf %add3A_1448, %add3A_1448 : vector<16xf32>
        %add3A_1456 = arith.addf %scan3A_1188, %mul3A_1455 : vector<16xf32>
        %get3A_1457 = arith.index_cast %scan3A_1160 : i32 to index
        %get3A_1458 = arith.constant 192 : index
        %get3A_1459 = tpu.vector_load %arg15[%get3A_1457, %get3A_1458] {strides = array<i32>} : memref<40x256xf32, #tpu.memory_space<vmem>>, vector<1x16xf32>,
        %get3A_1460 = vector.shape_cast %get3A_1459 : vector<1x16xf32> to vector<16xf32>
        %get3A_1461 = arith.index_cast %scan3A_1160 : i32 to index
        %get3A_1462 = arith.constant 192 : index
        %get3A_1463 = tpu.vector_load %arg16[%get3A_1461, %get3A_1462] {strides = array<i32>} : memref<40x256xf32, #tpu.memory_space<vmem>>, vector<1x16xf32>,
        %get3A_1464 = vector.shape_cast %get3A_1463 : vector<1x16xf32> to vector<16xf32>
        %add3A_1465 = arith.addf %get3A_1460, %get3A_1464 : vector<16xf32>
        %get3A_1466 = arith.index_cast %scan3A_1160 : i32 to index
        %get3A_1467 = arith.constant 192 : index
        %get3A_1468 = tpu.vector_load %arg17[%get3A_1466, %get3A_1467] {strides = array<i32>} : memref<40x256xf32, #tpu.memory_space<vmem>>, vector<1x16xf32>,
        %get3A_1469 = vector.shape_cast %get3A_1468 : vector<1x16xf32> to vector<16xf32>
        %add3A_1470 = arith.addf %add3A_1465, %get3A_1469 : vector<16xf32>
        %swap3A_1471 = arith.index_cast %scan3A_1160 : i32 to index
        %swap3A_1472 = arith.constant 192 : index
        %swap3A_1473 = tpu.vector_load %arg18[%swap3A_1471, %swap3A_1472] {strides = array<i32>} : memref<40x256xf32, #tpu.memory_space<vmem>>, vector<1x16xf32>,
        %swap3A_1474 = vector.shape_cast %swap3A_1473 : vector<1x16xf32> to vector<16xf32>
        %swap3A_1475 = vector.shape_cast %add3A_1470 : vector<16xf32> to vector<1x16xf32>
        tpu.vector_store %arg18[%swap3A_1471, %swap3A_1472], %swap3A_1475 {strides = array<i32>} : memref<40x256xf32, #tpu.memory_space<vmem>>, vector<1x16xf32>,
        %add3A_1476 = arith.addf %scan3A_1173, %add3A_1470 : vector<16xf32>
        %mul3A_1477 = arith.mulf %add3A_1470, %add3A_1470 : vector<16xf32>
        %add3A_1478 = arith.addf %scan3A_1189, %mul3A_1477 : vector<16xf32>
        %get3A_1479 = arith.index_cast %scan3A_1160 : i32 to index
        %get3A_1480 = arith.constant 208 : index
        %get3A_1481 = tpu.vector_load %arg15[%get3A_1479, %get3A_1480] {strides = array<i32>} : memref<40x256xf32, #tpu.memory_space<vmem>>, vector<1x16xf32>,
        %get3A_1482 = vector.shape_cast %get3A_1481 : vector<1x16xf32> to vector<16xf32>
        %get3A_1483 = arith.index_cast %scan3A_1160 : i32 to index
        %get3A_1484 = arith.constant 208 : index
        %get3A_1485 = tpu.vector_load %arg16[%get3A_1483, %get3A_1484] {strides = array<i32>} : memref<40x256xf32, #tpu.memory_space<vmem>>, vector<1x16xf32>,
        %get3A_1486 = vector.shape_cast %get3A_1485 : vector<1x16xf32> to vector<16xf32>
        %add3A_1487 = arith.addf %get3A_1482, %get3A_1486 : vector<16xf32>
        %get3A_1488 = arith.index_cast %scan3A_1160 : i32 to index
        %get3A_1489 = arith.constant 208 : index
        %get3A_1490 = tpu.vector_load %arg17[%get3A_1488, %get3A_1489] {strides = array<i32>} : memref<40x256xf32, #tpu.memory_space<vmem>>, vector<1x16xf32>,
        %get3A_1491 = vector.shape_cast %get3A_1490 : vector<1x16xf32> to vector<16xf32>
        %add3A_1492 = arith.addf %add3A_1487, %get3A_1491 : vector<16xf32>
        %swap3A_1493 = arith.index_cast %scan3A_1160 : i32 to index
        %swap3A_1494 = arith.constant 208 : index
        %swap3A_1495 = tpu.vector_load %arg18[%swap3A_1493, %swap3A_1494] {strides = array<i32>} : memref<40x256xf32, #tpu.memory_space<vmem>>, vector<1x16xf32>,
        %swap3A_1496 = vector.shape_cast %swap3A_1495 : vector<1x16xf32> to vector<16xf32>
        %swap3A_1497 = vector.shape_cast %add3A_1492 : vector<16xf32> to vector<1x16xf32>
        tpu.vector_store %arg18[%swap3A_1493, %swap3A_1494], %swap3A_1497 {strides = array<i32>} : memref<40x256xf32, #tpu.memory_space<vmem>>, vector<1x16xf32>,
        %add3A_1498 = arith.addf %scan3A_1174, %add3A_1492 : vector<16xf32>
        %mul3A_1499 = arith.mulf %add3A_1492, %add3A_1492 : vector<16xf32>
        %add3A_1500 = arith.addf %scan3A_1190, %mul3A_1499 : vector<16xf32>
        %get3A_1501 = arith.index_cast %scan3A_1160 : i32 to index
        %get3A_1502 = arith.constant 224 : index
        %get3A_1503 = tpu.vector_load %arg15[%get3A_1501, %get3A_1502] {strides = array<i32>} : memref<40x256xf32, #tpu.memory_space<vmem>>, vector<1x16xf32>,
        %get3A_1504 = vector.shape_cast %get3A_1503 : vector<1x16xf32> to vector<16xf32>
        %get3A_1505 = arith.index_cast %scan3A_1160 : i32 to index
        %get3A_1506 = arith.constant 224 : index
        %get3A_1507 = tpu.vector_load %arg16[%get3A_1505, %get3A_1506] {strides = array<i32>} : memref<40x256xf32, #tpu.memory_space<vmem>>, vector<1x16xf32>,
        %get3A_1508 = vector.shape_cast %get3A_1507 : vector<1x16xf32> to vector<16xf32>
        %add3A_1509 = arith.addf %get3A_1504, %get3A_1508 : vector<16xf32>
        %get3A_1510 = arith.index_cast %scan3A_1160 : i32 to index
        %get3A_1511 = arith.constant 224 : index
        %get3A_1512 = tpu.vector_load %arg17[%get3A_1510, %get3A_1511] {strides = array<i32>} : memref<40x256xf32, #tpu.memory_space<vmem>>, vector<1x16xf32>,
        %get3A_1513 = vector.shape_cast %get3A_1512 : vector<1x16xf32> to vector<16xf32>
        %add3A_1514 = arith.addf %add3A_1509, %get3A_1513 : vector<16xf32>
        %swap3A_1515 = arith.index_cast %scan3A_1160 : i32 to index
        %swap3A_1516 = arith.constant 224 : index
        %swap3A_1517 = tpu.vector_load %arg18[%swap3A_1515, %swap3A_1516] {strides = array<i32>} : memref<40x256xf32, #tpu.memory_space<vmem>>, vector<1x16xf32>,
        %swap3A_1518 = vector.shape_cast %swap3A_1517 : vector<1x16xf32> to vector<16xf32>
        %swap3A_1519 = vector.shape_cast %add3A_1514 : vector<16xf32> to vector<1x16xf32>
        tpu.vector_store %arg18[%swap3A_1515, %swap3A_1516], %swap3A_1519 {strides = array<i32>} : memref<40x256xf32, #tpu.memory_space<vmem>>, vector<1x16xf32>,
        %add3A_1520 = arith.addf %scan3A_1175, %add3A_1514 : vector<16xf32>
        %mul3A_1521 = arith.mulf %add3A_1514, %add3A_1514 : vector<16xf32>
        %add3A_1522 = arith.addf %scan3A_1191, %mul3A_1521 : vector<16xf32>
        %get3A_1523 = arith.index_cast %scan3A_1160 : i32 to index
        %get3A_1524 = arith.constant 240 : index
        %get3A_1525 = tpu.vector_load %arg15[%get3A_1523, %get3A_1524] {strides = array<i32>} : memref<40x256xf32, #tpu.memory_space<vmem>>, vector<1x16xf32>,
        %get3A_1526 = vector.shape_cast %get3A_1525 : vector<1x16xf32> to vector<16xf32>
        %get3A_1527 = arith.index_cast %scan3A_1160 : i32 to index
        %get3A_1528 = arith.constant 240 : index
        %get3A_1529 = tpu.vector_load %arg16[%get3A_1527, %get3A_1528] {strides = array<i32>} : memref<40x256xf32, #tpu.memory_space<vmem>>, vector<1x16xf32>,
        %get3A_1530 = vector.shape_cast %get3A_1529 : vector<1x16xf32> to vector<16xf32>
        %add3A_1531 = arith.addf %get3A_1526, %get3A_1530 : vector<16xf32>
        %get3A_1532 = arith.index_cast %scan3A_1160 : i32 to index
        %get3A_1533 = arith.constant 240 : index
        %get3A_1534 = tpu.vector_load %arg17[%get3A_1532, %get3A_1533] {strides = array<i32>} : memref<40x256xf32, #tpu.memory_space<vmem>>, vector<1x16xf32>,
        %get3A_1535 = vector.shape_cast %get3A_1534 : vector<1x16xf32> to vector<16xf32>
        %add3A_1536 = arith.addf %add3A_1531, %get3A_1535 : vector<16xf32>
        %swap3A_1537 = arith.index_cast %scan3A_1160 : i32 to index
        %swap3A_1538 = arith.constant 240 : index
        %swap3A_1539 = tpu.vector_load %arg18[%swap3A_1537, %swap3A_1538] {strides = array<i32>} : memref<40x256xf32, #tpu.memory_space<vmem>>, vector<1x16xf32>,
        %swap3A_1540 = vector.shape_cast %swap3A_1539 : vector<1x16xf32> to vector<16xf32>
        %swap3A_1541 = vector.shape_cast %add3A_1536 : vector<16xf32> to vector<1x16xf32>
        tpu.vector_store %arg18[%swap3A_1537, %swap3A_1538], %swap3A_1541 {strides = array<i32>} : memref<40x256xf32, #tpu.memory_space<vmem>>, vector<1x16xf32>,
        %add3A_1542 = arith.addf %scan3A_1176, %add3A_1536 : vector<16xf32>
        %mul3A_1543 = arith.mulf %add3A_1536, %add3A_1536 : vector<16xf32>
        %add3A_1544 = arith.addf %scan3A_1192, %mul3A_1543 : vector<16xf32>
        scf.yield %add3A_1212, %add3A_1234, %add3A_1256, %add3A_1278, %add3A_1300, %add3A_1322, %add3A_1344, %add3A_1366, %add3A_1388, %add3A_1410, %add3A_1432, %add3A_1454, %add3A_1476, %add3A_1498, %add3A_1520, %add3A_1542, %add3A_1214, %add3A_1236, %add3A_1258, %add3A_1280, %add3A_1302, %add3A_1324, %add3A_1346, %add3A_1368, %add3A_1390, %add3A_1412, %add3A_1434, %add3A_1456, %add3A_1478, %add3A_1500, %add3A_1522, %add3A_1544 : vector<16xf32>, vector<16xf32>, vector<16xf32>, vector<16xf32>, vector<16xf32>, vector<16xf32>, vector<16xf32>, vector<16xf32>, vector<16xf32>, vector<16xf32>, vector<16xf32>, vector<16xf32>, vector<16xf32>, vector<16xf32>, vector<16xf32>, vector<16xf32>, vector<16xf32>, vector<16xf32>, vector<16xf32>, vector<16xf32>, vector<16xf32>, vector<16xf32>, vector<16xf32>, vector<16xf32>, vector<16xf32>, vector<16xf32>, vector<16xf32>, vector<16xf32>, vector<16xf32>, vector<16xf32>, vector<16xf32>, vector<16xf32>
      }
      %scan3A_759 = arith.constant 40 : i32
      %get3A_760 = arith.constant 0 : i32
      %get3A_761 = arith.index_cast %get3A_760 : i32 to index
      %get3A_762 = arith.constant 0 : index
      %get3A_763 = tpu.vector_load %arg19[%get3A_761, %get3A_762] {strides = array<i32>} : memref<2x256xf32, #tpu.memory_space<vmem>>, vector<1x16xf32>,
      %get3A_764 = vector.shape_cast %get3A_763 : vector<1x16xf32> to vector<16xf32>
      %add3A_765 = arith.addf %get3A_764, %scan3A_758#0 : vector<16xf32>
      %swap3A_766 = arith.constant 0 : i32
      %swap3A_767 = arith.index_cast %swap3A_766 : i32 to index
      %swap3A_768 = arith.constant 0 : index
      %swap3A_769 = tpu.vector_load %arg19[%swap3A_767, %swap3A_768] {strides = array<i32>} : memref<2x256xf32, #tpu.memory_space<vmem>>, vector<1x16xf32>,
      %swap3A_770 = vector.shape_cast %swap3A_769 : vector<1x16xf32> to vector<16xf32>
      %swap3A_771 = vector.shape_cast %add3A_765 : vector<16xf32> to vector<1x16xf32>
      tpu.vector_store %arg19[%swap3A_767, %swap3A_768], %swap3A_771 {strides = array<i32>} : memref<2x256xf32, #tpu.memory_space<vmem>>, vector<1x16xf32>,
      %get3A_772 = arith.constant 1 : i32
      %get3A_773 = arith.index_cast %get3A_772 : i32 to index
      %get3A_774 = arith.constant 0 : index
      %get3A_775 = tpu.vector_load %arg19[%get3A_773, %get3A_774] {strides = array<i32>} : memref<2x256xf32, #tpu.memory_space<vmem>>, vector<1x16xf32>,
      %get3A_776 = vector.shape_cast %get3A_775 : vector<1x16xf32> to vector<16xf32>
      %add3A_777 = arith.addf %get3A_776, %scan3A_758#16 : vector<16xf32>
      %swap3A_778 = arith.constant 1 : i32
      %swap3A_779 = arith.index_cast %swap3A_778 : i32 to index
      %swap3A_780 = arith.constant 0 : index
      %swap3A_781 = tpu.vector_load %arg19[%swap3A_779, %swap3A_780] {strides = array<i32>} : memref<2x256xf32, #tpu.memory_space<vmem>>, vector<1x16xf32>,
      %swap3A_782 = vector.shape_cast %swap3A_781 : vector<1x16xf32> to vector<16xf32>
      %swap3A_783 = vector.shape_cast %add3A_777 : vector<16xf32> to vector<1x16xf32>
      tpu.vector_store %arg19[%swap3A_779, %swap3A_780], %swap3A_783 {strides = array<i32>} : memref<2x256xf32, #tpu.memory_space<vmem>>, vector<1x16xf32>,
      %get3A_784 = arith.constant 0 : i32
      %get3A_785 = arith.index_cast %get3A_784 : i32 to index
      %get3A_786 = arith.constant 16 : index
      %get3A_787 = tpu.vector_load %arg19[%get3A_785, %get3A_786] {strides = array<i32>} : memref<2x256xf32, #tpu.memory_space<vmem>>, vector<1x16xf32>,
      %get3A_788 = vector.shape_cast %get3A_787 : vector<1x16xf32> to vector<16xf32>
      %add3A_789 = arith.addf %get3A_788, %scan3A_758#1 : vector<16xf32>
      %swap3A_790 = arith.constant 0 : i32
      %swap3A_791 = arith.index_cast %swap3A_790 : i32 to index
      %swap3A_792 = arith.constant 16 : index
      %swap3A_793 = tpu.vector_load %arg19[%swap3A_791, %swap3A_792] {strides = array<i32>} : memref<2x256xf32, #tpu.memory_space<vmem>>, vector<1x16xf32>,
      %swap3A_794 = vector.shape_cast %swap3A_793 : vector<1x16xf32> to vector<16xf32>
      %swap3A_795 = vector.shape_cast %add3A_789 : vector<16xf32> to vector<1x16xf32>
      tpu.vector_store %arg19[%swap3A_791, %swap3A_792], %swap3A_795 {strides = array<i32>} : memref<2x256xf32, #tpu.memory_space<vmem>>, vector<1x16xf32>,
      %get3A_796 = arith.constant 1 : i32
      %get3A_797 = arith.index_cast %get3A_796 : i32 to index
      %get3A_798 = arith.constant 16 : index
      %get3A_799 = tpu.vector_load %arg19[%get3A_797, %get3A_798] {strides = array<i32>} : memref<2x256xf32, #tpu.memory_space<vmem>>, vector<1x16xf32>,
      %get3A_800 = vector.shape_cast %get3A_799 : vector<1x16xf32> to vector<16xf32>
      %add3A_801 = arith.addf %get3A_800, %scan3A_758#17 : vector<16xf32>
      %swap3A_802 = arith.constant 1 : i32
      %swap3A_803 = arith.index_cast %swap3A_802 : i32 to index
      %swap3A_804 = arith.constant 16 : index
      %swap3A_805 = tpu.vector_load %arg19[%swap3A_803, %swap3A_804] {strides = array<i32>} : memref<2x256xf32, #tpu.memory_space<vmem>>, vector<1x16xf32>,
      %swap3A_806 = vector.shape_cast %swap3A_805 : vector<1x16xf32> to vector<16xf32>
      %swap3A_807 = vector.shape_cast %add3A_801 : vector<16xf32> to vector<1x16xf32>
      tpu.vector_store %arg19[%swap3A_803, %swap3A_804], %swap3A_807 {strides = array<i32>} : memref<2x256xf32, #tpu.memory_space<vmem>>, vector<1x16xf32>,
      %get3A_808 = arith.constant 0 : i32
      %get3A_809 = arith.index_cast %get3A_808 : i32 to index
      %get3A_810 = arith.constant 32 : index
      %get3A_811 = tpu.vector_load %arg19[%get3A_809, %get3A_810] {strides = array<i32>} : memref<2x256xf32, #tpu.memory_space<vmem>>, vector<1x16xf32>,
      %get3A_812 = vector.shape_cast %get3A_811 : vector<1x16xf32> to vector<16xf32>
      %add3A_813 = arith.addf %get3A_812, %scan3A_758#2 : vector<16xf32>
      %swap3A_814 = arith.constant 0 : i32
      %swap3A_815 = arith.index_cast %swap3A_814 : i32 to index
      %swap3A_816 = arith.constant 32 : index
      %swap3A_817 = tpu.vector_load %arg19[%swap3A_815, %swap3A_816] {strides = array<i32>} : memref<2x256xf32, #tpu.memory_space<vmem>>, vector<1x16xf32>,
      %swap3A_818 = vector.shape_cast %swap3A_817 : vector<1x16xf32> to vector<16xf32>
      %swap3A_819 = vector.shape_cast %add3A_813 : vector<16xf32> to vector<1x16xf32>
      tpu.vector_store %arg19[%swap3A_815, %swap3A_816], %swap3A_819 {strides = array<i32>} : memref<2x256xf32, #tpu.memory_space<vmem>>, vector<1x16xf32>,
      %get3A_820 = arith.constant 1 : i32
      %get3A_821 = arith.index_cast %get3A_820 : i32 to index
      %get3A_822 = arith.constant 32 : index
      %get3A_823 = tpu.vector_load %arg19[%get3A_821, %get3A_822] {strides = array<i32>} : memref<2x256xf32, #tpu.memory_space<vmem>>, vector<1x16xf32>,
      %get3A_824 = vector.shape_cast %get3A_823 : vector<1x16xf32> to vector<16xf32>
      %add3A_825 = arith.addf %get3A_824, %scan3A_758#18 : vector<16xf32>
      %swap3A_826 = arith.constant 1 : i32
      %swap3A_827 = arith.index_cast %swap3A_826 : i32 to index
      %swap3A_828 = arith.constant 32 : index
      %swap3A_829 = tpu.vector_load %arg19[%swap3A_827, %swap3A_828] {strides = array<i32>} : memref<2x256xf32, #tpu.memory_space<vmem>>, vector<1x16xf32>,
      %swap3A_830 = vector.shape_cast %swap3A_829 : vector<1x16xf32> to vector<16xf32>
      %swap3A_831 = vector.shape_cast %add3A_825 : vector<16xf32> to vector<1x16xf32>
      tpu.vector_store %arg19[%swap3A_827, %swap3A_828], %swap3A_831 {strides = array<i32>} : memref<2x256xf32, #tpu.memory_space<vmem>>, vector<1x16xf32>,
      %get3A_832 = arith.constant 0 : i32
      %get3A_833 = arith.index_cast %get3A_832 : i32 to index
      %get3A_834 = arith.constant 48 : index
      %get3A_835 = tpu.vector_load %arg19[%get3A_833, %get3A_834] {strides = array<i32>} : memref<2x256xf32, #tpu.memory_space<vmem>>, vector<1x16xf32>,
      %get3A_836 = vector.shape_cast %get3A_835 : vector<1x16xf32> to vector<16xf32>
      %add3A_837 = arith.addf %get3A_836, %scan3A_758#3 : vector<16xf32>
      %swap3A_838 = arith.constant 0 : i32
      %swap3A_839 = arith.index_cast %swap3A_838 : i32 to index
      %swap3A_840 = arith.constant 48 : index
      %swap3A_841 = tpu.vector_load %arg19[%swap3A_839, %swap3A_840] {strides = array<i32>} : memref<2x256xf32, #tpu.memory_space<vmem>>, vector<1x16xf32>,
      %swap3A_842 = vector.shape_cast %swap3A_841 : vector<1x16xf32> to vector<16xf32>
      %swap3A_843 = vector.shape_cast %add3A_837 : vector<16xf32> to vector<1x16xf32>
      tpu.vector_store %arg19[%swap3A_839, %swap3A_840], %swap3A_843 {strides = array<i32>} : memref<2x256xf32, #tpu.memory_space<vmem>>, vector<1x16xf32>,
      %get3A_844 = arith.constant 1 : i32
      %get3A_845 = arith.index_cast %get3A_844 : i32 to index
      %get3A_846 = arith.constant 48 : index
      %get3A_847 = tpu.vector_load %arg19[%get3A_845, %get3A_846] {strides = array<i32>} : memref<2x256xf32, #tpu.memory_space<vmem>>, vector<1x16xf32>,
      %get3A_848 = vector.shape_cast %get3A_847 : vector<1x16xf32> to vector<16xf32>
      %add3A_849 = arith.addf %get3A_848, %scan3A_758#19 : vector<16xf32>
      %swap3A_850 = arith.constant 1 : i32
      %swap3A_851 = arith.index_cast %swap3A_850 : i32 to index
      %swap3A_852 = arith.constant 48 : index
      %swap3A_853 = tpu.vector_load %arg19[%swap3A_851, %swap3A_852] {strides = array<i32>} : memref<2x256xf32, #tpu.memory_space<vmem>>, vector<1x16xf32>,
      %swap3A_854 = vector.shape_cast %swap3A_853 : vector<1x16xf32> to vector<16xf32>
      %swap3A_855 = vector.shape_cast %add3A_849 : vector<16xf32> to vector<1x16xf32>
      tpu.vector_store %arg19[%swap3A_851, %swap3A_852], %swap3A_855 {strides = array<i32>} : memref<2x256xf32, #tpu.memory_space<vmem>>, vector<1x16xf32>,
      %get3A_856 = arith.constant 0 : i32
      %get3A_857 = arith.index_cast %get3A_856 : i32 to index
      %get3A_858 = arith.constant 64 : index
      %get3A_859 = tpu.vector_load %arg19[%get3A_857, %get3A_858] {strides = array<i32>} : memref<2x256xf32, #tpu.memory_space<vmem>>, vector<1x16xf32>,
      %get3A_860 = vector.shape_cast %get3A_859 : vector<1x16xf32> to vector<16xf32>
      %add3A_861 = arith.addf %get3A_860, %scan3A_758#4 : vector<16xf32>
      %swap3A_862 = arith.constant 0 : i32
      %swap3A_863 = arith.index_cast %swap3A_862 : i32 to index
      %swap3A_864 = arith.constant 64 : index
      %swap3A_865 = tpu.vector_load %arg19[%swap3A_863, %swap3A_864] {strides = array<i32>} : memref<2x256xf32, #tpu.memory_space<vmem>>, vector<1x16xf32>,
      %swap3A_866 = vector.shape_cast %swap3A_865 : vector<1x16xf32> to vector<16xf32>
      %swap3A_867 = vector.shape_cast %add3A_861 : vector<16xf32> to vector<1x16xf32>
      tpu.vector_store %arg19[%swap3A_863, %swap3A_864], %swap3A_867 {strides = array<i32>} : memref<2x256xf32, #tpu.memory_space<vmem>>, vector<1x16xf32>,
      %get3A_868 = arith.constant 1 : i32
      %get3A_869 = arith.index_cast %get3A_868 : i32 to index
      %get3A_870 = arith.constant 64 : index
      %get3A_871 = tpu.vector_load %arg19[%get3A_869, %get3A_870] {strides = array<i32>} : memref<2x256xf32, #tpu.memory_space<vmem>>, vector<1x16xf32>,
      %get3A_872 = vector.shape_cast %get3A_871 : vector<1x16xf32> to vector<16xf32>
      %add3A_873 = arith.addf %get3A_872, %scan3A_758#20 : vector<16xf32>
      %swap3A_874 = arith.constant 1 : i32
      %swap3A_875 = arith.index_cast %swap3A_874 : i32 to index
      %swap3A_876 = arith.constant 64 : index
      %swap3A_877 = tpu.vector_load %arg19[%swap3A_875, %swap3A_876] {strides = array<i32>} : memref<2x256xf32, #tpu.memory_space<vmem>>, vector<1x16xf32>,
      %swap3A_878 = vector.shape_cast %swap3A_877 : vector<1x16xf32> to vector<16xf32>
      %swap3A_879 = vector.shape_cast %add3A_873 : vector<16xf32> to vector<1x16xf32>
      tpu.vector_store %arg19[%swap3A_875, %swap3A_876], %swap3A_879 {strides = array<i32>} : memref<2x256xf32, #tpu.memory_space<vmem>>, vector<1x16xf32>,
      %get3A_880 = arith.constant 0 : i32
      %get3A_881 = arith.index_cast %get3A_880 : i32 to index
      %get3A_882 = arith.constant 80 : index
      %get3A_883 = tpu.vector_load %arg19[%get3A_881, %get3A_882] {strides = array<i32>} : memref<2x256xf32, #tpu.memory_space<vmem>>, vector<1x16xf32>,
      %get3A_884 = vector.shape_cast %get3A_883 : vector<1x16xf32> to vector<16xf32>
      %add3A_885 = arith.addf %get3A_884, %scan3A_758#5 : vector<16xf32>
      %swap3A_886 = arith.constant 0 : i32
      %swap3A_887 = arith.index_cast %swap3A_886 : i32 to index
      %swap3A_888 = arith.constant 80 : index
      %swap3A_889 = tpu.vector_load %arg19[%swap3A_887, %swap3A_888] {strides = array<i32>} : memref<2x256xf32, #tpu.memory_space<vmem>>, vector<1x16xf32>,
      %swap3A_890 = vector.shape_cast %swap3A_889 : vector<1x16xf32> to vector<16xf32>
      %swap3A_891 = vector.shape_cast %add3A_885 : vector<16xf32> to vector<1x16xf32>
      tpu.vector_store %arg19[%swap3A_887, %swap3A_888], %swap3A_891 {strides = array<i32>} : memref<2x256xf32, #tpu.memory_space<vmem>>, vector<1x16xf32>,
      %get3A_892 = arith.constant 1 : i32
      %get3A_893 = arith.index_cast %get3A_892 : i32 to index
      %get3A_894 = arith.constant 80 : index
      %get3A_895 = tpu.vector_load %arg19[%get3A_893, %get3A_894] {strides = array<i32>} : memref<2x256xf32, #tpu.memory_space<vmem>>, vector<1x16xf32>,
      %get3A_896 = vector.shape_cast %get3A_895 : vector<1x16xf32> to vector<16xf32>
      %add3A_897 = arith.addf %get3A_896, %scan3A_758#21 : vector<16xf32>
      %swap3A_898 = arith.constant 1 : i32
      %swap3A_899 = arith.index_cast %swap3A_898 : i32 to index
      %swap3A_900 = arith.constant 80 : index
      %swap3A_901 = tpu.vector_load %arg19[%swap3A_899, %swap3A_900] {strides = array<i32>} : memref<2x256xf32, #tpu.memory_space<vmem>>, vector<1x16xf32>,
      %swap3A_902 = vector.shape_cast %swap3A_901 : vector<1x16xf32> to vector<16xf32>
      %swap3A_903 = vector.shape_cast %add3A_897 : vector<16xf32> to vector<1x16xf32>
      tpu.vector_store %arg19[%swap3A_899, %swap3A_900], %swap3A_903 {strides = array<i32>} : memref<2x256xf32, #tpu.memory_space<vmem>>, vector<1x16xf32>,
      %get3A_904 = arith.constant 0 : i32
      %get3A_905 = arith.index_cast %get3A_904 : i32 to index
      %get3A_906 = arith.constant 96 : index
      %get3A_907 = tpu.vector_load %arg19[%get3A_905, %get3A_906] {strides = array<i32>} : memref<2x256xf32, #tpu.memory_space<vmem>>, vector<1x16xf32>,
      %get3A_908 = vector.shape_cast %get3A_907 : vector<1x16xf32> to vector<16xf32>
      %add3A_909 = arith.addf %get3A_908, %scan3A_758#6 : vector<16xf32>
      %swap3A_910 = arith.constant 0 : i32
      %swap3A_911 = arith.index_cast %swap3A_910 : i32 to index
      %swap3A_912 = arith.constant 96 : index
      %swap3A_913 = tpu.vector_load %arg19[%swap3A_911, %swap3A_912] {strides = array<i32>} : memref<2x256xf32, #tpu.memory_space<vmem>>, vector<1x16xf32>,
      %swap3A_914 = vector.shape_cast %swap3A_913 : vector<1x16xf32> to vector<16xf32>
      %swap3A_915 = vector.shape_cast %add3A_909 : vector<16xf32> to vector<1x16xf32>
      tpu.vector_store %arg19[%swap3A_911, %swap3A_912], %swap3A_915 {strides = array<i32>} : memref<2x256xf32, #tpu.memory_space<vmem>>, vector<1x16xf32>,
      %get3A_916 = arith.constant 1 : i32
      %get3A_917 = arith.index_cast %get3A_916 : i32 to index
      %get3A_918 = arith.constant 96 : index
      %get3A_919 = tpu.vector_load %arg19[%get3A_917, %get3A_918] {strides = array<i32>} : memref<2x256xf32, #tpu.memory_space<vmem>>, vector<1x16xf32>,
      %get3A_920 = vector.shape_cast %get3A_919 : vector<1x16xf32> to vector<16xf32>
      %add3A_921 = arith.addf %get3A_920, %scan3A_758#22 : vector<16xf32>
      %swap3A_922 = arith.constant 1 : i32
      %swap3A_923 = arith.index_cast %swap3A_922 : i32 to index
      %swap3A_924 = arith.constant 96 : index
      %swap3A_925 = tpu.vector_load %arg19[%swap3A_923, %swap3A_924] {strides = array<i32>} : memref<2x256xf32, #tpu.memory_space<vmem>>, vector<1x16xf32>,
      %swap3A_926 = vector.shape_cast %swap3A_925 : vector<1x16xf32> to vector<16xf32>
      %swap3A_927 = vector.shape_cast %add3A_921 : vector<16xf32> to vector<1x16xf32>
      tpu.vector_store %arg19[%swap3A_923, %swap3A_924], %swap3A_927 {strides = array<i32>} : memref<2x256xf32, #tpu.memory_space<vmem>>, vector<1x16xf32>,
      %get3A_928 = arith.constant 0 : i32
      %get3A_929 = arith.index_cast %get3A_928 : i32 to index
      %get3A_930 = arith.constant 112 : index
      %get3A_931 = tpu.vector_load %arg19[%get3A_929, %get3A_930] {strides = array<i32>} : memref<2x256xf32, #tpu.memory_space<vmem>>, vector<1x16xf32>,
      %get3A_932 = vector.shape_cast %get3A_931 : vector<1x16xf32> to vector<16xf32>
      %add3A_933 = arith.addf %get3A_932, %scan3A_758#7 : vector<16xf32>
      %swap3A_934 = arith.constant 0 : i32
      %swap3A_935 = arith.index_cast %swap3A_934 : i32 to index
      %swap3A_936 = arith.constant 112 : index
      %swap3A_937 = tpu.vector_load %arg19[%swap3A_935, %swap3A_936] {strides = array<i32>} : memref<2x256xf32, #tpu.memory_space<vmem>>, vector<1x16xf32>,
      %swap3A_938 = vector.shape_cast %swap3A_937 : vector<1x16xf32> to vector<16xf32>
      %swap3A_939 = vector.shape_cast %add3A_933 : vector<16xf32> to vector<1x16xf32>
      tpu.vector_store %arg19[%swap3A_935, %swap3A_936], %swap3A_939 {strides = array<i32>} : memref<2x256xf32, #tpu.memory_space<vmem>>, vector<1x16xf32>,
      %get3A_940 = arith.constant 1 : i32
      %get3A_941 = arith.index_cast %get3A_940 : i32 to index
      %get3A_942 = arith.constant 112 : index
      %get3A_943 = tpu.vector_load %arg19[%get3A_941, %get3A_942] {strides = array<i32>} : memref<2x256xf32, #tpu.memory_space<vmem>>, vector<1x16xf32>,
      %get3A_944 = vector.shape_cast %get3A_943 : vector<1x16xf32> to vector<16xf32>
      %add3A_945 = arith.addf %get3A_944, %scan3A_758#23 : vector<16xf32>
      %swap3A_946 = arith.constant 1 : i32
      %swap3A_947 = arith.index_cast %swap3A_946 : i32 to index
      %swap3A_948 = arith.constant 112 : index
      %swap3A_949 = tpu.vector_load %arg19[%swap3A_947, %swap3A_948] {strides = array<i32>} : memref<2x256xf32, #tpu.memory_space<vmem>>, vector<1x16xf32>,
      %swap3A_950 = vector.shape_cast %swap3A_949 : vector<1x16xf32> to vector<16xf32>
      %swap3A_951 = vector.shape_cast %add3A_945 : vector<16xf32> to vector<1x16xf32>
      tpu.vector_store %arg19[%swap3A_947, %swap3A_948], %swap3A_951 {strides = array<i32>} : memref<2x256xf32, #tpu.memory_space<vmem>>, vector<1x16xf32>,
      %get3A_952 = arith.constant 0 : i32
      %get3A_953 = arith.index_cast %get3A_952 : i32 to index
      %get3A_954 = arith.constant 128 : index
      %get3A_955 = tpu.vector_load %arg19[%get3A_953, %get3A_954] {strides = array<i32>} : memref<2x256xf32, #tpu.memory_space<vmem>>, vector<1x16xf32>,
      %get3A_956 = vector.shape_cast %get3A_955 : vector<1x16xf32> to vector<16xf32>
      %add3A_957 = arith.addf %get3A_956, %scan3A_758#8 : vector<16xf32>
      %swap3A_958 = arith.constant 0 : i32
      %swap3A_959 = arith.index_cast %swap3A_958 : i32 to index
      %swap3A_960 = arith.constant 128 : index
      %swap3A_961 = tpu.vector_load %arg19[%swap3A_959, %swap3A_960] {strides = array<i32>} : memref<2x256xf32, #tpu.memory_space<vmem>>, vector<1x16xf32>,
      %swap3A_962 = vector.shape_cast %swap3A_961 : vector<1x16xf32> to vector<16xf32>
      %swap3A_963 = vector.shape_cast %add3A_957 : vector<16xf32> to vector<1x16xf32>
      tpu.vector_store %arg19[%swap3A_959, %swap3A_960], %swap3A_963 {strides = array<i32>} : memref<2x256xf32, #tpu.memory_space<vmem>>, vector<1x16xf32>,
      %get3A_964 = arith.constant 1 : i32
      %get3A_965 = arith.index_cast %get3A_964 : i32 to index
      %get3A_966 = arith.constant 128 : index
      %get3A_967 = tpu.vector_load %arg19[%get3A_965, %get3A_966] {strides = array<i32>} : memref<2x256xf32, #tpu.memory_space<vmem>>, vector<1x16xf32>,
      %get3A_968 = vector.shape_cast %get3A_967 : vector<1x16xf32> to vector<16xf32>
      %add3A_969 = arith.addf %get3A_968, %scan3A_758#24 : vector<16xf32>
      %swap3A_970 = arith.constant 1 : i32
      %swap3A_971 = arith.index_cast %swap3A_970 : i32 to index
      %swap3A_972 = arith.constant 128 : index
      %swap3A_973 = tpu.vector_load %arg19[%swap3A_971, %swap3A_972] {strides = array<i32>} : memref<2x256xf32, #tpu.memory_space<vmem>>, vector<1x16xf32>,
      %swap3A_974 = vector.shape_cast %swap3A_973 : vector<1x16xf32> to vector<16xf32>
      %swap3A_975 = vector.shape_cast %add3A_969 : vector<16xf32> to vector<1x16xf32>
      tpu.vector_store %arg19[%swap3A_971, %swap3A_972], %swap3A_975 {strides = array<i32>} : memref<2x256xf32, #tpu.memory_space<vmem>>, vector<1x16xf32>,
      %get3A_976 = arith.constant 0 : i32
      %get3A_977 = arith.index_cast %get3A_976 : i32 to index
      %get3A_978 = arith.constant 144 : index
      %get3A_979 = tpu.vector_load %arg19[%get3A_977, %get3A_978] {strides = array<i32>} : memref<2x256xf32, #tpu.memory_space<vmem>>, vector<1x16xf32>,
      %get3A_980 = vector.shape_cast %get3A_979 : vector<1x16xf32> to vector<16xf32>
      %add3A_981 = arith.addf %get3A_980, %scan3A_758#9 : vector<16xf32>
      %swap3A_982 = arith.constant 0 : i32
      %swap3A_983 = arith.index_cast %swap3A_982 : i32 to index
      %swap3A_984 = arith.constant 144 : index
      %swap3A_985 = tpu.vector_load %arg19[%swap3A_983, %swap3A_984] {strides = array<i32>} : memref<2x256xf32, #tpu.memory_space<vmem>>, vector<1x16xf32>,
      %swap3A_986 = vector.shape_cast %swap3A_985 : vector<1x16xf32> to vector<16xf32>
      %swap3A_987 = vector.shape_cast %add3A_981 : vector<16xf32> to vector<1x16xf32>
      tpu.vector_store %arg19[%swap3A_983, %swap3A_984], %swap3A_987 {strides = array<i32>} : memref<2x256xf32, #tpu.memory_space<vmem>>, vector<1x16xf32>,
      %get3A_988 = arith.constant 1 : i32
      %get3A_989 = arith.index_cast %get3A_988 : i32 to index
      %get3A_990 = arith.constant 144 : index
      %get3A_991 = tpu.vector_load %arg19[%get3A_989, %get3A_990] {strides = array<i32>} : memref<2x256xf32, #tpu.memory_space<vmem>>, vector<1x16xf32>,
      %get3A_992 = vector.shape_cast %get3A_991 : vector<1x16xf32> to vector<16xf32>
      %add3A_993 = arith.addf %get3A_992, %scan3A_758#25 : vector<16xf32>
      %swap3A_994 = arith.constant 1 : i32
      %swap3A_995 = arith.index_cast %swap3A_994 : i32 to index
      %swap3A_996 = arith.constant 144 : index
      %swap3A_997 = tpu.vector_load %arg19[%swap3A_995, %swap3A_996] {strides = array<i32>} : memref<2x256xf32, #tpu.memory_space<vmem>>, vector<1x16xf32>,
      %swap3A_998 = vector.shape_cast %swap3A_997 : vector<1x16xf32> to vector<16xf32>
      %swap3A_999 = vector.shape_cast %add3A_993 : vector<16xf32> to vector<1x16xf32>
      tpu.vector_store %arg19[%swap3A_995, %swap3A_996], %swap3A_999 {strides = array<i32>} : memref<2x256xf32, #tpu.memory_space<vmem>>, vector<1x16xf32>,
      %get3A_1000 = arith.constant 0 : i32
      %get3A_1001 = arith.index_cast %get3A_1000 : i32 to index
      %get3A_1002 = arith.constant 160 : index
      %get3A_1003 = tpu.vector_load %arg19[%get3A_1001, %get3A_1002] {strides = array<i32>} : memref<2x256xf32, #tpu.memory_space<vmem>>, vector<1x16xf32>,
      %get3A_1004 = vector.shape_cast %get3A_1003 : vector<1x16xf32> to vector<16xf32>
      %add3A_1005 = arith.addf %get3A_1004, %scan3A_758#10 : vector<16xf32>
      %swap3A_1006 = arith.constant 0 : i32
      %swap3A_1007 = arith.index_cast %swap3A_1006 : i32 to index
      %swap3A_1008 = arith.constant 160 : index
      %swap3A_1009 = tpu.vector_load %arg19[%swap3A_1007, %swap3A_1008] {strides = array<i32>} : memref<2x256xf32, #tpu.memory_space<vmem>>, vector<1x16xf32>,
      %swap3A_1010 = vector.shape_cast %swap3A_1009 : vector<1x16xf32> to vector<16xf32>
      %swap3A_1011 = vector.shape_cast %add3A_1005 : vector<16xf32> to vector<1x16xf32>
      tpu.vector_store %arg19[%swap3A_1007, %swap3A_1008], %swap3A_1011 {strides = array<i32>} : memref<2x256xf32, #tpu.memory_space<vmem>>, vector<1x16xf32>,
      %get3A_1012 = arith.constant 1 : i32
      %get3A_1013 = arith.index_cast %get3A_1012 : i32 to index
      %get3A_1014 = arith.constant 160 : index
      %get3A_1015 = tpu.vector_load %arg19[%get3A_1013, %get3A_1014] {strides = array<i32>} : memref<2x256xf32, #tpu.memory_space<vmem>>, vector<1x16xf32>,
      %get3A_1016 = vector.shape_cast %get3A_1015 : vector<1x16xf32> to vector<16xf32>
      %add3A_1017 = arith.addf %get3A_1016, %scan3A_758#26 : vector<16xf32>
      %swap3A_1018 = arith.constant 1 : i32
      %swap3A_1019 = arith.index_cast %swap3A_1018 : i32 to index
      %swap3A_1020 = arith.constant 160 : index
      %swap3A_1021 = tpu.vector_load %arg19[%swap3A_1019, %swap3A_1020] {strides = array<i32>} : memref<2x256xf32, #tpu.memory_space<vmem>>, vector<1x16xf32>,
      %swap3A_1022 = vector.shape_cast %swap3A_1021 : vector<1x16xf32> to vector<16xf32>
      %swap3A_1023 = vector.shape_cast %add3A_1017 : vector<16xf32> to vector<1x16xf32>
      tpu.vector_store %arg19[%swap3A_1019, %swap3A_1020], %swap3A_1023 {strides = array<i32>} : memref<2x256xf32, #tpu.memory_space<vmem>>, vector<1x16xf32>,
      %get3A_1024 = arith.constant 0 : i32
      %get3A_1025 = arith.index_cast %get3A_1024 : i32 to index
      %get3A_1026 = arith.constant 176 : index
      %get3A_1027 = tpu.vector_load %arg19[%get3A_1025, %get3A_1026] {strides = array<i32>} : memref<2x256xf32, #tpu.memory_space<vmem>>, vector<1x16xf32>,
      %get3A_1028 = vector.shape_cast %get3A_1027 : vector<1x16xf32> to vector<16xf32>
      %add3A_1029 = arith.addf %get3A_1028, %scan3A_758#11 : vector<16xf32>
      %swap3A_1030 = arith.constant 0 : i32
      %swap3A_1031 = arith.index_cast %swap3A_1030 : i32 to index
      %swap3A_1032 = arith.constant 176 : index
      %swap3A_1033 = tpu.vector_load %arg19[%swap3A_1031, %swap3A_1032] {strides = array<i32>} : memref<2x256xf32, #tpu.memory_space<vmem>>, vector<1x16xf32>,
      %swap3A_1034 = vector.shape_cast %swap3A_1033 : vector<1x16xf32> to vector<16xf32>
      %swap3A_1035 = vector.shape_cast %add3A_1029 : vector<16xf32> to vector<1x16xf32>
      tpu.vector_store %arg19[%swap3A_1031, %swap3A_1032], %swap3A_1035 {strides = array<i32>} : memref<2x256xf32, #tpu.memory_space<vmem>>, vector<1x16xf32>,
      %get3A_1036 = arith.constant 1 : i32
      %get3A_1037 = arith.index_cast %get3A_1036 : i32 to index
      %get3A_1038 = arith.constant 176 : index
      %get3A_1039 = tpu.vector_load %arg19[%get3A_1037, %get3A_1038] {strides = array<i32>} : memref<2x256xf32, #tpu.memory_space<vmem>>, vector<1x16xf32>,
      %get3A_1040 = vector.shape_cast %get3A_1039 : vector<1x16xf32> to vector<16xf32>
      %add3A_1041 = arith.addf %get3A_1040, %scan3A_758#27 : vector<16xf32>
      %swap3A_1042 = arith.constant 1 : i32
      %swap3A_1043 = arith.index_cast %swap3A_1042 : i32 to index
      %swap3A_1044 = arith.constant 176 : index
      %swap3A_1045 = tpu.vector_load %arg19[%swap3A_1043, %swap3A_1044] {strides = array<i32>} : memref<2x256xf32, #tpu.memory_space<vmem>>, vector<1x16xf32>,
      %swap3A_1046 = vector.shape_cast %swap3A_1045 : vector<1x16xf32> to vector<16xf32>
      %swap3A_1047 = vector.shape_cast %add3A_1041 : vector<16xf32> to vector<1x16xf32>
      tpu.vector_store %arg19[%swap3A_1043, %swap3A_1044], %swap3A_1047 {strides = array<i32>} : memref<2x256xf32, #tpu.memory_space<vmem>>, vector<1x16xf32>,
      %get3A_1048 = arith.constant 0 : i32
      %get3A_1049 = arith.index_cast %get3A_1048 : i32 to index
      %get3A_1050 = arith.constant 192 : index
      %get3A_1051 = tpu.vector_load %arg19[%get3A_1049, %get3A_1050] {strides = array<i32>} : memref<2x256xf32, #tpu.memory_space<vmem>>, vector<1x16xf32>,
      %get3A_1052 = vector.shape_cast %get3A_1051 : vector<1x16xf32> to vector<16xf32>
      %add3A_1053 = arith.addf %get3A_1052, %scan3A_758#12 : vector<16xf32>
      %swap3A_1054 = arith.constant 0 : i32
      %swap3A_1055 = arith.index_cast %swap3A_1054 : i32 to index
      %swap3A_1056 = arith.constant 192 : index
      %swap3A_1057 = tpu.vector_load %arg19[%swap3A_1055, %swap3A_1056] {strides = array<i32>} : memref<2x256xf32, #tpu.memory_space<vmem>>, vector<1x16xf32>,
      %swap3A_1058 = vector.shape_cast %swap3A_1057 : vector<1x16xf32> to vector<16xf32>
      %swap3A_1059 = vector.shape_cast %add3A_1053 : vector<16xf32> to vector<1x16xf32>
      tpu.vector_store %arg19[%swap3A_1055, %swap3A_1056], %swap3A_1059 {strides = array<i32>} : memref<2x256xf32, #tpu.memory_space<vmem>>, vector<1x16xf32>,
      %get3A_1060 = arith.constant 1 : i32
      %get3A_1061 = arith.index_cast %get3A_1060 : i32 to index
      %get3A_1062 = arith.constant 192 : index
      %get3A_1063 = tpu.vector_load %arg19[%get3A_1061, %get3A_1062] {strides = array<i32>} : memref<2x256xf32, #tpu.memory_space<vmem>>, vector<1x16xf32>,
      %get3A_1064 = vector.shape_cast %get3A_1063 : vector<1x16xf32> to vector<16xf32>
      %add3A_1065 = arith.addf %get3A_1064, %scan3A_758#28 : vector<16xf32>
      %swap3A_1066 = arith.constant 1 : i32
      %swap3A_1067 = arith.index_cast %swap3A_1066 : i32 to index
      %swap3A_1068 = arith.constant 192 : index
      %swap3A_1069 = tpu.vector_load %arg19[%swap3A_1067, %swap3A_1068] {strides = array<i32>} : memref<2x256xf32, #tpu.memory_space<vmem>>, vector<1x16xf32>,
      %swap3A_1070 = vector.shape_cast %swap3A_1069 : vector<1x16xf32> to vector<16xf32>
      %swap3A_1071 = vector.shape_cast %add3A_1065 : vector<16xf32> to vector<1x16xf32>
      tpu.vector_store %arg19[%swap3A_1067, %swap3A_1068], %swap3A_1071 {strides = array<i32>} : memref<2x256xf32, #tpu.memory_space<vmem>>, vector<1x16xf32>,
      %get3A_1072 = arith.constant 0 : i32
      %get3A_1073 = arith.index_cast %get3A_1072 : i32 to index
      %get3A_1074 = arith.constant 208 : index
      %get3A_1075 = tpu.vector_load %arg19[%get3A_1073, %get3A_1074] {strides = array<i32>} : memref<2x256xf32, #tpu.memory_space<vmem>>, vector<1x16xf32>,
      %get3A_1076 = vector.shape_cast %get3A_1075 : vector<1x16xf32> to vector<16xf32>
      %add3A_1077 = arith.addf %get3A_1076, %scan3A_758#13 : vector<16xf32>
      %swap3A_1078 = arith.constant 0 : i32
      %swap3A_1079 = arith.index_cast %swap3A_1078 : i32 to index
      %swap3A_1080 = arith.constant 208 : index
      %swap3A_1081 = tpu.vector_load %arg19[%swap3A_1079, %swap3A_1080] {strides = array<i32>} : memref<2x256xf32, #tpu.memory_space<vmem>>, vector<1x16xf32>,
      %swap3A_1082 = vector.shape_cast %swap3A_1081 : vector<1x16xf32> to vector<16xf32>
      %swap3A_1083 = vector.shape_cast %add3A_1077 : vector<16xf32> to vector<1x16xf32>
      tpu.vector_store %arg19[%swap3A_1079, %swap3A_1080], %swap3A_1083 {strides = array<i32>} : memref<2x256xf32, #tpu.memory_space<vmem>>, vector<1x16xf32>,
      %get3A_1084 = arith.constant 1 : i32
      %get3A_1085 = arith.index_cast %get3A_1084 : i32 to index
      %get3A_1086 = arith.constant 208 : index
      %get3A_1087 = tpu.vector_load %arg19[%get3A_1085, %get3A_1086] {strides = array<i32>} : memref<2x256xf32, #tpu.memory_space<vmem>>, vector<1x16xf32>,
      %get3A_1088 = vector.shape_cast %get3A_1087 : vector<1x16xf32> to vector<16xf32>
      %add3A_1089 = arith.addf %get3A_1088, %scan3A_758#29 : vector<16xf32>
      %swap3A_1090 = arith.constant 1 : i32
      %swap3A_1091 = arith.index_cast %swap3A_1090 : i32 to index
      %swap3A_1092 = arith.constant 208 : index
      %swap3A_1093 = tpu.vector_load %arg19[%swap3A_1091, %swap3A_1092] {strides = array<i32>} : memref<2x256xf32, #tpu.memory_space<vmem>>, vector<1x16xf32>,
      %swap3A_1094 = vector.shape_cast %swap3A_1093 : vector<1x16xf32> to vector<16xf32>
      %swap3A_1095 = vector.shape_cast %add3A_1089 : vector<16xf32> to vector<1x16xf32>
      tpu.vector_store %arg19[%swap3A_1091, %swap3A_1092], %swap3A_1095 {strides = array<i32>} : memref<2x256xf32, #tpu.memory_space<vmem>>, vector<1x16xf32>,
      %get3A_1096 = arith.constant 0 : i32
      %get3A_1097 = arith.index_cast %get3A_1096 : i32 to index
      %get3A_1098 = arith.constant 224 : index
      %get3A_1099 = tpu.vector_load %arg19[%get3A_1097, %get3A_1098] {strides = array<i32>} : memref<2x256xf32, #tpu.memory_space<vmem>>, vector<1x16xf32>,
      %get3A_1100 = vector.shape_cast %get3A_1099 : vector<1x16xf32> to vector<16xf32>
      %add3A_1101 = arith.addf %get3A_1100, %scan3A_758#14 : vector<16xf32>
      %swap3A_1102 = arith.constant 0 : i32
      %swap3A_1103 = arith.index_cast %swap3A_1102 : i32 to index
      %swap3A_1104 = arith.constant 224 : index
      %swap3A_1105 = tpu.vector_load %arg19[%swap3A_1103, %swap3A_1104] {strides = array<i32>} : memref<2x256xf32, #tpu.memory_space<vmem>>, vector<1x16xf32>,
      %swap3A_1106 = vector.shape_cast %swap3A_1105 : vector<1x16xf32> to vector<16xf32>
      %swap3A_1107 = vector.shape_cast %add3A_1101 : vector<16xf32> to vector<1x16xf32>
      tpu.vector_store %arg19[%swap3A_1103, %swap3A_1104], %swap3A_1107 {strides = array<i32>} : memref<2x256xf32, #tpu.memory_space<vmem>>, vector<1x16xf32>,
      %get3A_1108 = arith.constant 1 : i32
      %get3A_1109 = arith.index_cast %get3A_1108 : i32 to index
      %get3A_1110 = arith.constant 224 : index
      %get3A_1111 = tpu.vector_load %arg19[%get3A_1109, %get3A_1110] {strides = array<i32>} : memref<2x256xf32, #tpu.memory_space<vmem>>, vector<1x16xf32>,
      %get3A_1112 = vector.shape_cast %get3A_1111 : vector<1x16xf32> to vector<16xf32>
      %add3A_1113 = arith.addf %get3A_1112, %scan3A_758#30 : vector<16xf32>
      %swap3A_1114 = arith.constant 1 : i32
      %swap3A_1115 = arith.index_cast %swap3A_1114 : i32 to index
      %swap3A_1116 = arith.constant 224 : index
      %swap3A_1117 = tpu.vector_load %arg19[%swap3A_1115, %swap3A_1116] {strides = array<i32>} : memref<2x256xf32, #tpu.memory_space<vmem>>, vector<1x16xf32>,
      %swap3A_1118 = vector.shape_cast %swap3A_1117 : vector<1x16xf32> to vector<16xf32>
      %swap3A_1119 = vector.shape_cast %add3A_1113 : vector<16xf32> to vector<1x16xf32>
      tpu.vector_store %arg19[%swap3A_1115, %swap3A_1116], %swap3A_1119 {strides = array<i32>} : memref<2x256xf32, #tpu.memory_space<vmem>>, vector<1x16xf32>,
      %get3A_1120 = arith.constant 0 : i32
      %get3A_1121 = arith.index_cast %get3A_1120 : i32 to index
      %get3A_1122 = arith.constant 240 : index
      %get3A_1123 = tpu.vector_load %arg19[%get3A_1121, %get3A_1122] {strides = array<i32>} : memref<2x256xf32, #tpu.memory_space<vmem>>, vector<1x16xf32>,
      %get3A_1124 = vector.shape_cast %get3A_1123 : vector<1x16xf32> to vector<16xf32>
      %add3A_1125 = arith.addf %get3A_1124, %scan3A_758#15 : vector<16xf32>
      %swap3A_1126 = arith.constant 0 : i32
      %swap3A_1127 = arith.index_cast %swap3A_1126 : i32 to index
      %swap3A_1128 = arith.constant 240 : index
      %swap3A_1129 = tpu.vector_load %arg19[%swap3A_1127, %swap3A_1128] {strides = array<i32>} : memref<2x256xf32, #tpu.memory_space<vmem>>, vector<1x16xf32>,
      %swap3A_1130 = vector.shape_cast %swap3A_1129 : vector<1x16xf32> to vector<16xf32>
      %swap3A_1131 = vector.shape_cast %add3A_1125 : vector<16xf32> to vector<1x16xf32>
      tpu.vector_store %arg19[%swap3A_1127, %swap3A_1128], %swap3A_1131 {strides = array<i32>} : memref<2x256xf32, #tpu.memory_space<vmem>>, vector<1x16xf32>,
      %get3A_1132 = arith.constant 1 : i32
      %get3A_1133 = arith.index_cast %get3A_1132 : i32 to index
      %get3A_1134 = arith.constant 240 : index
      %get3A_1135 = tpu.vector_load %arg19[%get3A_1133, %get3A_1134] {strides = array<i32>} : memref<2x256xf32, #tpu.memory_space<vmem>>, vector<1x16xf32>,
      %get3A_1136 = vector.shape_cast %get3A_1135 : vector<1x16xf32> to vector<16xf32>
      %add3A_1137 = arith.addf %get3A_1136, %scan3A_758#31 : vector<16xf32>
      %swap3A_1138 = arith.constant 1 : i32
      %swap3A_1139 = arith.index_cast %swap3A_1138 : i32 to index
      %swap3A_1140 = arith.constant 240 : index
      %swap3A_1141 = tpu.vector_load %arg19[%swap3A_1139, %swap3A_1140] {strides = array<i32>} : memref<2x256xf32, #tpu.memory_space<vmem>>, vector<1x16xf32>,
      %swap3A_1142 = vector.shape_cast %swap3A_1141 : vector<1x16xf32> to vector<16xf32>
      %swap3A_1143 = vector.shape_cast %add3A_1137 : vector<16xf32> to vector<1x16xf32>
      tpu.vector_store %arg19[%swap3A_1139, %swap3A_1140], %swap3A_1143 {strides = array<i32>} : memref<2x256xf32, #tpu.memory_space<vmem>>, vector<1x16xf32>,
      %mul3A_1144 = arith.constant 10000 : i32
      %mul3A_1145 = arith.muli %add3A, %mul3A_1144 : i32
      %mul3A_1146 = arith.constant 40 : i32
      %mul3A_1147 = arith.muli %add3A_734, %mul3A_1146 : i32
      %add3A_1148 = arith.addi %mul3A_1145, %mul3A_1147 : i32
      %dma_start3A_1149 = arith.constant 0 : i32
      %dma_start3A_1150 = tpu.memref_slice %arg6[%add3A_1148, %dma_start3A_1149] : memref<320000x256xf32, #tpu.memory_space<hbm>> -> memref<40x256xf32, #tpu.memory_space<hbm>>
      %dma_start3A_1151 = arith.constant 0 : i32
      %dma_start3A_1152 = tpu.memref_slice %arg6[%add3A_1148, %dma_start3A_1151] : memref<320000x256xf32, #tpu.memory_space<hbm>> -> memref<40x256xf32, #tpu.memory_space<hbm>>
      tpu.enqueue_dma source(%arg18 : memref<40x256xf32, #tpu.memory_space<vmem>>) target(%dma_start3A_1152 : memref<40x256xf32, #tpu.memory_space<hbm>>) target_semaphore(%arg23 : memref<!tpu.dma_semaphore, #tpu.memory_space<semaphore_mem>>)
      %add3A_1153 = arith.constant 2 : i32
      %add3A_1154 = arith.addi %add3A_734, %add3A_1153 : i32
      %lt3A_1155 = arith.constant 250 : i32
      %lt3A_1156 = arith.cmpi slt, %add3A_1154, %lt3A_1155 : i32
      %convert_element_type3A_1157 = arith.extui %lt3A_1156 : i1 to i32
      %cond3A_1158 = arith.constant 0 : i32
      %cond3A_1159 = arith.cmpi ne, %convert_element_type3A_1157, %cond3A_1158 : i32
      scf.if %cond3A_1159 {
        %add3A_1160 = arith.constant 2 : i32
        %add3A_1161 = arith.addi %add3A_734, %add3A_1160 : i32
        %mul3A_1162 = arith.constant 40 : i32
        %mul3A_1163 = arith.muli %add3A_1161, %mul3A_1162 : i32
        %dma_start3A_1164 = tpu.memref_slice %arg8[%mul3A_1163] : memref<10000xi32, #tpu.memory_space<vmem>> -> memref<40xi32, #tpu.memory_space<vmem>>
        %dma_start3A_1165 = arith.constant 0 : i32
        %dma_start3A_1166 = arith.constant 0 : i32
        %dma_start3A_1167 = tpu.memref_slice %arg2[%dma_start3A_1165, %dma_start3A_1166] : memref<40000x256xf32, #tpu.memory_space<hbm>> -> memref<40000x256xf32, #tpu.memory_space<hbm>>
        tpu.enqueue_indirect_dma source(%dma_start3A_1167 : memref<40000x256xf32, #tpu.memory_space<hbm>>) target(%arg15 : memref<40x256xf32, #tpu.memory_space<vmem>>) offsets(%dma_start3A_1164 : memref<40xi32, #tpu.memory_space<vmem>>) semaphore(%arg21 : memref<!tpu.dma_semaphore, #tpu.memory_space<semaphore_mem>>)
        %dma_start3A_1168 = tpu.memref_slice %arg9[%mul3A_1163] : memref<10000xi32, #tpu.memory_space<vmem>> -> memref<40xi32, #tpu.memory_space<vmem>>
        %dma_start3A_1169 = arith.constant 0 : i32
        %dma_start3A_1170 = arith.constant 0 : i32
        %dma_start3A_1171 = tpu.memref_slice %arg2[%dma_start3A_1169, %dma_start3A_1170] : memref<40000x256xf32, #tpu.memory_space<hbm>> -> memref<40000x256xf32, #tpu.memory_space<hbm>>
        tpu.enqueue_indirect_dma source(%dma_start3A_1171 : memref<40000x256xf32, #tpu.memory_space<hbm>>) target(%arg16 : memref<40x256xf32, #tpu.memory_space<vmem>>) offsets(%dma_start3A_1168 : memref<40xi32, #tpu.memory_space<vmem>>) semaphore(%arg21 : memref<!tpu.dma_semaphore, #tpu.memory_space<semaphore_mem>>)
        %dma_start3A_1172 = tpu.memref_slice %arg10[%mul3A_1163] : memref<10000xi32, #tpu.memory_space<vmem>> -> memref<40xi32, #tpu.memory_space<vmem>>
        %dma_start3A_1173 = arith.constant 0 : i32
        %dma_start3A_1174 = arith.constant 0 : i32
        %dma_start3A_1175 = tpu.memref_slice %arg2[%dma_start3A_1173, %dma_start3A_1174] : memref<40000x256xf32, #tpu.memory_space<hbm>> -> memref<40000x256xf32, #tpu.memory_space<hbm>>
        tpu.enqueue_indirect_dma source(%dma_start3A_1175 : memref<40000x256xf32, #tpu.memory_space<hbm>>) target(%arg17 : memref<40x256xf32, #tpu.memory_space<vmem>>) offsets(%dma_start3A_1172 : memref<40xi32, #tpu.memory_space<vmem>>) semaphore(%arg21 : memref<!tpu.dma_semaphore, #tpu.memory_space<semaphore_mem>>)
      } else {
      }
    }
    %scan3A_290 = arith.constant 125 : i32
    %mul3A_291 = arith.constant 10000 : i32
    %mul3A_292 = arith.muli %add3A, %mul3A_291 : i32
    %add3A_293 = arith.constant 9920 : i32
    %add3A_294 = arith.addi %mul3A_292, %add3A_293 : i32
    %dma_wait3A = arith.constant 0 : i32
    %dma_wait3A_295 = tpu.memref_slice %arg6[%add3A_294, %dma_wait3A] : memref<320000x256xf32, #tpu.memory_space<hbm>> -> memref<40x256xf32, #tpu.memory_space<hbm>>
    %dma_wait3A_296 = arith.constant 0 : i32
    %dma_wait3A_297 = tpu.memref_slice %arg6[%add3A_294, %dma_wait3A_296] : memref<320000x256xf32, #tpu.memory_space<hbm>> -> memref<40x256xf32, #tpu.memory_space<hbm>>
    tpu.wait_dma2 semaphore(%arg22 : memref<!tpu.dma_semaphore, #tpu.memory_space<semaphore_mem>>) src(%arg14 : memref<40x256xf32, #tpu.memory_space<vmem>>) dst(%dma_wait3A_297 : memref<40x256xf32, #tpu.memory_space<hbm>>)
    %mul3A_298 = arith.constant 10000 : i32
    %mul3A_299 = arith.muli %add3A, %mul3A_298 : i32
    %add3A_300 = arith.constant 9960 : i32
    %add3A_301 = arith.addi %mul3A_299, %add3A_300 : i32
    %dma_wait3A_302 = arith.constant 0 : i32
    %dma_wait3A_303 = tpu.memref_slice %arg6[%add3A_301, %dma_wait3A_302] : memref<320000x256xf32, #tpu.memory_space<hbm>> -> memref<40x256xf32, #tpu.memory_space<hbm>>
    %dma_wait3A_304 = arith.constant 0 : i32
    %dma_wait3A_305 = tpu.memref_slice %arg6[%add3A_301, %dma_wait3A_304] : memref<320000x256xf32, #tpu.memory_space<hbm>> -> memref<40x256xf32, #tpu.memory_space<hbm>>
    tpu.wait_dma2 semaphore(%arg23 : memref<!tpu.dma_semaphore, #tpu.memory_space<semaphore_mem>>) src(%arg18 : memref<40x256xf32, #tpu.memory_space<vmem>>) dst(%dma_wait3A_305 : memref<40x256xf32, #tpu.memory_space<hbm>>)
    "tpu.region"() ({
      %run_scoped3A = tpu.sem_alloc : memref<!tpu.dma_semaphore, #tpu.memory_space<semaphore_mem>>
      %dma_start3A_306 = arith.constant 0 : i32
      %dma_start3A_307 = arith.constant 0 : i32
      %dma_start3A_308 = tpu.memref_slice %arg7[%add3A, %dma_start3A_306, %dma_start3A_307] : memref<32x2x256xf32, #tpu.memory_space<hbm>> -> memref<1x2x256xf32, #tpu.memory_space<hbm>>
      %dma_start3A_309 = tpu.memref_squeeze %dma_start3A_308 : memref<1x2x256xf32, #tpu.memory_space<hbm>> -> memref<2x256xf32, #tpu.memory_space<hbm>>
      %dma_start3A_310 = arith.constant 0 : i32
      %dma_start3A_311 = arith.constant 0 : i32
      %dma_start3A_312 = tpu.memref_slice %arg7[%add3A, %dma_start3A_310, %dma_start3A_311] : memref<32x2x256xf32, #tpu.memory_space<hbm>> -> memref<1x2x256xf32, #tpu.memory_space<hbm>>
      %dma_start3A_313 = tpu.memref_squeeze %dma_start3A_312 : memref<1x2x256xf32, #tpu.memory_space<hbm>> -> memref<2x256xf32, #tpu.memory_space<hbm>>
      tpu.enqueue_dma source(%arg19 : memref<2x256xf32, #tpu.memory_space<vmem>>) target(%dma_start3A_313 : memref<2x256xf32, #tpu.memory_space<hbm>>) target_semaphore(%run_scoped3A : memref<!tpu.dma_semaphore, #tpu.memory_space<semaphore_mem>>)
      %dma_wait3A_314 = arith.constant 0 : i32
      %dma_wait3A_315 = arith.constant 0 : i32
      %dma_wait3A_316 = tpu.memref_slice %arg7[%add3A, %dma_wait3A_314, %dma_wait3A_315] : memref<32x2x256xf32, #tpu.memory_space<hbm>> -> memref<1x2x256xf32, #tpu.memory_space<hbm>>
      %dma_wait3A_317 = tpu.memref_squeeze %dma_wait3A_316 : memref<1x2x256xf32, #tpu.memory_space<hbm>> -> memref<2x256xf32, #tpu.memory_space<hbm>>
      %dma_wait3A_318 = arith.constant 0 : i32
      %dma_wait3A_319 = arith.constant 0 : i32
      %dma_wait3A_320 = tpu.memref_slice %arg7[%add3A, %dma_wait3A_318, %dma_wait3A_319] : memref<32x2x256xf32, #tpu.memory_space<hbm>> -> memref<1x2x256xf32, #tpu.memory_space<hbm>>
      %dma_wait3A_321 = tpu.memref_squeeze %dma_wait3A_320 : memref<1x2x256xf32, #tpu.memory_space<hbm>> -> memref<2x256xf32, #tpu.memory_space<hbm>>
      tpu.wait_dma2 semaphore(%run_scoped3A : memref<!tpu.dma_semaphore, #tpu.memory_space<semaphore_mem>>) src(%arg19 : memref<2x256xf32, #tpu.memory_space<vmem>>) dst(%dma_wait3A_321 : memref<2x256xf32, #tpu.memory_space<hbm>>)
      tpu.yield
    }) : () -> ()
    return
  }
}

#map = affine_map<(d0, d1) -> (0, 0)>
#map1 = affine_map<(d0, d1) -> (0)>
#map2 = affine_map<(d0, d1) -> (0, 0, 0)>
module attributes {stable_mosaic.version = 14 : i64} {
  func.func @_sc_scatter_body(%arg0: i32, %arg1: i32, %arg2: memref<320000x128xf32, #tpu.memory_space<hbm>>, %arg3: memref<320000xi32, #tpu.memory_space<hbm>>, %arg4: memref<128xf32, #tpu.memory_space<hbm>>, %arg5: memref<128xf32, #tpu.memory_space<hbm>>, %arg6: memref<2x10000x128xf32, #tpu.memory_space<hbm>>, %arg7: memref<1x80xi32, #tpu.memory_space<vmem>>, %arg8: memref<1x80xi32, #tpu.memory_space<vmem>>, %arg9: memref<1x80xi32, #tpu.memory_space<vmem>>, %arg10: memref<1x80xi32, #tpu.memory_space<vmem>>, %arg11: memref<80x128xf32, #tpu.memory_space<vmem>>, %arg12: memref<80x128xf32, #tpu.memory_space<vmem>>, %arg13: memref<80x128xf32, #tpu.memory_space<vmem>>, %arg14: memref<80x128xf32, #tpu.memory_space<vmem>>, %arg15: memref<128xf32, #tpu.memory_space<vmem>>, %arg16: memref<128xf32, #tpu.memory_space<vmem>>, %arg17: memref<10000x128xf32, #tpu.memory_space<vmem_shared>>, %arg18: memref<!tpu.dma_semaphore, #tpu.memory_space<semaphore_mem>>, %arg19: memref<!tpu.dma_semaphore, #tpu.memory_space<semaphore_mem>>, %arg20: memref<!tpu.dma_semaphore, #tpu.memory_space<semaphore_mem>>, %arg21: memref<!tpu.dma_semaphore, #tpu.memory_space<semaphore_mem>>) attributes {dimension_semantics = [#tpu.dimension_semantics<core_parallel>, #tpu.dimension_semantics<subcore_parallel>], iteration_bounds = array<i64: 2, 16>, scalar_prefetch = 0 : i64, scratch_operands = 15 : i64, tpu.core_type = #tpu.core_type<sc_vector_subcore>, window_params = [{transform_indices = #map}, {transform_indices = #map1}, {transform_indices = #map1}, {transform_indices = #map1}, {transform_indices = #map2}]} {
    %mul3A = arith.constant 2 : i32
    %mul3A_0 = arith.muli %arg1, %mul3A : i32
    %add3A = arith.addi %mul3A_0, %arg0 : i32
    "tpu.region"() ({
      %run_scoped3A = tpu.sem_alloc : memref<!tpu.dma_semaphore, #tpu.memory_space<semaphore_mem>>
      tpu.enqueue_dma source(%arg4 : memref<128xf32, #tpu.memory_space<hbm>>) target(%arg15 : memref<128xf32, #tpu.memory_space<vmem>>) target_semaphore(%run_scoped3A : memref<!tpu.dma_semaphore, #tpu.memory_space<semaphore_mem>>)
      tpu.wait_dma2 semaphore(%run_scoped3A : memref<!tpu.dma_semaphore, #tpu.memory_space<semaphore_mem>>) src(%arg4 : memref<128xf32, #tpu.memory_space<hbm>>) dst(%arg15 : memref<128xf32, #tpu.memory_space<vmem>>)
      tpu.yield
    }) : () -> ()
    "tpu.region"() ({
      %run_scoped3A = tpu.sem_alloc : memref<!tpu.dma_semaphore, #tpu.memory_space<semaphore_mem>>
      tpu.enqueue_dma source(%arg5 : memref<128xf32, #tpu.memory_space<hbm>>) target(%arg16 : memref<128xf32, #tpu.memory_space<vmem>>) target_semaphore(%run_scoped3A : memref<!tpu.dma_semaphore, #tpu.memory_space<semaphore_mem>>)
      tpu.wait_dma2 semaphore(%run_scoped3A : memref<!tpu.dma_semaphore, #tpu.memory_space<semaphore_mem>>) src(%arg5 : memref<128xf32, #tpu.memory_space<hbm>>) dst(%arg16 : memref<128xf32, #tpu.memory_space<vmem>>)
      tpu.yield
    }) : () -> ()
    %scan3A = arith.constant 0 : i32
    %scan3A_1 = arith.constant 0 : i32
    %scan3A_2 = arith.constant 80 : i32
    %scan3A_3 = arith.addi %scan3A_1, %scan3A_2 : i32
    %scan3A_4 = arith.constant 1 : i32
    scf.for %scan3A_150 = %scan3A_1 to %scan3A_3 step %scan3A_4  : i32 {
      %broadcast_in_dim3A = arith.constant 0.000000e+00 : f32
      %broadcast_in_dim3A_151 = vector.broadcast %broadcast_in_dim3A : f32 to vector<16xf32>
      %swap3A = arith.index_cast %scan3A_150 : i32 to index
      %swap3A_152 = arith.constant 0 : index
      %swap3A_153 = tpu.vector_load %arg11[%swap3A, %swap3A_152] {strides = array<i32>} : memref<80x128xf32, #tpu.memory_space<vmem>>, vector<1x16xf32>,
      %swap3A_154 = vector.shape_cast %swap3A_153 : vector<1x16xf32> to vector<16xf32>
      %swap3A_155 = vector.shape_cast %broadcast_in_dim3A_151 : vector<16xf32> to vector<1x16xf32>
      tpu.vector_store %arg11[%swap3A, %swap3A_152], %swap3A_155 {strides = array<i32>} : memref<80x128xf32, #tpu.memory_space<vmem>>, vector<1x16xf32>,
    }
    %scan3A_5 = arith.constant 80 : i32
    %scan3A_6 = arith.constant 0 : i32
    %scan3A_7 = arith.constant 0 : i32
    %scan3A_8 = arith.constant 80 : i32
    %scan3A_9 = arith.addi %scan3A_7, %scan3A_8 : i32
    %scan3A_10 = arith.constant 1 : i32
    scf.for %scan3A_150 = %scan3A_7 to %scan3A_9 step %scan3A_10  : i32 {
      %broadcast_in_dim3A = arith.constant 0.000000e+00 : f32
      %broadcast_in_dim3A_151 = vector.broadcast %broadcast_in_dim3A : f32 to vector<16xf32>
      %swap3A = arith.index_cast %scan3A_150 : i32 to index
      %swap3A_152 = arith.constant 16 : index
      %swap3A_153 = tpu.vector_load %arg11[%swap3A, %swap3A_152] {strides = array<i32>} : memref<80x128xf32, #tpu.memory_space<vmem>>, vector<1x16xf32>,
      %swap3A_154 = vector.shape_cast %swap3A_153 : vector<1x16xf32> to vector<16xf32>
      %swap3A_155 = vector.shape_cast %broadcast_in_dim3A_151 : vector<16xf32> to vector<1x16xf32>
      tpu.vector_store %arg11[%swap3A, %swap3A_152], %swap3A_155 {strides = array<i32>} : memref<80x128xf32, #tpu.memory_space<vmem>>, vector<1x16xf32>,
    }
    %scan3A_11 = arith.constant 80 : i32
    %scan3A_12 = arith.constant 0 : i32
    %scan3A_13 = arith.constant 0 : i32
    %scan3A_14 = arith.constant 80 : i32
    %scan3A_15 = arith.addi %scan3A_13, %scan3A_14 : i32
    %scan3A_16 = arith.constant 1 : i32
    scf.for %scan3A_150 = %scan3A_13 to %scan3A_15 step %scan3A_16  : i32 {
      %broadcast_in_dim3A = arith.constant 0.000000e+00 : f32
      %broadcast_in_dim3A_151 = vector.broadcast %broadcast_in_dim3A : f32 to vector<16xf32>
      %swap3A = arith.index_cast %scan3A_150 : i32 to index
      %swap3A_152 = arith.constant 32 : index
      %swap3A_153 = tpu.vector_load %arg11[%swap3A, %swap3A_152] {strides = array<i32>} : memref<80x128xf32, #tpu.memory_space<vmem>>, vector<1x16xf32>,
      %swap3A_154 = vector.shape_cast %swap3A_153 : vector<1x16xf32> to vector<16xf32>
      %swap3A_155 = vector.shape_cast %broadcast_in_dim3A_151 : vector<16xf32> to vector<1x16xf32>
      tpu.vector_store %arg11[%swap3A, %swap3A_152], %swap3A_155 {strides = array<i32>} : memref<80x128xf32, #tpu.memory_space<vmem>>, vector<1x16xf32>,
    }
    %scan3A_17 = arith.constant 80 : i32
    %scan3A_18 = arith.constant 0 : i32
    %scan3A_19 = arith.constant 0 : i32
    %scan3A_20 = arith.constant 80 : i32
    %scan3A_21 = arith.addi %scan3A_19, %scan3A_20 : i32
    %scan3A_22 = arith.constant 1 : i32
    scf.for %scan3A_150 = %scan3A_19 to %scan3A_21 step %scan3A_22  : i32 {
      %broadcast_in_dim3A = arith.constant 0.000000e+00 : f32
      %broadcast_in_dim3A_151 = vector.broadcast %broadcast_in_dim3A : f32 to vector<16xf32>
      %swap3A = arith.index_cast %scan3A_150 : i32 to index
      %swap3A_152 = arith.constant 48 : index
      %swap3A_153 = tpu.vector_load %arg11[%swap3A, %swap3A_152] {strides = array<i32>} : memref<80x128xf32, #tpu.memory_space<vmem>>, vector<1x16xf32>,
      %swap3A_154 = vector.shape_cast %swap3A_153 : vector<1x16xf32> to vector<16xf32>
      %swap3A_155 = vector.shape_cast %broadcast_in_dim3A_151 : vector<16xf32> to vector<1x16xf32>
      tpu.vector_store %arg11[%swap3A, %swap3A_152], %swap3A_155 {strides = array<i32>} : memref<80x128xf32, #tpu.memory_space<vmem>>, vector<1x16xf32>,
    }
    %scan3A_23 = arith.constant 80 : i32
    %scan3A_24 = arith.constant 0 : i32
    %scan3A_25 = arith.constant 0 : i32
    %scan3A_26 = arith.constant 80 : i32
    %scan3A_27 = arith.addi %scan3A_25, %scan3A_26 : i32
    %scan3A_28 = arith.constant 1 : i32
    scf.for %scan3A_150 = %scan3A_25 to %scan3A_27 step %scan3A_28  : i32 {
      %broadcast_in_dim3A = arith.constant 0.000000e+00 : f32
      %broadcast_in_dim3A_151 = vector.broadcast %broadcast_in_dim3A : f32 to vector<16xf32>
      %swap3A = arith.index_cast %scan3A_150 : i32 to index
      %swap3A_152 = arith.constant 64 : index
      %swap3A_153 = tpu.vector_load %arg11[%swap3A, %swap3A_152] {strides = array<i32>} : memref<80x128xf32, #tpu.memory_space<vmem>>, vector<1x16xf32>,
      %swap3A_154 = vector.shape_cast %swap3A_153 : vector<1x16xf32> to vector<16xf32>
      %swap3A_155 = vector.shape_cast %broadcast_in_dim3A_151 : vector<16xf32> to vector<1x16xf32>
      tpu.vector_store %arg11[%swap3A, %swap3A_152], %swap3A_155 {strides = array<i32>} : memref<80x128xf32, #tpu.memory_space<vmem>>, vector<1x16xf32>,
    }
    %scan3A_29 = arith.constant 80 : i32
    %scan3A_30 = arith.constant 0 : i32
    %scan3A_31 = arith.constant 0 : i32
    %scan3A_32 = arith.constant 80 : i32
    %scan3A_33 = arith.addi %scan3A_31, %scan3A_32 : i32
    %scan3A_34 = arith.constant 1 : i32
    scf.for %scan3A_150 = %scan3A_31 to %scan3A_33 step %scan3A_34  : i32 {
      %broadcast_in_dim3A = arith.constant 0.000000e+00 : f32
      %broadcast_in_dim3A_151 = vector.broadcast %broadcast_in_dim3A : f32 to vector<16xf32>
      %swap3A = arith.index_cast %scan3A_150 : i32 to index
      %swap3A_152 = arith.constant 80 : index
      %swap3A_153 = tpu.vector_load %arg11[%swap3A, %swap3A_152] {strides = array<i32>} : memref<80x128xf32, #tpu.memory_space<vmem>>, vector<1x16xf32>,
      %swap3A_154 = vector.shape_cast %swap3A_153 : vector<1x16xf32> to vector<16xf32>
      %swap3A_155 = vector.shape_cast %broadcast_in_dim3A_151 : vector<16xf32> to vector<1x16xf32>
      tpu.vector_store %arg11[%swap3A, %swap3A_152], %swap3A_155 {strides = array<i32>} : memref<80x128xf32, #tpu.memory_space<vmem>>, vector<1x16xf32>,
    }
    %scan3A_35 = arith.constant 80 : i32
    %scan3A_36 = arith.constant 0 : i32
    %scan3A_37 = arith.constant 0 : i32
    %scan3A_38 = arith.constant 80 : i32
    %scan3A_39 = arith.addi %scan3A_37, %scan3A_38 : i32
    %scan3A_40 = arith.constant 1 : i32
    scf.for %scan3A_150 = %scan3A_37 to %scan3A_39 step %scan3A_40  : i32 {
      %broadcast_in_dim3A = arith.constant 0.000000e+00 : f32
      %broadcast_in_dim3A_151 = vector.broadcast %broadcast_in_dim3A : f32 to vector<16xf32>
      %swap3A = arith.index_cast %scan3A_150 : i32 to index
      %swap3A_152 = arith.constant 96 : index
      %swap3A_153 = tpu.vector_load %arg11[%swap3A, %swap3A_152] {strides = array<i32>} : memref<80x128xf32, #tpu.memory_space<vmem>>, vector<1x16xf32>,
      %swap3A_154 = vector.shape_cast %swap3A_153 : vector<1x16xf32> to vector<16xf32>
      %swap3A_155 = vector.shape_cast %broadcast_in_dim3A_151 : vector<16xf32> to vector<1x16xf32>
      tpu.vector_store %arg11[%swap3A, %swap3A_152], %swap3A_155 {strides = array<i32>} : memref<80x128xf32, #tpu.memory_space<vmem>>, vector<1x16xf32>,
    }
    %scan3A_41 = arith.constant 80 : i32
    %scan3A_42 = arith.constant 0 : i32
    %scan3A_43 = arith.constant 0 : i32
    %scan3A_44 = arith.constant 80 : i32
    %scan3A_45 = arith.addi %scan3A_43, %scan3A_44 : i32
    %scan3A_46 = arith.constant 1 : i32
    scf.for %scan3A_150 = %scan3A_43 to %scan3A_45 step %scan3A_46  : i32 {
      %broadcast_in_dim3A = arith.constant 0.000000e+00 : f32
      %broadcast_in_dim3A_151 = vector.broadcast %broadcast_in_dim3A : f32 to vector<16xf32>
      %swap3A = arith.index_cast %scan3A_150 : i32 to index
      %swap3A_152 = arith.constant 112 : index
      %swap3A_153 = tpu.vector_load %arg11[%swap3A, %swap3A_152] {strides = array<i32>} : memref<80x128xf32, #tpu.memory_space<vmem>>, vector<1x16xf32>,
      %swap3A_154 = vector.shape_cast %swap3A_153 : vector<1x16xf32> to vector<16xf32>
      %swap3A_155 = vector.shape_cast %broadcast_in_dim3A_151 : vector<16xf32> to vector<1x16xf32>
      tpu.vector_store %arg11[%swap3A, %swap3A_152], %swap3A_155 {strides = array<i32>} : memref<80x128xf32, #tpu.memory_space<vmem>>, vector<1x16xf32>,
    }
    %scan3A_47 = arith.constant 80 : i32
    %sub3A = arith.constant 125 : i32
    %sub3A_48 = arith.subi %sub3A, %arg1 : i32
    %add3A_49 = arith.constant 16 : i32
    %add3A_50 = arith.addi %sub3A_48, %add3A_49 : i32
    %sub3A_51 = arith.constant 1 : i32
    %sub3A_52 = arith.subi %add3A_50, %sub3A_51 : i32
    %jit3A = arith.constant 16 : i32
    %div3A = arith.divsi %sub3A_52, %jit3A : i32
    %sign3A = arith.constant 0 : i32
    %sign3A_53 = arith.cmpi sgt, %sub3A_52, %sign3A : i32
    %sign3A_54 = arith.extui %sign3A_53 : i1 to i32
    %sign3A_55 = arith.constant 0 : i32
    %sign3A_56 = arith.cmpi slt, %sub3A_52, %sign3A_55 : i32
    %sign3A_57 = arith.extui %sign3A_56 : i1 to i32
    %sign3A_58 = arith.subi %sign3A_54, %sign3A_57 : i32
    %sign3A_59 = arith.constant 0 : i32
    %sign3A_60 = arith.cmpi sgt, %jit3A, %sign3A_59 : i32
    %sign3A_61 = arith.extui %sign3A_60 : i1 to i32
    %sign3A_62 = arith.constant 0 : i32
    %sign3A_63 = arith.cmpi slt, %jit3A, %sign3A_62 : i32
    %sign3A_64 = arith.extui %sign3A_63 : i1 to i32
    %sign3A_65 = arith.subi %sign3A_61, %sign3A_64 : i32
    %ne3A = arith.cmpi ne, %sign3A_58, %sign3A_65 : i32
    %rem3A = arith.remsi %sub3A_52, %jit3A : i32
    %ne3A_66 = arith.constant 0 : i32
    %ne3A_67 = arith.cmpi ne, %rem3A, %ne3A_66 : i32
    %and3A = arith.andi %ne3A, %ne3A_67 : i1
    %sub3A_68 = arith.constant 1 : i32
    %sub3A_69 = arith.subi %div3A, %sub3A_68 : i32
    %select_n3A = arith.select %and3A, %sub3A_69, %div3A : i32
    %while3A = arith.constant 0 : i32
    %while3A_70 = arith.constant 0 : i32
    %while3A_71 = arith.subi %select_n3A, %while3A_70 : i32
    %while3A_72 = arith.addi %while3A_70, %while3A_71 : i32
    %while3A_73 = arith.constant 1 : i32
    %while3A_74 = arith.divsi %while3A_71, %while3A_73 : i32
    %while3A_75 = arith.muli %while3A_74, %while3A_73 : i32
    %while3A_76 = arith.addi %while3A_70, %while3A_75 : i32
    %while3A_77 = arith.constant 1 : i32
    scf.for %while3A_150 = %while3A_70 to %while3A_76 step %while3A_77  : i32 {
      %mul3A_151 = arith.constant 16 : i32
      %mul3A_152 = arith.muli %while3A_150, %mul3A_151 : i32
      %add3A_153 = arith.addi %arg1, %mul3A_152 : i32
      %mul3A_154 = arith.constant 80 : i32
      %mul3A_155 = arith.muli %add3A_153, %mul3A_154 : i32
      "tpu.region"() ({
        %run_scoped3A = tpu.sem_alloc : memref<!tpu.dma_semaphore, #tpu.memory_space<semaphore_mem>>
        %dma_start3A_156 = arith.constant 0 : i32
        %dma_start3A_157 = tpu.memref_slice %arg17[%mul3A_155, %dma_start3A_156] : memref<10000x128xf32, #tpu.memory_space<vmem_shared>> -> memref<80x128xf32, #tpu.memory_space<vmem_shared>>
        %dma_start3A_158 = arith.constant 0 : i32
        %dma_start3A_159 = tpu.memref_slice %arg17[%mul3A_155, %dma_start3A_158] : memref<10000x128xf32, #tpu.memory_space<vmem_shared>> -> memref<80x128xf32, #tpu.memory_space<vmem_shared>>
        tpu.enqueue_dma source(%arg11 : memref<80x128xf32, #tpu.memory_space<vmem>>) target(%dma_start3A_159 : memref<80x128xf32, #tpu.memory_space<vmem_shared>>) target_semaphore(%run_scoped3A : memref<!tpu.dma_semaphore, #tpu.memory_space<semaphore_mem>>)
        %dma_wait3A_160 = arith.constant 0 : i32
        %dma_wait3A_161 = tpu.memref_slice %arg17[%mul3A_155, %dma_wait3A_160] : memref<10000x128xf32, #tpu.memory_space<vmem_shared>> -> memref<80x128xf32, #tpu.memory_space<vmem_shared>>
        %dma_wait3A_162 = arith.constant 0 : i32
        %dma_wait3A_163 = tpu.memref_slice %arg17[%mul3A_155, %dma_wait3A_162] : memref<10000x128xf32, #tpu.memory_space<vmem_shared>> -> memref<80x128xf32, #tpu.memory_space<vmem_shared>>
        tpu.wait_dma2 semaphore(%run_scoped3A : memref<!tpu.dma_semaphore, #tpu.memory_space<semaphore_mem>>) src(%arg11 : memref<80x128xf32, #tpu.memory_space<vmem>>) dst(%dma_wait3A_163 : memref<80x128xf32, #tpu.memory_space<vmem_shared>>)
        tpu.yield
      }) : () -> ()
    }
    %while3A_78 = arith.constant 1 : i32
    scf.for %while3A_150 = %while3A_76 to %while3A_72 step %while3A_78  : i32 {
      %mul3A_151 = arith.constant 16 : i32
      %mul3A_152 = arith.muli %while3A_150, %mul3A_151 : i32
      %add3A_153 = arith.addi %arg1, %mul3A_152 : i32
      %mul3A_154 = arith.constant 80 : i32
      %mul3A_155 = arith.muli %add3A_153, %mul3A_154 : i32
      "tpu.region"() ({
        %run_scoped3A = tpu.sem_alloc : memref<!tpu.dma_semaphore, #tpu.memory_space<semaphore_mem>>
        %dma_start3A_156 = arith.constant 0 : i32
        %dma_start3A_157 = tpu.memref_slice %arg17[%mul3A_155, %dma_start3A_156] : memref<10000x128xf32, #tpu.memory_space<vmem_shared>> -> memref<80x128xf32, #tpu.memory_space<vmem_shared>>
        %dma_start3A_158 = arith.constant 0 : i32
        %dma_start3A_159 = tpu.memref_slice %arg17[%mul3A_155, %dma_start3A_158] : memref<10000x128xf32, #tpu.memory_space<vmem_shared>> -> memref<80x128xf32, #tpu.memory_space<vmem_shared>>
        tpu.enqueue_dma source(%arg11 : memref<80x128xf32, #tpu.memory_space<vmem>>) target(%dma_start3A_159 : memref<80x128xf32, #tpu.memory_space<vmem_shared>>) target_semaphore(%run_scoped3A : memref<!tpu.dma_semaphore, #tpu.memory_space<semaphore_mem>>)
        %dma_wait3A_160 = arith.constant 0 : i32
        %dma_wait3A_161 = tpu.memref_slice %arg17[%mul3A_155, %dma_wait3A_160] : memref<10000x128xf32, #tpu.memory_space<vmem_shared>> -> memref<80x128xf32, #tpu.memory_space<vmem_shared>>
        %dma_wait3A_162 = arith.constant 0 : i32
        %dma_wait3A_163 = tpu.memref_slice %arg17[%mul3A_155, %dma_wait3A_162] : memref<10000x128xf32, #tpu.memory_space<vmem_shared>> -> memref<80x128xf32, #tpu.memory_space<vmem_shared>>
        tpu.wait_dma2 semaphore(%run_scoped3A : memref<!tpu.dma_semaphore, #tpu.memory_space<semaphore_mem>>) src(%arg11 : memref<80x128xf32, #tpu.memory_space<vmem>>) dst(%dma_wait3A_163 : memref<80x128xf32, #tpu.memory_space<vmem_shared>>)
        tpu.yield
      }) : () -> ()
    }
    %barrier3A = arith.constant 0 : index
    tpu.barrier barrier_id(%barrier3A)
    %mul3A_79 = arith.constant 10000 : i32
    %mul3A_80 = arith.muli %add3A, %mul3A_79 : i32
    %add3A_81 = arith.constant 0 : i32
    %add3A_82 = arith.addi %mul3A_80, %add3A_81 : i32
    %dma_start3A = arith.constant 0 : i32
    %dma_start3A_83 = tpu.memref_slice %arg2[%add3A_82, %dma_start3A] : memref<320000x128xf32, #tpu.memory_space<hbm>> -> memref<80x128xf32, #tpu.memory_space<hbm>>
    %dma_start3A_84 = arith.constant 0 : i32
    %dma_start3A_85 = tpu.memref_slice %arg2[%add3A_82, %dma_start3A_84] : memref<320000x128xf32, #tpu.memory_space<hbm>> -> memref<80x128xf32, #tpu.memory_space<hbm>>
    tpu.enqueue_dma source(%dma_start3A_85 : memref<80x128xf32, #tpu.memory_space<hbm>>) target(%arg11 : memref<80x128xf32, #tpu.memory_space<vmem>>) target_semaphore(%arg18 : memref<!tpu.dma_semaphore, #tpu.memory_space<semaphore_mem>>)
    %mul3A_86 = arith.constant 10000 : i32
    %mul3A_87 = arith.muli %add3A, %mul3A_86 : i32
    %add3A_88 = arith.constant 0 : i32
    %add3A_89 = arith.addi %mul3A_87, %add3A_88 : i32
    %dma_start3A_90 = arith.constant 0 : i32
    %dma_start3A_91 = arith.constant 0 : i32
    %dma_start3A_92 = tpu.memref_slice %arg7[%dma_start3A_90, %dma_start3A_91] : memref<1x80xi32, #tpu.memory_space<vmem>> -> memref<1x80xi32, #tpu.memory_space<vmem>>
    %dma_start3A_93 = tpu.memref_squeeze %dma_start3A_92 : memref<1x80xi32, #tpu.memory_space<vmem>> -> memref<80xi32, #tpu.memory_space<vmem>>
    %dma_start3A_94 = tpu.memref_slice %arg3[%add3A_89] : memref<320000xi32, #tpu.memory_space<hbm>> -> memref<80xi32, #tpu.memory_space<hbm>>
    %dma_start3A_95 = arith.constant 0 : i32
    %dma_start3A_96 = tpu.memref_slice %arg7[%dma_start3A_90, %dma_start3A_95] : memref<1x80xi32, #tpu.memory_space<vmem>> -> memref<1x80xi32, #tpu.memory_space<vmem>>
    %dma_start3A_97 = tpu.memref_squeeze %dma_start3A_96 : memref<1x80xi32, #tpu.memory_space<vmem>> -> memref<80xi32, #tpu.memory_space<vmem>>
    %dma_start3A_98 = tpu.memref_slice %arg3[%add3A_89] : memref<320000xi32, #tpu.memory_space<hbm>> -> memref<80xi32, #tpu.memory_space<hbm>>
    tpu.enqueue_dma source(%dma_start3A_98 : memref<80xi32, #tpu.memory_space<hbm>>) target(%dma_start3A_97 : memref<80xi32, #tpu.memory_space<vmem>>) target_semaphore(%arg18 : memref<!tpu.dma_semaphore, #tpu.memory_space<semaphore_mem>>)
    %mul3A_99 = arith.constant 10000 : i32
    %mul3A_100 = arith.muli %add3A, %mul3A_99 : i32
    %add3A_101 = arith.constant 80 : i32
    %add3A_102 = arith.addi %mul3A_100, %add3A_101 : i32
    %dma_start3A_103 = arith.constant 0 : i32
    %dma_start3A_104 = tpu.memref_slice %arg2[%add3A_102, %dma_start3A_103] : memref<320000x128xf32, #tpu.memory_space<hbm>> -> memref<80x128xf32, #tpu.memory_space<hbm>>
    %dma_start3A_105 = arith.constant 0 : i32
    %dma_start3A_106 = tpu.memref_slice %arg2[%add3A_102, %dma_start3A_105] : memref<320000x128xf32, #tpu.memory_space<hbm>> -> memref<80x128xf32, #tpu.memory_space<hbm>>
    tpu.enqueue_dma source(%dma_start3A_106 : memref<80x128xf32, #tpu.memory_space<hbm>>) target(%arg12 : memref<80x128xf32, #tpu.memory_space<vmem>>) target_semaphore(%arg19 : memref<!tpu.dma_semaphore, #tpu.memory_space<semaphore_mem>>)
    %mul3A_107 = arith.constant 10000 : i32
    %mul3A_108 = arith.muli %add3A, %mul3A_107 : i32
    %add3A_109 = arith.constant 80 : i32
    %add3A_110 = arith.addi %mul3A_108, %add3A_109 : i32
    %dma_start3A_111 = arith.constant 0 : i32
    %dma_start3A_112 = arith.constant 0 : i32
    %dma_start3A_113 = tpu.memref_slice %arg8[%dma_start3A_111, %dma_start3A_112] : memref<1x80xi32, #tpu.memory_space<vmem>> -> memref<1x80xi32, #tpu.memory_space<vmem>>
    %dma_start3A_114 = tpu.memref_squeeze %dma_start3A_113 : memref<1x80xi32, #tpu.memory_space<vmem>> -> memref<80xi32, #tpu.memory_space<vmem>>
    %dma_start3A_115 = tpu.memref_slice %arg3[%add3A_110] : memref<320000xi32, #tpu.memory_space<hbm>> -> memref<80xi32, #tpu.memory_space<hbm>>
    %dma_start3A_116 = arith.constant 0 : i32
    %dma_start3A_117 = tpu.memref_slice %arg8[%dma_start3A_111, %dma_start3A_116] : memref<1x80xi32, #tpu.memory_space<vmem>> -> memref<1x80xi32, #tpu.memory_space<vmem>>
    %dma_start3A_118 = tpu.memref_squeeze %dma_start3A_117 : memref<1x80xi32, #tpu.memory_space<vmem>> -> memref<80xi32, #tpu.memory_space<vmem>>
    %dma_start3A_119 = tpu.memref_slice %arg3[%add3A_110] : memref<320000xi32, #tpu.memory_space<hbm>> -> memref<80xi32, #tpu.memory_space<hbm>>
    tpu.enqueue_dma source(%dma_start3A_119 : memref<80xi32, #tpu.memory_space<hbm>>) target(%dma_start3A_118 : memref<80xi32, #tpu.memory_space<vmem>>) target_semaphore(%arg19 : memref<!tpu.dma_semaphore, #tpu.memory_space<semaphore_mem>>)
    %scan3A_120 = arith.constant 0 : i32
    %scan3A_121 = arith.constant 0 : i32
    %scan3A_122 = arith.constant 63 : i32
    %scan3A_123 = arith.addi %scan3A_121, %scan3A_122 : i32
    %scan3A_124 = arith.constant 1 : i32
    scf.for %scan3A_150 = %scan3A_121 to %scan3A_123 step %scan3A_124  : i32 {
      %mul3A_151 = arith.constant 2 : i32
      %mul3A_152 = arith.muli %scan3A_150, %mul3A_151 : i32
      %add3A_153 = arith.constant 0 : i32
      %add3A_154 = arith.addi %mul3A_152, %add3A_153 : i32
      %lt3A = arith.constant 125 : i32
      %lt3A_155 = arith.cmpi slt, %add3A_154, %lt3A : i32
      %convert_element_type3A = arith.extui %lt3A_155 : i1 to i32
      %cond3A = arith.constant 0 : i32
      %cond3A_156 = arith.cmpi ne, %convert_element_type3A, %cond3A : i32
      scf.if %cond3A_156 {
        %mul3A_166 = arith.constant 10000 : i32
        %mul3A_167 = arith.muli %add3A, %mul3A_166 : i32
        %mul3A_168 = arith.constant 80 : i32
        %mul3A_169 = arith.muli %add3A_154, %mul3A_168 : i32
        %add3A_170 = arith.addi %mul3A_167, %mul3A_169 : i32
        %dma_wait3A_171 = arith.constant 0 : i32
        %dma_wait3A_172 = tpu.memref_slice %arg2[%add3A_170, %dma_wait3A_171] : memref<320000x128xf32, #tpu.memory_space<hbm>> -> memref<80x128xf32, #tpu.memory_space<hbm>>
        %dma_wait3A_173 = arith.constant 0 : i32
        %dma_wait3A_174 = tpu.memref_slice %arg2[%add3A_170, %dma_wait3A_173] : memref<320000x128xf32, #tpu.memory_space<hbm>> -> memref<80x128xf32, #tpu.memory_space<hbm>>
        tpu.wait_dma2 semaphore(%arg18 : memref<!tpu.dma_semaphore, #tpu.memory_space<semaphore_mem>>) src(%dma_wait3A_174 : memref<80x128xf32, #tpu.memory_space<hbm>>) dst(%arg11 : memref<80x128xf32, #tpu.memory_space<vmem>>)
        %mul3A_175 = arith.constant 10000 : i32
        %mul3A_176 = arith.muli %add3A, %mul3A_175 : i32
        %mul3A_177 = arith.constant 80 : i32
        %mul3A_178 = arith.muli %add3A_154, %mul3A_177 : i32
        %add3A_179 = arith.addi %mul3A_176, %mul3A_178 : i32
        %dma_wait3A_180 = arith.constant 0 : i32
        %dma_wait3A_181 = arith.constant 0 : i32
        %dma_wait3A_182 = tpu.memref_slice %arg7[%dma_wait3A_180, %dma_wait3A_181] : memref<1x80xi32, #tpu.memory_space<vmem>> -> memref<1x80xi32, #tpu.memory_space<vmem>>
        %dma_wait3A_183 = tpu.memref_squeeze %dma_wait3A_182 : memref<1x80xi32, #tpu.memory_space<vmem>> -> memref<80xi32, #tpu.memory_space<vmem>>
        %dma_wait3A_184 = tpu.memref_slice %arg3[%add3A_179] : memref<320000xi32, #tpu.memory_space<hbm>> -> memref<80xi32, #tpu.memory_space<hbm>>
        %dma_wait3A_185 = arith.constant 0 : i32
        %dma_wait3A_186 = tpu.memref_slice %arg7[%dma_wait3A_180, %dma_wait3A_185] : memref<1x80xi32, #tpu.memory_space<vmem>> -> memref<1x80xi32, #tpu.memory_space<vmem>>
        %dma_wait3A_187 = tpu.memref_squeeze %dma_wait3A_186 : memref<1x80xi32, #tpu.memory_space<vmem>> -> memref<80xi32, #tpu.memory_space<vmem>>
        %dma_wait3A_188 = tpu.memref_slice %arg3[%add3A_179] : memref<320000xi32, #tpu.memory_space<hbm>> -> memref<80xi32, #tpu.memory_space<hbm>>
        tpu.wait_dma2 semaphore(%arg18 : memref<!tpu.dma_semaphore, #tpu.memory_space<semaphore_mem>>) src(%dma_wait3A_188 : memref<80xi32, #tpu.memory_space<hbm>>) dst(%dma_wait3A_187 : memref<80xi32, #tpu.memory_space<vmem>>)
        %ge3A = arith.constant 2 : i32
        %ge3A_189 = arith.cmpi sge, %add3A_154, %ge3A : i32
        %convert_element_type3A_190 = arith.extui %ge3A_189 : i1 to i32
        %cond3A_191 = arith.constant 0 : i32
        %cond3A_192 = arith.cmpi ne, %convert_element_type3A_190, %cond3A_191 : i32
        scf.if %cond3A_192 {
          %dma_wait3A_266 = arith.constant 0 : i32
          %dma_wait3A_267 = arith.constant 0 : i32
          %dma_wait3A_268 = tpu.memref_slice %arg9[%dma_wait3A_266, %dma_wait3A_267] : memref<1x80xi32, #tpu.memory_space<vmem>> -> memref<1x80xi32, #tpu.memory_space<vmem>>
          %dma_wait3A_269 = tpu.memref_squeeze %dma_wait3A_268 : memref<1x80xi32, #tpu.memory_space<vmem>> -> memref<80xi32, #tpu.memory_space<vmem>>
          %dma_wait3A_270 = arith.constant 0 : i32
          %dma_wait3A_271 = arith.constant 0 : i32
          %dma_wait3A_272 = tpu.memref_slice %arg17[%dma_wait3A_270, %dma_wait3A_271] : memref<10000x128xf32, #tpu.memory_space<vmem_shared>> -> memref<10000x128xf32, #tpu.memory_space<vmem_shared>>
          tpu.wait_indirect_dma semaphore(%arg20 : memref<!tpu.dma_semaphore, #tpu.memory_space<semaphore_mem>>) src(%arg13 : memref<80x128xf32, #tpu.memory_space<vmem>>) dst(%dma_wait3A_272 : memref<10000x128xf32, #tpu.memory_space<vmem_shared>>)
        } else {
        }
        %scan3A_193 = arith.constant 0 : i32
        %scan3A_194 = arith.constant 0 : i32
        %scan3A_195 = arith.constant 80 : i32
        %scan3A_196 = arith.addi %scan3A_194, %scan3A_195 : i32
        %scan3A_197 = arith.constant 1 : i32
        scf.for %scan3A_266 = %scan3A_194 to %scan3A_196 step %scan3A_197  : i32 {
          %get3A_267 = arith.index_cast %scan3A_266 : i32 to index
          %get3A_268 = arith.constant 0 : index
          %get3A_269 = tpu.vector_load %arg11[%get3A_267, %get3A_268] {strides = array<i32>} : memref<80x128xf32, #tpu.memory_space<vmem>>, vector<1x16xf32>,
          %get3A_270 = vector.shape_cast %get3A_269 : vector<1x16xf32> to vector<16xf32>
          %get3A_271 = arith.constant 0 : index
          %get3A_272 = tpu.vector_load %arg15[%get3A_271] {strides = array<i32>} : memref<128xf32, #tpu.memory_space<vmem>>, vector<16xf32>,
          %get3A_273 = vector.shape_cast %get3A_272 : vector<16xf32> to vector<16xf32>
          %mul3A_274 = arith.mulf %get3A_270, %get3A_273 : vector<16xf32>
          %get3A_275 = arith.constant 0 : index
          %get3A_276 = tpu.vector_load %arg16[%get3A_275] {strides = array<i32>} : memref<128xf32, #tpu.memory_space<vmem>>, vector<16xf32>,
          %get3A_277 = vector.shape_cast %get3A_276 : vector<16xf32> to vector<16xf32>
          %add3A_278 = arith.addf %mul3A_274, %get3A_277 : vector<16xf32>
          %max3A = arith.constant 0.000000e+00 : f32
          %max3A_279 = vector.broadcast %max3A : f32 to vector<16xf32>
          %max3A_280 = arith.maximumf %add3A_278, %max3A_279 : vector<16xf32>
          %swap3A_281 = arith.index_cast %scan3A_266 : i32 to index
          %swap3A_282 = arith.constant 0 : index
          %swap3A_283 = tpu.vector_load %arg13[%swap3A_281, %swap3A_282] {strides = array<i32>} : memref<80x128xf32, #tpu.memory_space<vmem>>, vector<1x16xf32>,
          %swap3A_284 = vector.shape_cast %swap3A_283 : vector<1x16xf32> to vector<16xf32>
          %swap3A_285 = vector.shape_cast %max3A_280 : vector<16xf32> to vector<1x16xf32>
          tpu.vector_store %arg13[%swap3A_281, %swap3A_282], %swap3A_285 {strides = array<i32>} : memref<80x128xf32, #tpu.memory_space<vmem>>, vector<1x16xf32>,
          %get3A_286 = arith.index_cast %scan3A_266 : i32 to index
          %get3A_287 = arith.constant 16 : index
          %get3A_288 = tpu.vector_load %arg11[%get3A_286, %get3A_287] {strides = array<i32>} : memref<80x128xf32, #tpu.memory_space<vmem>>, vector<1x16xf32>,
          %get3A_289 = vector.shape_cast %get3A_288 : vector<1x16xf32> to vector<16xf32>
          %get3A_290 = arith.constant 16 : index
          %get3A_291 = tpu.vector_load %arg15[%get3A_290] {strides = array<i32>} : memref<128xf32, #tpu.memory_space<vmem>>, vector<16xf32>,
          %get3A_292 = vector.shape_cast %get3A_291 : vector<16xf32> to vector<16xf32>
          %mul3A_293 = arith.mulf %get3A_289, %get3A_292 : vector<16xf32>
          %get3A_294 = arith.constant 16 : index
          %get3A_295 = tpu.vector_load %arg16[%get3A_294] {strides = array<i32>} : memref<128xf32, #tpu.memory_space<vmem>>, vector<16xf32>,
          %get3A_296 = vector.shape_cast %get3A_295 : vector<16xf32> to vector<16xf32>
          %add3A_297 = arith.addf %mul3A_293, %get3A_296 : vector<16xf32>
          %max3A_298 = arith.constant 0.000000e+00 : f32
          %max3A_299 = vector.broadcast %max3A_298 : f32 to vector<16xf32>
          %max3A_300 = arith.maximumf %add3A_297, %max3A_299 : vector<16xf32>
          %swap3A_301 = arith.index_cast %scan3A_266 : i32 to index
          %swap3A_302 = arith.constant 16 : index
          %swap3A_303 = tpu.vector_load %arg13[%swap3A_301, %swap3A_302] {strides = array<i32>} : memref<80x128xf32, #tpu.memory_space<vmem>>, vector<1x16xf32>,
          %swap3A_304 = vector.shape_cast %swap3A_303 : vector<1x16xf32> to vector<16xf32>
          %swap3A_305 = vector.shape_cast %max3A_300 : vector<16xf32> to vector<1x16xf32>
          tpu.vector_store %arg13[%swap3A_301, %swap3A_302], %swap3A_305 {strides = array<i32>} : memref<80x128xf32, #tpu.memory_space<vmem>>, vector<1x16xf32>,
          %get3A_306 = arith.index_cast %scan3A_266 : i32 to index
          %get3A_307 = arith.constant 32 : index
          %get3A_308 = tpu.vector_load %arg11[%get3A_306, %get3A_307] {strides = array<i32>} : memref<80x128xf32, #tpu.memory_space<vmem>>, vector<1x16xf32>,
          %get3A_309 = vector.shape_cast %get3A_308 : vector<1x16xf32> to vector<16xf32>
          %get3A_310 = arith.constant 32 : index
          %get3A_311 = tpu.vector_load %arg15[%get3A_310] {strides = array<i32>} : memref<128xf32, #tpu.memory_space<vmem>>, vector<16xf32>,
          %get3A_312 = vector.shape_cast %get3A_311 : vector<16xf32> to vector<16xf32>
          %mul3A_313 = arith.mulf %get3A_309, %get3A_312 : vector<16xf32>
          %get3A_314 = arith.constant 32 : index
          %get3A_315 = tpu.vector_load %arg16[%get3A_314] {strides = array<i32>} : memref<128xf32, #tpu.memory_space<vmem>>, vector<16xf32>,
          %get3A_316 = vector.shape_cast %get3A_315 : vector<16xf32> to vector<16xf32>
          %add3A_317 = arith.addf %mul3A_313, %get3A_316 : vector<16xf32>
          %max3A_318 = arith.constant 0.000000e+00 : f32
          %max3A_319 = vector.broadcast %max3A_318 : f32 to vector<16xf32>
          %max3A_320 = arith.maximumf %add3A_317, %max3A_319 : vector<16xf32>
          %swap3A_321 = arith.index_cast %scan3A_266 : i32 to index
          %swap3A_322 = arith.constant 32 : index
          %swap3A_323 = tpu.vector_load %arg13[%swap3A_321, %swap3A_322] {strides = array<i32>} : memref<80x128xf32, #tpu.memory_space<vmem>>, vector<1x16xf32>,
          %swap3A_324 = vector.shape_cast %swap3A_323 : vector<1x16xf32> to vector<16xf32>
          %swap3A_325 = vector.shape_cast %max3A_320 : vector<16xf32> to vector<1x16xf32>
          tpu.vector_store %arg13[%swap3A_321, %swap3A_322], %swap3A_325 {strides = array<i32>} : memref<80x128xf32, #tpu.memory_space<vmem>>, vector<1x16xf32>,
          %get3A_326 = arith.index_cast %scan3A_266 : i32 to index
          %get3A_327 = arith.constant 48 : index
          %get3A_328 = tpu.vector_load %arg11[%get3A_326, %get3A_327] {strides = array<i32>} : memref<80x128xf32, #tpu.memory_space<vmem>>, vector<1x16xf32>,
          %get3A_329 = vector.shape_cast %get3A_328 : vector<1x16xf32> to vector<16xf32>
          %get3A_330 = arith.constant 48 : index
          %get3A_331 = tpu.vector_load %arg15[%get3A_330] {strides = array<i32>} : memref<128xf32, #tpu.memory_space<vmem>>, vector<16xf32>,
          %get3A_332 = vector.shape_cast %get3A_331 : vector<16xf32> to vector<16xf32>
          %mul3A_333 = arith.mulf %get3A_329, %get3A_332 : vector<16xf32>
          %get3A_334 = arith.constant 48 : index
          %get3A_335 = tpu.vector_load %arg16[%get3A_334] {strides = array<i32>} : memref<128xf32, #tpu.memory_space<vmem>>, vector<16xf32>,
          %get3A_336 = vector.shape_cast %get3A_335 : vector<16xf32> to vector<16xf32>
          %add3A_337 = arith.addf %mul3A_333, %get3A_336 : vector<16xf32>
          %max3A_338 = arith.constant 0.000000e+00 : f32
          %max3A_339 = vector.broadcast %max3A_338 : f32 to vector<16xf32>
          %max3A_340 = arith.maximumf %add3A_337, %max3A_339 : vector<16xf32>
          %swap3A_341 = arith.index_cast %scan3A_266 : i32 to index
          %swap3A_342 = arith.constant 48 : index
          %swap3A_343 = tpu.vector_load %arg13[%swap3A_341, %swap3A_342] {strides = array<i32>} : memref<80x128xf32, #tpu.memory_space<vmem>>, vector<1x16xf32>,
          %swap3A_344 = vector.shape_cast %swap3A_343 : vector<1x16xf32> to vector<16xf32>
          %swap3A_345 = vector.shape_cast %max3A_340 : vector<16xf32> to vector<1x16xf32>
          tpu.vector_store %arg13[%swap3A_341, %swap3A_342], %swap3A_345 {strides = array<i32>} : memref<80x128xf32, #tpu.memory_space<vmem>>, vector<1x16xf32>,
          %get3A_346 = arith.index_cast %scan3A_266 : i32 to index
          %get3A_347 = arith.constant 64 : index
          %get3A_348 = tpu.vector_load %arg11[%get3A_346, %get3A_347] {strides = array<i32>} : memref<80x128xf32, #tpu.memory_space<vmem>>, vector<1x16xf32>,
          %get3A_349 = vector.shape_cast %get3A_348 : vector<1x16xf32> to vector<16xf32>
          %get3A_350 = arith.constant 64 : index
          %get3A_351 = tpu.vector_load %arg15[%get3A_350] {strides = array<i32>} : memref<128xf32, #tpu.memory_space<vmem>>, vector<16xf32>,
          %get3A_352 = vector.shape_cast %get3A_351 : vector<16xf32> to vector<16xf32>
          %mul3A_353 = arith.mulf %get3A_349, %get3A_352 : vector<16xf32>
          %get3A_354 = arith.constant 64 : index
          %get3A_355 = tpu.vector_load %arg16[%get3A_354] {strides = array<i32>} : memref<128xf32, #tpu.memory_space<vmem>>, vector<16xf32>,
          %get3A_356 = vector.shape_cast %get3A_355 : vector<16xf32> to vector<16xf32>
          %add3A_357 = arith.addf %mul3A_353, %get3A_356 : vector<16xf32>
          %max3A_358 = arith.constant 0.000000e+00 : f32
          %max3A_359 = vector.broadcast %max3A_358 : f32 to vector<16xf32>
          %max3A_360 = arith.maximumf %add3A_357, %max3A_359 : vector<16xf32>
          %swap3A_361 = arith.index_cast %scan3A_266 : i32 to index
          %swap3A_362 = arith.constant 64 : index
          %swap3A_363 = tpu.vector_load %arg13[%swap3A_361, %swap3A_362] {strides = array<i32>} : memref<80x128xf32, #tpu.memory_space<vmem>>, vector<1x16xf32>,
          %swap3A_364 = vector.shape_cast %swap3A_363 : vector<1x16xf32> to vector<16xf32>
          %swap3A_365 = vector.shape_cast %max3A_360 : vector<16xf32> to vector<1x16xf32>
          tpu.vector_store %arg13[%swap3A_361, %swap3A_362], %swap3A_365 {strides = array<i32>} : memref<80x128xf32, #tpu.memory_space<vmem>>, vector<1x16xf32>,
          %get3A_366 = arith.index_cast %scan3A_266 : i32 to index
          %get3A_367 = arith.constant 80 : index
          %get3A_368 = tpu.vector_load %arg11[%get3A_366, %get3A_367] {strides = array<i32>} : memref<80x128xf32, #tpu.memory_space<vmem>>, vector<1x16xf32>,
          %get3A_369 = vector.shape_cast %get3A_368 : vector<1x16xf32> to vector<16xf32>
          %get3A_370 = arith.constant 80 : index
          %get3A_371 = tpu.vector_load %arg15[%get3A_370] {strides = array<i32>} : memref<128xf32, #tpu.memory_space<vmem>>, vector<16xf32>,
          %get3A_372 = vector.shape_cast %get3A_371 : vector<16xf32> to vector<16xf32>
          %mul3A_373 = arith.mulf %get3A_369, %get3A_372 : vector<16xf32>
          %get3A_374 = arith.constant 80 : index
          %get3A_375 = tpu.vector_load %arg16[%get3A_374] {strides = array<i32>} : memref<128xf32, #tpu.memory_space<vmem>>, vector<16xf32>,
          %get3A_376 = vector.shape_cast %get3A_375 : vector<16xf32> to vector<16xf32>
          %add3A_377 = arith.addf %mul3A_373, %get3A_376 : vector<16xf32>
          %max3A_378 = arith.constant 0.000000e+00 : f32
          %max3A_379 = vector.broadcast %max3A_378 : f32 to vector<16xf32>
          %max3A_380 = arith.maximumf %add3A_377, %max3A_379 : vector<16xf32>
          %swap3A_381 = arith.index_cast %scan3A_266 : i32 to index
          %swap3A_382 = arith.constant 80 : index
          %swap3A_383 = tpu.vector_load %arg13[%swap3A_381, %swap3A_382] {strides = array<i32>} : memref<80x128xf32, #tpu.memory_space<vmem>>, vector<1x16xf32>,
          %swap3A_384 = vector.shape_cast %swap3A_383 : vector<1x16xf32> to vector<16xf32>
          %swap3A_385 = vector.shape_cast %max3A_380 : vector<16xf32> to vector<1x16xf32>
          tpu.vector_store %arg13[%swap3A_381, %swap3A_382], %swap3A_385 {strides = array<i32>} : memref<80x128xf32, #tpu.memory_space<vmem>>, vector<1x16xf32>,
          %get3A_386 = arith.index_cast %scan3A_266 : i32 to index
          %get3A_387 = arith.constant 96 : index
          %get3A_388 = tpu.vector_load %arg11[%get3A_386, %get3A_387] {strides = array<i32>} : memref<80x128xf32, #tpu.memory_space<vmem>>, vector<1x16xf32>,
          %get3A_389 = vector.shape_cast %get3A_388 : vector<1x16xf32> to vector<16xf32>
          %get3A_390 = arith.constant 96 : index
          %get3A_391 = tpu.vector_load %arg15[%get3A_390] {strides = array<i32>} : memref<128xf32, #tpu.memory_space<vmem>>, vector<16xf32>,
          %get3A_392 = vector.shape_cast %get3A_391 : vector<16xf32> to vector<16xf32>
          %mul3A_393 = arith.mulf %get3A_389, %get3A_392 : vector<16xf32>
          %get3A_394 = arith.constant 96 : index
          %get3A_395 = tpu.vector_load %arg16[%get3A_394] {strides = array<i32>} : memref<128xf32, #tpu.memory_space<vmem>>, vector<16xf32>,
          %get3A_396 = vector.shape_cast %get3A_395 : vector<16xf32> to vector<16xf32>
          %add3A_397 = arith.addf %mul3A_393, %get3A_396 : vector<16xf32>
          %max3A_398 = arith.constant 0.000000e+00 : f32
          %max3A_399 = vector.broadcast %max3A_398 : f32 to vector<16xf32>
          %max3A_400 = arith.maximumf %add3A_397, %max3A_399 : vector<16xf32>
          %swap3A_401 = arith.index_cast %scan3A_266 : i32 to index
          %swap3A_402 = arith.constant 96 : index
          %swap3A_403 = tpu.vector_load %arg13[%swap3A_401, %swap3A_402] {strides = array<i32>} : memref<80x128xf32, #tpu.memory_space<vmem>>, vector<1x16xf32>,
          %swap3A_404 = vector.shape_cast %swap3A_403 : vector<1x16xf32> to vector<16xf32>
          %swap3A_405 = vector.shape_cast %max3A_400 : vector<16xf32> to vector<1x16xf32>
          tpu.vector_store %arg13[%swap3A_401, %swap3A_402], %swap3A_405 {strides = array<i32>} : memref<80x128xf32, #tpu.memory_space<vmem>>, vector<1x16xf32>,
          %get3A_406 = arith.index_cast %scan3A_266 : i32 to index
          %get3A_407 = arith.constant 112 : index
          %get3A_408 = tpu.vector_load %arg11[%get3A_406, %get3A_407] {strides = array<i32>} : memref<80x128xf32, #tpu.memory_space<vmem>>, vector<1x16xf32>,
          %get3A_409 = vector.shape_cast %get3A_408 : vector<1x16xf32> to vector<16xf32>
          %get3A_410 = arith.constant 112 : index
          %get3A_411 = tpu.vector_load %arg15[%get3A_410] {strides = array<i32>} : memref<128xf32, #tpu.memory_space<vmem>>, vector<16xf32>,
          %get3A_412 = vector.shape_cast %get3A_411 : vector<16xf32> to vector<16xf32>
          %mul3A_413 = arith.mulf %get3A_409, %get3A_412 : vector<16xf32>
          %get3A_414 = arith.constant 112 : index
          %get3A_415 = tpu.vector_load %arg16[%get3A_414] {strides = array<i32>} : memref<128xf32, #tpu.memory_space<vmem>>, vector<16xf32>,
          %get3A_416 = vector.shape_cast %get3A_415 : vector<16xf32> to vector<16xf32>
          %add3A_417 = arith.addf %mul3A_413, %get3A_416 : vector<16xf32>
          %max3A_418 = arith.constant 0.000000e+00 : f32
          %max3A_419 = vector.broadcast %max3A_418 : f32 to vector<16xf32>
          %max3A_420 = arith.maximumf %add3A_417, %max3A_419 : vector<16xf32>
          %swap3A_421 = arith.index_cast %scan3A_266 : i32 to index
          %swap3A_422 = arith.constant 112 : index
          %swap3A_423 = tpu.vector_load %arg13[%swap3A_421, %swap3A_422] {strides = array<i32>} : memref<80x128xf32, #tpu.memory_space<vmem>>, vector<1x16xf32>,
          %swap3A_424 = vector.shape_cast %swap3A_423 : vector<1x16xf32> to vector<16xf32>
          %swap3A_425 = vector.shape_cast %max3A_420 : vector<16xf32> to vector<1x16xf32>
          tpu.vector_store %arg13[%swap3A_421, %swap3A_422], %swap3A_425 {strides = array<i32>} : memref<80x128xf32, #tpu.memory_space<vmem>>, vector<1x16xf32>,
        }
        %scan3A_198 = arith.constant 80 : i32
        %get3A = arith.constant 0 : i32
        %get3A_199 = arith.index_cast %get3A : i32 to index
        %get3A_200 = arith.constant 0 : index
        %get3A_201 = tpu.vector_load %arg7[%get3A_199, %get3A_200] {strides = array<i32>} : memref<1x80xi32, #tpu.memory_space<vmem>>, vector<1x16xi32>,
        %get3A_202 = vector.shape_cast %get3A_201 : vector<1x16xi32> to vector<16xi32>
        %swap3A = arith.constant 0 : i32
        %swap3A_203 = arith.index_cast %swap3A : i32 to index
        %swap3A_204 = arith.constant 0 : index
        %swap3A_205 = tpu.vector_load %arg9[%swap3A_203, %swap3A_204] {strides = array<i32>} : memref<1x80xi32, #tpu.memory_space<vmem>>, vector<1x16xi32>,
        %swap3A_206 = vector.shape_cast %swap3A_205 : vector<1x16xi32> to vector<16xi32>
        %swap3A_207 = vector.shape_cast %get3A_202 : vector<16xi32> to vector<1x16xi32>
        tpu.vector_store %arg9[%swap3A_203, %swap3A_204], %swap3A_207 {strides = array<i32>} : memref<1x80xi32, #tpu.memory_space<vmem>>, vector<1x16xi32>,
        %get3A_208 = arith.constant 0 : i32
        %get3A_209 = arith.index_cast %get3A_208 : i32 to index
        %get3A_210 = arith.constant 16 : index
        %get3A_211 = tpu.vector_load %arg7[%get3A_209, %get3A_210] {strides = array<i32>} : memref<1x80xi32, #tpu.memory_space<vmem>>, vector<1x16xi32>,
        %get3A_212 = vector.shape_cast %get3A_211 : vector<1x16xi32> to vector<16xi32>
        %swap3A_213 = arith.constant 0 : i32
        %swap3A_214 = arith.index_cast %swap3A_213 : i32 to index
        %swap3A_215 = arith.constant 16 : index
        %swap3A_216 = tpu.vector_load %arg9[%swap3A_214, %swap3A_215] {strides = array<i32>} : memref<1x80xi32, #tpu.memory_space<vmem>>, vector<1x16xi32>,
        %swap3A_217 = vector.shape_cast %swap3A_216 : vector<1x16xi32> to vector<16xi32>
        %swap3A_218 = vector.shape_cast %get3A_212 : vector<16xi32> to vector<1x16xi32>
        tpu.vector_store %arg9[%swap3A_214, %swap3A_215], %swap3A_218 {strides = array<i32>} : memref<1x80xi32, #tpu.memory_space<vmem>>, vector<1x16xi32>,
        %get3A_219 = arith.constant 0 : i32
        %get3A_220 = arith.index_cast %get3A_219 : i32 to index
        %get3A_221 = arith.constant 32 : index
        %get3A_222 = tpu.vector_load %arg7[%get3A_220, %get3A_221] {strides = array<i32>} : memref<1x80xi32, #tpu.memory_space<vmem>>, vector<1x16xi32>,
        %get3A_223 = vector.shape_cast %get3A_222 : vector<1x16xi32> to vector<16xi32>
        %swap3A_224 = arith.constant 0 : i32
        %swap3A_225 = arith.index_cast %swap3A_224 : i32 to index
        %swap3A_226 = arith.constant 32 : index
        %swap3A_227 = tpu.vector_load %arg9[%swap3A_225, %swap3A_226] {strides = array<i32>} : memref<1x80xi32, #tpu.memory_space<vmem>>, vector<1x16xi32>,
        %swap3A_228 = vector.shape_cast %swap3A_227 : vector<1x16xi32> to vector<16xi32>
        %swap3A_229 = vector.shape_cast %get3A_223 : vector<16xi32> to vector<1x16xi32>
        tpu.vector_store %arg9[%swap3A_225, %swap3A_226], %swap3A_229 {strides = array<i32>} : memref<1x80xi32, #tpu.memory_space<vmem>>, vector<1x16xi32>,
        %get3A_230 = arith.constant 0 : i32
        %get3A_231 = arith.index_cast %get3A_230 : i32 to index
        %get3A_232 = arith.constant 48 : index
        %get3A_233 = tpu.vector_load %arg7[%get3A_231, %get3A_232] {strides = array<i32>} : memref<1x80xi32, #tpu.memory_space<vmem>>, vector<1x16xi32>,
        %get3A_234 = vector.shape_cast %get3A_233 : vector<1x16xi32> to vector<16xi32>
        %swap3A_235 = arith.constant 0 : i32
        %swap3A_236 = arith.index_cast %swap3A_235 : i32 to index
        %swap3A_237 = arith.constant 48 : index
        %swap3A_238 = tpu.vector_load %arg9[%swap3A_236, %swap3A_237] {strides = array<i32>} : memref<1x80xi32, #tpu.memory_space<vmem>>, vector<1x16xi32>,
        %swap3A_239 = vector.shape_cast %swap3A_238 : vector<1x16xi32> to vector<16xi32>
        %swap3A_240 = vector.shape_cast %get3A_234 : vector<16xi32> to vector<1x16xi32>
        tpu.vector_store %arg9[%swap3A_236, %swap3A_237], %swap3A_240 {strides = array<i32>} : memref<1x80xi32, #tpu.memory_space<vmem>>, vector<1x16xi32>,
        %get3A_241 = arith.constant 0 : i32
        %get3A_242 = arith.index_cast %get3A_241 : i32 to index
        %get3A_243 = arith.constant 64 : index
        %get3A_244 = tpu.vector_load %arg7[%get3A_242, %get3A_243] {strides = array<i32>} : memref<1x80xi32, #tpu.memory_space<vmem>>, vector<1x16xi32>,
        %get3A_245 = vector.shape_cast %get3A_244 : vector<1x16xi32> to vector<16xi32>
        %swap3A_246 = arith.constant 0 : i32
        %swap3A_247 = arith.index_cast %swap3A_246 : i32 to index
        %swap3A_248 = arith.constant 64 : index
        %swap3A_249 = tpu.vector_load %arg9[%swap3A_247, %swap3A_248] {strides = array<i32>} : memref<1x80xi32, #tpu.memory_space<vmem>>, vector<1x16xi32>,
        %swap3A_250 = vector.shape_cast %swap3A_249 : vector<1x16xi32> to vector<16xi32>
        %swap3A_251 = vector.shape_cast %get3A_245 : vector<16xi32> to vector<1x16xi32>
        tpu.vector_store %arg9[%swap3A_247, %swap3A_248], %swap3A_251 {strides = array<i32>} : memref<1x80xi32, #tpu.memory_space<vmem>>, vector<1x16xi32>,
        %dma_start3A_252 = arith.constant 0 : i32
        %dma_start3A_253 = arith.constant 0 : i32
        %dma_start3A_254 = tpu.memref_slice %arg9[%dma_start3A_252, %dma_start3A_253] : memref<1x80xi32, #tpu.memory_space<vmem>> -> memref<1x80xi32, #tpu.memory_space<vmem>>
        %dma_start3A_255 = tpu.memref_squeeze %dma_start3A_254 : memref<1x80xi32, #tpu.memory_space<vmem>> -> memref<80xi32, #tpu.memory_space<vmem>>
        %dma_start3A_256 = arith.constant 0 : i32
        %dma_start3A_257 = arith.constant 0 : i32
        %dma_start3A_258 = tpu.memref_slice %arg17[%dma_start3A_256, %dma_start3A_257] : memref<10000x128xf32, #tpu.memory_space<vmem_shared>> -> memref<10000x128xf32, #tpu.memory_space<vmem_shared>>
        tpu.enqueue_indirect_dma source(%arg13 : memref<80x128xf32, #tpu.memory_space<vmem>>) target(%dma_start3A_258 : memref<10000x128xf32, #tpu.memory_space<vmem_shared>>) offsets(%dma_start3A_255 : memref<80xi32, #tpu.memory_space<vmem>>) semaphore(%arg20 : memref<!tpu.dma_semaphore, #tpu.memory_space<semaphore_mem>>) {add = true}
        %add3A_259 = arith.constant 2 : i32
        %add3A_260 = arith.addi %add3A_154, %add3A_259 : i32
        %lt3A_261 = arith.constant 125 : i32
        %lt3A_262 = arith.cmpi slt, %add3A_260, %lt3A_261 : i32
        %convert_element_type3A_263 = arith.extui %lt3A_262 : i1 to i32
        %cond3A_264 = arith.constant 0 : i32
        %cond3A_265 = arith.cmpi ne, %convert_element_type3A_263, %cond3A_264 : i32
        scf.if %cond3A_265 {
          %add3A_266 = arith.constant 2 : i32
          %add3A_267 = arith.addi %add3A_154, %add3A_266 : i32
          %mul3A_268 = arith.constant 10000 : i32
          %mul3A_269 = arith.muli %add3A, %mul3A_268 : i32
          %mul3A_270 = arith.constant 80 : i32
          %mul3A_271 = arith.muli %add3A_267, %mul3A_270 : i32
          %add3A_272 = arith.addi %mul3A_269, %mul3A_271 : i32
          %dma_start3A_273 = arith.constant 0 : i32
          %dma_start3A_274 = tpu.memref_slice %arg2[%add3A_272, %dma_start3A_273] : memref<320000x128xf32, #tpu.memory_space<hbm>> -> memref<80x128xf32, #tpu.memory_space<hbm>>
          %dma_start3A_275 = arith.constant 0 : i32
          %dma_start3A_276 = tpu.memref_slice %arg2[%add3A_272, %dma_start3A_275] : memref<320000x128xf32, #tpu.memory_space<hbm>> -> memref<80x128xf32, #tpu.memory_space<hbm>>
          tpu.enqueue_dma source(%dma_start3A_276 : memref<80x128xf32, #tpu.memory_space<hbm>>) target(%arg11 : memref<80x128xf32, #tpu.memory_space<vmem>>) target_semaphore(%arg18 : memref<!tpu.dma_semaphore, #tpu.memory_space<semaphore_mem>>)
          %mul3A_277 = arith.constant 10000 : i32
          %mul3A_278 = arith.muli %add3A, %mul3A_277 : i32
          %mul3A_279 = arith.constant 80 : i32
          %mul3A_280 = arith.muli %add3A_267, %mul3A_279 : i32
          %add3A_281 = arith.addi %mul3A_278, %mul3A_280 : i32
          %dma_start3A_282 = arith.constant 0 : i32
          %dma_start3A_283 = arith.constant 0 : i32
          %dma_start3A_284 = tpu.memref_slice %arg7[%dma_start3A_282, %dma_start3A_283] : memref<1x80xi32, #tpu.memory_space<vmem>> -> memref<1x80xi32, #tpu.memory_space<vmem>>
          %dma_start3A_285 = tpu.memref_squeeze %dma_start3A_284 : memref<1x80xi32, #tpu.memory_space<vmem>> -> memref<80xi32, #tpu.memory_space<vmem>>
          %dma_start3A_286 = tpu.memref_slice %arg3[%add3A_281] : memref<320000xi32, #tpu.memory_space<hbm>> -> memref<80xi32, #tpu.memory_space<hbm>>
          %dma_start3A_287 = arith.constant 0 : i32
          %dma_start3A_288 = tpu.memref_slice %arg7[%dma_start3A_282, %dma_start3A_287] : memref<1x80xi32, #tpu.memory_space<vmem>> -> memref<1x80xi32, #tpu.memory_space<vmem>>
          %dma_start3A_289 = tpu.memref_squeeze %dma_start3A_288 : memref<1x80xi32, #tpu.memory_space<vmem>> -> memref<80xi32, #tpu.memory_space<vmem>>
          %dma_start3A_290 = tpu.memref_slice %arg3[%add3A_281] : memref<320000xi32, #tpu.memory_space<hbm>> -> memref<80xi32, #tpu.memory_space<hbm>>
          tpu.enqueue_dma source(%dma_start3A_290 : memref<80xi32, #tpu.memory_space<hbm>>) target(%dma_start3A_289 : memref<80xi32, #tpu.memory_space<vmem>>) target_semaphore(%arg18 : memref<!tpu.dma_semaphore, #tpu.memory_space<semaphore_mem>>)
        } else {
        }
      } else {
      }
      %mul3A_157 = arith.constant 2 : i32
      %mul3A_158 = arith.muli %scan3A_150, %mul3A_157 : i32
      %add3A_159 = arith.constant 1 : i32
      %add3A_160 = arith.addi %mul3A_158, %add3A_159 : i32
      %lt3A_161 = arith.constant 125 : i32
      %lt3A_162 = arith.cmpi slt, %add3A_160, %lt3A_161 : i32
      %convert_element_type3A_163 = arith.extui %lt3A_162 : i1 to i32
      %cond3A_164 = arith.constant 0 : i32
      %cond3A_165 = arith.cmpi ne, %convert_element_type3A_163, %cond3A_164 : i32
      scf.if %cond3A_165 {
        %mul3A_166 = arith.constant 10000 : i32
        %mul3A_167 = arith.muli %add3A, %mul3A_166 : i32
        %mul3A_168 = arith.constant 80 : i32
        %mul3A_169 = arith.muli %add3A_160, %mul3A_168 : i32
        %add3A_170 = arith.addi %mul3A_167, %mul3A_169 : i32
        %dma_wait3A_171 = arith.constant 0 : i32
        %dma_wait3A_172 = tpu.memref_slice %arg2[%add3A_170, %dma_wait3A_171] : memref<320000x128xf32, #tpu.memory_space<hbm>> -> memref<80x128xf32, #tpu.memory_space<hbm>>
        %dma_wait3A_173 = arith.constant 0 : i32
        %dma_wait3A_174 = tpu.memref_slice %arg2[%add3A_170, %dma_wait3A_173] : memref<320000x128xf32, #tpu.memory_space<hbm>> -> memref<80x128xf32, #tpu.memory_space<hbm>>
        tpu.wait_dma2 semaphore(%arg19 : memref<!tpu.dma_semaphore, #tpu.memory_space<semaphore_mem>>) src(%dma_wait3A_174 : memref<80x128xf32, #tpu.memory_space<hbm>>) dst(%arg12 : memref<80x128xf32, #tpu.memory_space<vmem>>)
        %mul3A_175 = arith.constant 10000 : i32
        %mul3A_176 = arith.muli %add3A, %mul3A_175 : i32
        %mul3A_177 = arith.constant 80 : i32
        %mul3A_178 = arith.muli %add3A_160, %mul3A_177 : i32
        %add3A_179 = arith.addi %mul3A_176, %mul3A_178 : i32
        %dma_wait3A_180 = arith.constant 0 : i32
        %dma_wait3A_181 = arith.constant 0 : i32
        %dma_wait3A_182 = tpu.memref_slice %arg8[%dma_wait3A_180, %dma_wait3A_181] : memref<1x80xi32, #tpu.memory_space<vmem>> -> memref<1x80xi32, #tpu.memory_space<vmem>>
        %dma_wait3A_183 = tpu.memref_squeeze %dma_wait3A_182 : memref<1x80xi32, #tpu.memory_space<vmem>> -> memref<80xi32, #tpu.memory_space<vmem>>
        %dma_wait3A_184 = tpu.memref_slice %arg3[%add3A_179] : memref<320000xi32, #tpu.memory_space<hbm>> -> memref<80xi32, #tpu.memory_space<hbm>>
        %dma_wait3A_185 = arith.constant 0 : i32
        %dma_wait3A_186 = tpu.memref_slice %arg8[%dma_wait3A_180, %dma_wait3A_185] : memref<1x80xi32, #tpu.memory_space<vmem>> -> memref<1x80xi32, #tpu.memory_space<vmem>>
        %dma_wait3A_187 = tpu.memref_squeeze %dma_wait3A_186 : memref<1x80xi32, #tpu.memory_space<vmem>> -> memref<80xi32, #tpu.memory_space<vmem>>
        %dma_wait3A_188 = tpu.memref_slice %arg3[%add3A_179] : memref<320000xi32, #tpu.memory_space<hbm>> -> memref<80xi32, #tpu.memory_space<hbm>>
        tpu.wait_dma2 semaphore(%arg19 : memref<!tpu.dma_semaphore, #tpu.memory_space<semaphore_mem>>) src(%dma_wait3A_188 : memref<80xi32, #tpu.memory_space<hbm>>) dst(%dma_wait3A_187 : memref<80xi32, #tpu.memory_space<vmem>>)
        %ge3A = arith.constant 2 : i32
        %ge3A_189 = arith.cmpi sge, %add3A_160, %ge3A : i32
        %convert_element_type3A_190 = arith.extui %ge3A_189 : i1 to i32
        %cond3A_191 = arith.constant 0 : i32
        %cond3A_192 = arith.cmpi ne, %convert_element_type3A_190, %cond3A_191 : i32
        scf.if %cond3A_192 {
          %dma_wait3A_266 = arith.constant 0 : i32
          %dma_wait3A_267 = arith.constant 0 : i32
          %dma_wait3A_268 = tpu.memref_slice %arg10[%dma_wait3A_266, %dma_wait3A_267] : memref<1x80xi32, #tpu.memory_space<vmem>> -> memref<1x80xi32, #tpu.memory_space<vmem>>
          %dma_wait3A_269 = tpu.memref_squeeze %dma_wait3A_268 : memref<1x80xi32, #tpu.memory_space<vmem>> -> memref<80xi32, #tpu.memory_space<vmem>>
          %dma_wait3A_270 = arith.constant 0 : i32
          %dma_wait3A_271 = arith.constant 0 : i32
          %dma_wait3A_272 = tpu.memref_slice %arg17[%dma_wait3A_270, %dma_wait3A_271] : memref<10000x128xf32, #tpu.memory_space<vmem_shared>> -> memref<10000x128xf32, #tpu.memory_space<vmem_shared>>
          tpu.wait_indirect_dma semaphore(%arg21 : memref<!tpu.dma_semaphore, #tpu.memory_space<semaphore_mem>>) src(%arg14 : memref<80x128xf32, #tpu.memory_space<vmem>>) dst(%dma_wait3A_272 : memref<10000x128xf32, #tpu.memory_space<vmem_shared>>)
        } else {
        }
        %scan3A_193 = arith.constant 0 : i32
        %scan3A_194 = arith.constant 0 : i32
        %scan3A_195 = arith.constant 80 : i32
        %scan3A_196 = arith.addi %scan3A_194, %scan3A_195 : i32
        %scan3A_197 = arith.constant 1 : i32
        scf.for %scan3A_266 = %scan3A_194 to %scan3A_196 step %scan3A_197  : i32 {
          %get3A_267 = arith.index_cast %scan3A_266 : i32 to index
          %get3A_268 = arith.constant 0 : index
          %get3A_269 = tpu.vector_load %arg12[%get3A_267, %get3A_268] {strides = array<i32>} : memref<80x128xf32, #tpu.memory_space<vmem>>, vector<1x16xf32>,
          %get3A_270 = vector.shape_cast %get3A_269 : vector<1x16xf32> to vector<16xf32>
          %get3A_271 = arith.constant 0 : index
          %get3A_272 = tpu.vector_load %arg15[%get3A_271] {strides = array<i32>} : memref<128xf32, #tpu.memory_space<vmem>>, vector<16xf32>,
          %get3A_273 = vector.shape_cast %get3A_272 : vector<16xf32> to vector<16xf32>
          %mul3A_274 = arith.mulf %get3A_270, %get3A_273 : vector<16xf32>
          %get3A_275 = arith.constant 0 : index
          %get3A_276 = tpu.vector_load %arg16[%get3A_275] {strides = array<i32>} : memref<128xf32, #tpu.memory_space<vmem>>, vector<16xf32>,
          %get3A_277 = vector.shape_cast %get3A_276 : vector<16xf32> to vector<16xf32>
          %add3A_278 = arith.addf %mul3A_274, %get3A_277 : vector<16xf32>
          %max3A = arith.constant 0.000000e+00 : f32
          %max3A_279 = vector.broadcast %max3A : f32 to vector<16xf32>
          %max3A_280 = arith.maximumf %add3A_278, %max3A_279 : vector<16xf32>
          %swap3A_281 = arith.index_cast %scan3A_266 : i32 to index
          %swap3A_282 = arith.constant 0 : index
          %swap3A_283 = tpu.vector_load %arg14[%swap3A_281, %swap3A_282] {strides = array<i32>} : memref<80x128xf32, #tpu.memory_space<vmem>>, vector<1x16xf32>,
          %swap3A_284 = vector.shape_cast %swap3A_283 : vector<1x16xf32> to vector<16xf32>
          %swap3A_285 = vector.shape_cast %max3A_280 : vector<16xf32> to vector<1x16xf32>
          tpu.vector_store %arg14[%swap3A_281, %swap3A_282], %swap3A_285 {strides = array<i32>} : memref<80x128xf32, #tpu.memory_space<vmem>>, vector<1x16xf32>,
          %get3A_286 = arith.index_cast %scan3A_266 : i32 to index
          %get3A_287 = arith.constant 16 : index
          %get3A_288 = tpu.vector_load %arg12[%get3A_286, %get3A_287] {strides = array<i32>} : memref<80x128xf32, #tpu.memory_space<vmem>>, vector<1x16xf32>,
          %get3A_289 = vector.shape_cast %get3A_288 : vector<1x16xf32> to vector<16xf32>
          %get3A_290 = arith.constant 16 : index
          %get3A_291 = tpu.vector_load %arg15[%get3A_290] {strides = array<i32>} : memref<128xf32, #tpu.memory_space<vmem>>, vector<16xf32>,
          %get3A_292 = vector.shape_cast %get3A_291 : vector<16xf32> to vector<16xf32>
          %mul3A_293 = arith.mulf %get3A_289, %get3A_292 : vector<16xf32>
          %get3A_294 = arith.constant 16 : index
          %get3A_295 = tpu.vector_load %arg16[%get3A_294] {strides = array<i32>} : memref<128xf32, #tpu.memory_space<vmem>>, vector<16xf32>,
          %get3A_296 = vector.shape_cast %get3A_295 : vector<16xf32> to vector<16xf32>
          %add3A_297 = arith.addf %mul3A_293, %get3A_296 : vector<16xf32>
          %max3A_298 = arith.constant 0.000000e+00 : f32
          %max3A_299 = vector.broadcast %max3A_298 : f32 to vector<16xf32>
          %max3A_300 = arith.maximumf %add3A_297, %max3A_299 : vector<16xf32>
          %swap3A_301 = arith.index_cast %scan3A_266 : i32 to index
          %swap3A_302 = arith.constant 16 : index
          %swap3A_303 = tpu.vector_load %arg14[%swap3A_301, %swap3A_302] {strides = array<i32>} : memref<80x128xf32, #tpu.memory_space<vmem>>, vector<1x16xf32>,
          %swap3A_304 = vector.shape_cast %swap3A_303 : vector<1x16xf32> to vector<16xf32>
          %swap3A_305 = vector.shape_cast %max3A_300 : vector<16xf32> to vector<1x16xf32>
          tpu.vector_store %arg14[%swap3A_301, %swap3A_302], %swap3A_305 {strides = array<i32>} : memref<80x128xf32, #tpu.memory_space<vmem>>, vector<1x16xf32>,
          %get3A_306 = arith.index_cast %scan3A_266 : i32 to index
          %get3A_307 = arith.constant 32 : index
          %get3A_308 = tpu.vector_load %arg12[%get3A_306, %get3A_307] {strides = array<i32>} : memref<80x128xf32, #tpu.memory_space<vmem>>, vector<1x16xf32>,
          %get3A_309 = vector.shape_cast %get3A_308 : vector<1x16xf32> to vector<16xf32>
          %get3A_310 = arith.constant 32 : index
          %get3A_311 = tpu.vector_load %arg15[%get3A_310] {strides = array<i32>} : memref<128xf32, #tpu.memory_space<vmem>>, vector<16xf32>,
          %get3A_312 = vector.shape_cast %get3A_311 : vector<16xf32> to vector<16xf32>
          %mul3A_313 = arith.mulf %get3A_309, %get3A_312 : vector<16xf32>
          %get3A_314 = arith.constant 32 : index
          %get3A_315 = tpu.vector_load %arg16[%get3A_314] {strides = array<i32>} : memref<128xf32, #tpu.memory_space<vmem>>, vector<16xf32>,
          %get3A_316 = vector.shape_cast %get3A_315 : vector<16xf32> to vector<16xf32>
          %add3A_317 = arith.addf %mul3A_313, %get3A_316 : vector<16xf32>
          %max3A_318 = arith.constant 0.000000e+00 : f32
          %max3A_319 = vector.broadcast %max3A_318 : f32 to vector<16xf32>
          %max3A_320 = arith.maximumf %add3A_317, %max3A_319 : vector<16xf32>
          %swap3A_321 = arith.index_cast %scan3A_266 : i32 to index
          %swap3A_322 = arith.constant 32 : index
          %swap3A_323 = tpu.vector_load %arg14[%swap3A_321, %swap3A_322] {strides = array<i32>} : memref<80x128xf32, #tpu.memory_space<vmem>>, vector<1x16xf32>,
          %swap3A_324 = vector.shape_cast %swap3A_323 : vector<1x16xf32> to vector<16xf32>
          %swap3A_325 = vector.shape_cast %max3A_320 : vector<16xf32> to vector<1x16xf32>
          tpu.vector_store %arg14[%swap3A_321, %swap3A_322], %swap3A_325 {strides = array<i32>} : memref<80x128xf32, #tpu.memory_space<vmem>>, vector<1x16xf32>,
          %get3A_326 = arith.index_cast %scan3A_266 : i32 to index
          %get3A_327 = arith.constant 48 : index
          %get3A_328 = tpu.vector_load %arg12[%get3A_326, %get3A_327] {strides = array<i32>} : memref<80x128xf32, #tpu.memory_space<vmem>>, vector<1x16xf32>,
          %get3A_329 = vector.shape_cast %get3A_328 : vector<1x16xf32> to vector<16xf32>
          %get3A_330 = arith.constant 48 : index
          %get3A_331 = tpu.vector_load %arg15[%get3A_330] {strides = array<i32>} : memref<128xf32, #tpu.memory_space<vmem>>, vector<16xf32>,
          %get3A_332 = vector.shape_cast %get3A_331 : vector<16xf32> to vector<16xf32>
          %mul3A_333 = arith.mulf %get3A_329, %get3A_332 : vector<16xf32>
          %get3A_334 = arith.constant 48 : index
          %get3A_335 = tpu.vector_load %arg16[%get3A_334] {strides = array<i32>} : memref<128xf32, #tpu.memory_space<vmem>>, vector<16xf32>,
          %get3A_336 = vector.shape_cast %get3A_335 : vector<16xf32> to vector<16xf32>
          %add3A_337 = arith.addf %mul3A_333, %get3A_336 : vector<16xf32>
          %max3A_338 = arith.constant 0.000000e+00 : f32
          %max3A_339 = vector.broadcast %max3A_338 : f32 to vector<16xf32>
          %max3A_340 = arith.maximumf %add3A_337, %max3A_339 : vector<16xf32>
          %swap3A_341 = arith.index_cast %scan3A_266 : i32 to index
          %swap3A_342 = arith.constant 48 : index
          %swap3A_343 = tpu.vector_load %arg14[%swap3A_341, %swap3A_342] {strides = array<i32>} : memref<80x128xf32, #tpu.memory_space<vmem>>, vector<1x16xf32>,
          %swap3A_344 = vector.shape_cast %swap3A_343 : vector<1x16xf32> to vector<16xf32>
          %swap3A_345 = vector.shape_cast %max3A_340 : vector<16xf32> to vector<1x16xf32>
          tpu.vector_store %arg14[%swap3A_341, %swap3A_342], %swap3A_345 {strides = array<i32>} : memref<80x128xf32, #tpu.memory_space<vmem>>, vector<1x16xf32>,
          %get3A_346 = arith.index_cast %scan3A_266 : i32 to index
          %get3A_347 = arith.constant 64 : index
          %get3A_348 = tpu.vector_load %arg12[%get3A_346, %get3A_347] {strides = array<i32>} : memref<80x128xf32, #tpu.memory_space<vmem>>, vector<1x16xf32>,
          %get3A_349 = vector.shape_cast %get3A_348 : vector<1x16xf32> to vector<16xf32>
          %get3A_350 = arith.constant 64 : index
          %get3A_351 = tpu.vector_load %arg15[%get3A_350] {strides = array<i32>} : memref<128xf32, #tpu.memory_space<vmem>>, vector<16xf32>,
          %get3A_352 = vector.shape_cast %get3A_351 : vector<16xf32> to vector<16xf32>
          %mul3A_353 = arith.mulf %get3A_349, %get3A_352 : vector<16xf32>
          %get3A_354 = arith.constant 64 : index
          %get3A_355 = tpu.vector_load %arg16[%get3A_354] {strides = array<i32>} : memref<128xf32, #tpu.memory_space<vmem>>, vector<16xf32>,
          %get3A_356 = vector.shape_cast %get3A_355 : vector<16xf32> to vector<16xf32>
          %add3A_357 = arith.addf %mul3A_353, %get3A_356 : vector<16xf32>
          %max3A_358 = arith.constant 0.000000e+00 : f32
          %max3A_359 = vector.broadcast %max3A_358 : f32 to vector<16xf32>
          %max3A_360 = arith.maximumf %add3A_357, %max3A_359 : vector<16xf32>
          %swap3A_361 = arith.index_cast %scan3A_266 : i32 to index
          %swap3A_362 = arith.constant 64 : index
          %swap3A_363 = tpu.vector_load %arg14[%swap3A_361, %swap3A_362] {strides = array<i32>} : memref<80x128xf32, #tpu.memory_space<vmem>>, vector<1x16xf32>,
          %swap3A_364 = vector.shape_cast %swap3A_363 : vector<1x16xf32> to vector<16xf32>
          %swap3A_365 = vector.shape_cast %max3A_360 : vector<16xf32> to vector<1x16xf32>
          tpu.vector_store %arg14[%swap3A_361, %swap3A_362], %swap3A_365 {strides = array<i32>} : memref<80x128xf32, #tpu.memory_space<vmem>>, vector<1x16xf32>,
          %get3A_366 = arith.index_cast %scan3A_266 : i32 to index
          %get3A_367 = arith.constant 80 : index
          %get3A_368 = tpu.vector_load %arg12[%get3A_366, %get3A_367] {strides = array<i32>} : memref<80x128xf32, #tpu.memory_space<vmem>>, vector<1x16xf32>,
          %get3A_369 = vector.shape_cast %get3A_368 : vector<1x16xf32> to vector<16xf32>
          %get3A_370 = arith.constant 80 : index
          %get3A_371 = tpu.vector_load %arg15[%get3A_370] {strides = array<i32>} : memref<128xf32, #tpu.memory_space<vmem>>, vector<16xf32>,
          %get3A_372 = vector.shape_cast %get3A_371 : vector<16xf32> to vector<16xf32>
          %mul3A_373 = arith.mulf %get3A_369, %get3A_372 : vector<16xf32>
          %get3A_374 = arith.constant 80 : index
          %get3A_375 = tpu.vector_load %arg16[%get3A_374] {strides = array<i32>} : memref<128xf32, #tpu.memory_space<vmem>>, vector<16xf32>,
          %get3A_376 = vector.shape_cast %get3A_375 : vector<16xf32> to vector<16xf32>
          %add3A_377 = arith.addf %mul3A_373, %get3A_376 : vector<16xf32>
          %max3A_378 = arith.constant 0.000000e+00 : f32
          %max3A_379 = vector.broadcast %max3A_378 : f32 to vector<16xf32>
          %max3A_380 = arith.maximumf %add3A_377, %max3A_379 : vector<16xf32>
          %swap3A_381 = arith.index_cast %scan3A_266 : i32 to index
          %swap3A_382 = arith.constant 80 : index
          %swap3A_383 = tpu.vector_load %arg14[%swap3A_381, %swap3A_382] {strides = array<i32>} : memref<80x128xf32, #tpu.memory_space<vmem>>, vector<1x16xf32>,
          %swap3A_384 = vector.shape_cast %swap3A_383 : vector<1x16xf32> to vector<16xf32>
          %swap3A_385 = vector.shape_cast %max3A_380 : vector<16xf32> to vector<1x16xf32>
          tpu.vector_store %arg14[%swap3A_381, %swap3A_382], %swap3A_385 {strides = array<i32>} : memref<80x128xf32, #tpu.memory_space<vmem>>, vector<1x16xf32>,
          %get3A_386 = arith.index_cast %scan3A_266 : i32 to index
          %get3A_387 = arith.constant 96 : index
          %get3A_388 = tpu.vector_load %arg12[%get3A_386, %get3A_387] {strides = array<i32>} : memref<80x128xf32, #tpu.memory_space<vmem>>, vector<1x16xf32>,
          %get3A_389 = vector.shape_cast %get3A_388 : vector<1x16xf32> to vector<16xf32>
          %get3A_390 = arith.constant 96 : index
          %get3A_391 = tpu.vector_load %arg15[%get3A_390] {strides = array<i32>} : memref<128xf32, #tpu.memory_space<vmem>>, vector<16xf32>,
          %get3A_392 = vector.shape_cast %get3A_391 : vector<16xf32> to vector<16xf32>
          %mul3A_393 = arith.mulf %get3A_389, %get3A_392 : vector<16xf32>
          %get3A_394 = arith.constant 96 : index
          %get3A_395 = tpu.vector_load %arg16[%get3A_394] {strides = array<i32>} : memref<128xf32, #tpu.memory_space<vmem>>, vector<16xf32>,
          %get3A_396 = vector.shape_cast %get3A_395 : vector<16xf32> to vector<16xf32>
          %add3A_397 = arith.addf %mul3A_393, %get3A_396 : vector<16xf32>
          %max3A_398 = arith.constant 0.000000e+00 : f32
          %max3A_399 = vector.broadcast %max3A_398 : f32 to vector<16xf32>
          %max3A_400 = arith.maximumf %add3A_397, %max3A_399 : vector<16xf32>
          %swap3A_401 = arith.index_cast %scan3A_266 : i32 to index
          %swap3A_402 = arith.constant 96 : index
          %swap3A_403 = tpu.vector_load %arg14[%swap3A_401, %swap3A_402] {strides = array<i32>} : memref<80x128xf32, #tpu.memory_space<vmem>>, vector<1x16xf32>,
          %swap3A_404 = vector.shape_cast %swap3A_403 : vector<1x16xf32> to vector<16xf32>
          %swap3A_405 = vector.shape_cast %max3A_400 : vector<16xf32> to vector<1x16xf32>
          tpu.vector_store %arg14[%swap3A_401, %swap3A_402], %swap3A_405 {strides = array<i32>} : memref<80x128xf32, #tpu.memory_space<vmem>>, vector<1x16xf32>,
          %get3A_406 = arith.index_cast %scan3A_266 : i32 to index
          %get3A_407 = arith.constant 112 : index
          %get3A_408 = tpu.vector_load %arg12[%get3A_406, %get3A_407] {strides = array<i32>} : memref<80x128xf32, #tpu.memory_space<vmem>>, vector<1x16xf32>,
          %get3A_409 = vector.shape_cast %get3A_408 : vector<1x16xf32> to vector<16xf32>
          %get3A_410 = arith.constant 112 : index
          %get3A_411 = tpu.vector_load %arg15[%get3A_410] {strides = array<i32>} : memref<128xf32, #tpu.memory_space<vmem>>, vector<16xf32>,
          %get3A_412 = vector.shape_cast %get3A_411 : vector<16xf32> to vector<16xf32>
          %mul3A_413 = arith.mulf %get3A_409, %get3A_412 : vector<16xf32>
          %get3A_414 = arith.constant 112 : index
          %get3A_415 = tpu.vector_load %arg16[%get3A_414] {strides = array<i32>} : memref<128xf32, #tpu.memory_space<vmem>>, vector<16xf32>,
          %get3A_416 = vector.shape_cast %get3A_415 : vector<16xf32> to vector<16xf32>
          %add3A_417 = arith.addf %mul3A_413, %get3A_416 : vector<16xf32>
          %max3A_418 = arith.constant 0.000000e+00 : f32
          %max3A_419 = vector.broadcast %max3A_418 : f32 to vector<16xf32>
          %max3A_420 = arith.maximumf %add3A_417, %max3A_419 : vector<16xf32>
          %swap3A_421 = arith.index_cast %scan3A_266 : i32 to index
          %swap3A_422 = arith.constant 112 : index
          %swap3A_423 = tpu.vector_load %arg14[%swap3A_421, %swap3A_422] {strides = array<i32>} : memref<80x128xf32, #tpu.memory_space<vmem>>, vector<1x16xf32>,
          %swap3A_424 = vector.shape_cast %swap3A_423 : vector<1x16xf32> to vector<16xf32>
          %swap3A_425 = vector.shape_cast %max3A_420 : vector<16xf32> to vector<1x16xf32>
          tpu.vector_store %arg14[%swap3A_421, %swap3A_422], %swap3A_425 {strides = array<i32>} : memref<80x128xf32, #tpu.memory_space<vmem>>, vector<1x16xf32>,
        }
        %scan3A_198 = arith.constant 80 : i32
        %get3A = arith.constant 0 : i32
        %get3A_199 = arith.index_cast %get3A : i32 to index
        %get3A_200 = arith.constant 0 : index
        %get3A_201 = tpu.vector_load %arg8[%get3A_199, %get3A_200] {strides = array<i32>} : memref<1x80xi32, #tpu.memory_space<vmem>>, vector<1x16xi32>,
        %get3A_202 = vector.shape_cast %get3A_201 : vector<1x16xi32> to vector<16xi32>
        %swap3A = arith.constant 0 : i32
        %swap3A_203 = arith.index_cast %swap3A : i32 to index
        %swap3A_204 = arith.constant 0 : index
        %swap3A_205 = tpu.vector_load %arg10[%swap3A_203, %swap3A_204] {strides = array<i32>} : memref<1x80xi32, #tpu.memory_space<vmem>>, vector<1x16xi32>,
        %swap3A_206 = vector.shape_cast %swap3A_205 : vector<1x16xi32> to vector<16xi32>
        %swap3A_207 = vector.shape_cast %get3A_202 : vector<16xi32> to vector<1x16xi32>
        tpu.vector_store %arg10[%swap3A_203, %swap3A_204], %swap3A_207 {strides = array<i32>} : memref<1x80xi32, #tpu.memory_space<vmem>>, vector<1x16xi32>,
        %get3A_208 = arith.constant 0 : i32
        %get3A_209 = arith.index_cast %get3A_208 : i32 to index
        %get3A_210 = arith.constant 16 : index
        %get3A_211 = tpu.vector_load %arg8[%get3A_209, %get3A_210] {strides = array<i32>} : memref<1x80xi32, #tpu.memory_space<vmem>>, vector<1x16xi32>,
        %get3A_212 = vector.shape_cast %get3A_211 : vector<1x16xi32> to vector<16xi32>
        %swap3A_213 = arith.constant 0 : i32
        %swap3A_214 = arith.index_cast %swap3A_213 : i32 to index
        %swap3A_215 = arith.constant 16 : index
        %swap3A_216 = tpu.vector_load %arg10[%swap3A_214, %swap3A_215] {strides = array<i32>} : memref<1x80xi32, #tpu.memory_space<vmem>>, vector<1x16xi32>,
        %swap3A_217 = vector.shape_cast %swap3A_216 : vector<1x16xi32> to vector<16xi32>
        %swap3A_218 = vector.shape_cast %get3A_212 : vector<16xi32> to vector<1x16xi32>
        tpu.vector_store %arg10[%swap3A_214, %swap3A_215], %swap3A_218 {strides = array<i32>} : memref<1x80xi32, #tpu.memory_space<vmem>>, vector<1x16xi32>,
        %get3A_219 = arith.constant 0 : i32
        %get3A_220 = arith.index_cast %get3A_219 : i32 to index
        %get3A_221 = arith.constant 32 : index
        %get3A_222 = tpu.vector_load %arg8[%get3A_220, %get3A_221] {strides = array<i32>} : memref<1x80xi32, #tpu.memory_space<vmem>>, vector<1x16xi32>,
        %get3A_223 = vector.shape_cast %get3A_222 : vector<1x16xi32> to vector<16xi32>
        %swap3A_224 = arith.constant 0 : i32
        %swap3A_225 = arith.index_cast %swap3A_224 : i32 to index
        %swap3A_226 = arith.constant 32 : index
        %swap3A_227 = tpu.vector_load %arg10[%swap3A_225, %swap3A_226] {strides = array<i32>} : memref<1x80xi32, #tpu.memory_space<vmem>>, vector<1x16xi32>,
        %swap3A_228 = vector.shape_cast %swap3A_227 : vector<1x16xi32> to vector<16xi32>
        %swap3A_229 = vector.shape_cast %get3A_223 : vector<16xi32> to vector<1x16xi32>
        tpu.vector_store %arg10[%swap3A_225, %swap3A_226], %swap3A_229 {strides = array<i32>} : memref<1x80xi32, #tpu.memory_space<vmem>>, vector<1x16xi32>,
        %get3A_230 = arith.constant 0 : i32
        %get3A_231 = arith.index_cast %get3A_230 : i32 to index
        %get3A_232 = arith.constant 48 : index
        %get3A_233 = tpu.vector_load %arg8[%get3A_231, %get3A_232] {strides = array<i32>} : memref<1x80xi32, #tpu.memory_space<vmem>>, vector<1x16xi32>,
        %get3A_234 = vector.shape_cast %get3A_233 : vector<1x16xi32> to vector<16xi32>
        %swap3A_235 = arith.constant 0 : i32
        %swap3A_236 = arith.index_cast %swap3A_235 : i32 to index
        %swap3A_237 = arith.constant 48 : index
        %swap3A_238 = tpu.vector_load %arg10[%swap3A_236, %swap3A_237] {strides = array<i32>} : memref<1x80xi32, #tpu.memory_space<vmem>>, vector<1x16xi32>,
        %swap3A_239 = vector.shape_cast %swap3A_238 : vector<1x16xi32> to vector<16xi32>
        %swap3A_240 = vector.shape_cast %get3A_234 : vector<16xi32> to vector<1x16xi32>
        tpu.vector_store %arg10[%swap3A_236, %swap3A_237], %swap3A_240 {strides = array<i32>} : memref<1x80xi32, #tpu.memory_space<vmem>>, vector<1x16xi32>,
        %get3A_241 = arith.constant 0 : i32
        %get3A_242 = arith.index_cast %get3A_241 : i32 to index
        %get3A_243 = arith.constant 64 : index
        %get3A_244 = tpu.vector_load %arg8[%get3A_242, %get3A_243] {strides = array<i32>} : memref<1x80xi32, #tpu.memory_space<vmem>>, vector<1x16xi32>,
        %get3A_245 = vector.shape_cast %get3A_244 : vector<1x16xi32> to vector<16xi32>
        %swap3A_246 = arith.constant 0 : i32
        %swap3A_247 = arith.index_cast %swap3A_246 : i32 to index
        %swap3A_248 = arith.constant 64 : index
        %swap3A_249 = tpu.vector_load %arg10[%swap3A_247, %swap3A_248] {strides = array<i32>} : memref<1x80xi32, #tpu.memory_space<vmem>>, vector<1x16xi32>,
        %swap3A_250 = vector.shape_cast %swap3A_249 : vector<1x16xi32> to vector<16xi32>
        %swap3A_251 = vector.shape_cast %get3A_245 : vector<16xi32> to vector<1x16xi32>
        tpu.vector_store %arg10[%swap3A_247, %swap3A_248], %swap3A_251 {strides = array<i32>} : memref<1x80xi32, #tpu.memory_space<vmem>>, vector<1x16xi32>,
        %dma_start3A_252 = arith.constant 0 : i32
        %dma_start3A_253 = arith.constant 0 : i32
        %dma_start3A_254 = tpu.memref_slice %arg10[%dma_start3A_252, %dma_start3A_253] : memref<1x80xi32, #tpu.memory_space<vmem>> -> memref<1x80xi32, #tpu.memory_space<vmem>>
        %dma_start3A_255 = tpu.memref_squeeze %dma_start3A_254 : memref<1x80xi32, #tpu.memory_space<vmem>> -> memref<80xi32, #tpu.memory_space<vmem>>
        %dma_start3A_256 = arith.constant 0 : i32
        %dma_start3A_257 = arith.constant 0 : i32
        %dma_start3A_258 = tpu.memref_slice %arg17[%dma_start3A_256, %dma_start3A_257] : memref<10000x128xf32, #tpu.memory_space<vmem_shared>> -> memref<10000x128xf32, #tpu.memory_space<vmem_shared>>
        tpu.enqueue_indirect_dma source(%arg14 : memref<80x128xf32, #tpu.memory_space<vmem>>) target(%dma_start3A_258 : memref<10000x128xf32, #tpu.memory_space<vmem_shared>>) offsets(%dma_start3A_255 : memref<80xi32, #tpu.memory_space<vmem>>) semaphore(%arg21 : memref<!tpu.dma_semaphore, #tpu.memory_space<semaphore_mem>>) {add = true}
        %add3A_259 = arith.constant 2 : i32
        %add3A_260 = arith.addi %add3A_160, %add3A_259 : i32
        %lt3A_261 = arith.constant 125 : i32
        %lt3A_262 = arith.cmpi slt, %add3A_260, %lt3A_261 : i32
        %convert_element_type3A_263 = arith.extui %lt3A_262 : i1 to i32
        %cond3A_264 = arith.constant 0 : i32
        %cond3A_265 = arith.cmpi ne, %convert_element_type3A_263, %cond3A_264 : i32
        scf.if %cond3A_265 {
          %add3A_266 = arith.constant 2 : i32
          %add3A_267 = arith.addi %add3A_160, %add3A_266 : i32
          %mul3A_268 = arith.constant 10000 : i32
          %mul3A_269 = arith.muli %add3A, %mul3A_268 : i32
          %mul3A_270 = arith.constant 80 : i32
          %mul3A_271 = arith.muli %add3A_267, %mul3A_270 : i32
          %add3A_272 = arith.addi %mul3A_269, %mul3A_271 : i32
          %dma_start3A_273 = arith.constant 0 : i32
          %dma_start3A_274 = tpu.memref_slice %arg2[%add3A_272, %dma_start3A_273] : memref<320000x128xf32, #tpu.memory_space<hbm>> -> memref<80x128xf32, #tpu.memory_space<hbm>>
          %dma_start3A_275 = arith.constant 0 : i32
          %dma_start3A_276 = tpu.memref_slice %arg2[%add3A_272, %dma_start3A_275] : memref<320000x128xf32, #tpu.memory_space<hbm>> -> memref<80x128xf32, #tpu.memory_space<hbm>>
          tpu.enqueue_dma source(%dma_start3A_276 : memref<80x128xf32, #tpu.memory_space<hbm>>) target(%arg12 : memref<80x128xf32, #tpu.memory_space<vmem>>) target_semaphore(%arg19 : memref<!tpu.dma_semaphore, #tpu.memory_space<semaphore_mem>>)
          %mul3A_277 = arith.constant 10000 : i32
          %mul3A_278 = arith.muli %add3A, %mul3A_277 : i32
          %mul3A_279 = arith.constant 80 : i32
          %mul3A_280 = arith.muli %add3A_267, %mul3A_279 : i32
          %add3A_281 = arith.addi %mul3A_278, %mul3A_280 : i32
          %dma_start3A_282 = arith.constant 0 : i32
          %dma_start3A_283 = arith.constant 0 : i32
          %dma_start3A_284 = tpu.memref_slice %arg8[%dma_start3A_282, %dma_start3A_283] : memref<1x80xi32, #tpu.memory_space<vmem>> -> memref<1x80xi32, #tpu.memory_space<vmem>>
          %dma_start3A_285 = tpu.memref_squeeze %dma_start3A_284 : memref<1x80xi32, #tpu.memory_space<vmem>> -> memref<80xi32, #tpu.memory_space<vmem>>
          %dma_start3A_286 = tpu.memref_slice %arg3[%add3A_281] : memref<320000xi32, #tpu.memory_space<hbm>> -> memref<80xi32, #tpu.memory_space<hbm>>
          %dma_start3A_287 = arith.constant 0 : i32
          %dma_start3A_288 = tpu.memref_slice %arg8[%dma_start3A_282, %dma_start3A_287] : memref<1x80xi32, #tpu.memory_space<vmem>> -> memref<1x80xi32, #tpu.memory_space<vmem>>
          %dma_start3A_289 = tpu.memref_squeeze %dma_start3A_288 : memref<1x80xi32, #tpu.memory_space<vmem>> -> memref<80xi32, #tpu.memory_space<vmem>>
          %dma_start3A_290 = tpu.memref_slice %arg3[%add3A_281] : memref<320000xi32, #tpu.memory_space<hbm>> -> memref<80xi32, #tpu.memory_space<hbm>>
          tpu.enqueue_dma source(%dma_start3A_290 : memref<80xi32, #tpu.memory_space<hbm>>) target(%dma_start3A_289 : memref<80xi32, #tpu.memory_space<vmem>>) target_semaphore(%arg19 : memref<!tpu.dma_semaphore, #tpu.memory_space<semaphore_mem>>)
        } else {
        }
      } else {
      }
    }
    %scan3A_125 = arith.constant 63 : i32
    %dma_wait3A = arith.constant 0 : i32
    %dma_wait3A_126 = arith.constant 0 : i32
    %dma_wait3A_127 = tpu.memref_slice %arg10[%dma_wait3A, %dma_wait3A_126] : memref<1x80xi32, #tpu.memory_space<vmem>> -> memref<1x80xi32, #tpu.memory_space<vmem>>
    %dma_wait3A_128 = tpu.memref_squeeze %dma_wait3A_127 : memref<1x80xi32, #tpu.memory_space<vmem>> -> memref<80xi32, #tpu.memory_space<vmem>>
    %dma_wait3A_129 = arith.constant 0 : i32
    %dma_wait3A_130 = arith.constant 0 : i32
    %dma_wait3A_131 = tpu.memref_slice %arg17[%dma_wait3A_129, %dma_wait3A_130] : memref<10000x128xf32, #tpu.memory_space<vmem_shared>> -> memref<10000x128xf32, #tpu.memory_space<vmem_shared>>
    tpu.wait_indirect_dma semaphore(%arg21 : memref<!tpu.dma_semaphore, #tpu.memory_space<semaphore_mem>>) src(%arg14 : memref<80x128xf32, #tpu.memory_space<vmem>>) dst(%dma_wait3A_131 : memref<10000x128xf32, #tpu.memory_space<vmem_shared>>)
    %dma_wait3A_132 = arith.constant 0 : i32
    %dma_wait3A_133 = arith.constant 0 : i32
    %dma_wait3A_134 = tpu.memref_slice %arg9[%dma_wait3A_132, %dma_wait3A_133] : memref<1x80xi32, #tpu.memory_space<vmem>> -> memref<1x80xi32, #tpu.memory_space<vmem>>
    %dma_wait3A_135 = tpu.memref_squeeze %dma_wait3A_134 : memref<1x80xi32, #tpu.memory_space<vmem>> -> memref<80xi32, #tpu.memory_space<vmem>>
    %dma_wait3A_136 = arith.constant 0 : i32
    %dma_wait3A_137 = arith.constant 0 : i32
    %dma_wait3A_138 = tpu.memref_slice %arg17[%dma_wait3A_136, %dma_wait3A_137] : memref<10000x128xf32, #tpu.memory_space<vmem_shared>> -> memref<10000x128xf32, #tpu.memory_space<vmem_shared>>
    tpu.wait_indirect_dma semaphore(%arg20 : memref<!tpu.dma_semaphore, #tpu.memory_space<semaphore_mem>>) src(%arg13 : memref<80x128xf32, #tpu.memory_space<vmem>>) dst(%dma_wait3A_138 : memref<10000x128xf32, #tpu.memory_space<vmem_shared>>)
    %barrier3A_139 = arith.constant 0 : index
    tpu.barrier barrier_id(%barrier3A_139)
    %while3A_140 = arith.constant 0 : i32
    %while3A_141 = arith.constant 0 : i32
    %while3A_142 = arith.subi %select_n3A, %while3A_141 : i32
    %while3A_143 = arith.addi %while3A_141, %while3A_142 : i32
    %while3A_144 = arith.constant 1 : i32
    %while3A_145 = arith.divsi %while3A_142, %while3A_144 : i32
    %while3A_146 = arith.muli %while3A_145, %while3A_144 : i32
    %while3A_147 = arith.addi %while3A_141, %while3A_146 : i32
    %while3A_148 = arith.constant 1 : i32
    scf.for %while3A_150 = %while3A_141 to %while3A_147 step %while3A_148  : i32 {
      %mul3A_151 = arith.constant 16 : i32
      %mul3A_152 = arith.muli %while3A_150, %mul3A_151 : i32
      %add3A_153 = arith.addi %arg1, %mul3A_152 : i32
      %mul3A_154 = arith.constant 80 : i32
      %mul3A_155 = arith.muli %add3A_153, %mul3A_154 : i32
      %mul3A_156 = arith.constant 80 : i32
      %mul3A_157 = arith.muli %add3A_153, %mul3A_156 : i32
      "tpu.region"() ({
        %run_scoped3A = tpu.sem_alloc : memref<!tpu.dma_semaphore, #tpu.memory_space<semaphore_mem>>
        %dma_start3A_158 = arith.constant 0 : i32
        %dma_start3A_159 = tpu.memref_slice %arg6[%arg0, %mul3A_157, %dma_start3A_158] : memref<2x10000x128xf32, #tpu.memory_space<hbm>> -> memref<1x80x128xf32, #tpu.memory_space<hbm>>
        %dma_start3A_160 = tpu.memref_squeeze %dma_start3A_159 : memref<1x80x128xf32, #tpu.memory_space<hbm>> -> memref<80x128xf32, #tpu.memory_space<hbm>>
        %dma_start3A_161 = arith.constant 0 : i32
        %dma_start3A_162 = tpu.memref_slice %arg17[%mul3A_155, %dma_start3A_161] : memref<10000x128xf32, #tpu.memory_space<vmem_shared>> -> memref<80x128xf32, #tpu.memory_space<vmem_shared>>
        tpu.enqueue_dma source(%dma_start3A_162 : memref<80x128xf32, #tpu.memory_space<vmem_shared>>) target(%dma_start3A_160 : memref<80x128xf32, #tpu.memory_space<hbm>>) target_semaphore(%run_scoped3A : memref<!tpu.dma_semaphore, #tpu.memory_space<semaphore_mem>>)
        %dma_wait3A_163 = arith.constant 0 : i32
        %dma_wait3A_164 = tpu.memref_slice %arg6[%arg0, %mul3A_157, %dma_wait3A_163] : memref<2x10000x128xf32, #tpu.memory_space<hbm>> -> memref<1x80x128xf32, #tpu.memory_space<hbm>>
        %dma_wait3A_165 = tpu.memref_squeeze %dma_wait3A_164 : memref<1x80x128xf32, #tpu.memory_space<hbm>> -> memref<80x128xf32, #tpu.memory_space<hbm>>
        %dma_wait3A_166 = arith.constant 0 : i32
        %dma_wait3A_167 = tpu.memref_slice %arg17[%mul3A_155, %dma_wait3A_166] : memref<10000x128xf32, #tpu.memory_space<vmem_shared>> -> memref<80x128xf32, #tpu.memory_space<vmem_shared>>
        tpu.wait_dma2 semaphore(%run_scoped3A : memref<!tpu.dma_semaphore, #tpu.memory_space<semaphore_mem>>) src(%dma_wait3A_167 : memref<80x128xf32, #tpu.memory_space<vmem_shared>>) dst(%dma_wait3A_165 : memref<80x128xf32, #tpu.memory_space<hbm>>)
        tpu.yield
      }) : () -> ()
    }
    %while3A_149 = arith.constant 1 : i32
    scf.for %while3A_150 = %while3A_147 to %while3A_143 step %while3A_149  : i32 {
      %mul3A_151 = arith.constant 16 : i32
      %mul3A_152 = arith.muli %while3A_150, %mul3A_151 : i32
      %add3A_153 = arith.addi %arg1, %mul3A_152 : i32
      %mul3A_154 = arith.constant 80 : i32
      %mul3A_155 = arith.muli %add3A_153, %mul3A_154 : i32
      %mul3A_156 = arith.constant 80 : i32
      %mul3A_157 = arith.muli %add3A_153, %mul3A_156 : i32
      "tpu.region"() ({
        %run_scoped3A = tpu.sem_alloc : memref<!tpu.dma_semaphore, #tpu.memory_space<semaphore_mem>>
        %dma_start3A_158 = arith.constant 0 : i32
        %dma_start3A_159 = tpu.memref_slice %arg6[%arg0, %mul3A_157, %dma_start3A_158] : memref<2x10000x128xf32, #tpu.memory_space<hbm>> -> memref<1x80x128xf32, #tpu.memory_space<hbm>>
        %dma_start3A_160 = tpu.memref_squeeze %dma_start3A_159 : memref<1x80x128xf32, #tpu.memory_space<hbm>> -> memref<80x128xf32, #tpu.memory_space<hbm>>
        %dma_start3A_161 = arith.constant 0 : i32
        %dma_start3A_162 = tpu.memref_slice %arg17[%mul3A_155, %dma_start3A_161] : memref<10000x128xf32, #tpu.memory_space<vmem_shared>> -> memref<80x128xf32, #tpu.memory_space<vmem_shared>>
        tpu.enqueue_dma source(%dma_start3A_162 : memref<80x128xf32, #tpu.memory_space<vmem_shared>>) target(%dma_start3A_160 : memref<80x128xf32, #tpu.memory_space<hbm>>) target_semaphore(%run_scoped3A : memref<!tpu.dma_semaphore, #tpu.memory_space<semaphore_mem>>)
        %dma_wait3A_163 = arith.constant 0 : i32
        %dma_wait3A_164 = tpu.memref_slice %arg6[%arg0, %mul3A_157, %dma_wait3A_163] : memref<2x10000x128xf32, #tpu.memory_space<hbm>> -> memref<1x80x128xf32, #tpu.memory_space<hbm>>
        %dma_wait3A_165 = tpu.memref_squeeze %dma_wait3A_164 : memref<1x80x128xf32, #tpu.memory_space<hbm>> -> memref<80x128xf32, #tpu.memory_space<hbm>>
        %dma_wait3A_166 = arith.constant 0 : i32
        %dma_wait3A_167 = tpu.memref_slice %arg17[%mul3A_155, %dma_wait3A_166] : memref<10000x128xf32, #tpu.memory_space<vmem_shared>> -> memref<80x128xf32, #tpu.memory_space<vmem_shared>>
        tpu.wait_dma2 semaphore(%run_scoped3A : memref<!tpu.dma_semaphore, #tpu.memory_space<semaphore_mem>>) src(%dma_wait3A_167 : memref<80x128xf32, #tpu.memory_space<vmem_shared>>) dst(%dma_wait3A_165 : memref<80x128xf32, #tpu.memory_space<hbm>>)
        tpu.yield
      }) : () -> ()
    }
    return
  }
}

module attributes {stable_mosaic.version = 14 : i64} {
  func.func @_proj_body(%arg0: i32, %arg1: memref<10000x128xf32, #tpu.memory_space<vmem>>, %arg2: memref<20000x128xf32, #tpu.memory_space<vmem>>, %arg3: memref<256x128xf32, #tpu.memory_space<vmem>>, %arg4: memref<256x128xf32, #tpu.memory_space<vmem>>, %arg5: memref<256x128xf32, #tpu.memory_space<vmem>>, %arg6: memref<10000x256xf32, #tpu.memory_space<vmem>>) attributes {dimension_semantics = [#tpu.dimension_semantics<arbitrary>], iteration_bounds = array<i64: 4>, scalar_prefetch = 0 : i64, scratch_operands = 0 : i64, tpu.core_type = #tpu.core_type<tc>, window_params = [{pipeline_mode = #tpu.pipeline_mode<synchronous>, transform_indices = @transform_0, window_bounds = array<i64: 10000, 128>}, {pipeline_mode = #tpu.pipeline_mode<synchronous>, transform_indices = @transform_1, window_bounds = array<i64: 20000, 128>}, {pipeline_mode = #tpu.pipeline_mode<synchronous>, transform_indices = @transform_2, window_bounds = array<i64: 256, 128>}, {pipeline_mode = #tpu.pipeline_mode<synchronous>, transform_indices = @transform_3, window_bounds = array<i64: 256, 128>}, {pipeline_mode = #tpu.pipeline_mode<synchronous>, transform_indices = @transform_4, window_bounds = array<i64: 256, 128>}, {transform_indices = @transform_5, window_bounds = array<i64: 10000, 256>}]} {
    %eq3A = arith.constant 0 : i32
    %eq3A_0 = arith.cmpi eq, %arg0, %eq3A : i32
    %convert_element_type3A = arith.extui %eq3A_0 : i1 to i32
    %cond3A = arith.constant 0 : i32
    %cond3A_1 = arith.cmpi ne, %convert_element_type3A, %cond3A : i32
    scf.if %cond3A_1 {
      %get3A = arith.constant 0 : index
      %get3A_17 = arith.constant 0 : index
      %get3A_18 = vector.load %arg1[%get3A, %get3A_17] : memref<10000x128xf32, #tpu.memory_space<vmem>>, vector<10000x128xf32>
      %get3A_19 = arith.constant 0 : index
      %get3A_20 = arith.constant 0 : index
      %get3A_21 = vector.load %arg3[%get3A_19, %get3A_20] : memref<256x128xf32, #tpu.memory_space<vmem>>, vector<256x128xf32>
      %dot_general3A = arith.constant dense<0.000000e+00> : vector<10000x256xf32>
      %dot_general3A_22 = tpu.matmul %get3A_18, %get3A_21, %dot_general3A {dimension_numbers = #tpu.dot_dimension_numbers<[1], [1], [0], [0], [0, 0, 1, 0], [], []>, transpose_lhs_hint = false} : vector<10000x128xf32>, vector<256x128xf32>, vector<10000x256xf32> -> vector<10000x256xf32>
      %swap3A = arith.constant 0 : index
      %swap3A_23 = arith.constant 0 : index
      %swap3A_24 = vector.load %arg6[%swap3A, %swap3A_23] : memref<10000x256xf32, #tpu.memory_space<vmem>>, vector<10000x256xf32>
      tpu.vector_store %arg6[%swap3A, %swap3A_23], %dot_general3A_22 {strides = array<i32>} : memref<10000x256xf32, #tpu.memory_space<vmem>>, vector<10000x256xf32>,
    } else {
    }
    %eq3A_2 = arith.constant 1 : i32
    %eq3A_3 = arith.cmpi eq, %arg0, %eq3A_2 : i32
    %convert_element_type3A_4 = arith.extui %eq3A_3 : i1 to i32
    %cond3A_5 = arith.constant 0 : i32
    %cond3A_6 = arith.cmpi ne, %convert_element_type3A_4, %cond3A_5 : i32
    scf.if %cond3A_6 {
      %get3A = arith.constant 0 : index
      %get3A_17 = arith.constant 0 : index
      %get3A_18 = vector.load %arg1[%get3A, %get3A_17] : memref<10000x128xf32, #tpu.memory_space<vmem>>, vector<10000x128xf32>
      %get3A_19 = arith.constant 0 : index
      %get3A_20 = arith.constant 0 : index
      %get3A_21 = vector.load %arg4[%get3A_19, %get3A_20] : memref<256x128xf32, #tpu.memory_space<vmem>>, vector<256x128xf32>
      %dot_general3A = arith.constant dense<0.000000e+00> : vector<10000x256xf32>
      %dot_general3A_22 = tpu.matmul %get3A_18, %get3A_21, %dot_general3A {dimension_numbers = #tpu.dot_dimension_numbers<[1], [1], [0], [0], [0, 0, 1, 0], [], []>, transpose_lhs_hint = false} : vector<10000x128xf32>, vector<256x128xf32>, vector<10000x256xf32> -> vector<10000x256xf32>
      %swap3A = arith.constant 0 : index
      %swap3A_23 = arith.constant 0 : index
      %swap3A_24 = vector.load %arg6[%swap3A, %swap3A_23] : memref<10000x256xf32, #tpu.memory_space<vmem>>, vector<10000x256xf32>
      tpu.vector_store %arg6[%swap3A, %swap3A_23], %dot_general3A_22 {strides = array<i32>} : memref<10000x256xf32, #tpu.memory_space<vmem>>, vector<10000x256xf32>,
    } else {
    }
    %eq3A_7 = arith.constant 2 : i32
    %eq3A_8 = arith.cmpi eq, %arg0, %eq3A_7 : i32
    %convert_element_type3A_9 = arith.extui %eq3A_8 : i1 to i32
    %cond3A_10 = arith.constant 0 : i32
    %cond3A_11 = arith.cmpi ne, %convert_element_type3A_9, %cond3A_10 : i32
    scf.if %cond3A_11 {
      %get3A = arith.constant 0 : index
      %get3A_17 = arith.constant 0 : index
      %get3A_18 = vector.load %arg2[%get3A, %get3A_17] : memref<20000x128xf32, #tpu.memory_space<vmem>>, vector<10000x128xf32>
      %get3A_19 = arith.constant 0 : index
      %get3A_20 = arith.constant 0 : index
      %get3A_21 = vector.load %arg5[%get3A_19, %get3A_20] : memref<256x128xf32, #tpu.memory_space<vmem>>, vector<256x128xf32>
      %dot_general3A = arith.constant dense<0.000000e+00> : vector<10000x256xf32>
      %dot_general3A_22 = tpu.matmul %get3A_18, %get3A_21, %dot_general3A {dimension_numbers = #tpu.dot_dimension_numbers<[1], [1], [0], [0], [0, 0, 1, 0], [], []>, transpose_lhs_hint = false} : vector<10000x128xf32>, vector<256x128xf32>, vector<10000x256xf32> -> vector<10000x256xf32>
      %swap3A = arith.constant 0 : index
      %swap3A_23 = arith.constant 0 : index
      %swap3A_24 = vector.load %arg6[%swap3A, %swap3A_23] : memref<10000x256xf32, #tpu.memory_space<vmem>>, vector<10000x256xf32>
      tpu.vector_store %arg6[%swap3A, %swap3A_23], %dot_general3A_22 {strides = array<i32>} : memref<10000x256xf32, #tpu.memory_space<vmem>>, vector<10000x256xf32>,
    } else {
    }
    %eq3A_12 = arith.constant 3 : i32
    %eq3A_13 = arith.cmpi eq, %arg0, %eq3A_12 : i32
    %convert_element_type3A_14 = arith.extui %eq3A_13 : i1 to i32
    %cond3A_15 = arith.constant 0 : i32
    %cond3A_16 = arith.cmpi ne, %convert_element_type3A_14, %cond3A_15 : i32
    scf.if %cond3A_16 {
      %get3A = arith.constant 10000 : index
      %get3A_17 = arith.constant 0 : index
      %get3A_18 = vector.load %arg2[%get3A, %get3A_17] : memref<20000x128xf32, #tpu.memory_space<vmem>>, vector<10000x128xf32>
      %get3A_19 = arith.constant 0 : index
      %get3A_20 = arith.constant 0 : index
      %get3A_21 = vector.load %arg5[%get3A_19, %get3A_20] : memref<256x128xf32, #tpu.memory_space<vmem>>, vector<256x128xf32>
      %dot_general3A = arith.constant dense<0.000000e+00> : vector<10000x256xf32>
      %dot_general3A_22 = tpu.matmul %get3A_18, %get3A_21, %dot_general3A {dimension_numbers = #tpu.dot_dimension_numbers<[1], [1], [0], [0], [0, 0, 1, 0], [], []>, transpose_lhs_hint = false} : vector<10000x128xf32>, vector<256x128xf32>, vector<10000x256xf32> -> vector<10000x256xf32>
      %swap3A = arith.constant 0 : index
      %swap3A_23 = arith.constant 0 : index
      %swap3A_24 = vector.load %arg6[%swap3A, %swap3A_23] : memref<10000x256xf32, #tpu.memory_space<vmem>>, vector<10000x256xf32>
      tpu.vector_store %arg6[%swap3A, %swap3A_23], %dot_general3A_22 {strides = array<i32>} : memref<10000x256xf32, #tpu.memory_space<vmem>>, vector<10000x256xf32>,
    } else {
    }
    return
  }
  func.func @transform_0(%arg0: i32) -> (i32, i32) {
    %c0_i32 = arith.constant 0 : i32
    %c0_i32_0 = arith.constant 0 : i32
    %c0_i32_1 = arith.constant 0 : i32
    return %c0_i32, %c0_i32_0 : i32, i32
  }
  func.func @transform_1(%arg0: i32) -> (i32, i32) {
    %c0_i32 = arith.constant 0 : i32
    %c0_i32_0 = arith.constant 0 : i32
    %c0_i32_1 = arith.constant 0 : i32
    return %c0_i32, %c0_i32_0 : i32, i32
  }
  func.func @transform_2(%arg0: i32) -> (i32, i32) {
    %c0_i32 = arith.constant 0 : i32
    %c0_i32_0 = arith.constant 0 : i32
    %c0_i32_1 = arith.constant 0 : i32
    return %c0_i32, %c0_i32_0 : i32, i32
  }
  func.func @transform_3(%arg0: i32) -> (i32, i32) {
    %c0_i32 = arith.constant 0 : i32
    %c0_i32_0 = arith.constant 0 : i32
    %c0_i32_1 = arith.constant 0 : i32
    return %c0_i32, %c0_i32_0 : i32, i32
  }
  func.func @transform_4(%arg0: i32) -> (i32, i32) {
    %c0_i32 = arith.constant 0 : i32
    %c0_i32_0 = arith.constant 0 : i32
    %c0_i32_1 = arith.constant 0 : i32
    return %c0_i32, %c0_i32_0 : i32, i32
  }
  func.func @transform_5(%arg0: i32) -> (i32, i32) {
    %c0_i32 = arith.constant 0 : i32
    %c0_i32_0 = arith.constant 0 : i32
    return %arg0, %c0_i32 : i32, i32
  }
}

module attributes {stable_mosaic.version = 14 : i64} {
  func.func @_bn1_body(%arg0: i32, %arg1: memref<3200x256xf32, #tpu.memory_space<vmem>>, %arg2: memref<1x256xf32, #tpu.memory_space<vmem>>, %arg3: memref<1x256xf32, #tpu.memory_space<vmem>>, %arg4: memref<128x256xf32, #tpu.memory_space<vmem>>, %arg5: memref<3200x128xf32, #tpu.memory_space<vmem>>, %arg6: memref<1x128xf32, #tpu.memory_space<vmem>>, %arg7: memref<1x128xf32, #tpu.memory_space<vmem>>, %arg8: memref<256x256xf32, #tpu.memory_space<vmem>>, %arg9: memref<1x256xf32, #tpu.memory_space<vmem>>) attributes {dimension_semantics = [#tpu.dimension_semantics<arbitrary>], iteration_bounds = array<i64: 100>, scalar_prefetch = 0 : i64, scratch_operands = 2 : i64, tpu.core_type = #tpu.core_type<tc>, window_params = [{transform_indices = @transform_0, window_bounds = array<i64: 3200, 256>}, {pipeline_mode = #tpu.pipeline_mode<synchronous>, transform_indices = @transform_1, window_bounds = array<i64: 1, 256>}, {pipeline_mode = #tpu.pipeline_mode<synchronous>, transform_indices = @transform_2, window_bounds = array<i64: 1, 256>}, {pipeline_mode = #tpu.pipeline_mode<synchronous>, transform_indices = @transform_3, window_bounds = array<i64: 128, 256>}, {transform_indices = @transform_4, window_bounds = array<i64: 3200, 128>}, {pipeline_mode = #tpu.pipeline_mode<synchronous>, transform_indices = @transform_5, window_bounds = array<i64: 1, 128>}, {pipeline_mode = #tpu.pipeline_mode<synchronous>, transform_indices = @transform_6, window_bounds = array<i64: 1, 128>}]} {
    %eq3A = arith.constant 0 : i32
    %eq3A_0 = arith.cmpi eq, %arg0, %eq3A : i32
    %convert_element_type3A = arith.extui %eq3A_0 : i1 to i32
    %cond3A = arith.constant 0 : i32
    %cond3A_1 = arith.cmpi ne, %convert_element_type3A, %cond3A : i32
    scf.if %cond3A_1 {
      %broadcast_in_dim3A_42 = arith.constant 0.000000e+00 : f32
      %broadcast_in_dim3A_43 = vector.broadcast %broadcast_in_dim3A_42 : f32 to vector<256x256xf32>
      %swap3A_44 = arith.constant 0 : index
      %swap3A_45 = arith.constant 0 : index
      %swap3A_46 = vector.load %arg8[%swap3A_44, %swap3A_45] : memref<256x256xf32, #tpu.memory_space<vmem>>, vector<256x256xf32>
      tpu.vector_store %arg8[%swap3A_44, %swap3A_45], %broadcast_in_dim3A_43 {strides = array<i32>} : memref<256x256xf32, #tpu.memory_space<vmem>>, vector<256x256xf32>,
      %broadcast_in_dim3A_47 = arith.constant 0.000000e+00 : f32
      %broadcast_in_dim3A_48 = vector.broadcast %broadcast_in_dim3A_47 : f32 to vector<1x256xf32>
      %swap3A_49 = arith.constant 0 : index
      %swap3A_50 = arith.constant 0 : index
      %swap3A_51 = vector.load %arg9[%swap3A_49, %swap3A_50] : memref<1x256xf32, #tpu.memory_space<vmem>>, vector<1x256xf32>
      tpu.vector_store %arg9[%swap3A_49, %swap3A_50], %broadcast_in_dim3A_48 {strides = array<i32>} : memref<1x256xf32, #tpu.memory_space<vmem>>, vector<1x256xf32>,
    } else {
    }
    %get3A = arith.constant 0 : index
    %get3A_2 = arith.constant 0 : index
    %get3A_3 = vector.load %arg1[%get3A, %get3A_2] : memref<3200x256xf32, #tpu.memory_space<vmem>>, vector<3200x256xf32>
    %get3A_4 = arith.constant 0 : index
    %get3A_5 = arith.constant 0 : index
    %get3A_6 = vector.load %arg2[%get3A_4, %get3A_5] : memref<1x256xf32, #tpu.memory_space<vmem>>, vector<1x256xf32>
    %mul3A = vector.broadcast %get3A_6 : vector<1x256xf32> to vector<3200x256xf32>
    %mul3A_7 = arith.mulf %get3A_3, %mul3A : vector<3200x256xf32>
    %get3A_8 = arith.constant 0 : index
    %get3A_9 = arith.constant 0 : index
    %get3A_10 = vector.load %arg3[%get3A_8, %get3A_9] : memref<1x256xf32, #tpu.memory_space<vmem>>, vector<1x256xf32>
    %add3A = vector.broadcast %get3A_10 : vector<1x256xf32> to vector<3200x256xf32>
    %add3A_11 = arith.addf %mul3A_7, %add3A : vector<3200x256xf32>
    %max3A = arith.constant 0.000000e+00 : f32
    %max3A_12 = vector.broadcast %max3A : f32 to vector<3200x256xf32>
    %max3A_13 = arith.maximumf %add3A_11, %max3A_12 : vector<3200x256xf32>
    %get3A_14 = arith.constant 0 : index
    %get3A_15 = arith.constant 0 : index
    %get3A_16 = vector.load %arg8[%get3A_14, %get3A_15] : memref<256x256xf32, #tpu.memory_space<vmem>>, vector<256x256xf32>
    %dot_general3A = arith.constant dense<0.000000e+00> : vector<256x256xf32>
    %dot_general3A_17 = tpu.matmul %max3A_13, %max3A_13, %dot_general3A {dimension_numbers = #tpu.dot_dimension_numbers<[0], [0], [1], [1], [0, 1, 1, 1], [], []>, transpose_lhs_hint = false} : vector<3200x256xf32>, vector<3200x256xf32>, vector<256x256xf32> -> vector<256x256xf32>
    %add3A_18 = arith.addf %get3A_16, %dot_general3A_17 : vector<256x256xf32>
    %swap3A = arith.constant 0 : index
    %swap3A_19 = arith.constant 0 : index
    %swap3A_20 = vector.load %arg8[%swap3A, %swap3A_19] : memref<256x256xf32, #tpu.memory_space<vmem>>, vector<256x256xf32>
    tpu.vector_store %arg8[%swap3A, %swap3A_19], %add3A_18 {strides = array<i32>} : memref<256x256xf32, #tpu.memory_space<vmem>>, vector<256x256xf32>,
    %get3A_21 = arith.constant 0 : index
    %get3A_22 = arith.constant 0 : index
    %get3A_23 = vector.load %arg9[%get3A_21, %get3A_22] : memref<1x256xf32, #tpu.memory_space<vmem>>, vector<1x256xf32>
    %reduce_sum3A = arith.constant dense<0.000000e+00> : vector<256xf32>
    %reduce_sum3A_24 = vector.multi_reduction <add>, %max3A_13, %reduce_sum3A [0] : vector<3200x256xf32> to vector<256xf32>
    %broadcast_in_dim3A = vector.shape_cast %reduce_sum3A_24 : vector<256xf32> to vector<1x256xf32>
    %add3A_25 = arith.addf %get3A_23, %broadcast_in_dim3A : vector<1x256xf32>
    %swap3A_26 = arith.constant 0 : index
    %swap3A_27 = arith.constant 0 : index
    %swap3A_28 = vector.load %arg9[%swap3A_26, %swap3A_27] : memref<1x256xf32, #tpu.memory_space<vmem>>, vector<1x256xf32>
    tpu.vector_store %arg9[%swap3A_26, %swap3A_27], %add3A_25 {strides = array<i32>} : memref<1x256xf32, #tpu.memory_space<vmem>>, vector<1x256xf32>,
    %get3A_29 = arith.constant 0 : index
    %get3A_30 = arith.constant 0 : index
    %get3A_31 = vector.load %arg4[%get3A_29, %get3A_30] : memref<128x256xf32, #tpu.memory_space<vmem>>, vector<128x256xf32>
    %dot_general3A_32 = arith.constant dense<0.000000e+00> : vector<3200x128xf32>
    %dot_general3A_33 = tpu.matmul %max3A_13, %get3A_31, %dot_general3A_32 {dimension_numbers = #tpu.dot_dimension_numbers<[1], [1], [0], [0], [0, 0, 1, 0], [], []>, transpose_lhs_hint = false} : vector<3200x256xf32>, vector<128x256xf32>, vector<3200x128xf32> -> vector<3200x128xf32>
    %swap3A_34 = arith.constant 0 : index
    %swap3A_35 = arith.constant 0 : index
    %swap3A_36 = vector.load %arg5[%swap3A_34, %swap3A_35] : memref<3200x128xf32, #tpu.memory_space<vmem>>, vector<3200x128xf32>
    tpu.vector_store %arg5[%swap3A_34, %swap3A_35], %dot_general3A_33 {strides = array<i32>} : memref<3200x128xf32, #tpu.memory_space<vmem>>, vector<3200x128xf32>,
    %eq3A_37 = arith.constant 99 : i32
    %eq3A_38 = arith.cmpi eq, %arg0, %eq3A_37 : i32
    %convert_element_type3A_39 = arith.extui %eq3A_38 : i1 to i32
    %cond3A_40 = arith.constant 0 : i32
    %cond3A_41 = arith.cmpi ne, %convert_element_type3A_39, %cond3A_40 : i32
    scf.if %cond3A_41 {
      %get3A_42 = arith.constant 0 : index
      %get3A_43 = arith.constant 0 : index
      %get3A_44 = vector.load %arg9[%get3A_42, %get3A_43] : memref<1x256xf32, #tpu.memory_space<vmem>>, vector<1x256xf32>
      %dot_general3A_45 = arith.constant dense<0.000000e+00> : vector<1x128xf32>
      %dot_general3A_46 = tpu.matmul %get3A_44, %get3A_31, %dot_general3A_45 {dimension_numbers = #tpu.dot_dimension_numbers<[1], [1], [0], [0], [0, 0, 1, 0], [], []>, transpose_lhs_hint = false} : vector<1x256xf32>, vector<128x256xf32>, vector<1x128xf32> -> vector<1x128xf32>
      %mul3A_47 = arith.constant 3.125000e-06 : f32
      %mul3A_48 = vector.broadcast %mul3A_47 : f32 to vector<1x128xf32>
      %mul3A_49 = arith.mulf %dot_general3A_46, %mul3A_48 : vector<1x128xf32>
      %swap3A_50 = arith.constant 0 : index
      %swap3A_51 = arith.constant 0 : index
      %swap3A_52 = vector.load %arg6[%swap3A_50, %swap3A_51] : memref<1x128xf32, #tpu.memory_space<vmem>>, vector<1x128xf32>
      tpu.vector_store %arg6[%swap3A_50, %swap3A_51], %mul3A_49 {strides = array<i32>} : memref<1x128xf32, #tpu.memory_space<vmem>>, vector<1x128xf32>,
      %get3A_53 = arith.constant 0 : index
      %get3A_54 = arith.constant 0 : index
      %get3A_55 = vector.load %arg8[%get3A_53, %get3A_54] : memref<256x256xf32, #tpu.memory_space<vmem>>, vector<256x256xf32>
      %dot_general3A_56 = arith.constant dense<0.000000e+00> : vector<128x256xf32>
      %dot_general3A_57 = tpu.matmul %get3A_31, %get3A_55, %dot_general3A_56 {dimension_numbers = #tpu.dot_dimension_numbers<[1], [0], [0], [1], [0, 0, 1, 1], [], []>, transpose_lhs_hint = false} : vector<128x256xf32>, vector<256x256xf32>, vector<128x256xf32> -> vector<128x256xf32>
      %mul3A_58 = arith.mulf %dot_general3A_57, %get3A_31 : vector<128x256xf32>
      %reduce_sum3A_59 = arith.constant dense<0.000000e+00> : vector<128xf32>
      %reduce_sum3A_60 = vector.multi_reduction <add>, %mul3A_58, %reduce_sum3A_59 [1] : vector<128x256xf32> to vector<128xf32>
      %broadcast_in_dim3A_61 = vector.shape_cast %reduce_sum3A_60 : vector<128xf32> to vector<1x128xf32>
      %mul3A_62 = arith.constant 3.125000e-06 : f32
      %mul3A_63 = vector.broadcast %mul3A_62 : f32 to vector<1x128xf32>
      %mul3A_64 = arith.mulf %broadcast_in_dim3A_61, %mul3A_63 : vector<1x128xf32>
      %swap3A_65 = arith.constant 0 : index
      %swap3A_66 = arith.constant 0 : index
      %swap3A_67 = vector.load %arg7[%swap3A_65, %swap3A_66] : memref<1x128xf32, #tpu.memory_space<vmem>>, vector<1x128xf32>
      tpu.vector_store %arg7[%swap3A_65, %swap3A_66], %mul3A_64 {strides = array<i32>} : memref<1x128xf32, #tpu.memory_space<vmem>>, vector<1x128xf32>,
    } else {
    }
    return
  }
  func.func @transform_0(%arg0: i32) -> (i32, i32) {
    %c0_i32 = arith.constant 0 : i32
    %c0_i32_0 = arith.constant 0 : i32
    return %arg0, %c0_i32 : i32, i32
  }
  func.func @transform_1(%arg0: i32) -> (i32, i32) {
    %c0_i32 = arith.constant 0 : i32
    %c0_i32_0 = arith.constant 0 : i32
    %c0_i32_1 = arith.constant 0 : i32
    return %c0_i32, %c0_i32_0 : i32, i32
  }
  func.func @transform_2(%arg0: i32) -> (i32, i32) {
    %c0_i32 = arith.constant 0 : i32
    %c0_i32_0 = arith.constant 0 : i32
    %c0_i32_1 = arith.constant 0 : i32
    return %c0_i32, %c0_i32_0 : i32, i32
  }
  func.func @transform_3(%arg0: i32) -> (i32, i32) {
    %c0_i32 = arith.constant 0 : i32
    %c0_i32_0 = arith.constant 0 : i32
    %c0_i32_1 = arith.constant 0 : i32
    return %c0_i32, %c0_i32_0 : i32, i32
  }
  func.func @transform_4(%arg0: i32) -> (i32, i32) {
    %c0_i32 = arith.constant 0 : i32
    %c0_i32_0 = arith.constant 0 : i32
    return %arg0, %c0_i32 : i32, i32
  }
  func.func @transform_5(%arg0: i32) -> (i32, i32) {
    %c0_i32 = arith.constant 0 : i32
    %c0_i32_0 = arith.constant 0 : i32
    %c0_i32_1 = arith.constant 0 : i32
    return %c0_i32, %c0_i32_0 : i32, i32
  }
  func.func @transform_6(%arg0: i32) -> (i32, i32) {
    %c0_i32 = arith.constant 0 : i32
    %c0_i32_0 = arith.constant 0 : i32
    %c0_i32_1 = arith.constant 0 : i32
    return %c0_i32, %c0_i32_0 : i32, i32
  }
}

module attributes {stable_mosaic.version = 14 : i64} {
  func.func @_mlp2_body(%arg0: memref<2x10000x128xf32, #tpu.memory_space<vmem>>, %arg1: memref<256x128xf32, #tpu.memory_space<vmem>>, %arg2: memref<1x256xf32, #tpu.memory_space<vmem>>, %arg3: memref<1x256xf32, #tpu.memory_space<vmem>>, %arg4: memref<256x256xf32, #tpu.memory_space<vmem>>, %arg5: memref<1x256xf32, #tpu.memory_space<vmem>>, %arg6: memref<1x256xf32, #tpu.memory_space<vmem>>, %arg7: memref<128x256xf32, #tpu.memory_space<vmem>>, %arg8: memref<1x128xf32, #tpu.memory_space<vmem>>, %arg9: memref<10000x128xf32, #tpu.memory_space<vmem>>) attributes {dimension_semantics = [], scalar_prefetch = 0 : i64, scratch_operands = 0 : i64, tpu.core_type = #tpu.core_type<tc>} {
    %get3A = arith.constant 0 : index
    %get3A_0 = arith.constant 0 : index
    %get3A_1 = arith.constant 0 : index
    %get3A_2 = vector.load %arg0[%get3A, %get3A_0, %get3A_1] : memref<2x10000x128xf32, #tpu.memory_space<vmem>>, vector<1x10000x128xf32>
    %get3A_3 = vector.shape_cast %get3A_2 : vector<1x10000x128xf32> to vector<10000x128xf32>
    %get3A_4 = arith.constant 1 : index
    %get3A_5 = arith.constant 0 : index
    %get3A_6 = arith.constant 0 : index
    %get3A_7 = vector.load %arg0[%get3A_4, %get3A_5, %get3A_6] : memref<2x10000x128xf32, #tpu.memory_space<vmem>>, vector<1x10000x128xf32>
    %get3A_8 = vector.shape_cast %get3A_7 : vector<1x10000x128xf32> to vector<10000x128xf32>
    %add3A = arith.addf %get3A_3, %get3A_8 : vector<10000x128xf32>
    %get3A_9 = arith.constant 0 : index
    %get3A_10 = arith.constant 0 : index
    %get3A_11 = vector.load %arg1[%get3A_9, %get3A_10] : memref<256x128xf32, #tpu.memory_space<vmem>>, vector<256x128xf32>
    %dot_general3A = arith.constant dense<0.000000e+00> : vector<10000x256xf32>
    %dot_general3A_12 = tpu.matmul %add3A, %get3A_11, %dot_general3A {dimension_numbers = #tpu.dot_dimension_numbers<[1], [1], [0], [0], [0, 0, 1, 0], [], []>, transpose_lhs_hint = false} : vector<10000x128xf32>, vector<256x128xf32>, vector<10000x256xf32> -> vector<10000x256xf32>
    %reduce_sum3A = arith.constant dense<0.000000e+00> : vector<256xf32>
    %reduce_sum3A_13 = vector.multi_reduction <add>, %dot_general3A_12, %reduce_sum3A [0] : vector<10000x256xf32> to vector<256xf32>
    %broadcast_in_dim3A = vector.shape_cast %reduce_sum3A_13 : vector<256xf32> to vector<1x256xf32>
    %div3A = arith.constant 1.000000e+04 : f32
    %div3A_14 = vector.broadcast %div3A : f32 to vector<1x256xf32>
    %div3A_15 = arith.divf %broadcast_in_dim3A, %div3A_14 : vector<1x256xf32>
    %sub3A = vector.broadcast %div3A_15 : vector<1x256xf32> to vector<10000x256xf32>
    %sub3A_16 = arith.subf %dot_general3A_12, %sub3A : vector<10000x256xf32>
    %integer_pow3A = arith.mulf %sub3A_16, %sub3A_16 : vector<10000x256xf32>
    %reduce_sum3A_17 = arith.constant dense<0.000000e+00> : vector<256xf32>
    %reduce_sum3A_18 = vector.multi_reduction <add>, %integer_pow3A, %reduce_sum3A_17 [0] : vector<10000x256xf32> to vector<256xf32>
    %broadcast_in_dim3A_19 = vector.shape_cast %reduce_sum3A_18 : vector<256xf32> to vector<1x256xf32>
    %div3A_20 = arith.constant 1.000000e+04 : f32
    %div3A_21 = vector.broadcast %div3A_20 : f32 to vector<1x256xf32>
    %div3A_22 = arith.divf %broadcast_in_dim3A_19, %div3A_21 : vector<1x256xf32>
    %sub3A_23 = vector.broadcast %div3A_15 : vector<1x256xf32> to vector<10000x256xf32>
    %sub3A_24 = arith.subf %dot_general3A_12, %sub3A_23 : vector<10000x256xf32>
    %get3A_25 = arith.constant 0 : index
    %get3A_26 = arith.constant 0 : index
    %get3A_27 = vector.load %arg2[%get3A_25, %get3A_26] : memref<1x256xf32, #tpu.memory_space<vmem>>, vector<1x256xf32>
    %add3A_28 = arith.constant 9.99999974E-6 : f32
    %add3A_29 = vector.broadcast %add3A_28 : f32 to vector<1x256xf32>
    %add3A_30 = arith.addf %div3A_22, %add3A_29 : vector<1x256xf32>
    %rsqrt3A = math.rsqrt %add3A_30 : vector<1x256xf32>
    %mul3A = arith.mulf %get3A_27, %rsqrt3A : vector<1x256xf32>
    %mul3A_31 = vector.broadcast %mul3A : vector<1x256xf32> to vector<10000x256xf32>
    %mul3A_32 = arith.mulf %sub3A_24, %mul3A_31 : vector<10000x256xf32>
    %get3A_33 = arith.constant 0 : index
    %get3A_34 = arith.constant 0 : index
    %get3A_35 = vector.load %arg3[%get3A_33, %get3A_34] : memref<1x256xf32, #tpu.memory_space<vmem>>, vector<1x256xf32>
    %add3A_36 = vector.broadcast %get3A_35 : vector<1x256xf32> to vector<10000x256xf32>
    %add3A_37 = arith.addf %mul3A_32, %add3A_36 : vector<10000x256xf32>
    %max3A = arith.constant 0.000000e+00 : f32
    %max3A_38 = vector.broadcast %max3A : f32 to vector<10000x256xf32>
    %max3A_39 = arith.maximumf %add3A_37, %max3A_38 : vector<10000x256xf32>
    %get3A_40 = arith.constant 0 : index
    %get3A_41 = arith.constant 0 : index
    %get3A_42 = vector.load %arg4[%get3A_40, %get3A_41] : memref<256x256xf32, #tpu.memory_space<vmem>>, vector<256x256xf32>
    %dot_general3A_43 = arith.constant dense<0.000000e+00> : vector<10000x256xf32>
    %dot_general3A_44 = tpu.matmul %max3A_39, %get3A_42, %dot_general3A_43 {dimension_numbers = #tpu.dot_dimension_numbers<[1], [1], [0], [0], [0, 0, 1, 0], [], []>, transpose_lhs_hint = false} : vector<10000x256xf32>, vector<256x256xf32>, vector<10000x256xf32> -> vector<10000x256xf32>
    %reduce_sum3A_45 = arith.constant dense<0.000000e+00> : vector<256xf32>
    %reduce_sum3A_46 = vector.multi_reduction <add>, %dot_general3A_44, %reduce_sum3A_45 [0] : vector<10000x256xf32> to vector<256xf32>
    %broadcast_in_dim3A_47 = vector.shape_cast %reduce_sum3A_46 : vector<256xf32> to vector<1x256xf32>
    %div3A_48 = arith.constant 1.000000e+04 : f32
    %div3A_49 = vector.broadcast %div3A_48 : f32 to vector<1x256xf32>
    %div3A_50 = arith.divf %broadcast_in_dim3A_47, %div3A_49 : vector<1x256xf32>
    %sub3A_51 = vector.broadcast %div3A_50 : vector<1x256xf32> to vector<10000x256xf32>
    %sub3A_52 = arith.subf %dot_general3A_44, %sub3A_51 : vector<10000x256xf32>
    %integer_pow3A_53 = arith.mulf %sub3A_52, %sub3A_52 : vector<10000x256xf32>
    %reduce_sum3A_54 = arith.constant dense<0.000000e+00> : vector<256xf32>
    %reduce_sum3A_55 = vector.multi_reduction <add>, %integer_pow3A_53, %reduce_sum3A_54 [0] : vector<10000x256xf32> to vector<256xf32>
    %broadcast_in_dim3A_56 = vector.shape_cast %reduce_sum3A_55 : vector<256xf32> to vector<1x256xf32>
    %div3A_57 = arith.constant 1.000000e+04 : f32
    %div3A_58 = vector.broadcast %div3A_57 : f32 to vector<1x256xf32>
    %div3A_59 = arith.divf %broadcast_in_dim3A_56, %div3A_58 : vector<1x256xf32>
    %sub3A_60 = vector.broadcast %div3A_50 : vector<1x256xf32> to vector<10000x256xf32>
    %sub3A_61 = arith.subf %dot_general3A_44, %sub3A_60 : vector<10000x256xf32>
    %get3A_62 = arith.constant 0 : index
    %get3A_63 = arith.constant 0 : index
    %get3A_64 = vector.load %arg5[%get3A_62, %get3A_63] : memref<1x256xf32, #tpu.memory_space<vmem>>, vector<1x256xf32>
    %add3A_65 = arith.constant 9.99999974E-6 : f32
    %add3A_66 = vector.broadcast %add3A_65 : f32 to vector<1x256xf32>
    %add3A_67 = arith.addf %div3A_59, %add3A_66 : vector<1x256xf32>
    %rsqrt3A_68 = math.rsqrt %add3A_67 : vector<1x256xf32>
    %mul3A_69 = arith.mulf %get3A_64, %rsqrt3A_68 : vector<1x256xf32>
    %mul3A_70 = vector.broadcast %mul3A_69 : vector<1x256xf32> to vector<10000x256xf32>
    %mul3A_71 = arith.mulf %sub3A_61, %mul3A_70 : vector<10000x256xf32>
    %get3A_72 = arith.constant 0 : index
    %get3A_73 = arith.constant 0 : index
    %get3A_74 = vector.load %arg6[%get3A_72, %get3A_73] : memref<1x256xf32, #tpu.memory_space<vmem>>, vector<1x256xf32>
    %add3A_75 = vector.broadcast %get3A_74 : vector<1x256xf32> to vector<10000x256xf32>
    %add3A_76 = arith.addf %mul3A_71, %add3A_75 : vector<10000x256xf32>
    %max3A_77 = arith.constant 0.000000e+00 : f32
    %max3A_78 = vector.broadcast %max3A_77 : f32 to vector<10000x256xf32>
    %max3A_79 = arith.maximumf %add3A_76, %max3A_78 : vector<10000x256xf32>
    %get3A_80 = arith.constant 0 : index
    %get3A_81 = arith.constant 0 : index
    %get3A_82 = vector.load %arg7[%get3A_80, %get3A_81] : memref<128x256xf32, #tpu.memory_space<vmem>>, vector<128x256xf32>
    %dot_general3A_83 = arith.constant dense<0.000000e+00> : vector<10000x128xf32>
    %dot_general3A_84 = tpu.matmul %max3A_79, %get3A_82, %dot_general3A_83 {dimension_numbers = #tpu.dot_dimension_numbers<[1], [1], [0], [0], [0, 0, 1, 0], [], []>, transpose_lhs_hint = false} : vector<10000x256xf32>, vector<128x256xf32>, vector<10000x128xf32> -> vector<10000x128xf32>
    %get3A_85 = arith.constant 0 : index
    %get3A_86 = arith.constant 0 : index
    %get3A_87 = vector.load %arg8[%get3A_85, %get3A_86] : memref<1x128xf32, #tpu.memory_space<vmem>>, vector<1x128xf32>
    %add3A_88 = vector.broadcast %get3A_87 : vector<1x128xf32> to vector<10000x128xf32>
    %add3A_89 = arith.addf %dot_general3A_84, %add3A_88 : vector<10000x128xf32>
    %swap3A = arith.constant 0 : index
    %swap3A_90 = arith.constant 0 : index
    %swap3A_91 = vector.load %arg9[%swap3A, %swap3A_90] : memref<10000x128xf32, #tpu.memory_space<vmem>>, vector<10000x128xf32>
    tpu.vector_store %arg9[%swap3A, %swap3A_90], %add3A_89 {strides = array<i32>} : memref<10000x128xf32, #tpu.memory_space<vmem>>, vector<10000x128xf32>,
    return
  }
}

</mosaic_0001>

<sc_bundles>
// kernel: kernel.10.cloned.1.call-start
scs
__scs_entry_jumppad:
0x0: {  	(pc) =	sbr.rel $0x88, $3  }
0x1: {  	(tag) =	ssettag $0x0;
	lr =	simm.s32 $0x1  }
0x2: {  	[smem:$0x3F8D] =	sst lr;
	_ =	strace $0xD0000000  }
0x3: {  	_ = 	snop  }
0x4: {  	_ = 	snop  }
0x5: {  	_ = 	snop  }
0x6: {  	_ = 	snop  }
0x7: {  	_ = 	snop  }
__scs_overlays_trampoline_lowered:
0x8: {  	[smem:$0x3F9C] =	sst s0  }
0x9: {  	[smem:$0x3F9D] =	sst s1  }
0xa: {  	[smem:$0x3F9E] =	sst s2  }
0xb: {  	[smem:$0x3F9F] =	sst s3  }
0xc: {  	[smem:$0x3FA0] =	sst s4  }
0xd: {  	[smem:$0x3FA1] =	sst s5  }
0xe: {  	[smem:$0x3FA2] =	sst s6  }
0xf: {  	[smem:$0x3FA3] =	sst s7  }
0x10: {  	[smem:$0x3FA4] =	sst s8  }
0x11: {  	[smem:$0x3FA5] =	sst s9;
	s0 =	simm.s32 @!p0 $0x0  }
0x12: {  	s1 =	sld [smem:$0x3F8B];
	s0 =	simm.s32 @p0 $0x1  }
0x13: {  	[smem:$0x3FA6] =	sst s0;
	s0 =	simm.s32 @!p1 $0x0  }
0x14: {  	s2 =	sld [smem:$0x3F8A];
	s0 =	simm.s32 @p1 $0x1  }
0x15: {  	[smem:$0x3FA7] =	sst s0;
	s0 =	simm.s32 @!p2 $0x0  }
0x16: {  	s3 =	sld [smem:$0x3FDB];
	s0 =	simm.s32 @p2 $0x1  }
0x17: {  	s4 =	simm.s32 $0x1BF5;
	[smem:$0x3FA9] =	sst s0  }
0x18: {  	s0 =	sld [smem:$0x3F8C];
	_ =	swait.ge [sflag:s4], $0x0  }
0x19: {  	s7 =	sld [smem:$0x3F8D]  }
0x1a: {  	s8 =	sadd.s32 $0xFFFFE003, lr  }
0x1b: {  	s9 =	sadd.s32 $0xFFFFFEF7, lr;
	s5 =	simm.s32 $0xFFFFFFFF;
	p2 =	slt.u32 s8, $0xFFFFF086  }
0x1c: {  	p1 =	slt.u32 s9, $0xF7A;
	s5 =	simm.s32 @!p2 $0x0  }
0x1d: {  	s5 =	simm.s32 @p1 $0x1;
	p0 =	seq.s32 s7, s2  }
0x1e: {  	s7 =	smul.u32 @!p0 $0xF7A, s2;
	p2 =	seq.s32 @!p0 s5, $0x0  }
0x1f: {  	s9 =	smul.u32 $0xF7A, s1;
	s8 =	simm.s32 @!p0 $0x1BF5;
	p2 =	por !p2, p0  }
0x20: {  	[sflag:s8] =	ssyncset.s32 @!p0 $0xFFFFF086;
	s6 =	sadd.s32 @!p0 s3, s7;
	s7 =	simm.s32 @!p0 $0x108  }
0x21: {  	s3 =	sadd.s32 s3, s9;
	s6 =	sadd.s32 @!p0 $0x88, s6;
	s7 =	simm.s32 @p2 $0x1082  }
0x22: {  	[simem:s7], [sflag:s8] =	dma.local @!p0 [hbm:s6], $0xF7A  }
0x23: {  	s9 =	sor.u32 $0xD0000000, s2;
	s6 =	simm.s32 $0x108;
	_ =	swait.ge @!p0 [sflag:s8], $0x0  }
0x24: {  	s3 =	sadd.s32 $0x88, s3;
	s6 =	simm.s32 @!p1 $0x1082;
	[sflag:s4] =	ssyncset.s32 $0xFFFFF086  }
0x25: {  	[simem:s6], [sflag:s4] =	dma.local [hbm:s3], $0xF7A  }
0x26: {  	[smem:$0x3F8D] =	sst s1;
	(tag) =	ssettag s2;
	_ =	strace s9  }
0x27: {  	s1 =	sld [smem:$0x3F9D]  }
0x28: {  	s2 =	sld [smem:$0x3F9E]  }
0x29: {  	s4 =	sld [smem:$0x3FA0]  }
0x2a: {  	p0 =	seq.s32 s5, $0x0;
	s5 =	sld [smem:$0x3FA1]  }
0x2b: {  	s6 =	sld [smem:$0x3FA2]  }
0x2c: {  	s7 =	sld [smem:$0x3FA3]  }
0x2d: {  	s3 =	simm.s32 $0x108;
	s8 =	sld [smem:$0x3FA4]  }
0x2e: {  	s3 =	simm.s32 @!p0 $0x1082;
	s9 =	sld [smem:$0x3FA5]  }
0x2f: {  	lr =	sadd.s32 s0, s3;
	s0 =	sld [smem:$0x3F9C]  }
0x30: {  	s3 =	sld [smem:$0x3F9F]  }
0x31: {  	[smem:$0x3FA8] =	sst s10  }
0x32: {  	s10 =	sld [smem:$0x3FA6];
	_ =	sdelay $0x3  }
0x33: {  	p0 =	seq.s32 s10, $0x1;
	s10 =	sld [smem:$0x3FA8];
	_ =	sdelay $0x3  }
0x34: {  	[smem:$0x3FA8] =	sst s10  }
0x35: {  	s10 =	sld [smem:$0x3FA7];
	_ =	sdelay $0x3  }
0x36: {  	p1 =	seq.s32 s10, $0x1;
	s10 =	sld [smem:$0x3FA8];
	_ =	sdelay $0x3  }
0x37: {  	[smem:$0x3FA8] =	sst s10  }
0x38: {  	s10 =	sld [smem:$0x3FA9]  }
0x39: {  	_ = 	snop;
	(pc) =	sbr.ind lr, $3  }
0x3a: {  	_ = 	snop  }
0x3b: {  	_ = 	snop  }
0x3c: {  	p2 =	seq.s32 s10, $0x1;
	s10 =	sld [smem:$0x3FA8]  }
0x3d: {  	_ =	shalt  }
0x3e: {  	_ =	shalt  }
0x3f: {  	_ =	shalt  }
0x40: {  	_ =	shalt  }
0x41: {  	_ =	shalt  }
0x42: {  	_ =	shalt  }
0x43: {  	_ =	shalt  }
0x44: {  	_ =	shalt  }
0x45: {  	_ =	shalt  }
0x46: {  	_ =	shalt  }
0x47: {  	_ =	shalt  }
0x48: {  	_ =	shalt  }
0x49: {  	_ =	shalt  }
0x4a: {  	_ =	shalt  }
0x4b: {  	_ =	shalt  }
0x4c: {  	_ =	shalt  }
0x4d: {  	_ =	shalt  }
0x4e: {  	_ =	shalt  }
0x4f: {  	_ =	shalt  }
0x50: {  	_ =	shalt  }
0x51: {  	_ =	shalt  }
0x52: {  	_ =	shalt  }
0x53: {  	_ =	shalt  }
0x54: {  	_ =	shalt  }
0x55: {  	_ =	shalt  }
0x56: {  	_ =	shalt  }
0x57: {  	_ =	shalt  }
0x58: {  	_ =	shalt  }
0x59: {  	_ =	shalt  }
0x5a: {  	_ =	shalt  }
0x5b: {  	_ =	shalt  }
0x5c: {  	_ =	shalt  }
0x5d: {  	_ =	shalt  }
0x5e: {  	_ =	shalt  }
0x5f: {  	_ =	shalt  }
0x60: {  	_ =	shalt  }
0x61: {  	_ =	shalt  }
0x62: {  	_ =	shalt  }
0x63: {  	_ =	shalt  }
0x64: {  	_ =	shalt  }
0x65: {  	_ =	shalt  }
0x66: {  	_ =	shalt  }
0x67: {  	_ =	shalt  }
0x68: {  	_ =	shalt  }
0x69: {  	_ =	shalt  }
0x6a: {  	_ =	shalt  }
0x6b: {  	_ =	shalt  }
0x6c: {  	_ =	shalt  }
0x6d: {  	_ =	shalt  }
0x6e: {  	_ =	shalt  }
0x6f: {  	_ =	shalt  }
0x70: {  	_ =	shalt  }
0x71: {  	_ =	shalt  }
0x72: {  	_ =	shalt  }
0x73: {  	_ =	shalt  }
0x74: {  	_ =	shalt  }
0x75: {  	_ =	shalt  }
0x76: {  	_ =	shalt  }
0x77: {  	_ =	shalt  }
0x78: {  	_ =	shalt  }
0x79: {  	_ =	shalt  }
0x7a: {  	_ =	shalt  }
0x7b: {  	_ =	shalt  }
0x7c: {  	_ =	shalt  }
0x7d: {  	_ =	shalt  }
0x7e: {  	_ =	shalt  }
0x7f: {  	_ =	shalt  }
0x80: {  	_ =	shalt  }
0x81: {  	_ =	shalt  }
0x82: {  	_ =	shalt  }
0x83: {  	_ =	shalt  }
0x84: {  	_ =	shalt  }
0x85: {  	_ =	shalt  }
0x86: {  	_ =	shalt  }
0x87: {  	_ =	shalt  }
.Lfunc_end0:
.L_simem_size_0:
called_computation.1_lowered:
.L_overlay_start_0:
0x88: {  	s2 =	sld [smem:$0x3FD9]  }
0x89: {  	s3 =	sld [smem:$0x3FFE];
	_ =	sdelay $0x1  }
0x8a: {  	s1 =	srdreg.scid  }
0x8b: {  	s0 =	sand.u32 $0x1, s1  }
0x8c: {  	s17 =	sshll.u32 s0, $0xA;
	s2 =	sadd.s32 s3, s2  }
0x8d: {  	s2 =	sadd.s32 s2, s17  }
0x8e: {  	[smem:$0x3FB4] =	sst s2  }
0x8f: {  	_ = 	snop  }
0x90: {  	s2 =	sld [smem:$0x3FD0];
	(tm) =	ssettm $0x1  }
0x91: {  	s18 =	sld [smem:$0x3FFB];
	_ =	sdelay $0x3  }
0x92: {  	_ =	strace s18  }
0x93: {  	s3 =	sld [smem:$0x3FFC];
	_ =	sdelay $0x3  }
0x94: {  	_ =	strace s3  }
0x95: {  	s3 =	sld [smem:$0x3FFD];
	_ =	sdelay $0x3  }
0x96: {  	_ =	strace s3  }
0x97: {  	_ =	strace $0x8FFFFFFF  }
0x98: {  	s19 =	sld [smem:$0x3FDB];
	_ =	sdelay $0x1  }
0x99: {  	s4 =	simm.s32 $_scs_section_size  }
0x9a: {  	s5 =	simm.s32 $_size__tile_overlayer_lowered;
	s6 =	simm.s32 $_tile_overlayer_lowered  }
0x9b: {  	s22 =	simm.s32 $0x1BFF;
	s21 =	sshll.u32 s6, $0x1;
	s3 =	sadd.s32 s4, s19  }
0x9c: {  	s7 =	simm.s32 $0x0;
	s20 =	sshll.u32 s5, $0x1;
	s5 =	sadd.s32 s21, s3  }
0x9d: {  	[timem:s7], [sflag:s22] =	dma.local [hbm:s5], s20  }
0x9e: {  	_ =	swait.ge [sflag:s22], s20  }
0x9f: {  	s4 =	ssub.s32 $0x0, s20;
	[sflag:s22] =	ssyncset.done $0x0  }
0xa0: {  	[sflag:s22] =	ssyncadd.s32 s4;
	_ =	sdelay $0x1  }
0xa1: {  	s23 =	simm.s32 $0x1B8B  }
0xa2: {  	_ =	swait.ge [sflag:s23], $0x1  }
0xa3: {  	[sflag:s23] =	ssyncset.done $0x0  }
0xa4: {  	s25 =	simm.s32 $0x1B8E;
	s24 =	sld [smem:$0x3FFE];
	[sflag:s23] =	ssyncadd.s32 $0xFFFFFFFF  }
0xa5: {  	s26 =	simm.s32 $execute0_lowered;
	[smem:$0x3FD2] =	sst s25  }
0xa6: {  	s5 =	sshll.u32 s26, $0x1;
	_ =	strace $0x80000049;
	[dreg:$0x1] =	wrdreg $0xFFFFFFFF  }
0xa7: {  	s28 =	simm.s32 $_size_execute0_lowered;
	s3 =	sadd.s32 s3, s5;
	[dreg:$0x0] =	wrdreg $0x0  }
0xa8: {  	s5 =	sshll.u32 s28, $0x1;
	[dreg:$0x2] =	wrdreg s3  }
0xa9: {  	[dreg:$0x3] =	wrdreg s5  }
0xaa: {  	[dreg:$0x4] =	wrdreg $0xC0  }
0xab: {  	_ =	task [dreg:s7], $0x5FFFF  }
0xac: {  	[dreg:$0x1] =	wrdreg $0xFFFFFFFF  }
0xad: {  	[dreg:$0x0] =	wrdreg $0x60  }
0xae: {  	[dreg:$0x2] =	wrdreg s24  }
0xaf: {  	[dreg:$0x3] =	wrdreg s2  }
0xb0: {  	[dreg:$0x4] =	wrdreg $0xA3000  }
0xb1: {  	[dreg:$0x5] =	wrdreg $0x9  }
0xb2: {  	_ =	task.clear_ibuf [dreg:s7], $0x6FFFF;
	_ =	strace $0x90000049  }
0xb3: {  	s29 =	simm.s32 $0x9;
	_ =	strace $0x8000004B  }
0xb4: {  	_ =	swait.ge [sflag:s29], $0x1  }
0xb5: {  	[sflag:s29] =	ssyncadd.s32 $0xFFFFFFFF  }
0xb6: {  	_ =	strace $0x9000004B  }
0xb7: {  	_ =	sfence  }
0xb8: {  	s30 =	sld [smem:$0x0];
	_ =	sdelay $0x2  }
0xb9: {  	s31 =	sshll.u32 s1, $0xD;
	s1 =	sshrl.u32 s1, $0x2  }
0xba: {  	s3 =	sand.u32 $0x4000, s31;
	s1 =	sadd.s32 s1, s30  }
0xbb: {  	s0 =	sor.u32 s3, s0;
	s1 =	sshll.u32 s1, $0x11  }
0xbc: {  	s0 =	sor.u32 s1, s0  }
0xbd: {  	s0 =	sadd.s32 $0x8F2B, s0  }
0xbe: {  	[sflag:s0] =	ssyncadd.remote.s32 $0x1  }
0xbf: {  	_ =	sfence.sel $0xFFFF  }
0xc0: {  	[dreg:$0x0] =	wrdreg $0xFFFFFFFF;
	(pc) =	sbr.abs _section_cstart, $3  }
0xc1: {  	[dreg:$0x1] =	wrdreg $0xFFFFFFFF  }
0xc2: {  	_ =	task.clear_ibuf [dreg:s7], $0x2FFFF;
	_ =	strace $0x9FFFFFFF  }
0xc3: {  	(tm) =	ssettm $0x7FFFFFFF  }
tec
execute0_lowered:
.L_overlay_start_1:
0x0: {  	(tag) =	ssettag $0x1  }
0x1: {  	s0 =	rddreg [dreg:$0x0]  }
0x2: {  	s2 =	rddreg [dreg:$0x2]  }
0x3: {  	s1 =	srdreg.scid;
	s4 =	simm.s32 $0x0;
	s14 =	stileid.u32  }
0x4: {  	s19 =	simm.s32 $0x5;
	s21 =	simm.s32 $0x200;
	s28 =	simm.s32 $0x5200  }
0x5: {  	s29 =	simm.s32 $0x4;
	s30 =	simm.s32 $0x3;
	s31 =	simm.s32 $0x2  }
0x6: {  	s18 =	simm.s32 $0x0;
	s1 =	sand.u32 $0x1, s1;
	[smem:$0x7FF] =	sst s4  }
0x7: {  	s7 =	smul.u32 $0x2800, s14;
	s5 =	sadd.s32 $0xB1D000, s0;
	s6 =	sadd.s32 $0xC400, s0  }
0x8: {  	s8 =	sshll.u32 s14, $0x1;
	s22 =	sadd.s32 $0x2600, s0;
	s16 =	smul.u32 $0xA000, s14  }
0x9: {  	s10 =	ssub.s32 $0x8C, s14;
	s3 =	smul.u32 $0x138800, s1;
	s8 =	sor.u32 s1, s8  }
0xa: {  	_ =	strace $0x8000004A;
	s1 =	ssub.s32 $0x2, s1;
	s23 =	smul.u32 $0x2710, s8  }
0xb: {  	[dreg:$0x4] =	wrdreg s22;
	s9 =	sshrl.u32 s1, $0x1;
	s11 =	smul.u32 $0x27100, s8  }
0xc: {  	s8 =	sshrl.u32 s10, $0x4;
	s26 =	sshrl.u32 s16, $0x2;
	s3 =	sadd.s32 s7, s3  }
0xd: {  	s1 =	ssub.s32 s1, s9;
	s16 =	sadd.s32 s26, s2;
	s26 =	simm.s32 $0x100  }
0xe: {  	s3 =	sshrl.u32 s3, $0x3;
	s24 =	sshrl.u32 s23, $0x3;
	s9 =	sadd.s32 s5, s11  }
0xf: {  	s25 =	sadd.s32 $0x50, s23;
	s14 =	sadd.s32 $0xF0, s23;
	s15 =	smax.u32 s1, $0x1  }
0x10: {  	s1 =	simm.s32 $0x7A00;
	s0 =	sadd.s32 s3, s0;
	s10 =	sadd.s32 s6, s24  }
0x11: {  	s12 =	sshll.u32 s25, $0x4;
	s13 =	sshrl.u32 s25, $0x3;
	s24 =	simm.s32 $0x1  }
0x12: {  	s25 =	simm.s32 $0x50;
	s11 =	sadd.s32 s5, s12;
	s12 =	sadd.s32 s6, s13  }
0x13: {  	v0 =	vimm.f32 $0.0e+00;
	s13 =	sadd.s32 $0xA0, s23;
	s17 =	sadd.s32 $0x16200, s0;
	s0 =	simm.s32 $0x180  }
.LBB2_1:
0x14: {  	s3 =	rddreg [dreg:$0x4];
	s7 =	simm.s32 $0xA200  }
0x15: {  	[tilespmem:s7], [sflag:$0x5] =	stream.linear.gather [hbm4b:s3+s4], $0x80, $0x38;
	[tilespmem:$0x1DB80] =	vst v63  }
0x16: {  	_ =	swait.ge [sflag:s19], $0x80  }
0x17: {  	[sflag:s19] =	ssyncset.done $0x0  }
0x18: {  	[sflag:s19] =	ssyncadd.s32 $0xFFFFFF80  }
0x19: {  	s23 =	simm.s32 $0xA280;
	s22 =	rddreg [dreg:$0x1]  }
0x1a: {  	[tilespmem:s23], [sflag:$0x5] =	stream.linear.gather [hbm4b:s22+s4], $0x80, $0x38;
	[tilespmem:$0x1DB80] =	vst v63  }
0x1b: {  	_ =	swait.ge [sflag:s19], $0x80  }
0x1c: {  	[sflag:s19] =	ssyncset.done $0x0  }
0x1d: {  	s3 =	simm.s32 $0x0;
	[sflag:s19] =	ssyncadd.s32 $0xFFFFFF80  }
.LBB2_2:
0x1e: {  	p0 =	sne.s32 s3, $0x9E00  }
.Ltmp0:
0x1f: {  	_ = 	snop;
	(pc) =	sbr.rel @p0 .LBB2_2-.Ltmp0, $3  }
0x20: {  	_ =	sdelay $0x1  }
0x21: {  	s20 =	sshra.s32 s3, $0x2  }
0x22: {  	s3 =	sadd.s32 $0x200, s3;
	[tilespmem:s20+$0x200] =	vst v0  }
0x23: {  	s3 =	simm.s32 $0x40  }
.LBB2_4:
0x24: {  	p0 =	sne.s32 s3, $0x9E40  }
.Ltmp1:
0x25: {  	_ = 	snop;
	(pc) =	sbr.rel @p0 .LBB2_4-.Ltmp1, $3  }
0x26: {  	_ =	sdelay $0x1  }
0x27: {  	s20 =	sshra.s32 s3, $0x2  }
0x28: {  	s3 =	sadd.s32 $0x200, s3;
	[tilespmem:s20+$0x200] =	vst v0  }
0x29: {  	s3 =	simm.s32 $0x80  }
.LBB2_6:
0x2a: {  	p0 =	sne.s32 s3, $0x9E80  }
.Ltmp2:
0x2b: {  	_ = 	snop;
	(pc) =	sbr.rel @p0 .LBB2_6-.Ltmp2, $3  }
0x2c: {  	_ =	sdelay $0x1  }
0x2d: {  	s20 =	sshra.s32 s3, $0x2  }
0x2e: {  	s3 =	sadd.s32 $0x200, s3;
	[tilespmem:s20+$0x200] =	vst v0  }
0x2f: {  	s3 =	simm.s32 $0xC0  }
.LBB2_8:
0x30: {  	p0 =	sne.s32 s3, $0x9EC0  }
.Ltmp3:
0x31: {  	_ = 	snop;
	(pc) =	sbr.rel @p0 .LBB2_8-.Ltmp3, $3  }
0x32: {  	_ =	sdelay $0x1  }
0x33: {  	s20 =	sshra.s32 s3, $0x2  }
0x34: {  	s3 =	sadd.s32 $0x200, s3;
	[tilespmem:s20+$0x200] =	vst v0  }
0x35: {  	s3 =	simm.s32 $0x100  }
.LBB2_10:
0x36: {  	p0 =	sne.s32 s3, $0x9F00  }
.Ltmp4:
0x37: {  	_ = 	snop;
	(pc) =	sbr.rel @p0 .LBB2_10-.Ltmp4, $3  }
0x38: {  	_ =	sdelay $0x1  }
0x39: {  	s20 =	sshra.s32 s3, $0x2  }
0x3a: {  	s3 =	sadd.s32 $0x200, s3;
	[tilespmem:s20+$0x200] =	vst v0  }
0x3b: {  	s3 =	simm.s32 $0x140  }
.LBB2_12:
0x3c: {  	p0 =	sne.s32 s3, $0x9F40  }
.Ltmp5:
0x3d: {  	_ = 	snop;
	(pc) =	sbr.rel @p0 .LBB2_12-.Ltmp5, $3  }
0x3e: {  	_ =	sdelay $0x1  }
0x3f: {  	s20 =	sshra.s32 s3, $0x2  }
0x40: {  	s3 =	sadd.s32 $0x200, s3;
	[tilespmem:s20+$0x200] =	vst v0  }
0x41: {  	s3 =	simm.s32 $0x180  }
.LBB2_14:
0x42: {  	p0 =	sne.s32 s3, $0x9F80  }
.Ltmp6:
0x43: {  	_ = 	snop;
	(pc) =	sbr.rel @p0 .LBB2_14-.Ltmp6, $3  }
0x44: {  	_ =	sdelay $0x1  }
0x45: {  	s20 =	sshra.s32 s3, $0x2  }
0x46: {  	s3 =	sadd.s32 $0x200, s3;
	[tilespmem:s20+$0x200] =	vst v0  }
0x47: {  	s3 =	simm.s32 $0x3C0;
	s20 =	simm.s32 $0x70  }
.LBB2_16:
0x48: {  	p0 =	sne.s32 s3, $0x9FC0;
	[tilespmem:s20+$0x200] =	vst v0;
	s20 =	smov.u32 s3;
	s3 =	sadd.s32 $0x200, s3  }
.Ltmp7:
0x49: {  	(pc) =	sbr.rel @p0 .LBB2_16-.Ltmp7, $2  }
0x4a: {  	_ =	sdelay $0x2  }
0x4b: {  	s20 =	sshra.s32 s20, $0x2  }
0x4c: {  	p0 =	sne.s32 s8, $0x1  }
.Ltmp8:
0x4d: {  	_ = 	snop;
	(pc) =	sbr.rel @!p0 .LBB2_19-.Ltmp8, $4  }
0x4e: {  	[tilespmem:s20+$0x200] =	vst v0  }
0x4f: {  	[spmem:s16] =	stream.linear.scatter [tilespmem:s21], [sflag:$0x5], $0x2800, $0x38;
	[tilespmem:$0x1DB80] =	vst v63  }
0x50: {  	_ =	swait.ge [sflag:s19], $0x2800  }
0x51: {  	s3 =	sadd.s32 $0xFFFFFFFF, s8;
	s20 =	smov.u32 s16;
	[sflag:s19] =	ssyncset.done $0x0  }
.LBB2_18:
0x52: {  	p1 =	sne.s32 s3, $0x1;
	[sflag:s19] =	ssyncadd.s32 $0xFFFFD800;
	s20 =	sadd.s32 $0x28000, s20  }
.Ltmp9:
0x53: {  	s3 =	sadd.s32 $0xFFFFFFFF, s3;
	(pc) =	sbr.rel @p1 .LBB2_18-.Ltmp9, $4  }
0x54: {  	_ = 	snop  }
0x55: {  	[spmem:s20] =	stream.linear.scatter [tilespmem:s21], [sflag:$0x5], $0x2800, $0x38;
	[tilespmem:$0x1DB80] =	vst v63  }
0x56: {  	_ =	swait.ge [sflag:s19], $0x2800  }
0x57: {  	[sflag:s19] =	ssyncset.done $0x0  }
.LBB2_19:
0x58: {  	[sflag:s19] =	ssyncadd.s32 $0xFFFFD800  }
0x59: {  	s20 =	simm.s32 $0x0;
	[bflag:$0x0] =	sbarrier.arrive $0xFFFF  }
0x5a: {  	[tilespmem:s21], [sflag:$0x1] =	stream.linear.gather [hbm4b:s9+s20], $0x2800, $0x38;
	[tilespmem:$0x1DB80] =	vst v63  }
0x5b: {  	_ = 	snop  }
0x5c: {  	[tilespmem:s20], [sflag:$0x1] =	stream.linear.gather [hbm4b:s10+s20], $0x50, $0x38;
	[tilespmem:$0x1DB80] =	vst v63  }
0x5d: {  	s3 =	simm.s32 $0x2A00  }
0x5e: {  	[tilespmem:s3], [sflag:$0x2] =	stream.linear.gather [hbm4b:s11+s20], $0x2800, $0x38;
	[tilespmem:$0x1DB80] =	vst v63  }
0x5f: {  	s23 =	simm.s32 $0x80  }
0x60: {  	[tilespmem:s23], [sflag:$0x2] =	stream.linear.gather [hbm4b:s12+s20], $0x50, $0x38;
	[tilespmem:$0x1DB80] =	vst v63  }
.LBB2_20:
0x61: {  	_ =	swait.ge [sflag:s24], $0x2800  }
0x62: {  	[sflag:s24] =	ssyncset.done $0x0  }
0x63: {  	[sflag:s24] =	ssyncadd.s32 $0xFFFFD800  }
0x64: {  	_ =	swait.ge [sflag:s24], $0x50  }
0x65: {  	p1 =	seq.s32 s20, $0x0;
	[sflag:s24] =	ssyncset.done $0x0  }
0x66: {  	s3 =	simm.s32 @!p1 $0x3;
	[sflag:s24] =	ssyncadd.s32 $0xFFFFFFB0  }
0x67: {  	_ =	swait.ge @!p1 [sflag:s3], $0x2800  }
0x68: {  	[sflag:s3] =	ssyncset.done @!p1 $0x0  }
0x69: {  	s22 =	simm.s32 $0x0;
	[sflag:s3] =	ssyncadd.s32 @!p1 $0xFFFFD800  }
0x6a: {  	s23 =	simm.s32 $0x200;
	v1 =	vld [tilespmem:s22+$0x200]  }
.LBB2_21:
0x6b: {  	p2 =	sne.s32 s23, $0x9E00;
	v2 =	vld [tilespmem:$0xA200]  }
0x6c: {  	v3 =	vld [tilespmem:$0xA280];
	_ =	sdelay $0x3  }
0x6d: {  	v1 =	vmul.f32 v2, v1;
	_ =	sdelay $0x1  }
0x6e: {  	v1 =	vadd.f32 v3, v1;
	_ =	sdelay $0x1  }
0x6f: {  	v1 =	vmax.f32 v1, $0.0e+00  }
0x70: {  	[tilespmem:s22+$0x5200] =	vst v1;
	v1 =	vld [tilespmem:s22+$0x210]  }
0x71: {  	v2 =	vld [tilespmem:$0xA210];
	_ =	sdelay $0x1  }
0x72: {  	v3 =	vld [tilespmem:$0xA290];
	_ =	sdelay $0x2  }
0x73: {  	v1 =	vmul.f32 v2, v1;
	_ =	sdelay $0x1  }
0x74: {  	v1 =	vadd.f32 v3, v1;
	_ =	sdelay $0x1  }
0x75: {  	v1 =	vmax.f32 v1, $0.0e+00  }
0x76: {  	[tilespmem:s22+$0x5210] =	vst v1;
	v1 =	vld [tilespmem:s22+$0x220]  }
0x77: {  	v2 =	vld [tilespmem:$0xA220];
	_ =	sdelay $0x1  }
0x78: {  	v3 =	vld [tilespmem:$0xA2A0];
	_ =	sdelay $0x2  }
0x79: {  	v1 =	vmul.f32 v2, v1;
	_ =	sdelay $0x1  }
0x7a: {  	v1 =	vadd.f32 v3, v1;
	_ =	sdelay $0x1  }
0x7b: {  	v1 =	vmax.f32 v1, $0.0e+00  }
0x7c: {  	[tilespmem:s22+$0x5220] =	vst v1;
	v1 =	vld [tilespmem:s22+$0x230]  }
0x7d: {  	v2 =	vld [tilespmem:$0xA230];
	_ =	sdelay $0x1  }
0x7e: {  	v3 =	vld [tilespmem:$0xA2B0];
	_ =	sdelay $0x2  }
0x7f: {  	v1 =	vmul.f32 v2, v1;
	_ =	sdelay $0x1  }
0x80: {  	v1 =	vadd.f32 v3, v1;
	_ =	sdelay $0x1  }
0x81: {  	v1 =	vmax.f32 v1, $0.0e+00  }
0x82: {  	[tilespmem:s22+$0x5230] =	vst v1;
	v1 =	vld [tilespmem:s22+$0x240]  }
0x83: {  	v2 =	vld [tilespmem:$0xA240];
	_ =	sdelay $0x1  }
0x84: {  	v3 =	vld [tilespmem:$0xA2C0];
	_ =	sdelay $0x2  }
0x85: {  	v1 =	vmul.f32 v2, v1;
	_ =	sdelay $0x1  }
0x86: {  	v1 =	vadd.f32 v3, v1;
	_ =	sdelay $0x1  }
0x87: {  	v1 =	vmax.f32 v1, $0.0e+00  }
0x88: {  	[tilespmem:s22+$0x5240] =	vst v1;
	v1 =	vld [tilespmem:s22+$0x250]  }
0x89: {  	v2 =	vld [tilespmem:$0xA250];
	_ =	sdelay $0x1  }
0x8a: {  	v3 =	vld [tilespmem:$0xA2D0];
	_ =	sdelay $0x2  }
0x8b: {  	v1 =	vmul.f32 v2, v1;
	_ =	sdelay $0x1  }
0x8c: {  	v1 =	vadd.f32 v3, v1;
	_ =	sdelay $0x1  }
0x8d: {  	v1 =	vmax.f32 v1, $0.0e+00  }
0x8e: {  	[tilespmem:s22+$0x5250] =	vst v1;
	v1 =	vld [tilespmem:s22+$0x260]  }
0x8f: {  	v2 =	vld [tilespmem:$0xA260]  }
0x90: {  	v3 =	vld [tilespmem:$0xA2E0];
	_ =	sdelay $0x3  }
0x91: {  	v1 =	vmul.f32 v2, v1;
	_ =	sdelay $0x1  }
0x92: {  	v1 =	vadd.f32 v3, v1;
	_ =	sdelay $0x1  }
0x93: {  	v1 =	vmax.f32 v1, $0.0e+00  }
0x94: {  	[tilespmem:s22+$0x5260] =	vst v1;
	v1 =	vld [tilespmem:s22+$0x270]  }
0x95: {  	v2 =	vld [tilespmem:$0xA270]  }
0x96: {  	v3 =	vld [tilespmem:$0xA2F0];
	_ =	sdelay $0x3  }
0x97: {  	v1 =	vmul.f32 v2, v1  }
.Ltmp10:
0x98: {  	(pc) =	sbr.rel @p2 .LBB2_21-.Ltmp10, $3  }
0x99: {  	v1 =	vadd.f32 v3, v1;
	_ =	sdelay $0x1  }
0x9a: {  	s3 =	sshra.s32 s23, $0x2;
	v2 =	vmax.f32 v1, $0.0e+00  }
0x9b: {  	s23 =	sadd.s32 $0x200, s23;
	v1 =	vld [tilespmem:s3+$0x200];
	[tilespmem:s22+$0x5270] =	vst v2;
	s22 =	smov.u32 s3  }
0x9c: {  	v2 =	vld [tilespmem:$0xA200];
	_ =	sdelay $0x1  }
0x9d: {  	v3 =	vld [tilespmem:$0xA280];
	_ =	sdelay $0x2  }
0x9e: {  	v1 =	vmul.f32 v2, v1;
	_ =	sdelay $0x1  }
0x9f: {  	v1 =	vadd.f32 v3, v1;
	_ =	sdelay $0x1  }
0xa0: {  	v1 =	vmax.f32 v1, $0.0e+00  }
0xa1: {  	[tilespmem:s22+$0x5200] =	vst v1;
	v1 =	vld [tilespmem:s22+$0x210]  }
0xa2: {  	v2 =	vld [tilespmem:$0xA210];
	_ =	sdelay $0x1  }
0xa3: {  	v3 =	vld [tilespmem:$0xA290];
	_ =	sdelay $0x2  }
0xa4: {  	v1 =	vmul.f32 v2, v1;
	_ =	sdelay $0x1  }
0xa5: {  	v1 =	vadd.f32 v3, v1;
	_ =	sdelay $0x1  }
0xa6: {  	v1 =	vmax.f32 v1, $0.0e+00  }
0xa7: {  	[tilespmem:s22+$0x5210] =	vst v1;
	v1 =	vld [tilespmem:s22+$0x220]  }
0xa8: {  	v2 =	vld [tilespmem:$0xA220];
	_ =	sdelay $0x1  }
0xa9: {  	v3 =	vld [tilespmem:$0xA2A0];
	_ =	sdelay $0x2  }
0xaa: {  	v1 =	vmul.f32 v2, v1;
	_ =	sdelay $0x1  }
0xab: {  	v1 =	vadd.f32 v3, v1;
	_ =	sdelay $0x1  }
0xac: {  	v1 =	vmax.f32 v1, $0.0e+00  }
0xad: {  	[tilespmem:s22+$0x5220] =	vst v1;
	v1 =	vld [tilespmem:s22+$0x230]  }
0xae: {  	v2 =	vld [tilespmem:$0xA230];
	_ =	sdelay $0x1  }
0xaf: {  	v3 =	vld [tilespmem:$0xA2B0];
	_ =	sdelay $0x2  }
0xb0: {  	v1 =	vmul.f32 v2, v1;
	_ =	sdelay $0x1  }
0xb1: {  	v1 =	vadd.f32 v3, v1;
	_ =	sdelay $0x1  }
0xb2: {  	v1 =	vmax.f32 v1, $0.0e+00  }
0xb3: {  	[tilespmem:s22+$0x5230] =	vst v1;
	v1 =	vld [tilespmem:s22+$0x240]  }
0xb4: {  	v2 =	vld [tilespmem:$0xA240];
	_ =	sdelay $0x1  }
0xb5: {  	v3 =	vld [tilespmem:$0xA2C0];
	_ =	sdelay $0x2  }
0xb6: {  	v1 =	vmul.f32 v2, v1;
	_ =	sdelay $0x1  }
0xb7: {  	v1 =	vadd.f32 v3, v1;
	_ =	sdelay $0x1  }
0xb8: {  	v1 =	vmax.f32 v1, $0.0e+00  }
0xb9: {  	[tilespmem:s22+$0x5240] =	vst v1;
	v1 =	vld [tilespmem:s22+$0x250]  }
0xba: {  	v2 =	vld [tilespmem:$0xA250];
	_ =	sdelay $0x1  }
0xbb: {  	v3 =	vld [tilespmem:$0xA2D0];
	_ =	sdelay $0x2  }
0xbc: {  	v1 =	vmul.f32 v2, v1;
	_ =	sdelay $0x1  }
0xbd: {  	v1 =	vadd.f32 v3, v1;
	_ =	sdelay $0x1  }
0xbe: {  	v1 =	vmax.f32 v1, $0.0e+00  }
0xbf: {  	[tilespmem:s22+$0x5250] =	vst v1;
	v1 =	vld [tilespmem:s22+$0x260]  }
0xc0: {  	v2 =	vld [tilespmem:$0xA260];
	_ =	sdelay $0x1  }
0xc1: {  	v3 =	vld [tilespmem:$0xA2E0];
	_ =	sdelay $0x2  }
0xc2: {  	v1 =	vmul.f32 v2, v1;
	_ =	sdelay $0x1  }
0xc3: {  	v1 =	vadd.f32 v3, v1;
	_ =	sdelay $0x1  }
0xc4: {  	v1 =	vmax.f32 v1, $0.0e+00  }
0xc5: {  	[tilespmem:s22+$0x5260] =	vst v1;
	v1 =	vld [tilespmem:s22+$0x270]  }
0xc6: {  	v2 =	vld [tilespmem:$0xA270];
	_ =	sdelay $0x1  }
0xc7: {  	v3 =	vld [tilespmem:$0xA2F0];
	_ =	sdelay $0x2  }
0xc8: {  	v1 =	vmul.f32 v2, v1;
	_ =	sdelay $0x1  }
0xc9: {  	v1 =	vadd.f32 v3, v1;
	_ =	sdelay $0x1  }
0xca: {  	v1 =	vmax.f32 v1, $0.0e+00  }
0xcb: {  	[tilespmem:s22+$0x5270] =	vst v1  }
0xcc: {  	v1 =	vld [tilespmem:$0x0]  }
0xcd: {  	v2 =	vld [tilespmem:$0x10]  }
0xce: {  	v3 =	vld [tilespmem:$0x20]  }
0xcf: {  	v4 =	vld [tilespmem:$0x30]  }
0xd0: {  	v5 =	vld [tilespmem:$0x40]  }
0xd1: {  	p2 =	seq.s32 s20, $0x3E;
	[tilespmem:$0x100] =	vst v1  }
.Ltmp11:
0xd2: {  	[tilespmem:$0x110] =	vst v2;
	(pc) =	sbr.rel @p2 .LBB2_26-.Ltmp11, $4  }
0xd3: {  	[tilespmem:$0x120] =	vst v3  }
0xd4: {  	[tilespmem:$0x130] =	vst v4  }
0xd5: {  	[tilespmem:$0x140] =	vst v5  }
0xd6: {  	[spmem:s2] =	stream.indirect.scatter.add.f32 [tilespmem:s28], [sflag:$0x3], $0x80, s26, s25, $0xb8;
	[tilespmem:$0x1DB80] =	vst v63  }
0xd7: {  	s22 =	smul.u32 $0xA0, s20;
	_ =	sdelay $0x1  }
0xd8: {  	s3 =	sadd.s32 s22, s13  }
0xd9: {  	s23 =	sshll.u32 s3, $0x4  }
0xda: {  	s3 =	sshrl.u32 s3, $0x3;
	s23 =	sadd.s32 s5, s23  }
0xdb: {  	[tilespmem:s21], [sflag:$0x1] =	stream.linear.gather [hbm4b:s23+s4], $0x2800, $0x38;
	[tilespmem:$0x1DB80] =	vst v63  }
0xdc: {  	s3 =	sadd.s32 s6, s3  }
0xdd: {  	[tilespmem:s4], [sflag:$0x1] =	stream.linear.gather [hbm4b:s3+s4], $0x50, $0x38;
	[tilespmem:$0x1DB80] =	vst v63  }
0xde: {  	_ =	swait.ge [sflag:s31], $0x2800  }
0xdf: {  	[sflag:s31] =	ssyncset.done $0x0  }
0xe0: {  	[sflag:s31] =	ssyncadd.s32 $0xFFFFD800  }
0xe1: {  	_ =	swait.ge [sflag:s31], $0x50  }
0xe2: {  	[sflag:s31] =	ssyncset.done $0x0  }
0xe3: {  	s3 =	simm.s32 @!p1 $0x4;
	[sflag:s31] =	ssyncadd.s32 $0xFFFFFFB0  }
0xe4: {  	_ =	swait.ge @!p1 [sflag:s3], $0x2800  }
0xe5: {  	[sflag:s3] =	ssyncset.done @!p1 $0x0  }
0xe6: {  	s23 =	simm.s32 $0x0;
	[sflag:s3] =	ssyncadd.s32 @!p1 $0xFFFFD800  }
0xe7: {  	s3 =	simm.s32 $0x200;
	v1 =	vld [tilespmem:s23+$0x2A00]  }
.LBB2_24:
0xe8: {  	p1 =	sne.s32 s3, $0x9E00;
	v2 =	vld [tilespmem:$0xA200]  }
0xe9: {  	v3 =	vld [tilespmem:$0xA280];
	_ =	sdelay $0x3  }
0xea: {  	v1 =	vmul.f32 v2, v1;
	_ =	sdelay $0x1  }
0xeb: {  	v1 =	vadd.f32 v3, v1;
	_ =	sdelay $0x1  }
0xec: {  	v1 =	vmax.f32 v1, $0.0e+00  }
0xed: {  	[tilespmem:s23+$0x7A00] =	vst v1;
	v1 =	vld [tilespmem:s23+$0x2A10]  }
0xee: {  	v2 =	vld [tilespmem:$0xA210];
	_ =	sdelay $0x1  }
0xef: {  	v3 =	vld [tilespmem:$0xA290];
	_ =	sdelay $0x2  }
0xf0: {  	v1 =	vmul.f32 v2, v1;
	_ =	sdelay $0x1  }
0xf1: {  	v1 =	vadd.f32 v3, v1;
	_ =	sdelay $0x1  }
0xf2: {  	v1 =	vmax.f32 v1, $0.0e+00  }
0xf3: {  	[tilespmem:s23+$0x7A10] =	vst v1;
	v1 =	vld [tilespmem:s23+$0x2A20]  }
0xf4: {  	v2 =	vld [tilespmem:$0xA220];
	_ =	sdelay $0x1  }
0xf5: {  	v3 =	vld [tilespmem:$0xA2A0];
	_ =	sdelay $0x2  }
0xf6: {  	v1 =	vmul.f32 v2, v1;
	_ =	sdelay $0x1  }
0xf7: {  	v1 =	vadd.f32 v3, v1;
	_ =	sdelay $0x1  }
0xf8: {  	v1 =	vmax.f32 v1, $0.0e+00  }
0xf9: {  	[tilespmem:s23+$0x7A20] =	vst v1;
	v1 =	vld [tilespmem:s23+$0x2A30]  }
0xfa: {  	v2 =	vld [tilespmem:$0xA230];
	_ =	sdelay $0x1  }
0xfb: {  	v3 =	vld [tilespmem:$0xA2B0];
	_ =	sdelay $0x2  }
0xfc: {  	v1 =	vmul.f32 v2, v1;
	_ =	sdelay $0x1  }
0xfd: {  	v1 =	vadd.f32 v3, v1;
	_ =	sdelay $0x1  }
0xfe: {  	v1 =	vmax.f32 v1, $0.0e+00  }
0xff: {  	[tilespmem:s23+$0x7A30] =	vst v1;
	v1 =	vld [tilespmem:s23+$0x2A40]  }
0x100: {  	v2 =	vld [tilespmem:$0xA240];
	_ =	sdelay $0x1  }
0x101: {  	v3 =	vld [tilespmem:$0xA2C0];
	_ =	sdelay $0x2  }
0x102: {  	v1 =	vmul.f32 v2, v1;
	_ =	sdelay $0x1  }
0x103: {  	v1 =	vadd.f32 v3, v1;
	_ =	sdelay $0x1  }
0x104: {  	v1 =	vmax.f32 v1, $0.0e+00  }
0x105: {  	[tilespmem:s23+$0x7A40] =	vst v1;
	v1 =	vld [tilespmem:s23+$0x2A50]  }
0x106: {  	v2 =	vld [tilespmem:$0xA250];
	_ =	sdelay $0x1  }
0x107: {  	v3 =	vld [tilespmem:$0xA2D0];
	_ =	sdelay $0x2  }
0x108: {  	v1 =	vmul.f32 v2, v1;
	_ =	sdelay $0x1  }
0x109: {  	v1 =	vadd.f32 v3, v1;
	_ =	sdelay $0x1  }
0x10a: {  	v1 =	vmax.f32 v1, $0.0e+00  }
0x10b: {  	[tilespmem:s23+$0x7A50] =	vst v1;
	v1 =	vld [tilespmem:s23+$0x2A60]  }
0x10c: {  	v2 =	vld [tilespmem:$0xA260]  }
0x10d: {  	v3 =	vld [tilespmem:$0xA2E0];
	_ =	sdelay $0x3  }
0x10e: {  	v1 =	vmul.f32 v2, v1;
	_ =	sdelay $0x1  }
0x10f: {  	v1 =	vadd.f32 v3, v1;
	_ =	sdelay $0x1  }
0x110: {  	v1 =	vmax.f32 v1, $0.0e+00  }
0x111: {  	[tilespmem:s23+$0x7A60] =	vst v1;
	v1 =	vld [tilespmem:s23+$0x2A70]  }
0x112: {  	v2 =	vld [tilespmem:$0xA270]  }
0x113: {  	v3 =	vld [tilespmem:$0xA2F0];
	_ =	sdelay $0x3  }
0x114: {  	v1 =	vmul.f32 v2, v1  }
.Ltmp12:
0x115: {  	(pc) =	sbr.rel @p1 .LBB2_24-.Ltmp12, $3  }
0x116: {  	v1 =	vadd.f32 v3, v1;
	_ =	sdelay $0x1  }
0x117: {  	s7 =	sshra.s32 s3, $0x2;
	v2 =	vmax.f32 v1, $0.0e+00  }
0x118: {  	s3 =	sadd.s32 $0x200, s3;
	v1 =	vld [tilespmem:s7+$0x2A00];
	[tilespmem:s23+$0x7A70] =	vst v2;
	s23 =	smov.u32 s7  }
0x119: {  	v2 =	vld [tilespmem:$0xA200];
	_ =	sdelay $0x1  }
0x11a: {  	v3 =	vld [tilespmem:$0xA280];
	_ =	sdelay $0x2  }
0x11b: {  	v1 =	vmul.f32 v2, v1;
	_ =	sdelay $0x1  }
0x11c: {  	v1 =	vadd.f32 v3, v1;
	_ =	sdelay $0x1  }
0x11d: {  	v1 =	vmax.f32 v1, $0.0e+00  }
0x11e: {  	[tilespmem:s23+$0x7A00] =	vst v1;
	v1 =	vld [tilespmem:s23+$0x2A10]  }
0x11f: {  	v2 =	vld [tilespmem:$0xA210];
	_ =	sdelay $0x1  }
0x120: {  	v3 =	vld [tilespmem:$0xA290];
	_ =	sdelay $0x2  }
0x121: {  	v1 =	vmul.f32 v2, v1;
	_ =	sdelay $0x1  }
0x122: {  	v1 =	vadd.f32 v3, v1;
	_ =	sdelay $0x1  }
0x123: {  	v1 =	vmax.f32 v1, $0.0e+00  }
0x124: {  	[tilespmem:s23+$0x7A10] =	vst v1;
	v1 =	vld [tilespmem:s23+$0x2A20]  }
0x125: {  	v2 =	vld [tilespmem:$0xA220];
	_ =	sdelay $0x1  }
0x126: {  	v3 =	vld [tilespmem:$0xA2A0];
	_ =	sdelay $0x2  }
0x127: {  	v1 =	vmul.f32 v2, v1;
	_ =	sdelay $0x1  }
0x128: {  	v1 =	vadd.f32 v3, v1;
	_ =	sdelay $0x1  }
0x129: {  	v1 =	vmax.f32 v1, $0.0e+00  }
0x12a: {  	[tilespmem:s23+$0x7A20] =	vst v1;
	v1 =	vld [tilespmem:s23+$0x2A30]  }
0x12b: {  	v2 =	vld [tilespmem:$0xA230];
	_ =	sdelay $0x1  }
0x12c: {  	v3 =	vld [tilespmem:$0xA2B0];
	_ =	sdelay $0x2  }
0x12d: {  	v1 =	vmul.f32 v2, v1;
	_ =	sdelay $0x1  }
0x12e: {  	v1 =	vadd.f32 v3, v1;
	_ =	sdelay $0x1  }
0x12f: {  	v1 =	vmax.f32 v1, $0.0e+00  }
0x130: {  	[tilespmem:s23+$0x7A30] =	vst v1;
	v1 =	vld [tilespmem:s23+$0x2A40]  }
0x131: {  	v2 =	vld [tilespmem:$0xA240];
	_ =	sdelay $0x1  }
0x132: {  	v3 =	vld [tilespmem:$0xA2C0];
	_ =	sdelay $0x2  }
0x133: {  	v1 =	vmul.f32 v2, v1;
	_ =	sdelay $0x1  }
0x134: {  	v1 =	vadd.f32 v3, v1;
	_ =	sdelay $0x1  }
0x135: {  	v1 =	vmax.f32 v1, $0.0e+00  }
0x136: {  	[tilespmem:s23+$0x7A40] =	vst v1;
	v1 =	vld [tilespmem:s23+$0x2A50]  }
0x137: {  	v2 =	vld [tilespmem:$0xA250];
	_ =	sdelay $0x1  }
0x138: {  	v3 =	vld [tilespmem:$0xA2D0];
	_ =	sdelay $0x2  }
0x139: {  	v1 =	vmul.f32 v2, v1;
	_ =	sdelay $0x1  }
0x13a: {  	v1 =	vadd.f32 v3, v1;
	_ =	sdelay $0x1  }
0x13b: {  	v1 =	vmax.f32 v1, $0.0e+00  }
0x13c: {  	[tilespmem:s23+$0x7A50] =	vst v1;
	v1 =	vld [tilespmem:s23+$0x2A60]  }
0x13d: {  	v2 =	vld [tilespmem:$0xA260];
	_ =	sdelay $0x1  }
0x13e: {  	v3 =	vld [tilespmem:$0xA2E0];
	_ =	sdelay $0x2  }
0x13f: {  	v1 =	vmul.f32 v2, v1;
	_ =	sdelay $0x1  }
0x140: {  	v1 =	vadd.f32 v3, v1;
	_ =	sdelay $0x1  }
0x141: {  	v1 =	vmax.f32 v1, $0.0e+00  }
0x142: {  	[tilespmem:s23+$0x7A60] =	vst v1;
	v1 =	vld [tilespmem:s23+$0x2A70]  }
0x143: {  	v2 =	vld [tilespmem:$0xA270];
	_ =	sdelay $0x1  }
0x144: {  	v3 =	vld [tilespmem:$0xA2F0];
	_ =	sdelay $0x2  }
0x145: {  	v1 =	vmul.f32 v2, v1;
	_ =	sdelay $0x1  }
0x146: {  	v1 =	vadd.f32 v3, v1;
	_ =	sdelay $0x1  }
0x147: {  	v1 =	vmax.f32 v1, $0.0e+00  }
0x148: {  	[tilespmem:s23+$0x7A70] =	vst v1  }
0x149: {  	v1 =	vld [tilespmem:$0x80]  }
0x14a: {  	v2 =	vld [tilespmem:$0x90]  }
0x14b: {  	v3 =	vld [tilespmem:$0xA0]  }
0x14c: {  	v4 =	vld [tilespmem:$0xB0]  }
0x14d: {  	v5 =	vld [tilespmem:$0xC0]  }
0x14e: {  	[tilespmem:$0x180] =	vst v1  }
0x14f: {  	[tilespmem:$0x190] =	vst v2  }
0x150: {  	[tilespmem:$0x1A0] =	vst v3  }
0x151: {  	p1 =	seq.s32 s20, $0x3D;
	[tilespmem:$0x1B0] =	vst v4  }
0x152: {  	s3 =	sadd.s32 @!p1 s22, s14;
	[tilespmem:$0x1C0] =	vst v5  }
0x153: {  	[spmem:s2] =	stream.indirect.scatter.add.f32 [tilespmem:s1], [sflag:$0x4], $0x80, s0, s25, $0xb8;
	[tilespmem:$0x1DB80] =	vst v63  }
.Ltmp13:
0x154: {  	s22 =	simm.s32 @!p1 $0x0;
	s7 =	sshll.u32 @!p1 s3, $0x4;
	(pc) =	sbr.rel .LBB2_20-.Ltmp13, $4  }
0x155: {  	s3 =	sshrl.u32 @!p1 s3, $0x3;
	s7 =	sadd.s32 @!p1 s5, s7;
	s23 =	simm.s32 @!p1 $0x2A00  }
0x156: {  	[tilespmem:s23], [sflag:$0x2] =	stream.linear.gather @!p1 [hbm4b:s7+s22], $0x2800, $0x38;
	[tilespmem:$0x1DB80] =	vst v63  }
0x157: {  	s20 =	sadd.s32 $0x1, s20;
	s3 =	sadd.s32 @!p1 s6, s3;
	s7 =	simm.s32 @!p1 $0x80  }
0x158: {  	[tilespmem:s7], [sflag:$0x2] =	stream.linear.gather @!p1 [hbm4b:s3+s22], $0x50, $0x38;
	[tilespmem:$0x1DB80] =	vst v63  }
.LBB2_26:
0x159: {  	_ =	swait.ge [sflag:s29], $0x2800  }
0x15a: {  	[sflag:s29] =	ssyncset.done $0x0  }
0x15b: {  	[sflag:s29] =	ssyncadd.s32 $0xFFFFD800  }
0x15c: {  	_ =	swait.ge [sflag:s30], $0x2800  }
.Ltmp14:
0x15d: {  	s3 =	stileid.u32;
	[sflag:s30] =	ssyncset.done $0x0;
	(pc) =	sbr.rel @!p0 .LBB2_28-.Ltmp14, $4  }
0x15e: {  	s7 =	sshrl.u32 s16, $0x3;
	s3 =	sshll.u32 s3, $0x6;
	[sflag:s30] =	ssyncadd.s32 $0xFFFFD800  }
0x15f: {  	s20 =	sadd.s32 $0xFFFFFFFF, s8;
	s3 =	sor.u32 $0x1C05, s3;
	[bflag:$0x0] =	sbarrier.arrive $0xFFFF  }
0x160: {  	[hbm:s17], [sflag:s3] =	dma.local [spmem:s7], $0x500  }
0x161: {  	s22 =	sadd.s32 $0x5000, s17;
	s23 =	smov.u32 s16;
	_ =	swait.ge [sflag:s19], $0x500  }
.LBB2_27:
0x162: {  	[sflag:s19] =	ssyncset.done $0x0;
	s23 =	sadd.s32 $0x28000, s23;
	p0 =	sne.s32 s20, $0x1  }
.Ltmp15:
0x163: {  	s7 =	sshrl.u32 s23, $0x3;
	[sflag:s19] =	ssyncadd.s32 $0xFFFFFB00;
	(pc) =	sbr.rel @p0 .LBB2_27-.Ltmp15, $3  }
0x164: {  	[hbm:s22], [sflag:s3] =	dma.local [spmem:s7], $0x500  }
0x165: {  	s20 =	sadd.s32 $0xFFFFFFFF, s20;
	_ =	sdelay $0x1  }
0x166: {  	s22 =	sadd.s32 $0x5000, s22;
	_ =	swait.ge [sflag:s19], $0x500  }
.LBB2_28:
0x167: {  	s18 =	sadd.s32 $0x1, s18  }
0x168: {  	p0 =	sne.s32 s18, s15  }
.Ltmp16:
0x169: {  	_ = 	snop;
	(pc) =	sbr.rel @p0 .LBB2_1-.Ltmp16, $3  }
0x16a: {  	_ =	sdelay $0x1  }
0x16b: {  	[sflag:s19] =	ssyncset.done $0x0  }
0x16c: {  	[sflag:s19] =	ssyncadd.s32 $0xFFFFFB00  }
0x16d: {  	_ =	sfence.sel $0x180000  }
0x16e: {  	[bflag:$0x0] =	sbarrier.arrive $0xFFFF  }
0x16f: {  	_ =	strace $0x9000004A  }
0x170: {  	s0 =	stileid.u32;
	[bflag:$0x2] =	sbarrier.arrive $0xFFFF  }
0x171: {  	p0 =	sne.s32 s0, $0x0;
	s0 =	rddreg [dreg:$0x3]  }
0x172: {  	s0 =	sadd.s32 @!p0 $0x100000, s0  }
0x173: {  	[sflag:s0] =	ssyncadd.tile.s32 @!p0 $0x1;
	_ =	shalt  }
.Lfunc_end2:
_tile_overlayer_lowered:
.L_overlay_start_2:
0x174: {  	(tag) =	ssettag $0x2  }
0x175: {  	s0 =	rddreg [dreg:$0x0];
	s2 =	stileid.u32  }
0x176: {  	s1 =	rddreg [dreg:$0x1];
	p0 =	sne.s32 s2, $0x0  }
0x177: {  	s3 =	rddreg [dreg:$0x2];
	[bflag:$0x3] =	sbarrier.arrive $0xFFFF;
	s2 =	simm.s32 @!p0 $0x1C05  }
0x178: {  	[timem:s3], [sflag:s2] =	dma.local @!p0 [hbm:s0], s1  }
0x179: {  	s0 =	simm.s32 @!p0 $0x5  }
0x17a: {  	_ =	swait.ge @!p0 [sflag:s0], s1  }
0x17b: {  	s1 =	ssub.s32 @!p0 $0x0, s1;
	[sflag:s0] =	ssyncset.done @!p0 $0x0  }
0x17c: {  	[sflag:s0] =	ssyncadd.s32 @!p0 s1  }
0x17d: {  	[bflag:$0x3] =	sbarrier.arrive $0xFFFF  }
0x17e: {  	_ =	shalt  }

// kernel: kernel.7.cloned.1.call-start
scs
__scs_entry_jumppad:
0x0: {  	(pc) =	sbr.rel $0x88, $3  }
0x1: {  	(tag) =	ssettag $0x0;
	lr =	simm.s32 $0x1  }
0x2: {  	[smem:$0x3F8D] =	sst lr;
	_ =	strace $0xD0000000  }
0x3: {  	_ = 	snop  }
0x4: {  	_ = 	snop  }
0x5: {  	_ = 	snop  }
0x6: {  	_ = 	snop  }
0x7: {  	_ = 	snop  }
__scs_overlays_trampoline_lowered:
0x8: {  	[smem:$0x3F9C] =	sst s0  }
0x9: {  	[smem:$0x3F9D] =	sst s1  }
0xa: {  	[smem:$0x3F9E] =	sst s2  }
0xb: {  	[smem:$0x3F9F] =	sst s3  }
0xc: {  	[smem:$0x3FA0] =	sst s4  }
0xd: {  	[smem:$0x3FA1] =	sst s5  }
0xe: {  	[smem:$0x3FA2] =	sst s6  }
0xf: {  	[smem:$0x3FA3] =	sst s7  }
0x10: {  	[smem:$0x3FA4] =	sst s8  }
0x11: {  	[smem:$0x3FA5] =	sst s9;
	s0 =	simm.s32 @!p0 $0x0  }
0x12: {  	s1 =	sld [smem:$0x3F8B];
	s0 =	simm.s32 @p0 $0x1  }
0x13: {  	[smem:$0x3FA6] =	sst s0;
	s0 =	simm.s32 @!p1 $0x0  }
0x14: {  	s2 =	sld [smem:$0x3F8A];
	s0 =	simm.s32 @p1 $0x1  }
0x15: {  	[smem:$0x3FA7] =	sst s0;
	s0 =	simm.s32 @!p2 $0x0  }
0x16: {  	s3 =	sld [smem:$0x3FDB];
	s0 =	simm.s32 @p2 $0x1  }
0x17: {  	s4 =	simm.s32 $0x1BF5;
	[smem:$0x3FA9] =	sst s0  }
0x18: {  	s0 =	sld [smem:$0x3F8C];
	_ =	swait.ge [sflag:s4], $0x0  }
0x19: {  	s7 =	sld [smem:$0x3F8D]  }
0x1a: {  	s8 =	sadd.s32 $0xFFFFE003, lr  }
0x1b: {  	s9 =	sadd.s32 $0xFFFFFEF7, lr;
	s5 =	simm.s32 $0xFFFFFFFF;
	p2 =	slt.u32 s8, $0xFFFFF086  }
0x1c: {  	p1 =	slt.u32 s9, $0xF7A;
	s5 =	simm.s32 @!p2 $0x0  }
0x1d: {  	s5 =	simm.s32 @p1 $0x1;
	p0 =	seq.s32 s7, s2  }
0x1e: {  	s7 =	smul.u32 @!p0 $0xF7A, s2;
	p2 =	seq.s32 @!p0 s5, $0x0  }
0x1f: {  	s9 =	smul.u32 $0xF7A, s1;
	s8 =	simm.s32 @!p0 $0x1BF5;
	p2 =	por !p2, p0  }
0x20: {  	[sflag:s8] =	ssyncset.s32 @!p0 $0xFFFFF086;
	s6 =	sadd.s32 @!p0 s3, s7;
	s7 =	simm.s32 @!p0 $0x108  }
0x21: {  	s3 =	sadd.s32 s3, s9;
	s6 =	sadd.s32 @!p0 $0x88, s6;
	s7 =	simm.s32 @p2 $0x1082  }
0x22: {  	[simem:s7], [sflag:s8] =	dma.local @!p0 [hbm:s6], $0xF7A  }
0x23: {  	s9 =	sor.u32 $0xD0000000, s2;
	s6 =	simm.s32 $0x108;
	_ =	swait.ge @!p0 [sflag:s8], $0x0  }
0x24: {  	s3 =	sadd.s32 $0x88, s3;
	s6 =	simm.s32 @!p1 $0x1082;
	[sflag:s4] =	ssyncset.s32 $0xFFFFF086  }
0x25: {  	[simem:s6], [sflag:s4] =	dma.local [hbm:s3], $0xF7A  }
0x26: {  	[smem:$0x3F8D] =	sst s1;
	(tag) =	ssettag s2;
	_ =	strace s9  }
0x27: {  	s1 =	sld [smem:$0x3F9D]  }
0x28: {  	s2 =	sld [smem:$0x3F9E]  }
0x29: {  	s4 =	sld [smem:$0x3FA0]  }
0x2a: {  	p0 =	seq.s32 s5, $0x0;
	s5 =	sld [smem:$0x3FA1]  }
0x2b: {  	s6 =	sld [smem:$0x3FA2]  }
0x2c: {  	s7 =	sld [smem:$0x3FA3]  }
0x2d: {  	s3 =	simm.s32 $0x108;
	s8 =	sld [smem:$0x3FA4]  }
0x2e: {  	s3 =	simm.s32 @!p0 $0x1082;
	s9 =	sld [smem:$0x3FA5]  }
0x2f: {  	lr =	sadd.s32 s0, s3;
	s0 =	sld [smem:$0x3F9C]  }
0x30: {  	s3 =	sld [smem:$0x3F9F]  }
0x31: {  	[smem:$0x3FA8] =	sst s10  }
0x32: {  	s10 =	sld [smem:$0x3FA6];
	_ =	sdelay $0x3  }
0x33: {  	p0 =	seq.s32 s10, $0x1;
	s10 =	sld [smem:$0x3FA8];
	_ =	sdelay $0x3  }
0x34: {  	[smem:$0x3FA8] =	sst s10  }
0x35: {  	s10 =	sld [smem:$0x3FA7];
	_ =	sdelay $0x3  }
0x36: {  	p1 =	seq.s32 s10, $0x1;
	s10 =	sld [smem:$0x3FA8];
	_ =	sdelay $0x3  }
0x37: {  	[smem:$0x3FA8] =	sst s10  }
0x38: {  	s10 =	sld [smem:$0x3FA9]  }
0x39: {  	_ = 	snop;
	(pc) =	sbr.ind lr, $3  }
0x3a: {  	_ = 	snop  }
0x3b: {  	_ = 	snop  }
0x3c: {  	p2 =	seq.s32 s10, $0x1;
	s10 =	sld [smem:$0x3FA8]  }
0x3d: {  	_ =	shalt  }
0x3e: {  	_ =	shalt  }
0x3f: {  	_ =	shalt  }
0x40: {  	_ =	shalt  }
0x41: {  	_ =	shalt  }
0x42: {  	_ =	shalt  }
0x43: {  	_ =	shalt  }
0x44: {  	_ =	shalt  }
0x45: {  	_ =	shalt  }
0x46: {  	_ =	shalt  }
0x47: {  	_ =	shalt  }
0x48: {  	_ =	shalt  }
0x49: {  	_ =	shalt  }
0x4a: {  	_ =	shalt  }
0x4b: {  	_ =	shalt  }
0x4c: {  	_ =	shalt  }
0x4d: {  	_ =	shalt  }
0x4e: {  	_ =	shalt  }
0x4f: {  	_ =	shalt  }
0x50: {  	_ =	shalt  }
0x51: {  	_ =	shalt  }
0x52: {  	_ =	shalt  }
0x53: {  	_ =	shalt  }
0x54: {  	_ =	shalt  }
0x55: {  	_ =	shalt  }
0x56: {  	_ =	shalt  }
0x57: {  	_ =	shalt  }
0x58: {  	_ =	shalt  }
0x59: {  	_ =	shalt  }
0x5a: {  	_ =	shalt  }
0x5b: {  	_ =	shalt  }
0x5c: {  	_ =	shalt  }
0x5d: {  	_ =	shalt  }
0x5e: {  	_ =	shalt  }
0x5f: {  	_ =	shalt  }
0x60: {  	_ =	shalt  }
0x61: {  	_ =	shalt  }
0x62: {  	_ =	shalt  }
0x63: {  	_ =	shalt  }
0x64: {  	_ =	shalt  }
0x65: {  	_ =	shalt  }
0x66: {  	_ =	shalt  }
0x67: {  	_ =	shalt  }
0x68: {  	_ =	shalt  }
0x69: {  	_ =	shalt  }
0x6a: {  	_ =	shalt  }
0x6b: {  	_ =	shalt  }
0x6c: {  	_ =	shalt  }
0x6d: {  	_ =	shalt  }
0x6e: {  	_ =	shalt  }
0x6f: {  	_ =	shalt  }
0x70: {  	_ =	shalt  }
0x71: {  	_ =	shalt  }
0x72: {  	_ =	shalt  }
0x73: {  	_ =	shalt  }
0x74: {  	_ =	shalt  }
0x75: {  	_ =	shalt  }
0x76: {  	_ =	shalt  }
0x77: {  	_ =	shalt  }
0x78: {  	_ =	shalt  }
0x79: {  	_ =	shalt  }
0x7a: {  	_ =	shalt  }
0x7b: {  	_ =	shalt  }
0x7c: {  	_ =	shalt  }
0x7d: {  	_ =	shalt  }
0x7e: {  	_ =	shalt  }
0x7f: {  	_ =	shalt  }
0x80: {  	_ =	shalt  }
0x81: {  	_ =	shalt  }
0x82: {  	_ =	shalt  }
0x83: {  	_ =	shalt  }
0x84: {  	_ =	shalt  }
0x85: {  	_ =	shalt  }
0x86: {  	_ =	shalt  }
0x87: {  	_ =	shalt  }
.Lfunc_end0:
.L_simem_size_0:
called_computation_lowered:
.L_overlay_start_0:
0x88: {  	s2 =	sld [smem:$0x3FD9]  }
0x89: {  	s3 =	sld [smem:$0x3FFE];
	_ =	sdelay $0x1  }
0x8a: {  	s1 =	srdreg.scid  }
0x8b: {  	s0 =	sand.u32 $0x1, s1  }
0x8c: {  	s17 =	sshll.u32 s0, $0xA;
	s2 =	sadd.s32 s3, s2  }
0x8d: {  	s2 =	sadd.s32 s2, s17  }
0x8e: {  	[smem:$0x3FB4] =	sst s2  }
0x8f: {  	_ = 	snop  }
0x90: {  	s2 =	sld [smem:$0x3FD0];
	(tm) =	ssettm $0x1  }
0x91: {  	s18 =	sld [smem:$0x3FFB];
	_ =	sdelay $0x3  }
0x92: {  	_ =	strace s18  }
0x93: {  	s3 =	sld [smem:$0x3FFC];
	_ =	sdelay $0x3  }
0x94: {  	_ =	strace s3  }
0x95: {  	s3 =	sld [smem:$0x3FFD];
	_ =	sdelay $0x3  }
0x96: {  	_ =	strace s3  }
0x97: {  	_ =	strace $0x8FFFFFFF  }
0x98: {  	s19 =	sld [smem:$0x3FDB];
	_ =	sdelay $0x1  }
0x99: {  	s4 =	simm.s32 $_scs_section_size  }
0x9a: {  	s5 =	simm.s32 $_size__tile_overlayer_lowered;
	s6 =	simm.s32 $_tile_overlayer_lowered  }
0x9b: {  	s22 =	simm.s32 $0x1BFF;
	s21 =	sshll.u32 s6, $0x1;
	s3 =	sadd.s32 s4, s19  }
0x9c: {  	s7 =	simm.s32 $0x0;
	s20 =	sshll.u32 s5, $0x1;
	s5 =	sadd.s32 s21, s3  }
0x9d: {  	[timem:s7], [sflag:s22] =	dma.local [hbm:s5], s20  }
0x9e: {  	_ =	swait.ge [sflag:s22], s20  }
0x9f: {  	s4 =	ssub.s32 $0x0, s20;
	[sflag:s22] =	ssyncset.done $0x0  }
0xa0: {  	[sflag:s22] =	ssyncadd.s32 s4;
	_ =	sdelay $0x1  }
0xa1: {  	s23 =	simm.s32 $0x1B8B  }
0xa2: {  	_ =	swait.ge [sflag:s23], $0x1  }
0xa3: {  	[sflag:s23] =	ssyncset.done $0x0  }
0xa4: {  	s25 =	simm.s32 $0x1B8E;
	s24 =	sld [smem:$0x3FFE];
	[sflag:s23] =	ssyncadd.s32 $0xFFFFFFFF  }
0xa5: {  	s26 =	simm.s32 $execute0_lowered;
	[smem:$0x3FD2] =	sst s25  }
0xa6: {  	s5 =	sshll.u32 s26, $0x1;
	_ =	strace $0x80000046;
	[dreg:$0x1] =	wrdreg $0xFFFFFFFF  }
0xa7: {  	s28 =	simm.s32 $_size_execute0_lowered;
	s3 =	sadd.s32 s3, s5;
	[dreg:$0x0] =	wrdreg $0x0  }
0xa8: {  	s5 =	sshll.u32 s28, $0x1;
	[dreg:$0x2] =	wrdreg s3  }
0xa9: {  	[dreg:$0x3] =	wrdreg s5  }
0xaa: {  	[dreg:$0x4] =	wrdreg $0xC0  }
0xab: {  	_ =	task [dreg:s7], $0x5FFFF  }
0xac: {  	[dreg:$0x1] =	wrdreg $0xFFFFFFFF  }
0xad: {  	[dreg:$0x0] =	wrdreg $0x60  }
0xae: {  	[dreg:$0x2] =	wrdreg s24  }
0xaf: {  	[dreg:$0x3] =	wrdreg s2  }
0xb0: {  	[dreg:$0x4] =	wrdreg $0x9  }
0xb1: {  	_ =	task.clear_ibuf [dreg:s7], $0x5FFFF;
	_ =	strace $0x90000046  }
0xb2: {  	s29 =	simm.s32 $0x9;
	_ =	strace $0x80000048  }
0xb3: {  	_ =	swait.ge [sflag:s29], $0x1  }
0xb4: {  	[sflag:s29] =	ssyncadd.s32 $0xFFFFFFFF  }
0xb5: {  	_ =	strace $0x90000048  }
0xb6: {  	_ =	sfence  }
0xb7: {  	s30 =	sld [smem:$0x0];
	_ =	sdelay $0x2  }
0xb8: {  	s31 =	sshll.u32 s1, $0xD;
	s1 =	sshrl.u32 s1, $0x2  }
0xb9: {  	s3 =	sand.u32 $0x4000, s31;
	s1 =	sadd.s32 s1, s30  }
0xba: {  	s0 =	sor.u32 s3, s0;
	s1 =	sshll.u32 s1, $0x11  }
0xbb: {  	s0 =	sor.u32 s1, s0  }
0xbc: {  	s0 =	sadd.s32 $0x8F2B, s0  }
0xbd: {  	[sflag:s0] =	ssyncadd.remote.s32 $0x1  }
0xbe: {  	_ =	sfence.sel $0xFFFF  }
0xbf: {  	[dreg:$0x0] =	wrdreg $0xFFFFFFFF;
	(pc) =	sbr.abs _section_cstart, $3  }
0xc0: {  	[dreg:$0x1] =	wrdreg $0xFFFFFFFF  }
0xc1: {  	_ =	task.clear_ibuf [dreg:s7], $0x2FFFF;
	_ =	strace $0x9FFFFFFF  }
0xc2: {  	(tm) =	ssettm $0x7FFFFFFF  }
0xc3: {  	_ =	shalt  }
tec
execute0_lowered:
.L_overlay_start_1:
0x0: {  	(tag) =	ssettag $0x1  }
0x1: {  	s0 =	srdreg.scid;
	s6 =	rddreg [dreg:$0x0]  }
0x2: {  	s2 =	stileid.u32;
	s7 =	rddreg [dreg:$0x1]  }
0x3: {  	s28 =	simm.s32 $0x5;
	s15 =	simm.s32 $0x11E80;
	s16 =	simm.s32 $0x12680  }
0x4: {  	s12 =	simm.s32 $0x15680;
	s13 =	simm.s32 $0x15E80;
	s14 =	simm.s32 $0x16680  }
0x5: {  	s17 =	simm.s32 $0x16E80;
	s18 =	simm.s32 $0x17680;
	s19 =	simm.s32 $0x17E80  }
0x6: {  	s20 =	simm.s32 $0x18680;
	s21 =	simm.s32 $0x1;
	s22 =	simm.s32 $0xEE80  }
0x7: {  	s23 =	simm.s32 $0x2;
	s24 =	simm.s32 $0x18E80;
	s25 =	simm.s32 $0x0  }
0x8: {  	s0 =	sand.u32 $0x1, s0;
	s1 =	sshll.u32 s2, $0x1;
	s2 =	sshrl.u32 s2, $0x2  }
0x9: {  	s1 =	sor.u32 s0, s1;
	s3 =	smul.u32 $0x13C00, s2;
	s2 =	simm.s32 $0x0  }
0xa: {  	s0 =	ssub.s32 $0x2, s0;
	s4 =	sshll.u32 s1, $0x7;
	[smem:$0x7FF] =	sst s2  }
0xb: {  	s10 =	sshll.u32 s1, $0x6;
	s11 =	sshrl.u32 s0, $0x1;
	s5 =	smul.u32 $0x2710, s1  }
0xc: {  	s4 =	sand.u32 $0x380, s4;
	_ =	strace $0x80000047;
	s26 =	sadd.s32 s10, s6  }
0xd: {  	s0 =	ssub.s32 s0, s11;
	s10 =	simm.s32 $0x14680;
	s11 =	simm.s32 $0x14E80  }
0xe: {  	s4 =	sor.u32 s3, s4;
	s3 =	sadd.s32 $0x20000, s6;
	s1 =	sadd.s32 $0x158800, s26  }
0xf: {  	v3 =	vlaneseq.u32;
	s0 =	smax.u32 s0, $0x1;
	s8 =	sshrl.u32 s4, $0x3;
	[dreg:$0x6] =	wrdreg s1  }
.Ltmp0:
0x10: {  	v2 =	vshrl.u32 v3, $0x3;
	s4 =	sadd.s32 $0x159000, s6;
	[dreg:$0x7] =	wrdreg s0;
	(pc) =	sbr.rel .LBB2_1-.Ltmp0, $4  }
0x11: {  	v0 =	vand.u32 $0x7, v3;
	v62 =	vmul.u32 $0x8, v2;
	s0 =	simm.s32 $0x11680;
	s9 =	sadd.s32 s8, s6;
	s29 =	sadd.s32 s7, s8  }
0x12: {  	[tilespmem:$0x1FFD0] =	vst v0;
	s6 =	simm.s32 $0x12E80;
	[dreg:$0x3] =	wrdreg s29;
	s30 =	sadd.s32 $0x16200, s9  }
0x13: {  	v63 =	vor.u32 $0x8, v3;
	[tilespmem:$0x1FFE0] =	vst v62;
	s7 =	simm.s32 $0x13680;
	s31 =	sadd.s32 $0x2600, s9;
	[dreg:$0x4] =	wrdreg s30  }
0x14: {  	vm0 =	vmmov $0xffff;
	[tilespmem:$0x1FFF0] =	vst v63;
	s8 =	simm.s32 $0x13E80;
	s9 =	sadd.s32 $0x28, s5;
	[dreg:$0x5] =	wrdreg s31  }
.LBB2_10:
0x15: {  	s1 =	simm.s32 $0x3  }
0x16: {  	_ =	swait.ge [sflag:s1], $0x2800  }
0x17: {  	[sflag:s1] =	ssyncset.done $0x0  }
0x18: {  	s26 =	simm.s32 $0x4;
	[sflag:s1] =	ssyncadd.s32 $0xFFFFD800  }
0x19: {  	_ =	swait.ge [sflag:s26], $0x2800  }
0x1a: {  	s25 =	simm.s32 $0x1B680;
	[sflag:s26] =	ssyncset.done $0x0  }
0x1b: {  	s28 =	simm.s32 $0x5;
	s29 =	rddreg [dreg:$0x6];
	[sflag:s26] =	ssyncadd.s32 $0xFFFFD800  }
0x1c: {  	[hbm4b:s29+s2] =	stream.linear.scatter [tilespmem:s25], [sflag:$0x5], $0x200, $0x38;
	[tilespmem:$0x1B880] =	vst v63  }
0x1d: {  	_ =	swait.ge [sflag:s28], $0x200  }
0x1e: {  	s30 =	rddreg [dreg:$0x8]  }
0x1f: {  	s31 =	rddreg [dreg:$0x7];
	s25 =	sadd.s32 $0x1, s30  }
0x20: {  	p0 =	sne.s32 s25, s31  }
.Ltmp1:
0x21: {  	_ = 	snop;
	(pc) =	sbr.rel @!p0 .LBB2_11-.Ltmp1, $3  }
0x22: {  	_ =	sdelay $0x1  }
0x23: {  	[sflag:s28] =	ssyncset.done $0x0  }
0x24: {  	[sflag:s28] =	ssyncadd.s32 $0xFFFFFE00  }
.LBB2_1:
0x25: {  	[dreg:$0x8] =	wrdreg s25  }
0x26: {  	s1 =	rddreg [dreg:$0x3];
	s25 =	simm.s32 $0x80;
	s26 =	simm.s32 $0x400  }
0x27: {  	[tilespmem:s2], [sflag:$0x5] =	stream.strided.gather [hbm4b:s1+s25], $0x2780, s26, s25, $0x38;
	[tilespmem:$0x1B880] =	vst v63  }
0x28: {  	_ =	swait.ge [sflag:s28], $0x2780  }
0x29: {  	[sflag:s28] =	ssyncset.done $0x0  }
0x2a: {  	s29 =	simm.s32 $0x2780;
	s31 =	rddreg [dreg:$0x4];
	[sflag:s28] =	ssyncadd.s32 $0xFFFFD880  }
0x2b: {  	[tilespmem:s29], [sflag:$0x5] =	stream.strided.gather [hbm4b:s31+s25], $0x2780, s26, s25, $0x38;
	[tilespmem:$0x1B880] =	vst v63  }
0x2c: {  	_ =	swait.ge [sflag:s28], $0x2780  }
0x2d: {  	[sflag:s28] =	ssyncset.done $0x0  }
0x2e: {  	s31 =	simm.s32 $0x4F00;
	s30 =	rddreg [dreg:$0x5];
	[sflag:s28] =	ssyncadd.s32 $0xFFFFD880  }
0x2f: {  	[tilespmem:s31], [sflag:$0x5] =	stream.strided.gather [hbm4b:s30+s25], $0x2780, s26, s25, $0x38;
	[tilespmem:$0x1B880] =	vst v63  }
0x30: {  	_ =	swait.ge [sflag:s28], $0x2780  }
0x31: {  	[sflag:s28] =	ssyncset.done $0x0  }
0x32: {  	v0 =	vimm.f32 $0.0e+00;
	[sflag:s28] =	ssyncadd.s32 $0xFFFFD880  }
0x33: {  	[tilespmem:$0x1B680] =	vst v0  }
0x34: {  	[tilespmem:$0x1B700] =	vst v0  }
0x35: {  	[tilespmem:$0x1B690] =	vst v0  }
0x36: {  	[tilespmem:$0x1B710] =	vst v0  }
0x37: {  	[tilespmem:$0x1B6A0] =	vst v0  }
0x38: {  	[tilespmem:$0x1B720] =	vst v0  }
0x39: {  	[tilespmem:$0x1B6B0] =	vst v0  }
0x3a: {  	[tilespmem:$0x1B730] =	vst v0  }
0x3b: {  	[tilespmem:$0x1B6C0] =	vst v0  }
0x3c: {  	[tilespmem:$0x1B740] =	vst v0  }
0x3d: {  	[tilespmem:$0x1B6D0] =	vst v0  }
0x3e: {  	[tilespmem:$0x1B750] =	vst v0  }
0x3f: {  	[tilespmem:$0x1B6E0] =	vst v0  }
0x40: {  	[tilespmem:$0x1B760] =	vst v0  }
0x41: {  	[tilespmem:$0x1B6F0] =	vst v0  }
0x42: {  	[tilespmem:$0x1B770] =	vst v0  }
0x43: {  	[tilespmem:$0x1B780] =	vst v0  }
0x44: {  	[tilespmem:$0x1B800] =	vst v0;
	v4 =	vld [tilespmem:$0x0]  }
0x45: {  	[tilespmem:$0x1B790] =	vst v0  }
0x46: {  	[tilespmem:$0x1B810] =	vst v0  }
0x47: {  	v1 =	vld [tilespmem:$0x1FFD0];
	[tilespmem:$0x1B7A0] =	vst v0  }
0x48: {  	v2 =	vld [tilespmem:$0x1FFE0];
	[tilespmem:$0x1B820] =	vst v0  }
0x49: {  	v3 =	vld [tilespmem:$0x1FFF0];
	[tilespmem:$0x1B7B0] =	vst v0;
	v5 =	vshll.u32 v4, $0x1  }
0x4a: {  	[tilespmem:$0x1B830] =	vst v0;
	v4 =	vand.u32 $0x7, v4;
	v5 =	vand.u32 $0xFFFFFFF0, v5  }
0x4b: {  	[tilespmem:$0x1B7C0] =	vst v0;
	v4 =	vor.u32 v4, v5  }
0x4c: {  	[tilespmem:$0x1B840] =	vst v0;
	v5 =	vperm.xlane v4, v1  }
0x4d: {  	[tilespmem:$0x1B7D0] =	vst v0  }
0x4e: {  	[tilespmem:$0x1B850] =	vst v0;
	v4 =	vperm.xlane v4, v3;
	v5 =	vadd.s32 v2, v5  }
0x4f: {  	[tilespmem:$0x1B7E0] =	vst v0  }
0x50: {  	[tilespmem:$0x1B860] =	vst v0;
	v4 =	vadd.s32 v2, v4  }
0x51: {  	[tilespmem:$0x1B7F0] =	vst v0  }
0x52: {  	s29 =	simm.s32 $0x7680;
	[tilespmem:$0x1B870] =	vst v0  }
0x53: {  	[tilespmem:s29], [sflag:$0x1] =	stream.indirect_vreg.gather [hbm4b:s3+s2], $0x80, v5, vm0, $0xb8;
	[tilespmem:$0x1B880] =	vst v63  }
0x54: {  	s30 =	simm.s32 $0x7E80  }
0x55: {  	[tilespmem:s30], [sflag:$0x1] =	stream.indirect_vreg.gather [hbm4b:s3+s2], $0x80, v4, vm0, $0xb8;
	[tilespmem:$0x1B880] =	vst v63  }
0x56: {  	v4 =	vld [tilespmem:$0x10];
	_ =	sdelay $0x4  }
0x57: {  	v47 =	vshll.u32 v4, $0x1  }
0x58: {  	v4 =	vand.u32 $0x7, v4;
	v5 =	vand.u32 $0xFFFFFFF0, v47  }
0x59: {  	v4 =	vor.u32 v4, v5  }
0x5a: {  	v5 =	vperm.xlane v4, v1;
	_ =	sdelay $0x1  }
0x5b: {  	v4 =	vperm.xlane v4, v3;
	v5 =	vadd.s32 v2, v5;
	_ =	sdelay $0x1  }
0x5c: {  	v4 =	vadd.s32 v2, v4;
	_ =	sdelay $0x1  }
0x5d: {  	s31 =	simm.s32 $0x8680  }
0x5e: {  	[tilespmem:s31], [sflag:$0x1] =	stream.indirect_vreg.gather [hbm4b:s3+s2], $0x80, v5, vm0, $0xb8;
	[tilespmem:$0x1B880] =	vst v63  }
0x5f: {  	s25 =	simm.s32 $0x8E80  }
0x60: {  	[tilespmem:s25], [sflag:$0x1] =	stream.indirect_vreg.gather [hbm4b:s3+s2], $0x80, v4, vm0, $0xb8;
	[tilespmem:$0x1B880] =	vst v63  }
0x61: {  	v4 =	vld.msk [tilespmem:$0x20], $0xff;
	_ =	sdelay $0x4  }
0x62: {  	v48 =	vshll.u32 v4, $0x1  }
0x63: {  	v4 =	vand.u32 $0x7, v4;
	v5 =	vand.u32 $0xFFFFFFF0, v48  }
0x64: {  	v4 =	vor.u32 v4, v5  }
0x65: {  	v4 =	vperm.xlane v4, v1;
	_ =	sdelay $0x1  }
0x66: {  	v4 =	vadd.s32 v2, v4;
	_ =	sdelay $0x3  }
0x67: {  	s26 =	simm.s32 $0x9680  }
0x68: {  	[tilespmem:s26], [sflag:$0x1] =	stream.indirect_vreg.gather [hbm4b:s3+s2], $0x80, v4, vm0, $0xb8;
	[tilespmem:$0x1B880] =	vst v63  }
0x69: {  	v4 =	vld [tilespmem:$0x2780];
	_ =	sdelay $0x4  }
0x6a: {  	v49 =	vshll.u32 v4, $0x1  }
0x6b: {  	v4 =	vand.u32 $0x7, v4;
	v5 =	vand.u32 $0xFFFFFFF0, v49  }
0x6c: {  	v4 =	vor.u32 v4, v5  }
0x6d: {  	v5 =	vperm.xlane v4, v1;
	_ =	sdelay $0x1  }
0x6e: {  	v4 =	vperm.xlane v4, v3;
	v5 =	vadd.s32 v2, v5;
	_ =	sdelay $0x1  }
0x6f: {  	v4 =	vadd.s32 v2, v4;
	_ =	sdelay $0x1  }
0x70: {  	s28 =	simm.s32 $0x9E80  }
0x71: {  	[tilespmem:s28], [sflag:$0x1] =	stream.indirect_vreg.gather [hbm4b:s3+s2], $0x80, v5, vm0, $0xb8;
	[tilespmem:$0x1B880] =	vst v63  }
0x72: {  	s29 =	simm.s32 $0xA680  }
0x73: {  	[tilespmem:s29], [sflag:$0x1] =	stream.indirect_vreg.gather [hbm4b:s3+s2], $0x80, v4, vm0, $0xb8;
	[tilespmem:$0x1B880] =	vst v63  }
0x74: {  	v4 =	vld [tilespmem:$0x2790];
	_ =	sdelay $0x4  }
0x75: {  	v50 =	vshll.u32 v4, $0x1  }
0x76: {  	v4 =	vand.u32 $0x7, v4;
	v5 =	vand.u32 $0xFFFFFFF0, v50  }
0x77: {  	v4 =	vor.u32 v4, v5  }
0x78: {  	v5 =	vperm.xlane v4, v1;
	_ =	sdelay $0x1  }
0x79: {  	v4 =	vperm.xlane v4, v3;
	v5 =	vadd.s32 v2, v5;
	_ =	sdelay $0x1  }
0x7a: {  	v4 =	vadd.s32 v2, v4;
	_ =	sdelay $0x1  }
0x7b: {  	s30 =	simm.s32 $0xAE80  }
0x7c: {  	[tilespmem:s30], [sflag:$0x1] =	stream.indirect_vreg.gather [hbm4b:s3+s2], $0x80, v5, vm0, $0xb8;
	[tilespmem:$0x1B880] =	vst v63  }
0x7d: {  	s31 =	simm.s32 $0xB680  }
0x7e: {  	[tilespmem:s31], [sflag:$0x1] =	stream.indirect_vreg.gather [hbm4b:s3+s2], $0x80, v4, vm0, $0xb8;
	[tilespmem:$0x1B880] =	vst v63  }
0x7f: {  	v4 =	vld.msk [tilespmem:$0x27A0], $0xff;
	_ =	sdelay $0x4  }
0x80: {  	v51 =	vshll.u32 v4, $0x1  }
0x81: {  	v4 =	vand.u32 $0x7, v4;
	v5 =	vand.u32 $0xFFFFFFF0, v51  }
0x82: {  	v4 =	vor.u32 v4, v5  }
0x83: {  	v4 =	vperm.xlane v4, v1;
	_ =	sdelay $0x1  }
0x84: {  	v4 =	vadd.s32 v2, v4;
	_ =	sdelay $0x3  }
0x85: {  	s25 =	simm.s32 $0xBE80  }
0x86: {  	[tilespmem:s25], [sflag:$0x1] =	stream.indirect_vreg.gather [hbm4b:s3+s2], $0x80, v4, vm0, $0xb8;
	[tilespmem:$0x1B880] =	vst v63  }
0x87: {  	v4 =	vld [tilespmem:$0x4F00];
	_ =	sdelay $0x4  }
0x88: {  	v52 =	vshll.u32 v4, $0x1  }
0x89: {  	v4 =	vand.u32 $0x7, v4;
	v5 =	vand.u32 $0xFFFFFFF0, v52  }
0x8a: {  	v4 =	vor.u32 v4, v5  }
0x8b: {  	v5 =	vperm.xlane v4, v1;
	_ =	sdelay $0x1  }
0x8c: {  	v4 =	vperm.xlane v4, v3;
	v5 =	vadd.s32 v2, v5;
	_ =	sdelay $0x1  }
0x8d: {  	v4 =	vadd.s32 v2, v4;
	_ =	sdelay $0x1  }
0x8e: {  	s26 =	simm.s32 $0xC680  }
0x8f: {  	[tilespmem:s26], [sflag:$0x1] =	stream.indirect_vreg.gather [hbm4b:s3+s2], $0x80, v5, vm0, $0xb8;
	[tilespmem:$0x1B880] =	vst v63  }
0x90: {  	s28 =	simm.s32 $0xCE80  }
0x91: {  	[tilespmem:s28], [sflag:$0x1] =	stream.indirect_vreg.gather [hbm4b:s3+s2], $0x80, v4, vm0, $0xb8;
	[tilespmem:$0x1B880] =	vst v63  }
0x92: {  	v4 =	vld [tilespmem:$0x4F10];
	_ =	sdelay $0x4  }
0x93: {  	v53 =	vshll.u32 v4, $0x1  }
0x94: {  	v4 =	vand.u32 $0x7, v4;
	v5 =	vand.u32 $0xFFFFFFF0, v53  }
0x95: {  	v4 =	vor.u32 v4, v5  }
0x96: {  	v5 =	vperm.xlane v4, v1;
	_ =	sdelay $0x1  }
0x97: {  	v4 =	vperm.xlane v4, v3;
	v5 =	vadd.s32 v2, v5;
	_ =	sdelay $0x1  }
0x98: {  	v4 =	vadd.s32 v2, v4;
	_ =	sdelay $0x1  }
0x99: {  	s29 =	simm.s32 $0xD680  }
0x9a: {  	[tilespmem:s29], [sflag:$0x1] =	stream.indirect_vreg.gather [hbm4b:s3+s2], $0x80, v5, vm0, $0xb8;
	[tilespmem:$0x1B880] =	vst v63  }
0x9b: {  	s30 =	simm.s32 $0xDE80  }
0x9c: {  	[tilespmem:s30], [sflag:$0x1] =	stream.indirect_vreg.gather [hbm4b:s3+s2], $0x80, v4, vm0, $0xb8;
	[tilespmem:$0x1B880] =	vst v63  }
0x9d: {  	v4 =	vld.msk [tilespmem:$0x4F20], $0xff;
	_ =	sdelay $0x4  }
0x9e: {  	v54 =	vshll.u32 v4, $0x1  }
0x9f: {  	v4 =	vand.u32 $0x7, v4;
	v5 =	vand.u32 $0xFFFFFFF0, v54  }
0xa0: {  	v4 =	vor.u32 v4, v5  }
0xa1: {  	v4 =	vperm.xlane v4, v1;
	_ =	sdelay $0x1  }
0xa2: {  	v4 =	vadd.s32 v2, v4;
	_ =	sdelay $0x3  }
0xa3: {  	s31 =	simm.s32 $0xE680  }
0xa4: {  	[tilespmem:s31], [sflag:$0x1] =	stream.indirect_vreg.gather [hbm4b:s3+s2], $0x80, v4, vm0, $0xb8;
	[tilespmem:$0x1B880] =	vst v63  }
0xa5: {  	v4 =	vld [tilespmem:$0x28];
	_ =	sdelay $0x4  }
0xa6: {  	v55 =	vshll.u32 v4, $0x1  }
0xa7: {  	v4 =	vand.u32 $0x7, v4;
	v5 =	vand.u32 $0xFFFFFFF0, v55  }
0xa8: {  	v4 =	vor.u32 v4, v5  }
0xa9: {  	v5 =	vperm.xlane v4, v1;
	_ =	sdelay $0x1  }
0xaa: {  	v4 =	vperm.xlane v4, v3;
	v5 =	vadd.s32 v2, v5;
	_ =	sdelay $0x1  }
0xab: {  	v4 =	vadd.s32 v2, v4;
	_ =	sdelay $0x2  }
0xac: {  	[tilespmem:s0], [sflag:$0x2] =	stream.indirect_vreg.gather [hbm4b:s3+s2], $0x80, v5, vm0, $0xb8;
	[tilespmem:$0x1B880] =	vst v63  }
0xad: {  	_ = 	snop  }
0xae: {  	[tilespmem:s15], [sflag:$0x2] =	stream.indirect_vreg.gather [hbm4b:s3+s2], $0x80, v4, vm0, $0xb8;
	[tilespmem:$0x1B880] =	vst v63  }
0xaf: {  	v4 =	vld [tilespmem:$0x38];
	_ =	sdelay $0x4  }
0xb0: {  	v56 =	vshll.u32 v4, $0x1  }
0xb1: {  	v4 =	vand.u32 $0x7, v4;
	v5 =	vand.u32 $0xFFFFFFF0, v56  }
0xb2: {  	v4 =	vor.u32 v4, v5  }
0xb3: {  	v5 =	vperm.xlane v4, v1;
	_ =	sdelay $0x1  }
0xb4: {  	v4 =	vperm.xlane v4, v3;
	v5 =	vadd.s32 v2, v5;
	_ =	sdelay $0x1  }
0xb5: {  	v4 =	vadd.s32 v2, v4;
	_ =	sdelay $0x2  }
0xb6: {  	[tilespmem:s16], [sflag:$0x2] =	stream.indirect_vreg.gather [hbm4b:s3+s2], $0x80, v5, vm0, $0xb8;
	[tilespmem:$0x1B880] =	vst v63  }
0xb7: {  	_ = 	snop  }
0xb8: {  	[tilespmem:s6], [sflag:$0x2] =	stream.indirect_vreg.gather [hbm4b:s3+s2], $0x80, v4, vm0, $0xb8;
	[tilespmem:$0x1B880] =	vst v63  }
0xb9: {  	v4 =	vld.msk [tilespmem:$0x48], $0xff;
	_ =	sdelay $0x4  }
0xba: {  	v57 =	vshll.u32 v4, $0x1  }
0xbb: {  	v4 =	vand.u32 $0x7, v4;
	v5 =	vand.u32 $0xFFFFFFF0, v57  }
0xbc: {  	v4 =	vor.u32 v4, v5  }
0xbd: {  	v4 =	vperm.xlane v4, v1;
	_ =	sdelay $0x1  }
0xbe: {  	v4 =	vadd.s32 v2, v4;
	_ =	sdelay $0x4  }
0xbf: {  	[tilespmem:s7], [sflag:$0x2] =	stream.indirect_vreg.gather [hbm4b:s3+s2], $0x80, v4, vm0, $0xb8;
	[tilespmem:$0x1B880] =	vst v63  }
0xc0: {  	v4 =	vld [tilespmem:$0x27A8];
	_ =	sdelay $0x4  }
0xc1: {  	v58 =	vshll.u32 v4, $0x1  }
0xc2: {  	v4 =	vand.u32 $0x7, v4;
	v5 =	vand.u32 $0xFFFFFFF0, v58  }
0xc3: {  	v4 =	vor.u32 v4, v5  }
0xc4: {  	v5 =	vperm.xlane v4, v1;
	_ =	sdelay $0x1  }
0xc5: {  	v4 =	vperm.xlane v4, v3;
	v5 =	vadd.s32 v2, v5;
	_ =	sdelay $0x1  }
0xc6: {  	v4 =	vadd.s32 v2, v4;
	_ =	sdelay $0x2  }
0xc7: {  	[tilespmem:s8], [sflag:$0x2] =	stream.indirect_vreg.gather [hbm4b:s3+s2], $0x80, v5, vm0, $0xb8;
	[tilespmem:$0x1B880] =	vst v63  }
0xc8: {  	_ = 	snop  }
0xc9: {  	[tilespmem:s10], [sflag:$0x2] =	stream.indirect_vreg.gather [hbm4b:s3+s2], $0x80, v4, vm0, $0xb8;
	[tilespmem:$0x1B880] =	vst v63  }
0xca: {  	v4 =	vld [tilespmem:$0x27B8];
	_ =	sdelay $0x4  }
0xcb: {  	v59 =	vshll.u32 v4, $0x1  }
0xcc: {  	v4 =	vand.u32 $0x7, v4;
	v5 =	vand.u32 $0xFFFFFFF0, v59  }
0xcd: {  	v4 =	vor.u32 v4, v5  }
0xce: {  	v5 =	vperm.xlane v4, v1;
	_ =	sdelay $0x1  }
0xcf: {  	v4 =	vperm.xlane v4, v3;
	v5 =	vadd.s32 v2, v5;
	_ =	sdelay $0x1  }
0xd0: {  	v4 =	vadd.s32 v2, v4;
	_ =	sdelay $0x2  }
0xd1: {  	[tilespmem:s11], [sflag:$0x2] =	stream.indirect_vreg.gather [hbm4b:s3+s2], $0x80, v5, vm0, $0xb8;
	[tilespmem:$0x1B880] =	vst v63  }
0xd2: {  	_ = 	snop  }
0xd3: {  	[tilespmem:s12], [sflag:$0x2] =	stream.indirect_vreg.gather [hbm4b:s3+s2], $0x80, v4, vm0, $0xb8;
	[tilespmem:$0x1B880] =	vst v63  }
0xd4: {  	v4 =	vld.msk [tilespmem:$0x27C8], $0xff;
	_ =	sdelay $0x4  }
0xd5: {  	v60 =	vshll.u32 v4, $0x1  }
0xd6: {  	v4 =	vand.u32 $0x7, v4;
	v5 =	vand.u32 $0xFFFFFFF0, v60  }
0xd7: {  	v4 =	vor.u32 v4, v5  }
0xd8: {  	v4 =	vperm.xlane v4, v1;
	_ =	sdelay $0x1  }
0xd9: {  	v4 =	vadd.s32 v2, v4;
	_ =	sdelay $0x4  }
0xda: {  	[tilespmem:s13], [sflag:$0x2] =	stream.indirect_vreg.gather [hbm4b:s3+s2], $0x80, v4, vm0, $0xb8;
	[tilespmem:$0x1B880] =	vst v63  }
0xdb: {  	v4 =	vld [tilespmem:$0x4F28];
	_ =	sdelay $0x4  }
0xdc: {  	v61 =	vshll.u32 v4, $0x1  }
0xdd: {  	v4 =	vand.u32 $0x7, v4;
	v5 =	vand.u32 $0xFFFFFFF0, v61  }
0xde: {  	v4 =	vor.u32 v4, v5  }
0xdf: {  	v5 =	vperm.xlane v4, v1;
	_ =	sdelay $0x1  }
0xe0: {  	v4 =	vperm.xlane v4, v3;
	v5 =	vadd.s32 v2, v5;
	_ =	sdelay $0x1  }
0xe1: {  	v4 =	vadd.s32 v2, v4;
	_ =	sdelay $0x2  }
0xe2: {  	[tilespmem:s14], [sflag:$0x2] =	stream.indirect_vreg.gather [hbm4b:s3+s2], $0x80, v5, vm0, $0xb8;
	[tilespmem:$0x1B880] =	vst v63  }
0xe3: {  	_ = 	snop  }
0xe4: {  	[tilespmem:s17], [sflag:$0x2] =	stream.indirect_vreg.gather [hbm4b:s3+s2], $0x80, v4, vm0, $0xb8;
	[tilespmem:$0x1B880] =	vst v63  }
0xe5: {  	v4 =	vld [tilespmem:$0x4F38];
	_ =	sdelay $0x4  }
0xe6: {  	v62 =	vshll.u32 v4, $0x1  }
0xe7: {  	v4 =	vand.u32 $0x7, v4;
	v5 =	vand.u32 $0xFFFFFFF0, v62  }
0xe8: {  	v4 =	vor.u32 v4, v5  }
0xe9: {  	v5 =	vperm.xlane v4, v1;
	_ =	sdelay $0x1  }
0xea: {  	v4 =	vperm.xlane v4, v3;
	v5 =	vadd.s32 v2, v5;
	_ =	sdelay $0x1  }
0xeb: {  	v4 =	vadd.s32 v2, v4;
	_ =	sdelay $0x2  }
0xec: {  	[tilespmem:s18], [sflag:$0x2] =	stream.indirect_vreg.gather [hbm4b:s3+s2], $0x80, v5, vm0, $0xb8;
	[tilespmem:$0x1B880] =	vst v63  }
0xed: {  	_ = 	snop  }
0xee: {  	[tilespmem:s19], [sflag:$0x2] =	stream.indirect_vreg.gather [hbm4b:s3+s2], $0x80, v4, vm0, $0xb8;
	[tilespmem:$0x1B880] =	vst v63  }
0xef: {  	v4 =	vld.msk [tilespmem:$0x4F48], $0xff;
	_ =	sdelay $0x4  }
0xf0: {  	v63 =	vshll.u32 v4, $0x1  }
0xf1: {  	v4 =	vand.u32 $0x7, v4;
	v5 =	vand.u32 $0xFFFFFFF0, v63  }
0xf2: {  	v4 =	vor.u32 v4, v5  }
0xf3: {  	v4 =	vperm.xlane v4, v1;
	_ =	sdelay $0x1  }
0xf4: {  	v4 =	vadd.s32 v2, v4;
	_ =	sdelay $0x3  }
0xf5: {  	s25 =	simm.s32 $0x0  }
0xf6: {  	[tilespmem:s20], [sflag:$0x2] =	stream.indirect_vreg.gather [hbm4b:s3+s2], $0x80, v4, vm0, $0xb8;
	[tilespmem:$0x1B880] =	vst v63  }
.LBB2_2:
0xf7: {  	_ =	swait.ge [sflag:s21], $0x2800  }
0xf8: {  	[sflag:s21] =	ssyncset.done $0x0  }
0xf9: {  	[sflag:s21] =	ssyncadd.s32 $0xFFFFD800  }
0xfa: {  	_ =	swait.ge [sflag:s21], $0x2800  }
0xfb: {  	[sflag:s21] =	ssyncset.done $0x0  }
0xfc: {  	[sflag:s21] =	ssyncadd.s32 $0xFFFFD800  }
0xfd: {  	_ =	swait.ge [sflag:s21], $0x2800  }
0xfe: {  	p0 =	seq.s32 s25, $0x0;
	[sflag:s21] =	ssyncset.done $0x0  }
0xff: {  	s26 =	simm.s32 @!p0 $0x3;
	[sflag:s21] =	ssyncadd.s32 $0xFFFFD800  }
0x100: {  	s28 =	simm.s32 $0x0;
	_ =	swait.ge @!p0 [sflag:s26], $0x2800  }
0x101: {  	s29 =	sand.u32 $0x3800, s28;
	s28 =	sand.u32 $0x380, s28;
	[sflag:s26] =	ssyncset.done @!p0 $0x0  }
0x102: {  	[sflag:s26] =	ssyncadd.s32 @!p0 $0xFFFFD800;
	s26 =	sor.u32 s28, s29  }
0x103: {  	v4 =	vld [tilespmem:s26+$0x7AF0]  }
0x104: {  	v5 =	vld [tilespmem:s26+$0xA2F0]  }
0x105: {  	v6 =	vld [tilespmem:s26+$0x7680]  }
0x106: {  	v7 =	vld [tilespmem:s26+$0xCAF0]  }
0x107: {  	v8 =	vld [tilespmem:s26+$0x9E80]  }
0x108: {  	v9 =	vld [tilespmem:s26+$0x7690]  }
0x109: {  	v10 =	vld [tilespmem:s26+$0x9E90]  }
0x10a: {  	v11 =	vld [tilespmem:s26+$0x9EA0]  }
0x10b: {  	v12 =	vld [tilespmem:s26+$0x76B0]  }
0x10c: {  	v13 =	vld [tilespmem:s26+$0x9EB0]  }
0x10d: {  	v15 =	vld [tilespmem:s26+$0x76C0]  }
0x10e: {  	v16 =	vld [tilespmem:s26+$0x9EC0]  }
0x10f: {  	v17 =	vld [tilespmem:s26+$0x76D0]  }
0x110: {  	v18 =	vld [tilespmem:s26+$0x9ED0]  }
0x111: {  	v19 =	vld [tilespmem:s26+$0x76E0]  }
0x112: {  	v20 =	vld [tilespmem:s26+$0x9EE0]  }
0x113: {  	v21 =	vld [tilespmem:s26+$0x76F0]  }
0x114: {  	v22 =	vld [tilespmem:s26+$0x9EF0]  }
0x115: {  	v23 =	vld [tilespmem:s26+$0x7A80]  }
0x116: {  	v24 =	vld [tilespmem:s26+$0xA280]  }
0x117: {  	v25 =	vld [tilespmem:s26+$0x7A90]  }
0x118: {  	v26 =	vld [tilespmem:s26+$0xA290]  }
0x119: {  	v27 =	vld [tilespmem:s26+$0x7AA0]  }
0x11a: {  	v28 =	vld [tilespmem:s26+$0xA2A0]  }
0x11b: {  	v29 =	vld [tilespmem:s26+$0x7AB0]  }
0x11c: {  	v30 =	vld [tilespmem:s26+$0xA2B0]  }
0x11d: {  	v31 =	vld [tilespmem:s26+$0x7AC0]  }
0x11e: {  	v32 =	vld [tilespmem:s26+$0xA2C0]  }
0x11f: {  	v33 =	vld [tilespmem:s26+$0x7AD0]  }
0x120: {  	v34 =	vld [tilespmem:s26+$0xA2D0];
	v4 =	vadd.f32 v5, v4  }
0x121: {  	v35 =	vld [tilespmem:s26+$0x7AE0];
	v6 =	vadd.f32 v8, v6;
	v9 =	vadd.f32 v10, v9  }
0x122: {  	v36 =	vld [tilespmem:s26+$0xA2E0];
	v12 =	vadd.f32 v13, v12;
	v15 =	vadd.f32 v16, v15  }
0x123: {  	v5 =	vld [tilespmem:s26+$0x76A0];
	v16 =	vadd.f32 v18, v17;
	v17 =	vadd.f32 v20, v19  }
0x124: {  	v8 =	vld [tilespmem:s26+$0xC680];
	v19 =	vadd.f32 v22, v21;
	v20 =	vadd.f32 v24, v23  }
0x125: {  	v10 =	vld [tilespmem:s26+$0xC690];
	v21 =	vadd.f32 v26, v25;
	v48 =	vadd.f32 v28, v27  }
0x126: {  	v14 =	vimm.f32 $0.0e+00;
	v18 =	vld [tilespmem:s26+$0xC6C0];
	v47 =	vadd.f32 v30, v29;
	v46 =	vadd.f32 v32, v31  }
0x127: {  	v22 =	vld [tilespmem:s26+$0xC6E0];
	v45 =	vadd.f32 v34, v33;
	v42 =	vadd.f32 v36, v35;
	v35 =	vimm.f32 $0.0e+00  }
0x128: {  	v23 =	vld [tilespmem:s26+$0xC6F0];
	v34 =	vimm.f32 $0.0e+00;
	v32 =	vimm.f32 $0.0e+00;
	v33 =	vimm.f32 $0.0e+00  }
0x129: {  	v24 =	vld [tilespmem:s26+$0xCA80];
	v30 =	vimm.f32 $0.0e+00;
	v31 =	vimm.f32 $0.0e+00;
	v7 =	vadd.f32 v7, v4  }
0x12a: {  	v29 =	vimm.f32 $0.0e+00;
	v27 =	vimm.f32 $0.0e+00;
	v25 =	vimm.f32 $0.0e+00  }
0x12b: {  	v28 =	vimm.f32 $0.0e+00;
	v11 =	vadd.f32 v11, v5;
	v5 =	vadd.f32 v7, v14  }
0x12c: {  	v13 =	vld [tilespmem:s26+$0xC6A0];
	v26 =	vimm.f32 $0.0e+00;
	v6 =	vadd.f32 v8, v6;
	v9 =	vadd.f32 v10, v9  }
0x12d: {  	v4 =	vmul.f32 v7, v7;
	v36 =	vadd.f32 v18, v15;
	v39 =	vadd.f32 v22, v17  }
0x12e: {  	[tilespmem:s26+$0xF2F0] =	vst v7;
	v7 =	vld [tilespmem:s26+$0xC6B0];
	v40 =	vadd.f32 v23, v19;
	v41 =	vadd.f32 v24, v20;
	v18 =	vimm.f32 $0.0e+00  }
0x12f: {  	v8 =	vld [tilespmem:s26+$0xC6D0];
	v17 =	vimm.f32 $0.0e+00;
	v22 =	vimm.f32 $0.0e+00;
	v19 =	vimm.f32 $0.0e+00  }
0x130: {  	v15 =	vld [tilespmem:s26+$0xCA90];
	v20 =	vimm.f32 $0.0e+00;
	v24 =	vimm.f32 $0.0e+00;
	v4 =	vadd.f32 v4, v14  }
0x131: {  	v23 =	vimm.f32 $0.0e+00;
	[tilespmem:s26+$0xEE80] =	vst v6;
	v44 =	vadd.f32 v13, v11;
	v11 =	vadd.f32 v6, v14  }
0x132: {  	[tilespmem:s26+$0xEE90] =	vst v9;
	v6 =	vmul.f32 v6, v6;
	v10 =	vadd.f32 v9, v14;
	v9 =	vmul.f32 v9, v9  }
0x133: {  	v49 =	vmul.f32 v39, v39;
	[tilespmem:s26+$0xEEC0] =	vst v36;
	v50 =	vmul.f32 v40, v40;
	v38 =	vadd.f32 v7, v12  }
0x134: {  	v51 =	vld [tilespmem:s26+$0xCAA0];
	[tilespmem:s26+$0xEEE0] =	vst v39;
	v13 =	vadd.f32 v6, v14;
	v6 =	vmul.f32 v44, v44;
	v37 =	vadd.f32 v8, v16  }
0x135: {  	v52 =	vld [tilespmem:s26+$0xCAB0];
	[tilespmem:s26+$0xEEF0] =	vst v40;
	v12 =	vadd.f32 v9, v14;
	v43 =	vadd.f32 v15, v21;
	v7 =	vmul.f32 v38, v38  }
0x136: {  	s29 =	simm.s32 $0x100;
	s28 =	simm.s32 $0x80;
	v53 =	vld [tilespmem:s26+$0xCAC0];
	[tilespmem:s26+$0xEEA0] =	vst v44;
	v9 =	vadd.f32 v6, v14;
	v6 =	vmul.f32 v36, v36;
	v16 =	vmul.f32 v37, v37  }
0x137: {  	v54 =	vld [tilespmem:s26+$0xCAD0];
	s29 =	sand.u32 $0x3800, s29;
	s30 =	sand.u32 $0x380, s28;
	v15 =	vimm.f32 $0.0e+00;
	v21 =	vimm.f32 $0.0e+00;
	[tilespmem:s26+$0xEEB0] =	vst v38;
	v8 =	vadd.f32 v7, v14  }
0x138: {  	v55 =	vld [tilespmem:s26+$0xCAE0];
	s30 =	sor.u32 s30, s29;
	s29 =	simm.s32 $0x200;
	[tilespmem:s26+$0xEED0] =	vst v37;
	v7 =	vadd.f32 v6, v14;
	v6 =	vadd.f32 v16, v14;
	v16 =	vimm.f32 $0.0e+00  }
.LBB2_3:
0x139: {  	p1 =	sne.s32 s29, $0x2700;
	v56 =	vld [tilespmem:s30+$0x7AF0];
	v14 =	vadd.f32 v49, v14;
	[tilespmem:s26+$0xF280] =	vst v41;
	v49 =	vmul.f32 v41, v41;
	v48 =	vadd.f32 v51, v48  }
0x13a: {  	v51 =	vld [tilespmem:s30+$0xA2F0];
	v35 =	vadd.f32 v50, v35;
	[tilespmem:s26+$0xF290] =	vst v43;
	v50 =	vmul.f32 v43, v43;
	v47 =	vadd.f32 v52, v47  }
0x13b: {  	v52 =	vld [tilespmem:s30+$0x7680];
	v34 =	vadd.f32 v49, v34;
	[tilespmem:s26+$0xF2A0] =	vst v48;
	v49 =	vmul.f32 v48, v48;
	v46 =	vadd.f32 v53, v46  }
0x13c: {  	v53 =	vld [tilespmem:s30+$0xCAF0];
	v32 =	vadd.f32 v50, v32;
	[tilespmem:s26+$0xF2B0] =	vst v47;
	v50 =	vmul.f32 v47, v47;
	v45 =	vadd.f32 v54, v45  }
0x13d: {  	v54 =	vld [tilespmem:s30+$0x9E80];
	v33 =	vadd.f32 v49, v33;
	[tilespmem:s26+$0xF2C0] =	vst v46;
	v49 =	vmul.f32 v46, v46;
	v42 =	vadd.f32 v55, v42  }
0x13e: {  	v30 =	vadd.f32 v44, v30;
	v55 =	vld [tilespmem:s30+$0x7690];
	v31 =	vadd.f32 v50, v31;
	[tilespmem:s26+$0xF2D0] =	vst v45;
	v44 =	vmul.f32 v45, v45  }
0x13f: {  	v50 =	vld [tilespmem:s30+$0x9E90];
	v51 =	vadd.f32 v51, v56;
	v29 =	vadd.f32 v49, v29;
	[tilespmem:s26+$0xF2E0] =	vst v42;
	v49 =	vmul.f32 v42, v42;
	s26 =	smov.u32 s30  }
0x140: {  	v27 =	vadd.f32 v38, v27;
	v56 =	vld [tilespmem:s26+$0x76A0];
	v18 =	vadd.f32 v44, v18  }
0x141: {  	v38 =	vld [tilespmem:s26+$0x9EA0];
	v44 =	vadd.f32 v53, v51;
	v16 =	vadd.f32 v49, v16  }
0x142: {  	v17 =	vadd.f32 v36, v17;
	v49 =	vadd.f32 v54, v52;
	v51 =	vld [tilespmem:s26+$0x76B0]  }
0x143: {  	v15 =	vadd.f32 v37, v15;
	v22 =	vadd.f32 v39, v22;
	v36 =	vld [tilespmem:s26+$0x9EB0];
	[tilespmem:s26+$0xF2F0] =	vst v44;
	v52 =	vmul.f32 v44, v44  }
0x144: {  	v19 =	vadd.f32 v40, v19;
	v37 =	vadd.f32 v50, v55;
	v39 =	vld [tilespmem:s26+$0x76C0]  }
0x145: {  	v20 =	vadd.f32 v41, v20;
	v40 =	vld [tilespmem:s26+$0x9EC0];
	v4 =	vadd.f32 v52, v4  }
0x146: {  	v24 =	vadd.f32 v43, v24;
	v38 =	vadd.f32 v38, v56;
	v41 =	vld [tilespmem:s26+$0x76D0]  }
0x147: {  	v25 =	vadd.f32 v48, v25;
	v23 =	vadd.f32 v47, v23;
	v43 =	vld [tilespmem:s26+$0x9ED0]  }
0x148: {  	v28 =	vadd.f32 v46, v28;
	v36 =	vadd.f32 v36, v51;
	v47 =	vld [tilespmem:s26+$0x76E0]  }
0x149: {  	v26 =	vadd.f32 v45, v26;
	v21 =	vadd.f32 v42, v21;
	v46 =	vld [tilespmem:s26+$0x9EE0]  }
0x14a: {  	v5 =	vadd.f32 v44, v5;
	v39 =	vadd.f32 v40, v39;
	v40 =	vld [tilespmem:s26+$0x76F0]  }
0x14b: {  	v42 =	vld [tilespmem:s26+$0x9EF0]  }
0x14c: {  	v41 =	vadd.f32 v43, v41;
	v43 =	vld [tilespmem:s26+$0x7A80]  }
0x14d: {  	v44 =	vld [tilespmem:s26+$0xA280]  }
0x14e: {  	v50 =	vadd.f32 v46, v47;
	v45 =	vld [tilespmem:s26+$0x7A90]  }
0x14f: {  	v46 =	vld [tilespmem:s26+$0xA290]  }
0x150: {  	v40 =	vadd.f32 v42, v40;
	v42 =	vld [tilespmem:s26+$0x7AA0]  }
0x151: {  	v47 =	vld [tilespmem:s26+$0xA2A0]  }
0x152: {  	v43 =	vadd.f32 v44, v43;
	v44 =	vld [tilespmem:s26+$0x7AB0]  }
0x153: {  	v51 =	vld [tilespmem:s26+$0xA2B0]  }
0x154: {  	v55 =	vadd.f32 v46, v45;
	v45 =	vld [tilespmem:s26+$0x7AC0]  }
0x155: {  	v46 =	vld [tilespmem:s26+$0xA2C0]  }
0x156: {  	v48 =	vadd.f32 v47, v42;
	v42 =	vld [tilespmem:s26+$0x7AD0]  }
0x157: {  	v52 =	vld [tilespmem:s26+$0xA2D0]  }
0x158: {  	v47 =	vadd.f32 v51, v44;
	v44 =	vld [tilespmem:s26+$0x7AE0]  }
0x159: {  	v51 =	vld [tilespmem:s26+$0xA2E0]  }
0x15a: {  	v53 =	vld [tilespmem:s26+$0xC680];
	v46 =	vadd.f32 v46, v45  }
0x15b: {  	v54 =	vld [tilespmem:s26+$0xC690]  }
0x15c: {  	v56 =	vld [tilespmem:s26+$0xC6A0];
	v45 =	vadd.f32 v52, v42  }
0x15d: {  	v52 =	vld [tilespmem:s26+$0xC6B0]  }
0x15e: {  	v57 =	vld [tilespmem:s26+$0xC6C0];
	v42 =	vadd.f32 v51, v44  }
0x15f: {  	v44 =	vadd.f32 v53, v49;
	v49 =	vld [tilespmem:s26+$0xC6D0]  }
0x160: {  	v37 =	vadd.f32 v54, v37;
	v53 =	vld [tilespmem:s26+$0xC6E0]  }
0x161: {  	[tilespmem:s26+$0xEE80] =	vst v44;
	v11 =	vadd.f32 v44, v11;
	v51 =	vmul.f32 v44, v44;
	v44 =	vadd.f32 v56, v38;
	v54 =	vld [tilespmem:s26+$0xC6F0]  }
0x162: {  	[tilespmem:s26+$0xEE90] =	vst v37;
	v10 =	vadd.f32 v37, v10;
	v37 =	vmul.f32 v37, v37;
	v38 =	vadd.f32 v52, v36;
	v56 =	vld [tilespmem:s26+$0xCA80]  }
0x163: {  	v13 =	vadd.f32 v51, v13;
	[tilespmem:s26+$0xEEA0] =	vst v44;
	v52 =	vmul.f32 v44, v44;
	v36 =	vadd.f32 v57, v39;
	v57 =	vld [tilespmem:s26+$0xCA90]  }
.Ltmp2:
0x164: {  	v12 =	vadd.f32 v37, v12;
	[tilespmem:s26+$0xEEB0] =	vst v38;
	v58 =	vmul.f32 v38, v38;
	v37 =	vadd.f32 v49, v41;
	v51 =	vld [tilespmem:s26+$0xCAA0];
	(pc) =	sbr.rel @p1 .LBB2_3-.Ltmp2, $4  }
0x165: {  	v9 =	vadd.f32 v52, v9;
	[tilespmem:s26+$0xEEC0] =	vst v36;
	v41 =	vmul.f32 v36, v36;
	v39 =	vadd.f32 v53, v50;
	v52 =	vld [tilespmem:s26+$0xCAB0]  }
0x166: {  	s28 =	sadd.s32 $0x80, s28;
	v8 =	vadd.f32 v58, v8;
	[tilespmem:s26+$0xEED0] =	vst v37;
	v50 =	vmul.f32 v37, v37;
	v40 =	vadd.f32 v54, v40;
	v53 =	vld [tilespmem:s26+$0xCAC0]  }
0x167: {  	s31 =	sand.u32 $0x380, s28;
	s30 =	sand.u32 $0x3800, s29;
	v7 =	vadd.f32 v41, v7;
	[tilespmem:s26+$0xEEE0] =	vst v39;
	v49 =	vmul.f32 v39, v39;
	v41 =	vadd.f32 v56, v43;
	v54 =	vld [tilespmem:s26+$0xCAD0]  }
0x168: {  	s29 =	sadd.s32 $0x100, s29;
	s30 =	sor.u32 s31, s30;
	v6 =	vadd.f32 v50, v6;
	[tilespmem:s26+$0xEEF0] =	vst v40;
	v50 =	vmul.f32 v40, v40;
	v43 =	vadd.f32 v57, v55;
	v55 =	vld [tilespmem:s26+$0xCAE0]  }
0x169: {  	v56 =	vld [tilespmem:s30+$0x7AF0];
	[tilespmem:s26+$0xF280] =	vst v41;
	v0 =	vadd.f32 v51, v48  }
0x16a: {  	v57 =	vld [tilespmem:s30+$0xA2F0];
	[tilespmem:s26+$0xF290] =	vst v43;
	v48 =	vadd.f32 v52, v47  }
0x16b: {  	v51 =	vld [tilespmem:s30+$0x7680];
	[tilespmem:s26+$0xF2A0] =	vst v0;
	v47 =	vadd.f32 v53, v46  }
0x16c: {  	v2 =	vld [tilespmem:s30+$0xCAF0];
	[tilespmem:s26+$0xF2B0] =	vst v48;
	v54 =	vadd.f32 v54, v45  }
0x16d: {  	v53 =	vld [tilespmem:s30+$0x9E80];
	[tilespmem:s26+$0xF2C0] =	vst v47;
	v55 =	vadd.f32 v55, v42  }
0x16e: {  	v45 =	vld [tilespmem:s30+$0x7690];
	[tilespmem:s26+$0xF2D0] =	vst v54  }
0x16f: {  	v58 =	vld [tilespmem:s30+$0x9E90];
	[tilespmem:s26+$0xF2E0] =	vst v55  }
0x170: {  	[tilespmem:$0x1FEB0] =	vst v0;
	v0 =	vld [tilespmem:s30+$0x76F0];
	_ =	sdelay $0x4  }
0x171: {  	[tilespmem:$0x1FEC0] =	vst v0;
	v0 =	vld [tilespmem:s30+$0x9EF0];
	_ =	sdelay $0x4  }
0x172: {  	[tilespmem:$0x1FED0] =	vst v0;
	v0 =	vld [tilespmem:s30+$0x7A80];
	_ =	sdelay $0x4  }
0x173: {  	[tilespmem:$0x1FEE0] =	vst v0;
	v0 =	vld [tilespmem:s30+$0xA280];
	_ =	sdelay $0x4  }
0x174: {  	[tilespmem:$0x1FEF0] =	vst v0;
	v0 =	vld [tilespmem:s30+$0x7A90];
	_ =	sdelay $0x4  }
0x175: {  	[tilespmem:$0x1FF00] =	vst v0;
	v0 =	vld [tilespmem:s30+$0xA290];
	_ =	sdelay $0x4  }
0x176: {  	[tilespmem:$0x1FF10] =	vst v0;
	v0 =	vld [tilespmem:s30+$0x7AA0];
	_ =	sdelay $0x4  }
0x177: {  	[tilespmem:$0x1FF20] =	vst v0;
	v0 =	vld [tilespmem:s30+$0xA2A0];
	_ =	sdelay $0x4  }
0x178: {  	[tilespmem:$0x1FF30] =	vst v0;
	v0 =	vld [tilespmem:s30+$0x7AB0];
	_ =	sdelay $0x4  }
0x179: {  	[tilespmem:$0x1FF40] =	vst v0;
	v0 =	vld [tilespmem:s30+$0xA2B0];
	_ =	sdelay $0x4  }
0x17a: {  	[tilespmem:$0x1FF50] =	vst v0;
	v0 =	vld [tilespmem:s30+$0x7AC0];
	_ =	sdelay $0x4  }
0x17b: {  	[tilespmem:$0x1FF60] =	vst v0;
	v0 =	vld [tilespmem:s30+$0xA2C0];
	_ =	sdelay $0x4  }
0x17c: {  	[tilespmem:$0x1FF70] =	vst v0;
	v0 =	vld [tilespmem:s30+$0x7AD0];
	_ =	sdelay $0x4  }
0x17d: {  	[tilespmem:$0x1FF80] =	vst v0;
	v0 =	vld [tilespmem:s30+$0xA2D0];
	_ =	sdelay $0x4  }
0x17e: {  	[tilespmem:$0x1FF90] =	vst v0;
	v0 =	vld [tilespmem:s30+$0x7AE0]  }
0x17f: {  	v52 =	vld [tilespmem:s30+$0x76B0]  }
0x180: {  	v59 =	vld [tilespmem:s30+$0x9EB0]  }
0x181: {  	v60 =	vld [tilespmem:s30+$0x76C0]  }
0x182: {  	v1 =	vld [tilespmem:s30+$0xC690]  }
0x183: {  	[tilespmem:$0x1FFA0] =	vst v0;
	v0 =	vld [tilespmem:s30+$0xA2E0]  }
0x184: {  	v61 =	vld [tilespmem:s30+$0x9EC0]  }
0x185: {  	v3 =	vadd.f32 v57, v56;
	v51 =	vadd.f32 v53, v51;
	v53 =	vld [tilespmem:s30+$0xC6B0]  }
0x186: {  	v62 =	vld [tilespmem:s30+$0x76D0];
	v45 =	vadd.f32 v58, v45  }
0x187: {  	v63 =	vld [tilespmem:s30+$0x9ED0];
	v46 =	vadd.f32 v2, v3  }
0x188: {  	v1 =	vadd.f32 v1, v45;
	v45 =	vadd.f32 v59, v52;
	[tilespmem:$0x1FFB0] =	vst v0;
	v0 =	vld [tilespmem:s30+$0xC680]  }
0x189: {  	v42 =	vld [tilespmem:s30+$0x9EE0];
	[tilespmem:$0x1FFC0] =	vst v46;
	v60 =	vadd.f32 v61, v60;
	v61 =	vmul.f32 v41, v41  }
0x18a: {  	[tilespmem:s30+$0xF2F0] =	vst v46;
	v46 =	vld [tilespmem:s30+$0x76E0];
	v53 =	vadd.f32 v53, v45  }
0x18b: {  	v45 =	vadd.f32 v50, v35;
	v35 =	vadd.f32 v61, v34;
	v61 =	vld [tilespmem:$0x1FEC0]  }
0x18c: {  	v59 =	vadd.f32 v63, v62;
	v63 =	vld [tilespmem:$0x1FED0]  }
0x18d: {  	v0 =	vadd.f32 v0, v51;
	v51 =	vld [tilespmem:s30+$0xC6D0]  }
0x18e: {  	v56 =	vld [tilespmem:s30+$0x76A0]  }
0x18f: {  	v57 =	vld [tilespmem:s30+$0x9EA0]  }
0x190: {  	v2 =	vld [tilespmem:s30+$0xC6A0]  }
0x191: {  	v62 =	vld [tilespmem:$0x1FEB0];
	v42 =	vadd.f32 v42, v46  }
0x192: {  	v46 =	vadd.f32 v51, v59;
	v51 =	vadd.f32 v63, v61;
	v61 =	vld [tilespmem:$0x1FEE0]  }
0x193: {  	v63 =	vld [tilespmem:$0x1FEF0]  }
0x194: {  	v56 =	vadd.f32 v57, v56  }
0x195: {  	v34 =	vmul.f32 v43, v43  }
0x196: {  	v2 =	vadd.f32 v2, v56;
	v56 =	vmul.f32 v62, v62  }
0x197: {  	v34 =	vadd.f32 v34, v32  }
0x198: {  	v32 =	vadd.f32 v56, v33;
	v56 =	vadd.f32 v63, v61;
	v61 =	vld [tilespmem:$0x1FF00]  }
0x199: {  	v63 =	vld [tilespmem:$0x1FF10]  }
0x19a: {  	v49 =	vadd.f32 v49, v14;
	v14 =	vmul.f32 v48, v48;
	_ =	sdelay $0x1  }
0x19b: {  	v44 =	vadd.f32 v44, v30;
	v30 =	vadd.f32 v14, v31;
	v14 =	vmul.f32 v47, v47  }
0x19c: {  	v58 =	vld [tilespmem:s30+$0xC6E0]  }
0x19d: {  	v14 =	vadd.f32 v14, v29;
	v29 =	vadd.f32 v63, v61;
	v61 =	vld [tilespmem:$0x1FF20]  }
0x19e: {  	v63 =	vld [tilespmem:$0x1FF30];
	_ =	sdelay $0x1  }
0x19f: {  	v3 =	vld [tilespmem:s30+$0xC6C0]  }
0x1a0: {  	v52 =	vld [tilespmem:s30+$0xCA80]  }
0x1a1: {  	v50 =	vld [tilespmem:s30+$0xCA90]  }
0x1a2: {  	v42 =	vadd.f32 v58, v42;
	v58 =	vadd.f32 v63, v61;
	v61 =	vld [tilespmem:$0x1FF40]  }
0x1a3: {  	v63 =	vld [tilespmem:$0x1FF50];
	_ =	sdelay $0x2  }
0x1a4: {  	v3 =	vadd.f32 v3, v60;
	v60 =	vld [tilespmem:s30+$0xCAA0]  }
0x1a5: {  	v50 =	vadd.f32 v50, v29;
	v29 =	vld [tilespmem:$0x1FF60]  }
0x1a6: {  	v52 =	vadd.f32 v52, v56;
	v56 =	vadd.f32 v63, v61;
	v61 =	vld [tilespmem:$0x1FF70];
	_ =	sdelay $0x1  }
0x1a7: {  	v57 =	vld [tilespmem:s30+$0xC6F0]  }
0x1a8: {  	v33 =	vld [tilespmem:s30+$0xCAB0]  }
0x1a9: {  	v58 =	vadd.f32 v60, v58;
	v60 =	vld [tilespmem:$0x1FF80]  }
0x1aa: {  	[tilespmem:s30+$0xEE90] =	vst v1;
	v29 =	vadd.f32 v61, v29;
	v61 =	vld [tilespmem:$0x1FF90]  }
0x1ab: {  	[tilespmem:s30+$0xEEA0] =	vst v2  }
0x1ac: {  	[tilespmem:s30+$0xEEC0] =	vst v3  }
0x1ad: {  	v31 =	vld [tilespmem:s30+$0xCAC0];
	[tilespmem:s30+$0xEEB0] =	vst v53  }
0x1ae: {  	[tilespmem:s30+$0xEEE0] =	vst v42;
	v33 =	vadd.f32 v33, v56;
	v56 =	vld [tilespmem:$0x1FFA0]  }
0x1af: {  	[tilespmem:s30+$0xEE80] =	vst v0;
	v51 =	vadd.f32 v57, v51;
	v60 =	vadd.f32 v61, v60;
	v61 =	vld [tilespmem:$0x1FFB0]  }
0x1b0: {  	[tilespmem:s30+$0xEED0] =	vst v46;
	v57 =	vld [tilespmem:s30+$0xCAD0]  }
0x1b1: {  	v59 =	vld [tilespmem:s30+$0xCAE0];
	[tilespmem:s30+$0xEEF0] =	vst v51  }
0x1b2: {  	[tilespmem:s30+$0xF280] =	vst v52  }
0x1b3: {  	[tilespmem:s30+$0xF290] =	vst v50  }
0x1b4: {  	[tilespmem:s30+$0xF2A0] =	vst v58;
	v31 =	vadd.f32 v31, v29;
	v56 =	vadd.f32 v61, v56;
	v61 =	vmul.f32 v54, v54  }
0x1b5: {  	v38 =	vadd.f32 v38, v27;
	[tilespmem:s30+$0xF2B0] =	vst v33;
	v29 =	vadd.f32 v57, v60  }
0x1b6: {  	[tilespmem:s30+$0xF2C0] =	vst v31;
	v27 =	vadd.f32 v61, v18;
	v18 =	vadd.f32 v59, v56  }
0x1b7: {  	v17 =	vadd.f32 v36, v17;
	[tilespmem:s30+$0xF2D0] =	vst v29  }
0x1b8: {  	v15 =	vadd.f32 v37, v15;
	v22 =	vadd.f32 v39, v22;
	[tilespmem:s30+$0xF2E0] =	vst v18  }
0x1b9: {  	v19 =	vadd.f32 v40, v19;
	v20 =	vadd.f32 v41, v20;
	v61 =	vld [tilespmem:$0x1B680]  }
0x1ba: {  	v24 =	vadd.f32 v43, v24;
	v23 =	vadd.f32 v48, v23;
	v63 =	vld [tilespmem:$0x1B700]  }
0x1bb: {  	v28 =	vadd.f32 v47, v28;
	v26 =	vadd.f32 v54, v26;
	v47 =	vmul.f32 v0, v0;
	v48 =	vld [tilespmem:$0x1B690]  }
0x1bc: {  	v21 =	vadd.f32 v55, v21;
	v25 =	vadd.f32 v62, v25;
	v54 =	vld [tilespmem:$0x1B710]  }
0x1bd: {  	v0 =	vadd.f32 v0, v11;
	v13 =	vadd.f32 v47, v13;
	v60 =	vmul.f32 v55, v55;
	v56 =	vld [tilespmem:$0x1B6A0]  }
0x1be: {  	v47 =	vadd.f32 v53, v38;
	v55 =	vmul.f32 v1, v1;
	v1 =	vadd.f32 v1, v10;
	v57 =	vld [tilespmem:$0x1B720]  }
0x1bf: {  	v16 =	vadd.f32 v60, v16;
	v60 =	vld [tilespmem:$0x1B6B0];
	v0 =	vadd.f32 v61, v0  }
0x1c0: {  	v12 =	vadd.f32 v55, v12;
	v59 =	vmul.f32 v2, v2;
	v62 =	vld [tilespmem:$0x1B730];
	v13 =	vadd.f32 v63, v13  }
0x1c1: {  	v2 =	vadd.f32 v2, v44;
	v44 =	vld [tilespmem:$0x1B6C0];
	v61 =	vadd.f32 v48, v1;
	[tilespmem:$0x1B680] =	vst v0  }
0x1c2: {  	v9 =	vadd.f32 v59, v9;
	v55 =	vld [tilespmem:$0x1B6D0];
	v63 =	vmul.f32 v53, v53;
	v11 =	vadd.f32 v54, v12;
	[tilespmem:$0x1B700] =	vst v13  }
0x1c3: {  	v38 =	vadd.f32 v42, v22;
	v37 =	vld [tilespmem:$0x1B6F0];
	v48 =	vadd.f32 v56, v2;
	[tilespmem:$0x1B690] =	vst v61  }
0x1c4: {  	v53 =	vld [tilespmem:$0x1B740];
	v9 =	vadd.f32 v57, v9;
	v8 =	vadd.f32 v63, v8;
	[tilespmem:$0x1B710] =	vst v11  }
0x1c5: {  	v54 =	vmul.f32 v3, v3;
	v3 =	vadd.f32 v3, v17;
	v56 =	vadd.f32 v60, v47;
	v57 =	vld [tilespmem:$0x1B750];
	[tilespmem:$0x1B6A0] =	vst v48  }
0x1c6: {  	v59 =	vmul.f32 v46, v46;
	v60 =	vld [tilespmem:$0x1B6E0];
	[tilespmem:$0x1B720] =	vst v9;
	v61 =	vadd.f32 v46, v15;
	v1 =	vadd.f32 v62, v8  }
0x1c7: {  	v41 =	vmul.f32 v51, v51;
	v40 =	vld [tilespmem:$0x1B770];
	v7 =	vadd.f32 v54, v7;
	[tilespmem:$0x1B6B0] =	vst v56;
	v62 =	vadd.f32 v44, v3  }
0x1c8: {  	v43 =	vld [tilespmem:$0x1B780];
	v6 =	vadd.f32 v59, v6;
	v17 =	vmul.f32 v42, v42;
	v39 =	vadd.f32 v55, v61;
	[tilespmem:$0x1B730] =	vst v1  }
0x1c9: {  	v10 =	vadd.f32 v41, v45;
	v47 =	vld [tilespmem:$0x1B800];
	v36 =	vadd.f32 v53, v7;
	[tilespmem:$0x1B6C0] =	vst v62  }
0x1ca: {  	v63 =	vld [tilespmem:$0x1B760];
	v12 =	vadd.f32 v17, v49;
	v48 =	vmul.f32 v52, v52;
	v42 =	vadd.f32 v57, v6;
	[tilespmem:$0x1B6D0] =	vst v39  }
0x1cb: {  	v59 =	vld [tilespmem:$0x1B7A0];
	v56 =	vmul.f32 v50, v50;
	v44 =	vadd.f32 v51, v19;
	v46 =	vadd.f32 v60, v38;
	[tilespmem:$0x1B740] =	vst v36  }
0x1cc: {  	v51 =	vld [tilespmem:$0x1B790];
	v8 =	vadd.f32 v48, v35;
	v57 =	vadd.f32 v40, v10;
	[tilespmem:$0x1B750] =	vst v42  }
0x1cd: {  	v55 =	vld [tilespmem:$0x1B810];
	v11 =	vadd.f32 v56, v34;
	v54 =	vadd.f32 v37, v44;
	[tilespmem:$0x1B6E0] =	vst v46  }
0x1ce: {  	v19 =	vld [tilespmem:$0x1B7B0];
	v53 =	vadd.f32 v52, v20;
	v17 =	vadd.f32 v47, v8;
	[tilespmem:$0x1B770] =	vst v57  }
0x1cf: {  	v34 =	vld [tilespmem:$0x1B7C0];
	v20 =	vadd.f32 v58, v25;
	v49 =	vadd.f32 v63, v12;
	[tilespmem:$0x1B6F0] =	vst v54  }
0x1d0: {  	v56 =	vld [tilespmem:$0x1FFC0];
	v60 =	vadd.f32 v50, v24;
	v61 =	vadd.f32 v43, v53;
	[tilespmem:$0x1B800] =	vst v17  }
0x1d1: {  	v41 =	vadd.f32 v31, v28;
	v24 =	vld [tilespmem:$0x1B830];
	v63 =	vmul.f32 v58, v58;
	v36 =	vadd.f32 v59, v20;
	[tilespmem:$0x1B760] =	vst v49  }
0x1d2: {  	v35 =	vadd.f32 v33, v23;
	v25 =	vmul.f32 v33, v33;
	v40 =	vld [tilespmem:$0x1B7D0];
	[tilespmem:$0x1B780] =	vst v61;
	v22 =	vadd.f32 v51, v60  }
0x1d3: {  	v62 =	vld [tilespmem:$0x1B820];
	v12 =	vadd.f32 v63, v32;
	v32 =	vadd.f32 v55, v11;
	[tilespmem:$0x1B7A0] =	vst v36  }
0x1d4: {  	v37 =	vld [tilespmem:$0x1B840];
	v10 =	vadd.f32 v25, v30;
	v42 =	vadd.f32 v19, v35;
	[tilespmem:$0x1B790] =	vst v22  }
0x1d5: {  	v38 =	vmul.f32 v31, v31;
	v52 =	vld [tilespmem:$0x1B7F0];
	v47 =	vadd.f32 v29, v26;
	v48 =	vadd.f32 v34, v41;
	[tilespmem:$0x1B810] =	vst v32  }
0x1d6: {  	v43 =	vld [tilespmem:$0x1B850];
	v45 =	vadd.f32 v24, v10;
	[tilespmem:$0x1B7B0] =	vst v42  }
0x1d7: {  	v44 =	vmul.f32 v29, v29;
	v9 =	vadd.f32 v38, v14;
	v46 =	vld [tilespmem:$0x1B7E0];
	v54 =	vadd.f32 v40, v47;
	[tilespmem:$0x1B7C0] =	vst v48  }
0x1d8: {  	v49 =	vld [tilespmem:$0x1B860];
	v5 =	vadd.f32 v56, v5;
	v39 =	vadd.f32 v62, v12;
	[tilespmem:$0x1B830] =	vst v45  }
0x1d9: {  	v50 =	vmul.f32 v18, v18;
	v11 =	vadd.f32 v44, v27;
	v55 =	vld [tilespmem:$0x1B870];
	v51 =	vadd.f32 v37, v9;
	[tilespmem:$0x1B7D0] =	vst v54  }
0x1da: {  	v53 =	vadd.f32 v18, v21;
	v57 =	vmul.f32 v56, v56;
	v62 =	vadd.f32 v52, v5;
	[tilespmem:$0x1B820] =	vst v39  }
0x1db: {  	v12 =	vadd.f32 v50, v16;
	v58 =	vadd.f32 v43, v11;
	[tilespmem:$0x1B840] =	vst v51  }
0x1dc: {  	p1 =	seq.s32 s25, $0x7C;
	s26 =	smul.u32 $0x50, s25;
	v60 =	vadd.f32 v57, v4;
	v59 =	vadd.f32 v46, v53;
	[tilespmem:$0x1B7F0] =	vst v62  }
.Ltmp3:
0x1dd: {  	[tilespmem:$0x1B850] =	vst v58;
	v61 =	vadd.f32 v49, v12;
	(pc) =	sbr.rel @p1 .LBB2_6-.Ltmp3, $4  }
0x1de: {  	s28 =	sadd.s32 s5, s26;
	[tilespmem:$0x1B7E0] =	vst v59;
	v63 =	vadd.f32 v55, v60  }
0x1df: {  	s28 =	sshll.u32 s28, $0x5;
	[tilespmem:$0x1B860] =	vst v61  }
0x1e0: {  	s28 =	sadd.s32 s4, s28;
	[tilespmem:$0x1B870] =	vst v63  }
0x1e1: {  	[hbm4b:s28+s2] =	stream.linear.scatter [tilespmem:s22], [sflag:$0x3], $0x2800, $0x38;
	[tilespmem:$0x1B880] =	vst v63  }
0x1e2: {  	v0 =	vld [tilespmem:s26+$0x50];
	_ =	sdelay $0x2  }
0x1e3: {  	v2 =	vld [tilespmem:$0x1FFD0]  }
0x1e4: {  	v3 =	vld [tilespmem:$0x1FFE0]  }
0x1e5: {  	v4 =	vld [tilespmem:$0x1FFF0];
	v1 =	vshll.u32 v0, $0x1  }
0x1e6: {  	v0 =	vand.u32 $0x7, v0;
	v1 =	vand.u32 $0xFFFFFFF0, v1  }
0x1e7: {  	v0 =	vor.u32 v0, v1  }
0x1e8: {  	v1 =	vperm.xlane v0, v2;
	_ =	sdelay $0x1  }
0x1e9: {  	v0 =	vperm.xlane v0, v4;
	v1 =	vadd.s32 v3, v1;
	_ =	sdelay $0x1  }
0x1ea: {  	v0 =	vadd.s32 v3, v0;
	_ =	sdelay $0x1  }
0x1eb: {  	s1 =	simm.s32 $0x7680  }
0x1ec: {  	[tilespmem:s1], [sflag:$0x1] =	stream.indirect_vreg.gather [hbm4b:s3+s2], $0x80, v1, vm0, $0xb8;
	[tilespmem:$0x1B880] =	vst v63  }
0x1ed: {  	s30 =	simm.s32 $0x7E80  }
0x1ee: {  	[tilespmem:s30], [sflag:$0x1] =	stream.indirect_vreg.gather [hbm4b:s3+s2], $0x80, v0, vm0, $0xb8;
	[tilespmem:$0x1B880] =	vst v63  }
0x1ef: {  	v0 =	vld [tilespmem:s26+$0x60];
	_ =	sdelay $0x4  }
0x1f0: {  	v56 =	vshll.u32 v0, $0x1  }
0x1f1: {  	v0 =	vand.u32 $0x7, v0;
	v1 =	vand.u32 $0xFFFFFFF0, v56  }
0x1f2: {  	v0 =	vor.u32 v0, v1  }
0x1f3: {  	v1 =	vperm.xlane v0, v2;
	_ =	sdelay $0x1  }
0x1f4: {  	v0 =	vperm.xlane v0, v4;
	v1 =	vadd.s32 v3, v1;
	_ =	sdelay $0x1  }
0x1f5: {  	v0 =	vadd.s32 v3, v0;
	_ =	sdelay $0x1  }
0x1f6: {  	s31 =	simm.s32 $0x8680  }
0x1f7: {  	[tilespmem:s31], [sflag:$0x1] =	stream.indirect_vreg.gather [hbm4b:s3+s2], $0x80, v1, vm0, $0xb8;
	[tilespmem:$0x1B880] =	vst v63  }
0x1f8: {  	s28 =	simm.s32 $0x8E80  }
0x1f9: {  	[tilespmem:s28], [sflag:$0x1] =	stream.indirect_vreg.gather [hbm4b:s3+s2], $0x80, v0, vm0, $0xb8;
	[tilespmem:$0x1B880] =	vst v63  }
0x1fa: {  	v0 =	vld.msk [tilespmem:s26+$0x70], $0xff;
	_ =	sdelay $0x4  }
0x1fb: {  	v57 =	vshll.u32 v0, $0x1  }
0x1fc: {  	v0 =	vand.u32 $0x7, v0;
	v1 =	vand.u32 $0xFFFFFFF0, v57  }
0x1fd: {  	v0 =	vor.u32 v0, v1  }
0x1fe: {  	v0 =	vperm.xlane v0, v2;
	_ =	sdelay $0x1  }
0x1ff: {  	v0 =	vadd.s32 v3, v0;
	_ =	sdelay $0x3  }
0x200: {  	s29 =	simm.s32 $0x9680  }
0x201: {  	[tilespmem:s29], [sflag:$0x1] =	stream.indirect_vreg.gather [hbm4b:s3+s2], $0x80, v0, vm0, $0xb8;
	[tilespmem:$0x1B880] =	vst v63  }
0x202: {  	v0 =	vld [tilespmem:s26+$0x27D0];
	_ =	sdelay $0x4  }
0x203: {  	v58 =	vshll.u32 v0, $0x1  }
0x204: {  	v0 =	vand.u32 $0x7, v0;
	v1 =	vand.u32 $0xFFFFFFF0, v58  }
0x205: {  	v0 =	vor.u32 v0, v1  }
0x206: {  	v1 =	vperm.xlane v0, v2;
	_ =	sdelay $0x1  }
0x207: {  	v0 =	vperm.xlane v0, v4;
	v1 =	vadd.s32 v3, v1;
	_ =	sdelay $0x1  }
0x208: {  	v0 =	vadd.s32 v3, v0;
	_ =	sdelay $0x1  }
0x209: {  	s30 =	simm.s32 $0x9E80  }
0x20a: {  	[tilespmem:s30], [sflag:$0x1] =	stream.indirect_vreg.gather [hbm4b:s3+s2], $0x80, v1, vm0, $0xb8;
	[tilespmem:$0x1B880] =	vst v63  }
0x20b: {  	s31 =	simm.s32 $0xA680  }
0x20c: {  	[tilespmem:s31], [sflag:$0x1] =	stream.indirect_vreg.gather [hbm4b:s3+s2], $0x80, v0, vm0, $0xb8;
	[tilespmem:$0x1B880] =	vst v63  }
0x20d: {  	v0 =	vld [tilespmem:s26+$0x27E0];
	_ =	sdelay $0x4  }
0x20e: {  	v59 =	vshll.u32 v0, $0x1  }
0x20f: {  	v0 =	vand.u32 $0x7, v0;
	v1 =	vand.u32 $0xFFFFFFF0, v59  }
0x210: {  	v0 =	vor.u32 v0, v1  }
0x211: {  	v1 =	vperm.xlane v0, v2;
	_ =	sdelay $0x1  }
0x212: {  	v0 =	vperm.xlane v0, v4;
	v1 =	vadd.s32 v3, v1;
	_ =	sdelay $0x1  }
0x213: {  	v0 =	vadd.s32 v3, v0;
	_ =	sdelay $0x1  }
0x214: {  	s28 =	simm.s32 $0xAE80  }
0x215: {  	[tilespmem:s28], [sflag:$0x1] =	stream.indirect_vreg.gather [hbm4b:s3+s2], $0x80, v1, vm0, $0xb8;
	[tilespmem:$0x1B880] =	vst v63  }
0x216: {  	s29 =	simm.s32 $0xB680  }
0x217: {  	[tilespmem:s29], [sflag:$0x1] =	stream.indirect_vreg.gather [hbm4b:s3+s2], $0x80, v0, vm0, $0xb8;
	[tilespmem:$0x1B880] =	vst v63  }
0x218: {  	v0 =	vld.msk [tilespmem:s26+$0x27F0], $0xff;
	_ =	sdelay $0x4  }
0x219: {  	v60 =	vshll.u32 v0, $0x1  }
0x21a: {  	v0 =	vand.u32 $0x7, v0;
	v1 =	vand.u32 $0xFFFFFFF0, v60  }
0x21b: {  	v0 =	vor.u32 v0, v1  }
0x21c: {  	v0 =	vperm.xlane v0, v2;
	_ =	sdelay $0x1  }
0x21d: {  	v0 =	vadd.s32 v3, v0;
	_ =	sdelay $0x3  }
0x21e: {  	s30 =	simm.s32 $0xBE80  }
0x21f: {  	[tilespmem:s30], [sflag:$0x1] =	stream.indirect_vreg.gather [hbm4b:s3+s2], $0x80, v0, vm0, $0xb8;
	[tilespmem:$0x1B880] =	vst v63  }
0x220: {  	v0 =	vld [tilespmem:s26+$0x4F50];
	_ =	sdelay $0x4  }
0x221: {  	v61 =	vshll.u32 v0, $0x1  }
0x222: {  	v0 =	vand.u32 $0x7, v0;
	v1 =	vand.u32 $0xFFFFFFF0, v61  }
0x223: {  	v0 =	vor.u32 v0, v1  }
0x224: {  	v1 =	vperm.xlane v0, v2;
	_ =	sdelay $0x1  }
0x225: {  	v0 =	vperm.xlane v0, v4;
	v1 =	vadd.s32 v3, v1;
	_ =	sdelay $0x1  }
0x226: {  	v0 =	vadd.s32 v3, v0;
	_ =	sdelay $0x1  }
0x227: {  	s31 =	simm.s32 $0xC680  }
0x228: {  	[tilespmem:s31], [sflag:$0x1] =	stream.indirect_vreg.gather [hbm4b:s3+s2], $0x80, v1, vm0, $0xb8;
	[tilespmem:$0x1B880] =	vst v63  }
0x229: {  	s28 =	simm.s32 $0xCE80  }
0x22a: {  	[tilespmem:s28], [sflag:$0x1] =	stream.indirect_vreg.gather [hbm4b:s3+s2], $0x80, v0, vm0, $0xb8;
	[tilespmem:$0x1B880] =	vst v63  }
0x22b: {  	v0 =	vld [tilespmem:s26+$0x4F60];
	_ =	sdelay $0x4  }
0x22c: {  	v62 =	vshll.u32 v0, $0x1  }
0x22d: {  	v0 =	vand.u32 $0x7, v0;
	v1 =	vand.u32 $0xFFFFFFF0, v62  }
0x22e: {  	v0 =	vor.u32 v0, v1  }
0x22f: {  	v1 =	vperm.xlane v0, v2;
	_ =	sdelay $0x1  }
0x230: {  	v0 =	vperm.xlane v0, v4;
	v1 =	vadd.s32 v3, v1;
	_ =	sdelay $0x1  }
0x231: {  	v0 =	vadd.s32 v3, v0;
	_ =	sdelay $0x1  }
0x232: {  	s29 =	simm.s32 $0xD680  }
0x233: {  	[tilespmem:s29], [sflag:$0x1] =	stream.indirect_vreg.gather [hbm4b:s3+s2], $0x80, v1, vm0, $0xb8;
	[tilespmem:$0x1B880] =	vst v63  }
0x234: {  	s30 =	simm.s32 $0xDE80  }
0x235: {  	[tilespmem:s30], [sflag:$0x1] =	stream.indirect_vreg.gather [hbm4b:s3+s2], $0x80, v0, vm0, $0xb8;
	[tilespmem:$0x1B880] =	vst v63  }
0x236: {  	v0 =	vld.msk [tilespmem:s26+$0x4F70], $0xff;
	_ =	sdelay $0x4  }
0x237: {  	v63 =	vshll.u32 v0, $0x1  }
0x238: {  	v0 =	vand.u32 $0x7, v0;
	v1 =	vand.u32 $0xFFFFFFF0, v63  }
0x239: {  	v0 =	vor.u32 v0, v1  }
0x23a: {  	v0 =	vperm.xlane v0, v2;
	_ =	sdelay $0x1  }
0x23b: {  	v0 =	vadd.s32 v3, v0;
	_ =	sdelay $0x3  }
0x23c: {  	s31 =	simm.s32 $0xE680  }
0x23d: {  	[tilespmem:s31], [sflag:$0x1] =	stream.indirect_vreg.gather [hbm4b:s3+s2], $0x80, v0, vm0, $0xb8;
	[tilespmem:$0x1B880] =	vst v63  }
.LBB2_6:
0x23e: {  	_ =	swait.ge [sflag:s23], $0x2800  }
0x23f: {  	[sflag:s23] =	ssyncset.done $0x0  }
0x240: {  	[sflag:s23] =	ssyncadd.s32 $0xFFFFD800  }
0x241: {  	_ =	swait.ge [sflag:s23], $0x2800  }
0x242: {  	[sflag:s23] =	ssyncset.done $0x0  }
0x243: {  	[sflag:s23] =	ssyncadd.s32 $0xFFFFD800  }
0x244: {  	_ =	swait.ge [sflag:s23], $0x2800  }
0x245: {  	[sflag:s23] =	ssyncset.done $0x0  }
0x246: {  	s28 =	simm.s32 @!p0 $0x4;
	[sflag:s23] =	ssyncadd.s32 $0xFFFFD800  }
0x247: {  	s29 =	simm.s32 $0x0;
	_ =	swait.ge @!p0 [sflag:s28], $0x2800  }
0x248: {  	s30 =	sand.u32 $0x3800, s29;
	s29 =	sand.u32 $0x380, s29;
	[sflag:s28] =	ssyncset.done @!p0 $0x0  }
0x249: {  	[sflag:s28] =	ssyncadd.s32 @!p0 $0xFFFFD800;
	s28 =	sor.u32 s29, s30  }
0x24a: {  	v0 =	vld [tilespmem:s28+$0x11AF0]  }
0x24b: {  	v1 =	vld [tilespmem:s28+$0x142F0]  }
0x24c: {  	v2 =	vld [tilespmem:s28+$0x11680]  }
0x24d: {  	v3 =	vld [tilespmem:s28+$0x16AF0]  }
0x24e: {  	v4 =	vld [tilespmem:s28+$0x13E80]  }
0x24f: {  	v5 =	vld [tilespmem:s28+$0x11690]  }
0x250: {  	v6 =	vld [tilespmem:s28+$0x13E90]  }
0x251: {  	v57 =	vld [tilespmem:s28+$0x116A0]  }
0x252: {  	v7 =	vld [tilespmem:s28+$0x13EA0]  }
0x253: {  	v8 =	vld [tilespmem:s28+$0x13EB0]  }
0x254: {  	v9 =	vld [tilespmem:s28+$0x116C0]  }
0x255: {  	v10 =	vld [tilespmem:s28+$0x13EC0]  }
0x256: {  	v13 =	vld [tilespmem:s28+$0x116E0]  }
0x257: {  	v15 =	vld [tilespmem:s28+$0x13EE0]  }
0x258: {  	v16 =	vld [tilespmem:s28+$0x116F0]  }
0x259: {  	v17 =	vld [tilespmem:s28+$0x13EF0]  }
0x25a: {  	v18 =	vld [tilespmem:s28+$0x11A80]  }
0x25b: {  	v19 =	vld [tilespmem:s28+$0x14280]  }
0x25c: {  	v20 =	vld [tilespmem:s28+$0x11A90]  }
0x25d: {  	v21 =	vld [tilespmem:s28+$0x14290]  }
0x25e: {  	v22 =	vld [tilespmem:s28+$0x11AA0]  }
0x25f: {  	v23 =	vld [tilespmem:s28+$0x142A0]  }
0x260: {  	v24 =	vld [tilespmem:s28+$0x11AB0]  }
0x261: {  	v25 =	vld [tilespmem:s28+$0x142B0]  }
0x262: {  	v26 =	vld [tilespmem:s28+$0x11AC0]  }
0x263: {  	v27 =	vld [tilespmem:s28+$0x142C0]  }
0x264: {  	v28 =	vld [tilespmem:s28+$0x11AD0]  }
0x265: {  	v29 =	vld [tilespmem:s28+$0x142D0]  }
0x266: {  	v30 =	vld [tilespmem:s28+$0x11AE0];
	v0 =	vadd.f32 v1, v0  }
0x267: {  	v32 =	vld [tilespmem:s28+$0x142E0];
	v2 =	vadd.f32 v4, v2;
	v6 =	vadd.f32 v6, v5  }
0x268: {  	v11 =	vld [tilespmem:s28+$0x116D0];
	v1 =	vadd.f32 v7, v57;
	v15 =	vadd.f32 v15, v13  }
0x269: {  	v14 =	vimm.f32 $0.0e+00;
	v12 =	vld [tilespmem:s28+$0x13ED0];
	v16 =	vadd.f32 v17, v16;
	v18 =	vadd.f32 v19, v18  }
0x26a: {  	v35 =	vimm.f32 $0.0e+00;
	v33 =	vld [tilespmem:s28+$0x16680];
	v19 =	vadd.f32 v21, v20;
	v48 =	vadd.f32 v23, v22  }
0x26b: {  	v34 =	vimm.f32 $0.0e+00;
	v60 =	vld [tilespmem:s28+$0x16A80];
	v47 =	vadd.f32 v25, v24;
	v46 =	vadd.f32 v27, v26  }
0x26c: {  	v62 =	vld [tilespmem:s28+$0x16A90];
	v45 =	vadd.f32 v29, v28;
	v42 =	vadd.f32 v32, v30;
	v32 =	vimm.f32 $0.0e+00  }
0x26d: {  	v7 =	vld [tilespmem:s28+$0x166A0];
	v30 =	vimm.f32 $0.0e+00;
	v29 =	vimm.f32 $0.0e+00;
	v27 =	vimm.f32 $0.0e+00  }
0x26e: {  	v22 =	vimm.f32 $0.0e+00;
	v24 =	vimm.f32 $0.0e+00;
	v0 =	vadd.f32 v3, v0;
	v3 =	vld [tilespmem:s28+$0x116B0]  }
0x26f: {  	v20 =	vld [tilespmem:s28+$0x166E0];
	v25 =	vimm.f32 $0.0e+00;
	v23 =	vimm.f32 $0.0e+00;
	v28 =	vimm.f32 $0.0e+00  }
0x270: {  	v21 =	vld [tilespmem:s28+$0x166F0];
	v26 =	vimm.f32 $0.0e+00;
	v2 =	vadd.f32 v33, v2;
	v41 =	vadd.f32 v60, v18  }
0x271: {  	v58 =	vld [tilespmem:s28+$0x166B0];
	v43 =	vadd.f32 v62, v19;
	v33 =	vimm.f32 $0.0e+00;
	v31 =	vmul.f32 v0, v0  }
0x272: {  	v17 =	vld [tilespmem:s28+$0x166D0];
	v18 =	vimm.f32 $0.0e+00;
	v5 =	vadd.f32 v0, v14;
	v44 =	vadd.f32 v7, v1  }
0x273: {  	v19 =	vimm.f32 $0.0e+00;
	v4 =	vadd.f32 v31, v14;
	v31 =	vld [tilespmem:s28+$0x16690];
	v3 =	vadd.f32 v8, v3  }
0x274: {  	v59 =	vmul.f32 v2, v2;
	v8 =	vadd.f32 v10, v9;
	v9 =	vadd.f32 v12, v11;
	v12 =	vld [tilespmem:s28+$0x166C0]  }
0x275: {  	[tilespmem:s28+$0x192F0] =	vst v0;
	v39 =	vadd.f32 v20, v15;
	v40 =	vadd.f32 v21, v16;
	v16 =	vimm.f32 $0.0e+00  }
0x276: {  	[tilespmem:s28+$0x18E80] =	vst v2;
	v15 =	vimm.f32 $0.0e+00;
	v20 =	vimm.f32 $0.0e+00;
	v13 =	vadd.f32 v59, v14  }
0x277: {  	v21 =	vimm.f32 $0.0e+00;
	v11 =	vadd.f32 v2, v14;
	[tilespmem:s28+$0x18EA0] =	vst v44;
	v38 =	vadd.f32 v58, v3  }
0x278: {  	v61 =	vmul.f32 v44, v44;
	v49 =	vmul.f32 v39, v39;
	[tilespmem:s28+$0x18EE0] =	vst v39;
	v6 =	vadd.f32 v31, v6  }
0x279: {  	v51 =	vld [tilespmem:s28+$0x16AA0];
	[tilespmem:s28+$0x18EF0] =	vst v40;
	v37 =	vadd.f32 v17, v9;
	v3 =	vmul.f32 v38, v38;
	v36 =	vadd.f32 v12, v8  }
0x27a: {  	v52 =	vld [tilespmem:s28+$0x16AB0];
	v50 =	vmul.f32 v40, v40;
	[tilespmem:s28+$0x18E90] =	vst v6;
	v10 =	vadd.f32 v6, v14;
	v6 =	vmul.f32 v6, v6  }
0x27b: {  	s30 =	simm.s32 $0x100;
	s29 =	simm.s32 $0x80;
	v53 =	vld [tilespmem:s28+$0x16AC0];
	[tilespmem:s28+$0x18EB0] =	vst v38;
	v8 =	vadd.f32 v3, v14;
	v3 =	vmul.f32 v37, v37;
	v63 =	vmul.f32 v36, v36  }
0x27c: {  	v54 =	vld [tilespmem:s28+$0x16AD0];
	s30 =	sand.u32 $0x3800, s30;
	s31 =	sand.u32 $0x380, s29;
	v9 =	vadd.f32 v61, v14;
	v17 =	vimm.f32 $0.0e+00;
	[tilespmem:s28+$0x18ED0] =	vst v37;
	v12 =	vadd.f32 v6, v14  }
0x27d: {  	v55 =	vld [tilespmem:s28+$0x16AE0];
	s31 =	sor.u32 s31, s30;
	s30 =	simm.s32 $0x200;
	v31 =	vimm.f32 $0.0e+00;
	[tilespmem:s28+$0x18EC0] =	vst v36;
	v6 =	vadd.f32 v3, v14;
	v7 =	vadd.f32 v63, v14  }
.LBB2_7:
0x27e: {  	p0 =	sne.s32 s30, $0x2700;
	v0 =	vld [tilespmem:s31+$0x11AF0];
	v14 =	vadd.f32 v49, v14;
	[tilespmem:s28+$0x19280] =	vst v41;
	v1 =	vmul.f32 v41, v41;
	v2 =	vadd.f32 v51, v48  }
0x27f: {  	v3 =	vld [tilespmem:s31+$0x142F0];
	v35 =	vadd.f32 v50, v35;
	[tilespmem:s28+$0x19290] =	vst v43;
	v48 =	vmul.f32 v43, v43;
	v47 =	vadd.f32 v52, v47  }
0x280: {  	v49 =	vld [tilespmem:s31+$0x11680];
	v34 =	vadd.f32 v1, v34;
	[tilespmem:s28+$0x192A0] =	vst v2;
	v1 =	vmul.f32 v2, v2;
	v46 =	vadd.f32 v53, v46  }
0x281: {  	v50 =	vld [tilespmem:s31+$0x16AF0];
	v32 =	vadd.f32 v48, v32;
	[tilespmem:s28+$0x192B0] =	vst v47;
	v48 =	vmul.f32 v47, v47;
	v45 =	vadd.f32 v54, v45  }
0x282: {  	v51 =	vld [tilespmem:s31+$0x13E80];
	v33 =	vadd.f32 v1, v33;
	[tilespmem:s28+$0x192C0] =	vst v46;
	v1 =	vmul.f32 v46, v46;
	v42 =	vadd.f32 v55, v42  }
0x283: {  	v30 =	vadd.f32 v44, v30;
	v52 =	vld [tilespmem:s31+$0x11690];
	v31 =	vadd.f32 v48, v31;
	[tilespmem:s28+$0x192D0] =	vst v45;
	v44 =	vmul.f32 v45, v45  }
0x284: {  	v48 =	vld [tilespmem:s31+$0x13E90];
	v0 =	vadd.f32 v3, v0;
	v29 =	vadd.f32 v1, v29;
	[tilespmem:s28+$0x192E0] =	vst v42;
	v1 =	vmul.f32 v42, v42;
	s28 =	smov.u32 s31  }
0x285: {  	v27 =	vadd.f32 v38, v27;
	v3 =	vld [tilespmem:s28+$0x116A0];
	v18 =	vadd.f32 v44, v18  }
0x286: {  	v38 =	vld [tilespmem:s28+$0x13EA0];
	v0 =	vadd.f32 v50, v0;
	v16 =	vadd.f32 v1, v16  }
0x287: {  	v17 =	vadd.f32 v36, v17;
	v1 =	vadd.f32 v51, v49;
	v44 =	vld [tilespmem:s28+$0x116B0]  }
0x288: {  	v15 =	vadd.f32 v37, v15;
	v22 =	vadd.f32 v39, v22;
	v36 =	vld [tilespmem:s28+$0x13EB0];
	[tilespmem:s28+$0x192F0] =	vst v0;
	v49 =	vmul.f32 v0, v0  }
0x289: {  	v19 =	vadd.f32 v40, v19;
	v37 =	vadd.f32 v48, v52;
	v39 =	vld [tilespmem:s28+$0x116C0]  }
0x28a: {  	v20 =	vadd.f32 v41, v20;
	v40 =	vld [tilespmem:s28+$0x13EC0];
	v4 =	vadd.f32 v49, v4  }
0x28b: {  	v24 =	vadd.f32 v43, v24;
	v3 =	vadd.f32 v38, v3;
	v38 =	vld [tilespmem:s28+$0x116D0]  }
0x28c: {  	v25 =	vadd.f32 v2, v25;
	v23 =	vadd.f32 v47, v23;
	v41 =	vld [tilespmem:s28+$0x13ED0]  }
0x28d: {  	v28 =	vadd.f32 v46, v28;
	v2 =	vadd.f32 v36, v44;
	v36 =	vld [tilespmem:s28+$0x116E0]  }
0x28e: {  	v26 =	vadd.f32 v45, v26;
	v21 =	vadd.f32 v42, v21;
	v43 =	vld [tilespmem:s28+$0x13EE0]  }
0x28f: {  	v5 =	vadd.f32 v0, v5;
	v39 =	vadd.f32 v40, v39;
	v40 =	vld [tilespmem:s28+$0x116F0]  }
0x290: {  	v0 =	vld [tilespmem:s28+$0x13EF0]  }
0x291: {  	v41 =	vadd.f32 v41, v38;
	v38 =	vld [tilespmem:s28+$0x11A80]  }
0x292: {  	v42 =	vld [tilespmem:s28+$0x14280]  }
0x293: {  	v43 =	vadd.f32 v43, v36;
	v36 =	vld [tilespmem:s28+$0x11A90]  }
0x294: {  	v44 =	vld [tilespmem:s28+$0x14290]  }
0x295: {  	v0 =	vadd.f32 v0, v40;
	v40 =	vld [tilespmem:s28+$0x11AA0]  }
0x296: {  	v45 =	vld [tilespmem:s28+$0x142A0]  }
0x297: {  	v50 =	vadd.f32 v42, v38;
	v38 =	vld [tilespmem:s28+$0x11AB0]  }
0x298: {  	v42 =	vld [tilespmem:s28+$0x142B0]  }
0x299: {  	v55 =	vadd.f32 v44, v36;
	v36 =	vld [tilespmem:s28+$0x11AC0]  }
0x29a: {  	v44 =	vld [tilespmem:s28+$0x142C0]  }
0x29b: {  	v48 =	vadd.f32 v45, v40;
	v40 =	vld [tilespmem:s28+$0x11AD0]  }
0x29c: {  	v45 =	vld [tilespmem:s28+$0x142D0]  }
0x29d: {  	v47 =	vadd.f32 v42, v38;
	v38 =	vld [tilespmem:s28+$0x11AE0]  }
0x29e: {  	v42 =	vld [tilespmem:s28+$0x142E0]  }
0x29f: {  	v49 =	vld [tilespmem:s28+$0x16680];
	v46 =	vadd.f32 v44, v36  }
0x2a0: {  	v36 =	vld [tilespmem:s28+$0x16690]  }
0x2a1: {  	v44 =	vld [tilespmem:s28+$0x166A0];
	v45 =	vadd.f32 v45, v40  }
0x2a2: {  	v40 =	vld [tilespmem:s28+$0x166B0]  }
0x2a3: {  	v51 =	vld [tilespmem:s28+$0x166C0];
	v42 =	vadd.f32 v42, v38  }
0x2a4: {  	v1 =	vadd.f32 v49, v1;
	v49 =	vld [tilespmem:s28+$0x166D0]  }
0x2a5: {  	v36 =	vadd.f32 v36, v37;
	v52 =	vld [tilespmem:s28+$0x166E0]  }
0x2a6: {  	[tilespmem:s28+$0x18E80] =	vst v1;
	v11 =	vadd.f32 v1, v11;
	v1 =	vmul.f32 v1, v1;
	v44 =	vadd.f32 v44, v3;
	v3 =	vld [tilespmem:s28+$0x166F0]  }
0x2a7: {  	[tilespmem:s28+$0x18E90] =	vst v36;
	v10 =	vadd.f32 v36, v10;
	v37 =	vmul.f32 v36, v36;
	v38 =	vadd.f32 v40, v2;
	v2 =	vld [tilespmem:s28+$0x16A80]  }
0x2a8: {  	v13 =	vadd.f32 v1, v13;
	[tilespmem:s28+$0x18EA0] =	vst v44;
	v1 =	vmul.f32 v44, v44;
	v36 =	vadd.f32 v51, v39;
	v56 =	vld [tilespmem:s28+$0x16A90]  }
.Ltmp4:
0x2a9: {  	v12 =	vadd.f32 v37, v12;
	[tilespmem:s28+$0x18EB0] =	vst v38;
	v40 =	vmul.f32 v38, v38;
	v37 =	vadd.f32 v49, v41;
	v51 =	vld [tilespmem:s28+$0x16AA0];
	(pc) =	sbr.rel @p0 .LBB2_7-.Ltmp4, $4  }
0x2aa: {  	v9 =	vadd.f32 v1, v9;
	[tilespmem:s28+$0x18EC0] =	vst v36;
	v1 =	vmul.f32 v36, v36;
	v39 =	vadd.f32 v52, v43;
	v52 =	vld [tilespmem:s28+$0x16AB0]  }
0x2ab: {  	s29 =	sadd.s32 $0x80, s29;
	v8 =	vadd.f32 v40, v8;
	[tilespmem:s28+$0x18ED0] =	vst v37;
	v43 =	vmul.f32 v37, v37;
	v40 =	vadd.f32 v3, v0;
	v53 =	vld [tilespmem:s28+$0x16AC0]  }
0x2ac: {  	s1 =	sand.u32 $0x380, s29;
	s31 =	sand.u32 $0x3800, s30;
	v7 =	vadd.f32 v1, v7;
	[tilespmem:s28+$0x18EE0] =	vst v39;
	v49 =	vmul.f32 v39, v39;
	v41 =	vadd.f32 v2, v50;
	v54 =	vld [tilespmem:s28+$0x16AD0]  }
0x2ad: {  	s30 =	sadd.s32 $0x100, s30;
	s31 =	sor.u32 s1, s31;
	v6 =	vadd.f32 v43, v6;
	[tilespmem:s28+$0x18EF0] =	vst v40;
	v50 =	vmul.f32 v40, v40;
	v43 =	vadd.f32 v56, v55;
	v55 =	vld [tilespmem:s28+$0x16AE0]  }
0x2ae: {  	v0 =	vld [tilespmem:s31+$0x11AF0];
	[tilespmem:s28+$0x19280] =	vst v41;
	v2 =	vadd.f32 v51, v48  }
0x2af: {  	v1 =	vld [tilespmem:s31+$0x142F0];
	[tilespmem:s28+$0x19290] =	vst v43  }
0x2b0: {  	v48 =	vld [tilespmem:s31+$0x11680];
	[tilespmem:s28+$0x192A0] =	vst v2  }
0x2b1: {  	v3 =	vld [tilespmem:s31+$0x16AF0]  }
0x2b2: {  	v63 =	vadd.f32 v52, v47  }
0x2b3: {  	v62 =	vadd.f32 v53, v46  }
0x2b4: {  	[tilespmem:s28+$0x192B0] =	vst v63;
	v52 =	vadd.f32 v54, v45;
	v0 =	vadd.f32 v1, v0  }
0x2b5: {  	v51 =	vld [tilespmem:s31+$0x13E80];
	[tilespmem:s28+$0x192C0] =	vst v62;
	v53 =	vadd.f32 v55, v42  }
0x2b6: {  	v47 =	vld [tilespmem:s31+$0x11690];
	[tilespmem:s28+$0x192D0] =	vst v52;
	v0 =	vadd.f32 v3, v0  }
0x2b7: {  	v54 =	vld [tilespmem:s31+$0x13E90];
	[tilespmem:s28+$0x192E0] =	vst v53  }
0x2b8: {  	[tilespmem:$0x1FEA0] =	vst v0  }
0x2b9: {  	[tilespmem:s31+$0x192F0] =	vst v0;
	v0 =	vld [tilespmem:s31+$0x116F0];
	_ =	sdelay $0x4  }
0x2ba: {  	[tilespmem:$0x1FDA0] =	vst v0;
	v0 =	vld [tilespmem:s31+$0x13EF0];
	_ =	sdelay $0x4  }
0x2bb: {  	[tilespmem:$0x1FDB0] =	vst v0;
	v0 =	vld [tilespmem:s31+$0x11A80];
	_ =	sdelay $0x4  }
0x2bc: {  	[tilespmem:$0x1FDC0] =	vst v0;
	v0 =	vld [tilespmem:s31+$0x14280];
	_ =	sdelay $0x4  }
0x2bd: {  	[tilespmem:$0x1FDD0] =	vst v0;
	v0 =	vld [tilespmem:s31+$0x11A90];
	_ =	sdelay $0x4  }
0x2be: {  	[tilespmem:$0x1FDE0] =	vst v0;
	v0 =	vld [tilespmem:s31+$0x14290];
	_ =	sdelay $0x4  }
0x2bf: {  	[tilespmem:$0x1FDF0] =	vst v0;
	v0 =	vld [tilespmem:s31+$0x11AA0];
	_ =	sdelay $0x4  }
0x2c0: {  	[tilespmem:$0x1FE00] =	vst v0;
	v0 =	vld [tilespmem:s31+$0x142A0];
	_ =	sdelay $0x4  }
0x2c1: {  	[tilespmem:$0x1FE10] =	vst v0;
	v0 =	vld [tilespmem:s31+$0x11AB0];
	_ =	sdelay $0x4  }
0x2c2: {  	[tilespmem:$0x1FE20] =	vst v0;
	v0 =	vld [tilespmem:s31+$0x142B0];
	_ =	sdelay $0x4  }
0x2c3: {  	[tilespmem:$0x1FE30] =	vst v0;
	v0 =	vld [tilespmem:s31+$0x11AC0];
	_ =	sdelay $0x4  }
0x2c4: {  	[tilespmem:$0x1FE40] =	vst v0;
	v0 =	vld [tilespmem:s31+$0x142C0];
	_ =	sdelay $0x4  }
0x2c5: {  	[tilespmem:$0x1FE50] =	vst v0;
	v0 =	vld [tilespmem:s31+$0x11AD0];
	_ =	sdelay $0x4  }
0x2c6: {  	[tilespmem:$0x1FE60] =	vst v0;
	v0 =	vld [tilespmem:s31+$0x142D0];
	_ =	sdelay $0x3  }
0x2c7: {  	v42 =	vld [tilespmem:s31+$0x116A0]  }
0x2c8: {  	[tilespmem:$0x1FE70] =	vst v0;
	v0 =	vld [tilespmem:s31+$0x11AE0]  }
0x2c9: {  	v55 =	vld [tilespmem:s31+$0x13EA0]  }
0x2ca: {  	v46 =	vld [tilespmem:s31+$0x116B0]  }
0x2cb: {  	v45 =	vld [tilespmem:s31+$0x13EB0]  }
0x2cc: {  	v56 =	vld [tilespmem:s31+$0x116C0]  }
0x2cd: {  	[tilespmem:$0x1FE80] =	vst v0;
	v0 =	vld [tilespmem:s31+$0x142E0]  }
0x2ce: {  	v57 =	vld [tilespmem:s31+$0x13EC0]  }
0x2cf: {  	v58 =	vld [tilespmem:s31+$0x116D0]  }
0x2d0: {  	v59 =	vld [tilespmem:s31+$0x13ED0]  }
0x2d1: {  	v60 =	vld [tilespmem:s31+$0x116E0]  }
0x2d2: {  	[tilespmem:$0x1FE90] =	vst v0;
	v0 =	vld [tilespmem:s31+$0x16680]  }
0x2d3: {  	v48 =	vadd.f32 v51, v48;
	v51 =	vld [tilespmem:s31+$0x166B0]  }
0x2d4: {  	v61 =	vld [tilespmem:s31+$0x13EE0]  }
0x2d5: {  	[tilespmem:$0x1FD90] =	vst v2;
	v2 =	vld [tilespmem:s31+$0x166A0]  }
0x2d6: {  	v3 =	vld [tilespmem:s31+$0x166C0];
	v47 =	vadd.f32 v54, v47;
	v45 =	vadd.f32 v45, v46  }
0x2d7: {  	v46 =	vadd.f32 v57, v56;
	v57 =	vmul.f32 v41, v41;
	v0 =	vadd.f32 v0, v48;
	v48 =	vld [tilespmem:s31+$0x166D0]  }
0x2d8: {  	v54 =	vld [tilespmem:s31+$0x166E0];
	v51 =	vadd.f32 v51, v45;
	v45 =	vadd.f32 v50, v35  }
0x2d9: {  	v35 =	vadd.f32 v57, v34;
	v34 =	vld [tilespmem:$0x1FD90];
	v57 =	vadd.f32 v61, v60;
	v61 =	vmul.f32 v63, v63  }
0x2da: {  	v42 =	vadd.f32 v55, v42;
	v55 =	vadd.f32 v59, v58;
	v58 =	vld [tilespmem:$0x1FDA0]  }
0x2db: {  	v44 =	vadd.f32 v44, v30;
	v30 =	vadd.f32 v61, v31;
	v61 =	vld [tilespmem:$0x1FDD0]  }
0x2dc: {  	v48 =	vadd.f32 v48, v55;
	v55 =	vld [tilespmem:$0x1FDC0]  }
0x2dd: {  	v59 =	vld [tilespmem:$0x1FDB0];
	_ =	sdelay $0x1  }
0x2de: {  	v49 =	vadd.f32 v49, v14;
	v14 =	vmul.f32 v43, v43;
	v2 =	vadd.f32 v2, v42;
	v42 =	vld [tilespmem:s31+$0x16A80]  }
0x2df: {  	v3 =	vadd.f32 v3, v46;
	v54 =	vadd.f32 v54, v57;
	v46 =	vmul.f32 v34, v34;
	v57 =	vld [tilespmem:$0x1FE00]  }
0x2e0: {  	v60 =	vadd.f32 v14, v32;
	v55 =	vadd.f32 v61, v55;
	v61 =	vld [tilespmem:$0x1FE10]  }
0x2e1: {  	v32 =	vadd.f32 v46, v33;
	v46 =	vadd.f32 v59, v58;
	v58 =	vld [tilespmem:$0x1FDE0]  }
0x2e2: {  	v59 =	vld [tilespmem:$0x1FDF0]  }
0x2e3: {  	v50 =	vld [tilespmem:s31+$0x16A90]  }
0x2e4: {  	v42 =	vadd.f32 v42, v55;
	v55 =	vld [tilespmem:$0x1FE20]  }
0x2e5: {  	v14 =	vmul.f32 v62, v62;
	v57 =	vadd.f32 v61, v57;
	v61 =	vld [tilespmem:$0x1FE30];
	_ =	sdelay $0x1  }
0x2e6: {  	v1 =	vld [tilespmem:s31+$0x16690];
	v14 =	vadd.f32 v14, v29;
	v29 =	vadd.f32 v59, v58  }
0x2e7: {  	v56 =	vld [tilespmem:s31+$0x16AA0]  }
0x2e8: {  	v50 =	vadd.f32 v50, v29;
	v29 =	vld [tilespmem:$0x1FE40]  }
0x2e9: {  	v55 =	vadd.f32 v61, v55;
	v61 =	vld [tilespmem:$0x1FE50];
	_ =	sdelay $0x1  }
0x2ea: {  	v1 =	vadd.f32 v1, v47;
	v47 =	vld [tilespmem:s31+$0x166F0]  }
0x2eb: {  	v33 =	vld [tilespmem:s31+$0x16AB0]  }
0x2ec: {  	v56 =	vadd.f32 v56, v57;
	v57 =	vld [tilespmem:$0x1FE60]  }
0x2ed: {  	[tilespmem:s31+$0x18E90] =	vst v1;
	v29 =	vadd.f32 v61, v29;
	v61 =	vld [tilespmem:$0x1FE70]  }
0x2ee: {  	[tilespmem:s31+$0x18EA0] =	vst v2  }
0x2ef: {  	[tilespmem:s31+$0x18EB0] =	vst v51  }
0x2f0: {  	[tilespmem:s31+$0x18EC0] =	vst v3;
	v31 =	vld [tilespmem:s31+$0x16AC0];
	v46 =	vadd.f32 v47, v46  }
0x2f1: {  	[tilespmem:s31+$0x18EE0] =	vst v54;
	v33 =	vadd.f32 v33, v55;
	v55 =	vld [tilespmem:$0x1FE80]  }
0x2f2: {  	[tilespmem:s31+$0x18EF0] =	vst v46;
	v57 =	vadd.f32 v61, v57;
	v61 =	vld [tilespmem:$0x1FE90]  }
0x2f3: {  	v47 =	vld [tilespmem:s31+$0x16AD0];
	[tilespmem:s31+$0x19290] =	vst v50  }
0x2f4: {  	v58 =	vld [tilespmem:s31+$0x16AE0];
	[tilespmem:s31+$0x18E80] =	vst v0  }
0x2f5: {  	[tilespmem:s31+$0x18ED0] =	vst v48  }
0x2f6: {  	[tilespmem:s31+$0x19280] =	vst v42  }
0x2f7: {  	[tilespmem:s31+$0x192A0] =	vst v56;
	v31 =	vadd.f32 v31, v29;
	v55 =	vadd.f32 v61, v55;
	v61 =	vmul.f32 v52, v52  }
0x2f8: {  	v38 =	vadd.f32 v38, v27;
	[tilespmem:s31+$0x192B0] =	vst v33;
	v29 =	vadd.f32 v47, v57  }
0x2f9: {  	[tilespmem:s31+$0x192C0] =	vst v31;
	v27 =	vadd.f32 v61, v18;
	v18 =	vadd.f32 v58, v55  }
0x2fa: {  	v17 =	vadd.f32 v36, v17;
	[tilespmem:s31+$0x192D0] =	vst v29  }
0x2fb: {  	v15 =	vadd.f32 v37, v15;
	v22 =	vadd.f32 v39, v22;
	[tilespmem:s31+$0x192E0] =	vst v18  }
0x2fc: {  	v19 =	vadd.f32 v40, v19;
	v20 =	vadd.f32 v41, v20;
	v59 =	vld [tilespmem:$0x1B680]  }
0x2fd: {  	v24 =	vadd.f32 v43, v24;
	v25 =	vadd.f32 v34, v25;
	v34 =	vmul.f32 v0, v0;
	v61 =	vld [tilespmem:$0x1B700]  }
0x2fe: {  	v23 =	vadd.f32 v63, v23;
	v28 =	vadd.f32 v62, v28;
	v57 =	vmul.f32 v53, v53;
	v47 =	vld [tilespmem:$0x1B690]  }
0x2ff: {  	v26 =	vadd.f32 v52, v26;
	v13 =	vadd.f32 v34, v13;
	v34 =	vmul.f32 v51, v51;
	v52 =	vld [tilespmem:$0x1B710]  }
0x300: {  	v0 =	vadd.f32 v0, v11;
	v16 =	vadd.f32 v57, v16;
	v57 =	vld [tilespmem:$0x1B6A0]  }
0x301: {  	v21 =	vadd.f32 v53, v21;
	v8 =	vadd.f32 v34, v8;
	v55 =	vmul.f32 v1, v1;
	v63 =	vld [tilespmem:$0x1B730]  }
0x302: {  	v1 =	vadd.f32 v1, v10;
	v58 =	vld [tilespmem:$0x1B720];
	v0 =	vadd.f32 v59, v0  }
0x303: {  	v12 =	vadd.f32 v55, v12;
	v43 =	vld [tilespmem:$0x1B6C0];
	v13 =	vadd.f32 v61, v13  }
0x304: {  	v53 =	vld [tilespmem:$0x1B6D0];
	v59 =	vmul.f32 v2, v2;
	v2 =	vadd.f32 v2, v44;
	v62 =	vadd.f32 v47, v1;
	[tilespmem:$0x1B680] =	vst v0  }
0x305: {  	v61 =	vld [tilespmem:$0x1B6B0];
	v11 =	vadd.f32 v52, v12;
	v44 =	vadd.f32 v51, v38;
	[tilespmem:$0x1B700] =	vst v13  }
0x306: {  	v51 =	vld [tilespmem:$0x1B740];
	v52 =	vmul.f32 v3, v3;
	v3 =	vadd.f32 v3, v17;
	v1 =	vadd.f32 v63, v8;
	[tilespmem:$0x1B690] =	vst v62  }
0x307: {  	v63 =	vld [tilespmem:$0x1B760];
	v9 =	vadd.f32 v59, v9;
	v47 =	vadd.f32 v57, v2;
	[tilespmem:$0x1B710] =	vst v11  }
0x308: {  	v37 =	vadd.f32 v54, v22;
	v36 =	vld [tilespmem:$0x1B6F0];
	v17 =	vmul.f32 v54, v54;
	v62 =	vadd.f32 v43, v3;
	[tilespmem:$0x1B730] =	vst v1  }
0x309: {  	v7 =	vadd.f32 v52, v7;
	v59 =	vld [tilespmem:$0x1B6E0];
	v9 =	vadd.f32 v58, v9;
	[tilespmem:$0x1B6A0] =	vst v47  }
0x30a: {  	v40 =	vmul.f32 v46, v46;
	v39 =	vld [tilespmem:$0x1B770];
	v12 =	vadd.f32 v17, v49;
	[tilespmem:$0x1B6C0] =	vst v62;
	v55 =	vadd.f32 v61, v44  }
0x30b: {  	v43 =	vld [tilespmem:$0x1B780];
	v61 =	vadd.f32 v48, v15;
	v34 =	vadd.f32 v51, v7;
	[tilespmem:$0x1B720] =	vst v9  }
0x30c: {  	v10 =	vadd.f32 v40, v45;
	v57 =	vld [tilespmem:$0x1B750];
	v49 =	vadd.f32 v63, v12;
	[tilespmem:$0x1B6B0] =	vst v55  }
0x30d: {  	v40 =	vld [tilespmem:$0x1B7D0];
	v58 =	vmul.f32 v48, v48;
	v44 =	vadd.f32 v46, v19;
	v38 =	vadd.f32 v53, v61;
	[tilespmem:$0x1B740] =	vst v34  }
0x30e: {  	v52 =	vadd.f32 v42, v20;
	v47 =	vld [tilespmem:$0x1B800];
	v46 =	vadd.f32 v59, v37;
	[tilespmem:$0x1B760] =	vst v49  }
0x30f: {  	v62 =	vld [tilespmem:$0x1B820];
	v48 =	vmul.f32 v42, v42;
	v6 =	vadd.f32 v58, v6;
	v53 =	vadd.f32 v36, v44;
	[tilespmem:$0x1B6D0] =	vst v38  }
0x310: {  	v20 =	vadd.f32 v56, v25;
	v51 =	vld [tilespmem:$0x1B790];
	v63 =	vmul.f32 v56, v56;
	v61 =	vadd.f32 v43, v52;
	[tilespmem:$0x1B6E0] =	vst v46  }
0x311: {  	v19 =	vld [tilespmem:$0x1B7B0];
	v8 =	vadd.f32 v48, v35;
	v41 =	vadd.f32 v57, v6;
	[tilespmem:$0x1B6F0] =	vst v53  }
0x312: {  	v54 =	vld [tilespmem:$0x1B810];
	v12 =	vadd.f32 v63, v32;
	v57 =	vadd.f32 v39, v10;
	[tilespmem:$0x1B780] =	vst v61  }
0x313: {  	v58 =	vld [tilespmem:$0x1B7A0];
	v55 =	vmul.f32 v50, v50;
	v59 =	vadd.f32 v50, v24;
	v17 =	vadd.f32 v47, v8;
	[tilespmem:$0x1B750] =	vst v41  }
0x314: {  	v56 =	vld [tilespmem:$0x1FEA0];
	v35 =	vadd.f32 v33, v23;
	v39 =	vadd.f32 v62, v12;
	[tilespmem:$0x1B770] =	vst v57  }
0x315: {  	v24 =	vld [tilespmem:$0x1B830];
	v11 =	vadd.f32 v55, v60;
	v22 =	vadd.f32 v51, v59;
	[tilespmem:$0x1B800] =	vst v17  }
0x316: {  	v25 =	vmul.f32 v33, v33;
	v34 =	vld [tilespmem:$0x1B7C0];
	v42 =	vadd.f32 v19, v35;
	[tilespmem:$0x1B820] =	vst v39  }
0x317: {  	v49 =	vld [tilespmem:$0x1B860];
	v47 =	vadd.f32 v29, v26;
	v32 =	vadd.f32 v54, v11;
	[tilespmem:$0x1B790] =	vst v22  }
0x318: {  	v50 =	vmul.f32 v18, v18;
	v52 =	vld [tilespmem:$0x1B7F0];
	v10 =	vadd.f32 v25, v30;
	v36 =	vadd.f32 v58, v20;
	[tilespmem:$0x1B7B0] =	vst v42  }
0x319: {  	v37 =	vld [tilespmem:$0x1B840];
	v41 =	vadd.f32 v31, v28;
	v54 =	vadd.f32 v40, v47;
	[tilespmem:$0x1B810] =	vst v32  }
0x31a: {  	v43 =	vld [tilespmem:$0x1B850];
	v38 =	vmul.f32 v31, v31;
	v12 =	vadd.f32 v50, v16;
	v45 =	vadd.f32 v24, v10;
	[tilespmem:$0x1B7A0] =	vst v36  }
0x31b: {  	v44 =	vmul.f32 v29, v29;
	v46 =	vld [tilespmem:$0x1B7E0];
	v5 =	vadd.f32 v56, v5;
	v48 =	vadd.f32 v34, v41;
	[tilespmem:$0x1B7D0] =	vst v54  }
0x31c: {  	v55 =	vld [tilespmem:$0x1B870];
	v9 =	vadd.f32 v38, v14;
	v61 =	vadd.f32 v49, v12;
	[tilespmem:$0x1B830] =	vst v45  }
0x31d: {  	v57 =	vmul.f32 v56, v56;
	v11 =	vadd.f32 v44, v27;
	v62 =	vadd.f32 v52, v5;
	[tilespmem:$0x1B7C0] =	vst v48  }
0x31e: {  	v53 =	vadd.f32 v18, v21;
	v51 =	vadd.f32 v37, v9;
	[tilespmem:$0x1B860] =	vst v61  }
0x31f: {  	v60 =	vadd.f32 v57, v4;
	v58 =	vadd.f32 v43, v11;
	[tilespmem:$0x1B7F0] =	vst v62  }
.Ltmp5:
0x320: {  	v59 =	vadd.f32 v46, v53;
	[tilespmem:$0x1B840] =	vst v51;
	(pc) =	sbr.rel @p1 .LBB2_10-.Ltmp5, $4  }
0x321: {  	s1 =	sadd.s32 s9, s26;
	v63 =	vadd.f32 v55, v60;
	[tilespmem:$0x1B850] =	vst v58  }
0x322: {  	s1 =	sshll.u32 s1, $0x5;
	[tilespmem:$0x1B7E0] =	vst v59  }
0x323: {  	s1 =	sadd.s32 s4, s1;
	[tilespmem:$0x1B870] =	vst v63  }
0x324: {  	[hbm4b:s1+s2] =	stream.linear.scatter [tilespmem:s24], [sflag:$0x4], $0x2800, $0x38;
	[tilespmem:$0x1B880] =	vst v63  }
0x325: {  	v0 =	vld [tilespmem:s26+$0x78];
	_ =	sdelay $0x2  }
0x326: {  	v2 =	vld [tilespmem:$0x1FFD0]  }
0x327: {  	v3 =	vld [tilespmem:$0x1FFE0]  }
0x328: {  	v4 =	vld [tilespmem:$0x1FFF0];
	v1 =	vshll.u32 v0, $0x1  }
0x329: {  	v0 =	vand.u32 $0x7, v0;
	v1 =	vand.u32 $0xFFFFFFF0, v1  }
0x32a: {  	v0 =	vor.u32 v0, v1  }
0x32b: {  	v1 =	vperm.xlane v0, v2;
	_ =	sdelay $0x1  }
0x32c: {  	v0 =	vperm.xlane v0, v4;
	v1 =	vadd.s32 v3, v1;
	_ =	sdelay $0x1  }
0x32d: {  	v0 =	vadd.s32 v3, v0;
	_ =	sdelay $0x2  }
0x32e: {  	[tilespmem:s0], [sflag:$0x2] =	stream.indirect_vreg.gather [hbm4b:s3+s2], $0x80, v1, vm0, $0xb8;
	[tilespmem:$0x1B880] =	vst v63  }
0x32f: {  	_ = 	snop  }
0x330: {  	[tilespmem:s15], [sflag:$0x2] =	stream.indirect_vreg.gather [hbm4b:s3+s2], $0x80, v0, vm0, $0xb8;
	[tilespmem:$0x1B880] =	vst v63  }
0x331: {  	v0 =	vld [tilespmem:s26+$0x88];
	_ =	sdelay $0x4  }
0x332: {  	v56 =	vshll.u32 v0, $0x1  }
0x333: {  	v0 =	vand.u32 $0x7, v0;
	v1 =	vand.u32 $0xFFFFFFF0, v56  }
0x334: {  	v0 =	vor.u32 v0, v1  }
0x335: {  	v1 =	vperm.xlane v0, v2;
	_ =	sdelay $0x1  }
0x336: {  	v0 =	vperm.xlane v0, v4;
	v1 =	vadd.s32 v3, v1;
	_ =	sdelay $0x1  }
0x337: {  	v0 =	vadd.s32 v3, v0;
	_ =	sdelay $0x2  }
0x338: {  	[tilespmem:s16], [sflag:$0x2] =	stream.indirect_vreg.gather [hbm4b:s3+s2], $0x80, v1, vm0, $0xb8;
	[tilespmem:$0x1B880] =	vst v63  }
0x339: {  	_ = 	snop  }
0x33a: {  	[tilespmem:s6], [sflag:$0x2] =	stream.indirect_vreg.gather [hbm4b:s3+s2], $0x80, v0, vm0, $0xb8;
	[tilespmem:$0x1B880] =	vst v63  }
0x33b: {  	v0 =	vld.msk [tilespmem:s26+$0x98], $0xff;
	_ =	sdelay $0x4  }
0x33c: {  	v57 =	vshll.u32 v0, $0x1  }
0x33d: {  	v0 =	vand.u32 $0x7, v0;
	v1 =	vand.u32 $0xFFFFFFF0, v57  }
0x33e: {  	v0 =	vor.u32 v0, v1  }
0x33f: {  	v0 =	vperm.xlane v0, v2;
	_ =	sdelay $0x1  }
0x340: {  	v0 =	vadd.s32 v3, v0;
	_ =	sdelay $0x4  }
0x341: {  	[tilespmem:s7], [sflag:$0x2] =	stream.indirect_vreg.gather [hbm4b:s3+s2], $0x80, v0, vm0, $0xb8;
	[tilespmem:$0x1B880] =	vst v63  }
0x342: {  	v0 =	vld [tilespmem:s26+$0x27F8];
	_ =	sdelay $0x4  }
0x343: {  	v58 =	vshll.u32 v0, $0x1  }
0x344: {  	v0 =	vand.u32 $0x7, v0;
	v1 =	vand.u32 $0xFFFFFFF0, v58  }
0x345: {  	v0 =	vor.u32 v0, v1  }
0x346: {  	v1 =	vperm.xlane v0, v2;
	_ =	sdelay $0x1  }
0x347: {  	v0 =	vperm.xlane v0, v4;
	v1 =	vadd.s32 v3, v1;
	_ =	sdelay $0x1  }
0x348: {  	v0 =	vadd.s32 v3, v0;
	_ =	sdelay $0x2  }
0x349: {  	[tilespmem:s8], [sflag:$0x2] =	stream.indirect_vreg.gather [hbm4b:s3+s2], $0x80, v1, vm0, $0xb8;
	[tilespmem:$0x1B880] =	vst v63  }
0x34a: {  	_ = 	snop  }
0x34b: {  	[tilespmem:s10], [sflag:$0x2] =	stream.indirect_vreg.gather [hbm4b:s3+s2], $0x80, v0, vm0, $0xb8;
	[tilespmem:$0x1B880] =	vst v63  }
0x34c: {  	v0 =	vld [tilespmem:s26+$0x2808];
	_ =	sdelay $0x4  }
0x34d: {  	v59 =	vshll.u32 v0, $0x1  }
0x34e: {  	v0 =	vand.u32 $0x7, v0;
	v1 =	vand.u32 $0xFFFFFFF0, v59  }
0x34f: {  	v0 =	vor.u32 v0, v1  }
0x350: {  	v1 =	vperm.xlane v0, v2;
	_ =	sdelay $0x1  }
0x351: {  	v0 =	vperm.xlane v0, v4;
	v1 =	vadd.s32 v3, v1;
	_ =	sdelay $0x1  }
0x352: {  	v0 =	vadd.s32 v3, v0;
	_ =	sdelay $0x2  }
0x353: {  	[tilespmem:s11], [sflag:$0x2] =	stream.indirect_vreg.gather [hbm4b:s3+s2], $0x80, v1, vm0, $0xb8;
	[tilespmem:$0x1B880] =	vst v63  }
0x354: {  	_ = 	snop  }
0x355: {  	[tilespmem:s12], [sflag:$0x2] =	stream.indirect_vreg.gather [hbm4b:s3+s2], $0x80, v0, vm0, $0xb8;
	[tilespmem:$0x1B880] =	vst v63  }
0x356: {  	v0 =	vld.msk [tilespmem:s26+$0x2818], $0xff;
	_ =	sdelay $0x4  }
0x357: {  	v60 =	vshll.u32 v0, $0x1  }
0x358: {  	v0 =	vand.u32 $0x7, v0;
	v1 =	vand.u32 $0xFFFFFFF0, v60  }
0x359: {  	v0 =	vor.u32 v0, v1  }
0x35a: {  	v0 =	vperm.xlane v0, v2;
	_ =	sdelay $0x1  }
0x35b: {  	v0 =	vadd.s32 v3, v0;
	_ =	sdelay $0x4  }
0x35c: {  	[tilespmem:s13], [sflag:$0x2] =	stream.indirect_vreg.gather [hbm4b:s3+s2], $0x80, v0, vm0, $0xb8;
	[tilespmem:$0x1B880] =	vst v63  }
0x35d: {  	v0 =	vld [tilespmem:s26+$0x4F78];
	_ =	sdelay $0x4  }
0x35e: {  	v61 =	vshll.u32 v0, $0x1  }
0x35f: {  	v0 =	vand.u32 $0x7, v0;
	v1 =	vand.u32 $0xFFFFFFF0, v61  }
0x360: {  	v0 =	vor.u32 v0, v1  }
0x361: {  	v1 =	vperm.xlane v0, v2;
	_ =	sdelay $0x1  }
0x362: {  	v0 =	vperm.xlane v0, v4;
	v1 =	vadd.s32 v3, v1;
	_ =	sdelay $0x1  }
0x363: {  	v0 =	vadd.s32 v3, v0;
	_ =	sdelay $0x2  }
0x364: {  	[tilespmem:s14], [sflag:$0x2] =	stream.indirect_vreg.gather [hbm4b:s3+s2], $0x80, v1, vm0, $0xb8;
	[tilespmem:$0x1B880] =	vst v63  }
0x365: {  	_ = 	snop  }
0x366: {  	[tilespmem:s17], [sflag:$0x2] =	stream.indirect_vreg.gather [hbm4b:s3+s2], $0x80, v0, vm0, $0xb8;
	[tilespmem:$0x1B880] =	vst v63  }
0x367: {  	v0 =	vld [tilespmem:s26+$0x4F88];
	_ =	sdelay $0x4  }
0x368: {  	v62 =	vshll.u32 v0, $0x1  }
0x369: {  	v0 =	vand.u32 $0x7, v0;
	v1 =	vand.u32 $0xFFFFFFF0, v62  }
0x36a: {  	v0 =	vor.u32 v0, v1  }
0x36b: {  	v1 =	vperm.xlane v0, v2;
	_ =	sdelay $0x1  }
0x36c: {  	v0 =	vperm.xlane v0, v4;
	v1 =	vadd.s32 v3, v1;
	_ =	sdelay $0x1  }
0x36d: {  	v0 =	vadd.s32 v3, v0;
	_ =	sdelay $0x2  }
0x36e: {  	[tilespmem:s18], [sflag:$0x2] =	stream.indirect_vreg.gather [hbm4b:s3+s2], $0x80, v1, vm0, $0xb8;
	[tilespmem:$0x1B880] =	vst v63  }
0x36f: {  	_ = 	snop  }
0x370: {  	[tilespmem:s19], [sflag:$0x2] =	stream.indirect_vreg.gather [hbm4b:s3+s2], $0x80, v0, vm0, $0xb8;
	[tilespmem:$0x1B880] =	vst v63  }
0x371: {  	v0 =	vld.msk [tilespmem:s26+$0x4F98], $0xff;
	_ =	sdelay $0x4  }
0x372: {  	v63 =	vshll.u32 v0, $0x1  }
0x373: {  	v0 =	vand.u32 $0x7, v0;
	v1 =	vand.u32 $0xFFFFFFF0, v63  }
0x374: {  	v0 =	vor.u32 v0, v1  }
0x375: {  	v0 =	vperm.xlane v0, v2;
	_ =	sdelay $0x1  }
0x376: {  	v0 =	vadd.s32 v3, v0  }
.Ltmp6:
0x377: {  	_ = 	snop;
	(pc) =	sbr.rel .LBB2_2-.Ltmp6, $3  }
0x378: {  	_ =	sdelay $0x1  }
0x379: {  	s25 =	sadd.s32 $0x1, s25  }
0x37a: {  	[tilespmem:s20], [sflag:$0x2] =	stream.indirect_vreg.gather [hbm4b:s3+s2], $0x80, v0, vm0, $0xb8;
	[tilespmem:$0x1B880] =	vst v63  }
.LBB2_11:
0x37b: {  	_ =	sfence.sel $0x180000  }
0x37c: {  	[bflag:$0x0] =	sbarrier.arrive $0xFFFF  }
0x37d: {  	_ =	strace $0x90000047  }
0x37e: {  	s0 =	stileid.u32;
	[bflag:$0x2] =	sbarrier.arrive $0xFFFF  }
0x37f: {  	p0 =	sne.s32 s0, $0x0;
	s0 =	rddreg [dreg:$0x2]  }
0x380: {  	s0 =	sadd.s32 @!p0 $0x100000, s0  }
0x381: {  	[sflag:s0] =	ssyncadd.tile.s32 @!p0 $0x1;
	_ =	shalt  }
.Lfunc_end2:
_tile_overlayer_lowered:
.L_overlay_start_2:
0x382: {  	(tag) =	ssettag $0x2  }
0x383: {  	s0 =	rddreg [dreg:$0x0];
	s2 =	stileid.u32  }
0x384: {  	s1 =	rddreg [dreg:$0x1];
	p0 =	sne.s32 s2, $0x0  }
0x385: {  	s3 =	rddreg [dreg:$0x2];
	[bflag:$0x3] =	sbarrier.arrive $0xFFFF;
	s2 =	simm.s32 @!p0 $0x1C05  }
0x386: {  	[timem:s3], [sflag:s2] =	dma.local @!p0 [hbm:s0], s1  }
0x387: {  	s0 =	simm.s32 @!p0 $0x5  }
0x388: {  	_ =	swait.ge @!p0 [sflag:s0], s1  }
0x389: {  	s1 =	ssub.s32 @!p0 $0x0, s1;
	[sflag:s0] =	ssyncset.done @!p0 $0x0  }
0x38a: {  	[sflag:s0] =	ssyncadd.s32 @!p0 s1  }
0x38b: {  	[bflag:$0x3] =	sbarrier.arrive $0xFFFF  }
0x38c: {  	_ =	shalt  }

</sc_bundles>
